<compile_context>
chip_gen: v7x
topology: tpu7x:2x2x1
jax: 0.10.2.dev20260603
libtpu: 0.0.44.dev20260713+nightly
codegen_flags: <defaults>
</compile_context>

<pallas_src>
import functools
import jax
import jax.numpy as jnp
from jax import lax
from jax.experimental import pallas as pl
from jax.experimental.pallas import tpu as pltpu
from jax.experimental.pallas import tpu_sc as plsc

_NUM_CORES = 2
_NUM_SUBCORES = 16
_NUM_WORKERS = _NUM_CORES * _NUM_SUBCORES
_LANES = 16
_CHUNK = 16


@functools.lru_cache(maxsize=None)
def _build(B, D, R):
    b_per_w = B // _NUM_WORKERS
    n_chunks = b_per_w // _CHUNK
    n_groups = b_per_w // _LANES
    mesh = plsc.VectorSubcoreMesh(
        core_axis_name="c", subcore_axis_name="s",
        num_cores=_NUM_CORES, num_subcores=_NUM_SUBCORES,
    )

    @functools.partial(
        pl.kernel,
        out_type=jax.ShapeDtypeStruct((B, D), jnp.float32),
        mesh=mesh,
        scratch_types=[
            pltpu.VMEM((b_per_w * 3,), jnp.int32),
            pltpu.VMEM((b_per_w,), jnp.int32),
            pltpu.VMEM((b_per_w,), jnp.int32),
            pltpu.VMEM((b_per_w,), jnp.int32),
            pltpu.VMEM((b_per_w,), jnp.int32),
            pltpu.VMEM((b_per_w,), jnp.int32),
            pltpu.VMEM((b_per_w,), jnp.int32),
            pltpu.VMEM((2, _CHUNK, 8, D), jnp.float32),
            pltpu.VMEM((2, _CHUNK, 8, D), jnp.float32),
            pltpu.VMEM((2, _CHUNK, 8, D), jnp.float32),
            pltpu.VMEM((2, _CHUNK, D), jnp.float32),
            pltpu.SemaphoreType.DMA,
            pltpu.SemaphoreType.DMA,
        ],
        compiler_params=pltpu.CompilerParams(
            use_tc_tiling_on_sc=True, needs_layout_passes=False),
    )
    def dist_mult(tflat_hbm, emb8_hbm, rel8_hbm, out_hbm,
                  trip_v, blk_s, blk_r, blk_o, sub_s, sub_r, sub_o,
                  rows_s, rows_r, rows_o, out_v, sem, osem):
        wid = lax.axis_index("s") * _NUM_CORES + lax.axis_index("c")
        base = wid * b_per_w

        pltpu.sync_copy(tflat_hbm.at[pl.ds(base * 3, b_per_w * 3)], trip_v)

        lanes3 = lax.iota(jnp.int32, 16) * 3

        def idx_body(g, _):
            offs = lanes3 + g * (3 * _LANES)
            gs = pl.ds(g * _LANES, _LANES)
            s = plsc.load_gather(trip_v, [offs])
            r = plsc.load_gather(trip_v, [offs + 1])
            o = plsc.load_gather(trip_v, [offs + 2])
            blk_s[gs] = lax.shift_right_logical(s, 3)
            blk_r[gs] = lax.shift_right_logical(r, 3)
            blk_o[gs] = lax.shift_right_logical(o, 3)
            sub_s[gs] = lax.bitwise_and(s, 7)
            sub_r[gs] = lax.bitwise_and(r, 7)
            sub_o[gs] = lax.bitwise_and(o, 7)
            return 0
        lax.fori_loop(0, n_groups, idx_body, 0)

        def fire(kk):
            p = lax.rem(kk, 2)
            gs = pl.ds(kk * _CHUNK, _CHUNK)
            bs = blk_s[gs]
            br = blk_r[gs]
            bo = blk_o[gs]
            for l in range(_CHUNK):
                pltpu.async_copy(
                    emb8_hbm.at[pl.ds(bs[l], 1)],
                    rows_s.at[p].at[pl.ds(l, 1)], sem)
                pltpu.async_copy(
                    rel8_hbm.at[pl.ds(br[l], 1)],
                    rows_r.at[p].at[pl.ds(l, 1)], sem)
                pltpu.async_copy(
                    emb8_hbm.at[pl.ds(bo[l], 1)],
                    rows_o.at[p].at[pl.ds(l, 1)], sem)

        fire(jnp.int32(0))

        def chunk_body(k, _):
            @pl.when(k + 1 < n_chunks)
            def _():
                fire(k + 1)

            p = lax.rem(k, 2)
            pltpu.make_async_copy(
                emb8_hbm.at[pl.ds(0, _CHUNK)], rows_s.at[0], sem).wait()
            pltpu.make_async_copy(
                emb8_hbm.at[pl.ds(0, _CHUNK)], rows_r.at[0], sem).wait()
            pltpu.make_async_copy(
                emb8_hbm.at[pl.ds(0, _CHUNK)], rows_o.at[0], sem).wait()

            gs = pl.ds(k * _CHUNK, _CHUNK)
            sv = sub_s[gs]
            rv = sub_r[gs]
            ov = sub_o[gs]
            for l in range(_CHUNK):
                ss = sv[l]
                sr = rv[l]
                so = ov[l]
                for c in range(D // _LANES):
                    cs = pl.ds(c * _LANES, _LANES)
                    out_v[p, l, cs] = (rows_s[p, l, ss, cs]
                                       * rows_r[p, l, sr, cs]
                                       * rows_o[p, l, so, cs])

            pltpu.async_copy(
                out_v.at[p],
                out_hbm.at[pl.ds(base + k * _CHUNK, _CHUNK)], osem)
            @pl.when(k >= 2)
            def _():
                pltpu.make_async_copy(
                    out_hbm.at[pl.ds(base, _CHUNK)], out_v.at[0],
                    osem).wait()
            return 0
        lax.fori_loop(0, n_chunks, chunk_body, 0)

        pltpu.make_async_copy(
            out_hbm.at[pl.ds(base, _CHUNK)], out_v.at[0], osem).wait()
        pltpu.make_async_copy(
            out_hbm.at[pl.ds(base, _CHUNK)], out_v.at[0], osem).wait()

    return dist_mult


def kernel(emb_e, emb_rel, triplets):
    B, D = triplets.shape[0], emb_e.shape[1]
    R = emb_rel.shape[0]
    emb8 = emb_e.reshape(emb_e.shape[0] // 8, 8, D)
    rel8 = emb_rel.reshape(R // 8, 8, D)
    tflat = triplets.reshape(-1)
    fn = _build(B, D, R)
    return fn(tflat, emb8, rel8)

# --- scband reference (transcript-rebuilt; emitter-appended) ---
"""Pipeline reference for scband-dist-mult-32160715113077 (READ-ONLY COPY).

The authoritative reference and input builder live on the scoring server;
editing this copy changes nothing except your own understanding.
"""

import jax, jax.numpy as jnp
import numpy as np

NUM_ENTITIES = 1000000
NUM_RELATIONS = 1000
EMBED_DIM = 64
BATCH = 16384

def setup_inputs(seed: int = 0) -> dict:
    key = jax.random.key(seed)
    k1, k2, k3, k4, k5 = jax.random.split(key, 5)
    # learned parameters (xavier-style scaled normal)
    emb_e = jax.random.normal(k1, (NUM_ENTITIES, EMBED_DIM), dtype=jnp.float32) * 0.02
    emb_rel = jax.random.normal(k2, (NUM_RELATIONS, EMBED_DIM), dtype=jnp.float32) * 0.02
    # triplets: [subject_entity, relation, object_entity]; columns drawn from their valid ranges
    s_idx = jax.random.randint(k3, (BATCH,), 0, NUM_ENTITIES, dtype=jnp.int32)
    r_idx = jax.random.randint(k4, (BATCH,), 0, NUM_RELATIONS, dtype=jnp.int32)
    o_idx = jax.random.randint(k5, (BATCH,), 0, NUM_ENTITIES, dtype=jnp.int32)
    triplets = jnp.stack([s_idx, r_idx, o_idx], axis=1)
    return {"emb_e": emb_e, "emb_rel": emb_rel, "triplets": triplets}

def reference(emb_e, emb_rel, triplets):
    # DistMult.forward returns emb_e and the actual compute lives in get_score;
    # this is the DistMult scoring kernel: s * r * o per triplet.
    s = jnp.take(emb_e, triplets[:, 0], axis=0)
    r = jnp.take(emb_rel, triplets[:, 1], axis=0)
    o = jnp.take(emb_e, triplets[:, 2], axis=0)
    score = s * r * o
    return score

if __name__ == "__main__":
    import jax
    _d = setup_inputs()
    print(jax.jit(kernel)(*tuple(_d.values())))

</pallas_src>

<mosaic_0001>
#map = affine_map<(d0, d1) -> (0)>
#map1 = affine_map<(d0, d1) -> (0, 0, 0)>
#map2 = affine_map<(d0, d1) -> (0, 0)>
module attributes {stable_mosaic.version = 14 : i64} {
  func.func @dist_mult(%arg0: i32, %arg1: i32, %arg2: memref<49152xi32, #tpu.memory_space<hbm>>, %arg3: memref<125000x8x64xf32, #tpu.memory_space<hbm>>, %arg4: memref<125x8x64xf32, #tpu.memory_space<hbm>>, %arg5: memref<16384x64xf32, #tpu.memory_space<hbm>>, %arg6: memref<1536xi32, #tpu.memory_space<vmem>>, %arg7: memref<512xi32, #tpu.memory_space<vmem>>, %arg8: memref<512xi32, #tpu.memory_space<vmem>>, %arg9: memref<512xi32, #tpu.memory_space<vmem>>, %arg10: memref<512xi32, #tpu.memory_space<vmem>>, %arg11: memref<512xi32, #tpu.memory_space<vmem>>, %arg12: memref<512xi32, #tpu.memory_space<vmem>>, %arg13: memref<2x16x8x64xf32, #tpu.memory_space<vmem>>, %arg14: memref<2x16x8x64xf32, #tpu.memory_space<vmem>>, %arg15: memref<2x16x8x64xf32, #tpu.memory_space<vmem>>, %arg16: memref<2x16x64xf32, #tpu.memory_space<vmem>>, %arg17: memref<!tpu.dma_semaphore, #tpu.memory_space<semaphore_mem>>, %arg18: memref<!tpu.dma_semaphore, #tpu.memory_space<semaphore_mem>>) attributes {dimension_semantics = [#tpu.dimension_semantics<core_parallel>, #tpu.dimension_semantics<subcore_parallel>], iteration_bounds = array<i64: 2, 16>, scalar_prefetch = 0 : i64, scratch_operands = 13 : i64, tpu.core_type = #tpu.core_type<sc_vector_subcore>, window_params = [{transform_indices = #map}, {transform_indices = #map1}, {transform_indices = #map1}, {transform_indices = #map2}]} {
    %mul3A = arith.constant 2 : i32
    %mul3A_0 = arith.muli %arg1, %mul3A : i32
    %add3A = arith.addi %mul3A_0, %arg0 : i32
    %mul3A_1 = arith.constant 512 : i32
    %mul3A_2 = arith.muli %add3A, %mul3A_1 : i32
    %mul3A_3 = arith.constant 3 : i32
    %mul3A_4 = arith.muli %mul3A_2, %mul3A_3 : i32
    "tpu.region"() ({
      %run_scoped3A = tpu.sem_alloc : memref<!tpu.dma_semaphore, #tpu.memory_space<semaphore_mem>>
      %dma_start3A_1301 = tpu.memref_slice %arg2[%mul3A_4] : memref<49152xi32, #tpu.memory_space<hbm>> -> memref<1536xi32, #tpu.memory_space<hbm>>
      %dma_start3A_1302 = tpu.memref_slice %arg2[%mul3A_4] : memref<49152xi32, #tpu.memory_space<hbm>> -> memref<1536xi32, #tpu.memory_space<hbm>>
      tpu.enqueue_dma source(%dma_start3A_1302 : memref<1536xi32, #tpu.memory_space<hbm>>) target(%arg6 : memref<1536xi32, #tpu.memory_space<vmem>>) target_semaphore(%run_scoped3A : memref<!tpu.dma_semaphore, #tpu.memory_space<semaphore_mem>>)
      %dma_wait3A_1303 = tpu.memref_slice %arg2[%mul3A_4] : memref<49152xi32, #tpu.memory_space<hbm>> -> memref<1536xi32, #tpu.memory_space<hbm>>
      %dma_wait3A_1304 = tpu.memref_slice %arg2[%mul3A_4] : memref<49152xi32, #tpu.memory_space<hbm>> -> memref<1536xi32, #tpu.memory_space<hbm>>
      tpu.wait_dma2 semaphore(%run_scoped3A : memref<!tpu.dma_semaphore, #tpu.memory_space<semaphore_mem>>) src(%dma_wait3A_1304 : memref<1536xi32, #tpu.memory_space<hbm>>) dst(%arg6 : memref<1536xi32, #tpu.memory_space<vmem>>)
      tpu.yield
    }) : () -> ()
    %iota3A = tpu.iota {dimensions = array<i32: 0>} : vector<16xi32>
    %mul3A_5 = arith.constant 3 : i32
    %mul3A_6 = vector.broadcast %mul3A_5 : i32 to vector<16xi32>
    %mul3A_7 = arith.muli %iota3A, %mul3A_6 : vector<16xi32>
    %scan3A = arith.constant 0 : i32
    %scan3A_8 = arith.constant 0 : i32
    %scan3A_9 = arith.constant 32 : i32
    %scan3A_10 = arith.addi %scan3A_8, %scan3A_9 : i32
    %scan3A_11 = arith.constant 1 : i32
    %scan3A_12 = scf.for %scan3A_1301 = %scan3A_8 to %scan3A_10 step %scan3A_11 iter_args(%scan3A_1302 = %scan3A) -> (i32)  : i32 {
      %mul3A_1303 = arith.constant 48 : i32
      %mul3A_1304 = arith.muli %scan3A_1301, %mul3A_1303 : i32
      %add3A_1305 = vector.broadcast %mul3A_1304 : i32 to vector<16xi32>
      %add3A_1306 = arith.addi %mul3A_7, %add3A_1305 : vector<16xi32>
      %mul3A_1307 = arith.constant 16 : i32
      %mul3A_1308 = arith.muli %scan3A_1301, %mul3A_1307 : i32
      %gather3A = tpu.vector_load_idx %arg6[%add3A_1306] : memref<1536xi32, #tpu.memory_space<vmem>>[vector<16xi32>], vector<16xi32>,
      %add3A_1309 = arith.constant 1 : i32
      %add3A_1310 = vector.broadcast %add3A_1309 : i32 to vector<16xi32>
      %add3A_1311 = arith.addi %add3A_1306, %add3A_1310 : vector<16xi32>
      %gather3A_1312 = tpu.vector_load_idx %arg6[%add3A_1311] : memref<1536xi32, #tpu.memory_space<vmem>>[vector<16xi32>], vector<16xi32>,
      %add3A_1313 = arith.constant 2 : i32
      %add3A_1314 = vector.broadcast %add3A_1313 : i32 to vector<16xi32>
      %add3A_1315 = arith.addi %add3A_1306, %add3A_1314 : vector<16xi32>
      %gather3A_1316 = tpu.vector_load_idx %arg6[%add3A_1315] : memref<1536xi32, #tpu.memory_space<vmem>>[vector<16xi32>], vector<16xi32>,
      %shift_right_logical3A = arith.constant 3 : i32
      %shift_right_logical3A_1317 = vector.broadcast %shift_right_logical3A : i32 to vector<16xi32>
      %shift_right_logical3A_1318 = arith.shrui %gather3A, %shift_right_logical3A_1317 : vector<16xi32>
      %swap3A = arith.index_cast %mul3A_1308 : i32 to index
      %swap3A_1319 = tpu.vector_load %arg7[%swap3A] {strides = array<i32>} : memref<512xi32, #tpu.memory_space<vmem>>, vector<16xi32>,
      tpu.vector_store %arg7[%swap3A], %shift_right_logical3A_1318 {strides = array<i32>} : memref<512xi32, #tpu.memory_space<vmem>>, vector<16xi32>,
      %shift_right_logical3A_1320 = arith.constant 3 : i32
      %shift_right_logical3A_1321 = vector.broadcast %shift_right_logical3A_1320 : i32 to vector<16xi32>
      %shift_right_logical3A_1322 = arith.shrui %gather3A_1312, %shift_right_logical3A_1321 : vector<16xi32>
      %swap3A_1323 = arith.index_cast %mul3A_1308 : i32 to index
      %swap3A_1324 = tpu.vector_load %arg8[%swap3A_1323] {strides = array<i32>} : memref<512xi32, #tpu.memory_space<vmem>>, vector<16xi32>,
      tpu.vector_store %arg8[%swap3A_1323], %shift_right_logical3A_1322 {strides = array<i32>} : memref<512xi32, #tpu.memory_space<vmem>>, vector<16xi32>,
      %shift_right_logical3A_1325 = arith.constant 3 : i32
      %shift_right_logical3A_1326 = vector.broadcast %shift_right_logical3A_1325 : i32 to vector<16xi32>
      %shift_right_logical3A_1327 = arith.shrui %gather3A_1316, %shift_right_logical3A_1326 : vector<16xi32>
      %swap3A_1328 = arith.index_cast %mul3A_1308 : i32 to index
      %swap3A_1329 = tpu.vector_load %arg9[%swap3A_1328] {strides = array<i32>} : memref<512xi32, #tpu.memory_space<vmem>>, vector<16xi32>,
      tpu.vector_store %arg9[%swap3A_1328], %shift_right_logical3A_1327 {strides = array<i32>} : memref<512xi32, #tpu.memory_space<vmem>>, vector<16xi32>,
      %and3A = arith.constant 7 : i32
      %and3A_1330 = vector.broadcast %and3A : i32 to vector<16xi32>
      %and3A_1331 = arith.andi %gather3A, %and3A_1330 : vector<16xi32>
      %swap3A_1332 = arith.index_cast %mul3A_1308 : i32 to index
      %swap3A_1333 = tpu.vector_load %arg10[%swap3A_1332] {strides = array<i32>} : memref<512xi32, #tpu.memory_space<vmem>>, vector<16xi32>,
      tpu.vector_store %arg10[%swap3A_1332], %and3A_1331 {strides = array<i32>} : memref<512xi32, #tpu.memory_space<vmem>>, vector<16xi32>,
      %and3A_1334 = arith.constant 7 : i32
      %and3A_1335 = vector.broadcast %and3A_1334 : i32 to vector<16xi32>
      %and3A_1336 = arith.andi %gather3A_1312, %and3A_1335 : vector<16xi32>
      %swap3A_1337 = arith.index_cast %mul3A_1308 : i32 to index
      %swap3A_1338 = tpu.vector_load %arg11[%swap3A_1337] {strides = array<i32>} : memref<512xi32, #tpu.memory_space<vmem>>, vector<16xi32>,
      tpu.vector_store %arg11[%swap3A_1337], %and3A_1336 {strides = array<i32>} : memref<512xi32, #tpu.memory_space<vmem>>, vector<16xi32>,
      %and3A_1339 = arith.constant 7 : i32
      %and3A_1340 = vector.broadcast %and3A_1339 : i32 to vector<16xi32>
      %and3A_1341 = arith.andi %gather3A_1316, %and3A_1340 : vector<16xi32>
      %swap3A_1342 = arith.index_cast %mul3A_1308 : i32 to index
      %swap3A_1343 = tpu.vector_load %arg12[%swap3A_1342] {strides = array<i32>} : memref<512xi32, #tpu.memory_space<vmem>>, vector<16xi32>,
      tpu.vector_store %arg12[%swap3A_1342], %and3A_1341 {strides = array<i32>} : memref<512xi32, #tpu.memory_space<vmem>>, vector<16xi32>,
      %scan3A_1344 = arith.constant 0 : i32
      scf.yield %scan3A_1344 : i32
    }
    %scan3A_13 = arith.constant 32 : i32
    %rem3A = arith.constant 0 : i32
    %rem3A_14 = arith.constant 2 : i32
    %rem3A_15 = arith.remsi %rem3A, %rem3A_14 : i32
    %mul3A_16 = arith.constant 0 : i32
    %mul3A_17 = arith.constant 16 : i32
    %mul3A_18 = arith.muli %mul3A_16, %mul3A_17 : i32
    %get3A = arith.index_cast %mul3A_18 : i32 to index
    %get3A_19 = tpu.vector_load %arg7[%get3A] {strides = array<i32>} : memref<512xi32, #tpu.memory_space<vmem>>, vector<16xi32>,
    %get3A_20 = arith.index_cast %mul3A_18 : i32 to index
    %get3A_21 = tpu.vector_load %arg8[%get3A_20] {strides = array<i32>} : memref<512xi32, #tpu.memory_space<vmem>>, vector<16xi32>,
    %get3A_22 = arith.index_cast %mul3A_18 : i32 to index
    %get3A_23 = tpu.vector_load %arg9[%get3A_22] {strides = array<i32>} : memref<512xi32, #tpu.memory_space<vmem>>, vector<16xi32>,
    %slice3A = vector.extract_strided_slice %get3A_19 {offsets = [0], sizes = [1], strides = [1]} : vector<16xi32> to vector<1xi32>
    %squeeze3A = vector.extract %slice3A[0] : i32 from vector<1xi32>
    %dma_start3A = arith.constant 0 : i32
    %dma_start3A_24 = arith.constant 0 : i32
    %dma_start3A_25 = arith.constant 0 : i32
    %dma_start3A_26 = tpu.memref_slice %arg13[%rem3A_15, %dma_start3A, %dma_start3A_24, %dma_start3A_25] : memref<2x16x8x64xf32, #tpu.memory_space<vmem>> -> memref<1x16x8x64xf32, #tpu.memory_space<vmem>>
    %dma_start3A_27 = tpu.memref_squeeze %dma_start3A_26 : memref<1x16x8x64xf32, #tpu.memory_space<vmem>> -> memref<16x8x64xf32, #tpu.memory_space<vmem>>
    %dma_start3A_28 = arith.constant 0 : i32
    %dma_start3A_29 = arith.constant 0 : i32
    %dma_start3A_30 = arith.constant 0 : i32
    %dma_start3A_31 = tpu.memref_slice %dma_start3A_27[%dma_start3A_28, %dma_start3A_29, %dma_start3A_30] : memref<16x8x64xf32, #tpu.memory_space<vmem>> -> memref<1x8x64xf32, #tpu.memory_space<vmem>>
    %dma_start3A_32 = arith.constant 0 : i32
    %dma_start3A_33 = arith.constant 0 : i32
    %dma_start3A_34 = tpu.memref_slice %arg3[%squeeze3A, %dma_start3A_32, %dma_start3A_33] : memref<125000x8x64xf32, #tpu.memory_space<hbm>> -> memref<1x8x64xf32, #tpu.memory_space<hbm>>
    %dma_start3A_35 = arith.constant 0 : i32
    %dma_start3A_36 = arith.constant 0 : i32
    %dma_start3A_37 = arith.constant 0 : i32
    %dma_start3A_38 = tpu.memref_slice %arg13[%rem3A_15, %dma_start3A_35, %dma_start3A_36, %dma_start3A_37] : memref<2x16x8x64xf32, #tpu.memory_space<vmem>> -> memref<1x16x8x64xf32, #tpu.memory_space<vmem>>
    %dma_start3A_39 = tpu.memref_squeeze %dma_start3A_38 : memref<1x16x8x64xf32, #tpu.memory_space<vmem>> -> memref<16x8x64xf32, #tpu.memory_space<vmem>>
    %dma_start3A_40 = arith.constant 0 : i32
    %dma_start3A_41 = arith.constant 0 : i32
    %dma_start3A_42 = arith.constant 0 : i32
    %dma_start3A_43 = tpu.memref_slice %dma_start3A_39[%dma_start3A_40, %dma_start3A_41, %dma_start3A_42] : memref<16x8x64xf32, #tpu.memory_space<vmem>> -> memref<1x8x64xf32, #tpu.memory_space<vmem>>
    %dma_start3A_44 = arith.constant 0 : i32
    %dma_start3A_45 = arith.constant 0 : i32
    %dma_start3A_46 = tpu.memref_slice %arg3[%squeeze3A, %dma_start3A_44, %dma_start3A_45] : memref<125000x8x64xf32, #tpu.memory_space<hbm>> -> memref<1x8x64xf32, #tpu.memory_space<hbm>>
    tpu.enqueue_dma source(%dma_start3A_46 : memref<1x8x64xf32, #tpu.memory_space<hbm>>) target(%dma_start3A_43 : memref<1x8x64xf32, #tpu.memory_space<vmem>>) target_semaphore(%arg17 : memref<!tpu.dma_semaphore, #tpu.memory_space<semaphore_mem>>)
    %slice3A_47 = vector.extract_strided_slice %get3A_21 {offsets = [0], sizes = [1], strides = [1]} : vector<16xi32> to vector<1xi32>
    %squeeze3A_48 = vector.extract %slice3A_47[0] : i32 from vector<1xi32>
    %dma_start3A_49 = arith.constant 0 : i32
    %dma_start3A_50 = arith.constant 0 : i32
    %dma_start3A_51 = arith.constant 0 : i32
    %dma_start3A_52 = tpu.memref_slice %arg14[%rem3A_15, %dma_start3A_49, %dma_start3A_50, %dma_start3A_51] : memref<2x16x8x64xf32, #tpu.memory_space<vmem>> -> memref<1x16x8x64xf32, #tpu.memory_space<vmem>>
    %dma_start3A_53 = tpu.memref_squeeze %dma_start3A_52 : memref<1x16x8x64xf32, #tpu.memory_space<vmem>> -> memref<16x8x64xf32, #tpu.memory_space<vmem>>
    %dma_start3A_54 = arith.constant 0 : i32
    %dma_start3A_55 = arith.constant 0 : i32
    %dma_start3A_56 = arith.constant 0 : i32
    %dma_start3A_57 = tpu.memref_slice %dma_start3A_53[%dma_start3A_54, %dma_start3A_55, %dma_start3A_56] : memref<16x8x64xf32, #tpu.memory_space<vmem>> -> memref<1x8x64xf32, #tpu.memory_space<vmem>>
    %dma_start3A_58 = arith.constant 0 : i32
    %dma_start3A_59 = arith.constant 0 : i32
    %dma_start3A_60 = tpu.memref_slice %arg4[%squeeze3A_48, %dma_start3A_58, %dma_start3A_59] : memref<125x8x64xf32, #tpu.memory_space<hbm>> -> memref<1x8x64xf32, #tpu.memory_space<hbm>>
    %dma_start3A_61 = arith.constant 0 : i32
    %dma_start3A_62 = arith.constant 0 : i32
    %dma_start3A_63 = arith.constant 0 : i32
    %dma_start3A_64 = tpu.memref_slice %arg14[%rem3A_15, %dma_start3A_61, %dma_start3A_62, %dma_start3A_63] : memref<2x16x8x64xf32, #tpu.memory_space<vmem>> -> memref<1x16x8x64xf32, #tpu.memory_space<vmem>>
    %dma_start3A_65 = tpu.memref_squeeze %dma_start3A_64 : memref<1x16x8x64xf32, #tpu.memory_space<vmem>> -> memref<16x8x64xf32, #tpu.memory_space<vmem>>
    %dma_start3A_66 = arith.constant 0 : i32
    %dma_start3A_67 = arith.constant 0 : i32
    %dma_start3A_68 = arith.constant 0 : i32
    %dma_start3A_69 = tpu.memref_slice %dma_start3A_65[%dma_start3A_66, %dma_start3A_67, %dma_start3A_68] : memref<16x8x64xf32, #tpu.memory_space<vmem>> -> memref<1x8x64xf32, #tpu.memory_space<vmem>>
    %dma_start3A_70 = arith.constant 0 : i32
    %dma_start3A_71 = arith.constant 0 : i32
    %dma_start3A_72 = tpu.memref_slice %arg4[%squeeze3A_48, %dma_start3A_70, %dma_start3A_71] : memref<125x8x64xf32, #tpu.memory_space<hbm>> -> memref<1x8x64xf32, #tpu.memory_space<hbm>>
    tpu.enqueue_dma source(%dma_start3A_72 : memref<1x8x64xf32, #tpu.memory_space<hbm>>) target(%dma_start3A_69 : memref<1x8x64xf32, #tpu.memory_space<vmem>>) target_semaphore(%arg17 : memref<!tpu.dma_semaphore, #tpu.memory_space<semaphore_mem>>)
    %slice3A_73 = vector.extract_strided_slice %get3A_23 {offsets = [0], sizes = [1], strides = [1]} : vector<16xi32> to vector<1xi32>
    %squeeze3A_74 = vector.extract %slice3A_73[0] : i32 from vector<1xi32>
    %dma_start3A_75 = arith.constant 0 : i32
    %dma_start3A_76 = arith.constant 0 : i32
    %dma_start3A_77 = arith.constant 0 : i32
    %dma_start3A_78 = tpu.memref_slice %arg15[%rem3A_15, %dma_start3A_75, %dma_start3A_76, %dma_start3A_77] : memref<2x16x8x64xf32, #tpu.memory_space<vmem>> -> memref<1x16x8x64xf32, #tpu.memory_space<vmem>>
    %dma_start3A_79 = tpu.memref_squeeze %dma_start3A_78 : memref<1x16x8x64xf32, #tpu.memory_space<vmem>> -> memref<16x8x64xf32, #tpu.memory_space<vmem>>
    %dma_start3A_80 = arith.constant 0 : i32
    %dma_start3A_81 = arith.constant 0 : i32
    %dma_start3A_82 = arith.constant 0 : i32
    %dma_start3A_83 = tpu.memref_slice %dma_start3A_79[%dma_start3A_80, %dma_start3A_81, %dma_start3A_82] : memref<16x8x64xf32, #tpu.memory_space<vmem>> -> memref<1x8x64xf32, #tpu.memory_space<vmem>>
    %dma_start3A_84 = arith.constant 0 : i32
    %dma_start3A_85 = arith.constant 0 : i32
    %dma_start3A_86 = tpu.memref_slice %arg3[%squeeze3A_74, %dma_start3A_84, %dma_start3A_85] : memref<125000x8x64xf32, #tpu.memory_space<hbm>> -> memref<1x8x64xf32, #tpu.memory_space<hbm>>
    %dma_start3A_87 = arith.constant 0 : i32
    %dma_start3A_88 = arith.constant 0 : i32
    %dma_start3A_89 = arith.constant 0 : i32
    %dma_start3A_90 = tpu.memref_slice %arg15[%rem3A_15, %dma_start3A_87, %dma_start3A_88, %dma_start3A_89] : memref<2x16x8x64xf32, #tpu.memory_space<vmem>> -> memref<1x16x8x64xf32, #tpu.memory_space<vmem>>
    %dma_start3A_91 = tpu.memref_squeeze %dma_start3A_90 : memref<1x16x8x64xf32, #tpu.memory_space<vmem>> -> memref<16x8x64xf32, #tpu.memory_space<vmem>>
    %dma_start3A_92 = arith.constant 0 : i32
    %dma_start3A_93 = arith.constant 0 : i32
    %dma_start3A_94 = arith.constant 0 : i32
    %dma_start3A_95 = tpu.memref_slice %dma_start3A_91[%dma_start3A_92, %dma_start3A_93, %dma_start3A_94] : memref<16x8x64xf32, #tpu.memory_space<vmem>> -> memref<1x8x64xf32, #tpu.memory_space<vmem>>
    %dma_start3A_96 = arith.constant 0 : i32
    %dma_start3A_97 = arith.constant 0 : i32
    %dma_start3A_98 = tpu.memref_slice %arg3[%squeeze3A_74, %dma_start3A_96, %dma_start3A_97] : memref<125000x8x64xf32, #tpu.memory_space<hbm>> -> memref<1x8x64xf32, #tpu.memory_space<hbm>>
    tpu.enqueue_dma source(%dma_start3A_98 : memref<1x8x64xf32, #tpu.memory_space<hbm>>) target(%dma_start3A_95 : memref<1x8x64xf32, #tpu.memory_space<vmem>>) target_semaphore(%arg17 : memref<!tpu.dma_semaphore, #tpu.memory_space<semaphore_mem>>)
    %slice3A_99 = vector.extract_strided_slice %get3A_19 {offsets = [1], sizes = [1], strides = [1]} : vector<16xi32> to vector<1xi32>
    %squeeze3A_100 = vector.extract %slice3A_99[0] : i32 from vector<1xi32>
    %dma_start3A_101 = arith.constant 0 : i32
    %dma_start3A_102 = arith.constant 0 : i32
    %dma_start3A_103 = arith.constant 0 : i32
    %dma_start3A_104 = tpu.memref_slice %arg13[%rem3A_15, %dma_start3A_101, %dma_start3A_102, %dma_start3A_103] : memref<2x16x8x64xf32, #tpu.memory_space<vmem>> -> memref<1x16x8x64xf32, #tpu.memory_space<vmem>>
    %dma_start3A_105 = tpu.memref_squeeze %dma_start3A_104 : memref<1x16x8x64xf32, #tpu.memory_space<vmem>> -> memref<16x8x64xf32, #tpu.memory_space<vmem>>
    %dma_start3A_106 = arith.constant 1 : i32
    %dma_start3A_107 = arith.constant 0 : i32
    %dma_start3A_108 = arith.constant 0 : i32
    %dma_start3A_109 = tpu.memref_slice %dma_start3A_105[%dma_start3A_106, %dma_start3A_107, %dma_start3A_108] : memref<16x8x64xf32, #tpu.memory_space<vmem>> -> memref<1x8x64xf32, #tpu.memory_space<vmem>>
    %dma_start3A_110 = arith.constant 0 : i32
    %dma_start3A_111 = arith.constant 0 : i32
    %dma_start3A_112 = tpu.memref_slice %arg3[%squeeze3A_100, %dma_start3A_110, %dma_start3A_111] : memref<125000x8x64xf32, #tpu.memory_space<hbm>> -> memref<1x8x64xf32, #tpu.memory_space<hbm>>
    %dma_start3A_113 = arith.constant 0 : i32
    %dma_start3A_114 = arith.constant 0 : i32
    %dma_start3A_115 = arith.constant 0 : i32
    %dma_start3A_116 = tpu.memref_slice %arg13[%rem3A_15, %dma_start3A_113, %dma_start3A_114, %dma_start3A_115] : memref<2x16x8x64xf32, #tpu.memory_space<vmem>> -> memref<1x16x8x64xf32, #tpu.memory_space<vmem>>
    %dma_start3A_117 = tpu.memref_squeeze %dma_start3A_116 : memref<1x16x8x64xf32, #tpu.memory_space<vmem>> -> memref<16x8x64xf32, #tpu.memory_space<vmem>>
    %dma_start3A_118 = arith.constant 1 : i32
    %dma_start3A_119 = arith.constant 0 : i32
    %dma_start3A_120 = arith.constant 0 : i32
    %dma_start3A_121 = tpu.memref_slice %dma_start3A_117[%dma_start3A_118, %dma_start3A_119, %dma_start3A_120] : memref<16x8x64xf32, #tpu.memory_space<vmem>> -> memref<1x8x64xf32, #tpu.memory_space<vmem>>
    %dma_start3A_122 = arith.constant 0 : i32
    %dma_start3A_123 = arith.constant 0 : i32
    %dma_start3A_124 = tpu.memref_slice %arg3[%squeeze3A_100, %dma_start3A_122, %dma_start3A_123] : memref<125000x8x64xf32, #tpu.memory_space<hbm>> -> memref<1x8x64xf32, #tpu.memory_space<hbm>>
    tpu.enqueue_dma source(%dma_start3A_124 : memref<1x8x64xf32, #tpu.memory_space<hbm>>) target(%dma_start3A_121 : memref<1x8x64xf32, #tpu.memory_space<vmem>>) target_semaphore(%arg17 : memref<!tpu.dma_semaphore, #tpu.memory_space<semaphore_mem>>)
    %slice3A_125 = vector.extract_strided_slice %get3A_21 {offsets = [1], sizes = [1], strides = [1]} : vector<16xi32> to vector<1xi32>
    %squeeze3A_126 = vector.extract %slice3A_125[0] : i32 from vector<1xi32>
    %dma_start3A_127 = arith.constant 0 : i32
    %dma_start3A_128 = arith.constant 0 : i32
    %dma_start3A_129 = arith.constant 0 : i32
    %dma_start3A_130 = tpu.memref_slice %arg14[%rem3A_15, %dma_start3A_127, %dma_start3A_128, %dma_start3A_129] : memref<2x16x8x64xf32, #tpu.memory_space<vmem>> -> memref<1x16x8x64xf32, #tpu.memory_space<vmem>>
    %dma_start3A_131 = tpu.memref_squeeze %dma_start3A_130 : memref<1x16x8x64xf32, #tpu.memory_space<vmem>> -> memref<16x8x64xf32, #tpu.memory_space<vmem>>
    %dma_start3A_132 = arith.constant 1 : i32
    %dma_start3A_133 = arith.constant 0 : i32
    %dma_start3A_134 = arith.constant 0 : i32
    %dma_start3A_135 = tpu.memref_slice %dma_start3A_131[%dma_start3A_132, %dma_start3A_133, %dma_start3A_134] : memref<16x8x64xf32, #tpu.memory_space<vmem>> -> memref<1x8x64xf32, #tpu.memory_space<vmem>>
    %dma_start3A_136 = arith.constant 0 : i32
    %dma_start3A_137 = arith.constant 0 : i32
    %dma_start3A_138 = tpu.memref_slice %arg4[%squeeze3A_126, %dma_start3A_136, %dma_start3A_137] : memref<125x8x64xf32, #tpu.memory_space<hbm>> -> memref<1x8x64xf32, #tpu.memory_space<hbm>>
    %dma_start3A_139 = arith.constant 0 : i32
    %dma_start3A_140 = arith.constant 0 : i32
    %dma_start3A_141 = arith.constant 0 : i32
    %dma_start3A_142 = tpu.memref_slice %arg14[%rem3A_15, %dma_start3A_139, %dma_start3A_140, %dma_start3A_141] : memref<2x16x8x64xf32, #tpu.memory_space<vmem>> -> memref<1x16x8x64xf32, #tpu.memory_space<vmem>>
    %dma_start3A_143 = tpu.memref_squeeze %dma_start3A_142 : memref<1x16x8x64xf32, #tpu.memory_space<vmem>> -> memref<16x8x64xf32, #tpu.memory_space<vmem>>
    %dma_start3A_144 = arith.constant 1 : i32
    %dma_start3A_145 = arith.constant 0 : i32
    %dma_start3A_146 = arith.constant 0 : i32
    %dma_start3A_147 = tpu.memref_slice %dma_start3A_143[%dma_start3A_144, %dma_start3A_145, %dma_start3A_146] : memref<16x8x64xf32, #tpu.memory_space<vmem>> -> memref<1x8x64xf32, #tpu.memory_space<vmem>>
    %dma_start3A_148 = arith.constant 0 : i32
    %dma_start3A_149 = arith.constant 0 : i32
    %dma_start3A_150 = tpu.memref_slice %arg4[%squeeze3A_126, %dma_start3A_148, %dma_start3A_149] : memref<125x8x64xf32, #tpu.memory_space<hbm>> -> memref<1x8x64xf32, #tpu.memory_space<hbm>>
    tpu.enqueue_dma source(%dma_start3A_150 : memref<1x8x64xf32, #tpu.memory_space<hbm>>) target(%dma_start3A_147 : memref<1x8x64xf32, #tpu.memory_space<vmem>>) target_semaphore(%arg17 : memref<!tpu.dma_semaphore, #tpu.memory_space<semaphore_mem>>)
    %slice3A_151 = vector.extract_strided_slice %get3A_23 {offsets = [1], sizes = [1], strides = [1]} : vector<16xi32> to vector<1xi32>
    %squeeze3A_152 = vector.extract %slice3A_151[0] : i32 from vector<1xi32>
    %dma_start3A_153 = arith.constant 0 : i32
    %dma_start3A_154 = arith.constant 0 : i32
    %dma_start3A_155 = arith.constant 0 : i32
    %dma_start3A_156 = tpu.memref_slice %arg15[%rem3A_15, %dma_start3A_153, %dma_start3A_154, %dma_start3A_155] : memref<2x16x8x64xf32, #tpu.memory_space<vmem>> -> memref<1x16x8x64xf32, #tpu.memory_space<vmem>>
    %dma_start3A_157 = tpu.memref_squeeze %dma_start3A_156 : memref<1x16x8x64xf32, #tpu.memory_space<vmem>> -> memref<16x8x64xf32, #tpu.memory_space<vmem>>
    %dma_start3A_158 = arith.constant 1 : i32
    %dma_start3A_159 = arith.constant 0 : i32
    %dma_start3A_160 = arith.constant 0 : i32
    %dma_start3A_161 = tpu.memref_slice %dma_start3A_157[%dma_start3A_158, %dma_start3A_159, %dma_start3A_160] : memref<16x8x64xf32, #tpu.memory_space<vmem>> -> memref<1x8x64xf32, #tpu.memory_space<vmem>>
    %dma_start3A_162 = arith.constant 0 : i32
    %dma_start3A_163 = arith.constant 0 : i32
    %dma_start3A_164 = tpu.memref_slice %arg3[%squeeze3A_152, %dma_start3A_162, %dma_start3A_163] : memref<125000x8x64xf32, #tpu.memory_space<hbm>> -> memref<1x8x64xf32, #tpu.memory_space<hbm>>
    %dma_start3A_165 = arith.constant 0 : i32
    %dma_start3A_166 = arith.constant 0 : i32
    %dma_start3A_167 = arith.constant 0 : i32
    %dma_start3A_168 = tpu.memref_slice %arg15[%rem3A_15, %dma_start3A_165, %dma_start3A_166, %dma_start3A_167] : memref<2x16x8x64xf32, #tpu.memory_space<vmem>> -> memref<1x16x8x64xf32, #tpu.memory_space<vmem>>
    %dma_start3A_169 = tpu.memref_squeeze %dma_start3A_168 : memref<1x16x8x64xf32, #tpu.memory_space<vmem>> -> memref<16x8x64xf32, #tpu.memory_space<vmem>>
    %dma_start3A_170 = arith.constant 1 : i32
    %dma_start3A_171 = arith.constant 0 : i32
    %dma_start3A_172 = arith.constant 0 : i32
    %dma_start3A_173 = tpu.memref_slice %dma_start3A_169[%dma_start3A_170, %dma_start3A_171, %dma_start3A_172] : memref<16x8x64xf32, #tpu.memory_space<vmem>> -> memref<1x8x64xf32, #tpu.memory_space<vmem>>
    %dma_start3A_174 = arith.constant 0 : i32
    %dma_start3A_175 = arith.constant 0 : i32
    %dma_start3A_176 = tpu.memref_slice %arg3[%squeeze3A_152, %dma_start3A_174, %dma_start3A_175] : memref<125000x8x64xf32, #tpu.memory_space<hbm>> -> memref<1x8x64xf32, #tpu.memory_space<hbm>>
    tpu.enqueue_dma source(%dma_start3A_176 : memref<1x8x64xf32, #tpu.memory_space<hbm>>) target(%dma_start3A_173 : memref<1x8x64xf32, #tpu.memory_space<vmem>>) target_semaphore(%arg17 : memref<!tpu.dma_semaphore, #tpu.memory_space<semaphore_mem>>)
    %slice3A_177 = vector.extract_strided_slice %get3A_19 {offsets = [2], sizes = [1], strides = [1]} : vector<16xi32> to vector<1xi32>
    %squeeze3A_178 = vector.extract %slice3A_177[0] : i32 from vector<1xi32>
    %dma_start3A_179 = arith.constant 0 : i32
    %dma_start3A_180 = arith.constant 0 : i32
    %dma_start3A_181 = arith.constant 0 : i32
    %dma_start3A_182 = tpu.memref_slice %arg13[%rem3A_15, %dma_start3A_179, %dma_start3A_180, %dma_start3A_181] : memref<2x16x8x64xf32, #tpu.memory_space<vmem>> -> memref<1x16x8x64xf32, #tpu.memory_space<vmem>>
    %dma_start3A_183 = tpu.memref_squeeze %dma_start3A_182 : memref<1x16x8x64xf32, #tpu.memory_space<vmem>> -> memref<16x8x64xf32, #tpu.memory_space<vmem>>
    %dma_start3A_184 = arith.constant 2 : i32
    %dma_start3A_185 = arith.constant 0 : i32
    %dma_start3A_186 = arith.constant 0 : i32
    %dma_start3A_187 = tpu.memref_slice %dma_start3A_183[%dma_start3A_184, %dma_start3A_185, %dma_start3A_186] : memref<16x8x64xf32, #tpu.memory_space<vmem>> -> memref<1x8x64xf32, #tpu.memory_space<vmem>>
    %dma_start3A_188 = arith.constant 0 : i32
    %dma_start3A_189 = arith.constant 0 : i32
    %dma_start3A_190 = tpu.memref_slice %arg3[%squeeze3A_178, %dma_start3A_188, %dma_start3A_189] : memref<125000x8x64xf32, #tpu.memory_space<hbm>> -> memref<1x8x64xf32, #tpu.memory_space<hbm>>
    %dma_start3A_191 = arith.constant 0 : i32
    %dma_start3A_192 = arith.constant 0 : i32
    %dma_start3A_193 = arith.constant 0 : i32
    %dma_start3A_194 = tpu.memref_slice %arg13[%rem3A_15, %dma_start3A_191, %dma_start3A_192, %dma_start3A_193] : memref<2x16x8x64xf32, #tpu.memory_space<vmem>> -> memref<1x16x8x64xf32, #tpu.memory_space<vmem>>
    %dma_start3A_195 = tpu.memref_squeeze %dma_start3A_194 : memref<1x16x8x64xf32, #tpu.memory_space<vmem>> -> memref<16x8x64xf32, #tpu.memory_space<vmem>>
    %dma_start3A_196 = arith.constant 2 : i32
    %dma_start3A_197 = arith.constant 0 : i32
    %dma_start3A_198 = arith.constant 0 : i32
    %dma_start3A_199 = tpu.memref_slice %dma_start3A_195[%dma_start3A_196, %dma_start3A_197, %dma_start3A_198] : memref<16x8x64xf32, #tpu.memory_space<vmem>> -> memref<1x8x64xf32, #tpu.memory_space<vmem>>
    %dma_start3A_200 = arith.constant 0 : i32
    %dma_start3A_201 = arith.constant 0 : i32
    %dma_start3A_202 = tpu.memref_slice %arg3[%squeeze3A_178, %dma_start3A_200, %dma_start3A_201] : memref<125000x8x64xf32, #tpu.memory_space<hbm>> -> memref<1x8x64xf32, #tpu.memory_space<hbm>>
    tpu.enqueue_dma source(%dma_start3A_202 : memref<1x8x64xf32, #tpu.memory_space<hbm>>) target(%dma_start3A_199 : memref<1x8x64xf32, #tpu.memory_space<vmem>>) target_semaphore(%arg17 : memref<!tpu.dma_semaphore, #tpu.memory_space<semaphore_mem>>)
    %slice3A_203 = vector.extract_strided_slice %get3A_21 {offsets = [2], sizes = [1], strides = [1]} : vector<16xi32> to vector<1xi32>
    %squeeze3A_204 = vector.extract %slice3A_203[0] : i32 from vector<1xi32>
    %dma_start3A_205 = arith.constant 0 : i32
    %dma_start3A_206 = arith.constant 0 : i32
    %dma_start3A_207 = arith.constant 0 : i32
    %dma_start3A_208 = tpu.memref_slice %arg14[%rem3A_15, %dma_start3A_205, %dma_start3A_206, %dma_start3A_207] : memref<2x16x8x64xf32, #tpu.memory_space<vmem>> -> memref<1x16x8x64xf32, #tpu.memory_space<vmem>>
    %dma_start3A_209 = tpu.memref_squeeze %dma_start3A_208 : memref<1x16x8x64xf32, #tpu.memory_space<vmem>> -> memref<16x8x64xf32, #tpu.memory_space<vmem>>
    %dma_start3A_210 = arith.constant 2 : i32
    %dma_start3A_211 = arith.constant 0 : i32
    %dma_start3A_212 = arith.constant 0 : i32
    %dma_start3A_213 = tpu.memref_slice %dma_start3A_209[%dma_start3A_210, %dma_start3A_211, %dma_start3A_212] : memref<16x8x64xf32, #tpu.memory_space<vmem>> -> memref<1x8x64xf32, #tpu.memory_space<vmem>>
    %dma_start3A_214 = arith.constant 0 : i32
    %dma_start3A_215 = arith.constant 0 : i32
    %dma_start3A_216 = tpu.memref_slice %arg4[%squeeze3A_204, %dma_start3A_214, %dma_start3A_215] : memref<125x8x64xf32, #tpu.memory_space<hbm>> -> memref<1x8x64xf32, #tpu.memory_space<hbm>>
    %dma_start3A_217 = arith.constant 0 : i32
    %dma_start3A_218 = arith.constant 0 : i32
    %dma_start3A_219 = arith.constant 0 : i32
    %dma_start3A_220 = tpu.memref_slice %arg14[%rem3A_15, %dma_start3A_217, %dma_start3A_218, %dma_start3A_219] : memref<2x16x8x64xf32, #tpu.memory_space<vmem>> -> memref<1x16x8x64xf32, #tpu.memory_space<vmem>>
    %dma_start3A_221 = tpu.memref_squeeze %dma_start3A_220 : memref<1x16x8x64xf32, #tpu.memory_space<vmem>> -> memref<16x8x64xf32, #tpu.memory_space<vmem>>
    %dma_start3A_222 = arith.constant 2 : i32
    %dma_start3A_223 = arith.constant 0 : i32
    %dma_start3A_224 = arith.constant 0 : i32
    %dma_start3A_225 = tpu.memref_slice %dma_start3A_221[%dma_start3A_222, %dma_start3A_223, %dma_start3A_224] : memref<16x8x64xf32, #tpu.memory_space<vmem>> -> memref<1x8x64xf32, #tpu.memory_space<vmem>>
    %dma_start3A_226 = arith.constant 0 : i32
    %dma_start3A_227 = arith.constant 0 : i32
    %dma_start3A_228 = tpu.memref_slice %arg4[%squeeze3A_204, %dma_start3A_226, %dma_start3A_227] : memref<125x8x64xf32, #tpu.memory_space<hbm>> -> memref<1x8x64xf32, #tpu.memory_space<hbm>>
    tpu.enqueue_dma source(%dma_start3A_228 : memref<1x8x64xf32, #tpu.memory_space<hbm>>) target(%dma_start3A_225 : memref<1x8x64xf32, #tpu.memory_space<vmem>>) target_semaphore(%arg17 : memref<!tpu.dma_semaphore, #tpu.memory_space<semaphore_mem>>)
    %slice3A_229 = vector.extract_strided_slice %get3A_23 {offsets = [2], sizes = [1], strides = [1]} : vector<16xi32> to vector<1xi32>
    %squeeze3A_230 = vector.extract %slice3A_229[0] : i32 from vector<1xi32>
    %dma_start3A_231 = arith.constant 0 : i32
    %dma_start3A_232 = arith.constant 0 : i32
    %dma_start3A_233 = arith.constant 0 : i32
    %dma_start3A_234 = tpu.memref_slice %arg15[%rem3A_15, %dma_start3A_231, %dma_start3A_232, %dma_start3A_233] : memref<2x16x8x64xf32, #tpu.memory_space<vmem>> -> memref<1x16x8x64xf32, #tpu.memory_space<vmem>>
    %dma_start3A_235 = tpu.memref_squeeze %dma_start3A_234 : memref<1x16x8x64xf32, #tpu.memory_space<vmem>> -> memref<16x8x64xf32, #tpu.memory_space<vmem>>
    %dma_start3A_236 = arith.constant 2 : i32
    %dma_start3A_237 = arith.constant 0 : i32
    %dma_start3A_238 = arith.constant 0 : i32
    %dma_start3A_239 = tpu.memref_slice %dma_start3A_235[%dma_start3A_236, %dma_start3A_237, %dma_start3A_238] : memref<16x8x64xf32, #tpu.memory_space<vmem>> -> memref<1x8x64xf32, #tpu.memory_space<vmem>>
    %dma_start3A_240 = arith.constant 0 : i32
    %dma_start3A_241 = arith.constant 0 : i32
    %dma_start3A_242 = tpu.memref_slice %arg3[%squeeze3A_230, %dma_start3A_240, %dma_start3A_241] : memref<125000x8x64xf32, #tpu.memory_space<hbm>> -> memref<1x8x64xf32, #tpu.memory_space<hbm>>
    %dma_start3A_243 = arith.constant 0 : i32
    %dma_start3A_244 = arith.constant 0 : i32
    %dma_start3A_245 = arith.constant 0 : i32
    %dma_start3A_246 = tpu.memref_slice %arg15[%rem3A_15, %dma_start3A_243, %dma_start3A_244, %dma_start3A_245] : memref<2x16x8x64xf32, #tpu.memory_space<vmem>> -> memref<1x16x8x64xf32, #tpu.memory_space<vmem>>
    %dma_start3A_247 = tpu.memref_squeeze %dma_start3A_246 : memref<1x16x8x64xf32, #tpu.memory_space<vmem>> -> memref<16x8x64xf32, #tpu.memory_space<vmem>>
    %dma_start3A_248 = arith.constant 2 : i32
    %dma_start3A_249 = arith.constant 0 : i32
    %dma_start3A_250 = arith.constant 0 : i32
    %dma_start3A_251 = tpu.memref_slice %dma_start3A_247[%dma_start3A_248, %dma_start3A_249, %dma_start3A_250] : memref<16x8x64xf32, #tpu.memory_space<vmem>> -> memref<1x8x64xf32, #tpu.memory_space<vmem>>
    %dma_start3A_252 = arith.constant 0 : i32
    %dma_start3A_253 = arith.constant 0 : i32
    %dma_start3A_254 = tpu.memref_slice %arg3[%squeeze3A_230, %dma_start3A_252, %dma_start3A_253] : memref<125000x8x64xf32, #tpu.memory_space<hbm>> -> memref<1x8x64xf32, #tpu.memory_space<hbm>>
    tpu.enqueue_dma source(%dma_start3A_254 : memref<1x8x64xf32, #tpu.memory_space<hbm>>) target(%dma_start3A_251 : memref<1x8x64xf32, #tpu.memory_space<vmem>>) target_semaphore(%arg17 : memref<!tpu.dma_semaphore, #tpu.memory_space<semaphore_mem>>)
    %slice3A_255 = vector.extract_strided_slice %get3A_19 {offsets = [3], sizes = [1], strides = [1]} : vector<16xi32> to vector<1xi32>
    %squeeze3A_256 = vector.extract %slice3A_255[0] : i32 from vector<1xi32>
    %dma_start3A_257 = arith.constant 0 : i32
    %dma_start3A_258 = arith.constant 0 : i32
    %dma_start3A_259 = arith.constant 0 : i32
    %dma_start3A_260 = tpu.memref_slice %arg13[%rem3A_15, %dma_start3A_257, %dma_start3A_258, %dma_start3A_259] : memref<2x16x8x64xf32, #tpu.memory_space<vmem>> -> memref<1x16x8x64xf32, #tpu.memory_space<vmem>>
    %dma_start3A_261 = tpu.memref_squeeze %dma_start3A_260 : memref<1x16x8x64xf32, #tpu.memory_space<vmem>> -> memref<16x8x64xf32, #tpu.memory_space<vmem>>
    %dma_start3A_262 = arith.constant 3 : i32
    %dma_start3A_263 = arith.constant 0 : i32
    %dma_start3A_264 = arith.constant 0 : i32
    %dma_start3A_265 = tpu.memref_slice %dma_start3A_261[%dma_start3A_262, %dma_start3A_263, %dma_start3A_264] : memref<16x8x64xf32, #tpu.memory_space<vmem>> -> memref<1x8x64xf32, #tpu.memory_space<vmem>>
    %dma_start3A_266 = arith.constant 0 : i32
    %dma_start3A_267 = arith.constant 0 : i32
    %dma_start3A_268 = tpu.memref_slice %arg3[%squeeze3A_256, %dma_start3A_266, %dma_start3A_267] : memref<125000x8x64xf32, #tpu.memory_space<hbm>> -> memref<1x8x64xf32, #tpu.memory_space<hbm>>
    %dma_start3A_269 = arith.constant 0 : i32
    %dma_start3A_270 = arith.constant 0 : i32
    %dma_start3A_271 = arith.constant 0 : i32
    %dma_start3A_272 = tpu.memref_slice %arg13[%rem3A_15, %dma_start3A_269, %dma_start3A_270, %dma_start3A_271] : memref<2x16x8x64xf32, #tpu.memory_space<vmem>> -> memref<1x16x8x64xf32, #tpu.memory_space<vmem>>
    %dma_start3A_273 = tpu.memref_squeeze %dma_start3A_272 : memref<1x16x8x64xf32, #tpu.memory_space<vmem>> -> memref<16x8x64xf32, #tpu.memory_space<vmem>>
    %dma_start3A_274 = arith.constant 3 : i32
    %dma_start3A_275 = arith.constant 0 : i32
    %dma_start3A_276 = arith.constant 0 : i32
    %dma_start3A_277 = tpu.memref_slice %dma_start3A_273[%dma_start3A_274, %dma_start3A_275, %dma_start3A_276] : memref<16x8x64xf32, #tpu.memory_space<vmem>> -> memref<1x8x64xf32, #tpu.memory_space<vmem>>
    %dma_start3A_278 = arith.constant 0 : i32
    %dma_start3A_279 = arith.constant 0 : i32
    %dma_start3A_280 = tpu.memref_slice %arg3[%squeeze3A_256, %dma_start3A_278, %dma_start3A_279] : memref<125000x8x64xf32, #tpu.memory_space<hbm>> -> memref<1x8x64xf32, #tpu.memory_space<hbm>>
    tpu.enqueue_dma source(%dma_start3A_280 : memref<1x8x64xf32, #tpu.memory_space<hbm>>) target(%dma_start3A_277 : memref<1x8x64xf32, #tpu.memory_space<vmem>>) target_semaphore(%arg17 : memref<!tpu.dma_semaphore, #tpu.memory_space<semaphore_mem>>)
    %slice3A_281 = vector.extract_strided_slice %get3A_21 {offsets = [3], sizes = [1], strides = [1]} : vector<16xi32> to vector<1xi32>
    %squeeze3A_282 = vector.extract %slice3A_281[0] : i32 from vector<1xi32>
    %dma_start3A_283 = arith.constant 0 : i32
    %dma_start3A_284 = arith.constant 0 : i32
    %dma_start3A_285 = arith.constant 0 : i32
    %dma_start3A_286 = tpu.memref_slice %arg14[%rem3A_15, %dma_start3A_283, %dma_start3A_284, %dma_start3A_285] : memref<2x16x8x64xf32, #tpu.memory_space<vmem>> -> memref<1x16x8x64xf32, #tpu.memory_space<vmem>>
    %dma_start3A_287 = tpu.memref_squeeze %dma_start3A_286 : memref<1x16x8x64xf32, #tpu.memory_space<vmem>> -> memref<16x8x64xf32, #tpu.memory_space<vmem>>
    %dma_start3A_288 = arith.constant 3 : i32
    %dma_start3A_289 = arith.constant 0 : i32
    %dma_start3A_290 = arith.constant 0 : i32
    %dma_start3A_291 = tpu.memref_slice %dma_start3A_287[%dma_start3A_288, %dma_start3A_289, %dma_start3A_290] : memref<16x8x64xf32, #tpu.memory_space<vmem>> -> memref<1x8x64xf32, #tpu.memory_space<vmem>>
    %dma_start3A_292 = arith.constant 0 : i32
    %dma_start3A_293 = arith.constant 0 : i32
    %dma_start3A_294 = tpu.memref_slice %arg4[%squeeze3A_282, %dma_start3A_292, %dma_start3A_293] : memref<125x8x64xf32, #tpu.memory_space<hbm>> -> memref<1x8x64xf32, #tpu.memory_space<hbm>>
    %dma_start3A_295 = arith.constant 0 : i32
    %dma_start3A_296 = arith.constant 0 : i32
    %dma_start3A_297 = arith.constant 0 : i32
    %dma_start3A_298 = tpu.memref_slice %arg14[%rem3A_15, %dma_start3A_295, %dma_start3A_296, %dma_start3A_297] : memref<2x16x8x64xf32, #tpu.memory_space<vmem>> -> memref<1x16x8x64xf32, #tpu.memory_space<vmem>>
    %dma_start3A_299 = tpu.memref_squeeze %dma_start3A_298 : memref<1x16x8x64xf32, #tpu.memory_space<vmem>> -> memref<16x8x64xf32, #tpu.memory_space<vmem>>
    %dma_start3A_300 = arith.constant 3 : i32
    %dma_start3A_301 = arith.constant 0 : i32
    %dma_start3A_302 = arith.constant 0 : i32
    %dma_start3A_303 = tpu.memref_slice %dma_start3A_299[%dma_start3A_300, %dma_start3A_301, %dma_start3A_302] : memref<16x8x64xf32, #tpu.memory_space<vmem>> -> memref<1x8x64xf32, #tpu.memory_space<vmem>>
    %dma_start3A_304 = arith.constant 0 : i32
    %dma_start3A_305 = arith.constant 0 : i32
    %dma_start3A_306 = tpu.memref_slice %arg4[%squeeze3A_282, %dma_start3A_304, %dma_start3A_305] : memref<125x8x64xf32, #tpu.memory_space<hbm>> -> memref<1x8x64xf32, #tpu.memory_space<hbm>>
    tpu.enqueue_dma source(%dma_start3A_306 : memref<1x8x64xf32, #tpu.memory_space<hbm>>) target(%dma_start3A_303 : memref<1x8x64xf32, #tpu.memory_space<vmem>>) target_semaphore(%arg17 : memref<!tpu.dma_semaphore, #tpu.memory_space<semaphore_mem>>)
    %slice3A_307 = vector.extract_strided_slice %get3A_23 {offsets = [3], sizes = [1], strides = [1]} : vector<16xi32> to vector<1xi32>
    %squeeze3A_308 = vector.extract %slice3A_307[0] : i32 from vector<1xi32>
    %dma_start3A_309 = arith.constant 0 : i32
    %dma_start3A_310 = arith.constant 0 : i32
    %dma_start3A_311 = arith.constant 0 : i32
    %dma_start3A_312 = tpu.memref_slice %arg15[%rem3A_15, %dma_start3A_309, %dma_start3A_310, %dma_start3A_311] : memref<2x16x8x64xf32, #tpu.memory_space<vmem>> -> memref<1x16x8x64xf32, #tpu.memory_space<vmem>>
    %dma_start3A_313 = tpu.memref_squeeze %dma_start3A_312 : memref<1x16x8x64xf32, #tpu.memory_space<vmem>> -> memref<16x8x64xf32, #tpu.memory_space<vmem>>
    %dma_start3A_314 = arith.constant 3 : i32
    %dma_start3A_315 = arith.constant 0 : i32
    %dma_start3A_316 = arith.constant 0 : i32
    %dma_start3A_317 = tpu.memref_slice %dma_start3A_313[%dma_start3A_314, %dma_start3A_315, %dma_start3A_316] : memref<16x8x64xf32, #tpu.memory_space<vmem>> -> memref<1x8x64xf32, #tpu.memory_space<vmem>>
    %dma_start3A_318 = arith.constant 0 : i32
    %dma_start3A_319 = arith.constant 0 : i32
    %dma_start3A_320 = tpu.memref_slice %arg3[%squeeze3A_308, %dma_start3A_318, %dma_start3A_319] : memref<125000x8x64xf32, #tpu.memory_space<hbm>> -> memref<1x8x64xf32, #tpu.memory_space<hbm>>
    %dma_start3A_321 = arith.constant 0 : i32
    %dma_start3A_322 = arith.constant 0 : i32
    %dma_start3A_323 = arith.constant 0 : i32
    %dma_start3A_324 = tpu.memref_slice %arg15[%rem3A_15, %dma_start3A_321, %dma_start3A_322, %dma_start3A_323] : memref<2x16x8x64xf32, #tpu.memory_space<vmem>> -> memref<1x16x8x64xf32, #tpu.memory_space<vmem>>
    %dma_start3A_325 = tpu.memref_squeeze %dma_start3A_324 : memref<1x16x8x64xf32, #tpu.memory_space<vmem>> -> memref<16x8x64xf32, #tpu.memory_space<vmem>>
    %dma_start3A_326 = arith.constant 3 : i32
    %dma_start3A_327 = arith.constant 0 : i32
    %dma_start3A_328 = arith.constant 0 : i32
    %dma_start3A_329 = tpu.memref_slice %dma_start3A_325[%dma_start3A_326, %dma_start3A_327, %dma_start3A_328] : memref<16x8x64xf32, #tpu.memory_space<vmem>> -> memref<1x8x64xf32, #tpu.memory_space<vmem>>
    %dma_start3A_330 = arith.constant 0 : i32
    %dma_start3A_331 = arith.constant 0 : i32
    %dma_start3A_332 = tpu.memref_slice %arg3[%squeeze3A_308, %dma_start3A_330, %dma_start3A_331] : memref<125000x8x64xf32, #tpu.memory_space<hbm>> -> memref<1x8x64xf32, #tpu.memory_space<hbm>>
    tpu.enqueue_dma source(%dma_start3A_332 : memref<1x8x64xf32, #tpu.memory_space<hbm>>) target(%dma_start3A_329 : memref<1x8x64xf32, #tpu.memory_space<vmem>>) target_semaphore(%arg17 : memref<!tpu.dma_semaphore, #tpu.memory_space<semaphore_mem>>)
    %slice3A_333 = vector.extract_strided_slice %get3A_19 {offsets = [4], sizes = [1], strides = [1]} : vector<16xi32> to vector<1xi32>
    %squeeze3A_334 = vector.extract %slice3A_333[0] : i32 from vector<1xi32>
    %dma_start3A_335 = arith.constant 0 : i32
    %dma_start3A_336 = arith.constant 0 : i32
    %dma_start3A_337 = arith.constant 0 : i32
    %dma_start3A_338 = tpu.memref_slice %arg13[%rem3A_15, %dma_start3A_335, %dma_start3A_336, %dma_start3A_337] : memref<2x16x8x64xf32, #tpu.memory_space<vmem>> -> memref<1x16x8x64xf32, #tpu.memory_space<vmem>>
    %dma_start3A_339 = tpu.memref_squeeze %dma_start3A_338 : memref<1x16x8x64xf32, #tpu.memory_space<vmem>> -> memref<16x8x64xf32, #tpu.memory_space<vmem>>
    %dma_start3A_340 = arith.constant 4 : i32
    %dma_start3A_341 = arith.constant 0 : i32
    %dma_start3A_342 = arith.constant 0 : i32
    %dma_start3A_343 = tpu.memref_slice %dma_start3A_339[%dma_start3A_340, %dma_start3A_341, %dma_start3A_342] : memref<16x8x64xf32, #tpu.memory_space<vmem>> -> memref<1x8x64xf32, #tpu.memory_space<vmem>>
    %dma_start3A_344 = arith.constant 0 : i32
    %dma_start3A_345 = arith.constant 0 : i32
    %dma_start3A_346 = tpu.memref_slice %arg3[%squeeze3A_334, %dma_start3A_344, %dma_start3A_345] : memref<125000x8x64xf32, #tpu.memory_space<hbm>> -> memref<1x8x64xf32, #tpu.memory_space<hbm>>
    %dma_start3A_347 = arith.constant 0 : i32
    %dma_start3A_348 = arith.constant 0 : i32
    %dma_start3A_349 = arith.constant 0 : i32
    %dma_start3A_350 = tpu.memref_slice %arg13[%rem3A_15, %dma_start3A_347, %dma_start3A_348, %dma_start3A_349] : memref<2x16x8x64xf32, #tpu.memory_space<vmem>> -> memref<1x16x8x64xf32, #tpu.memory_space<vmem>>
    %dma_start3A_351 = tpu.memref_squeeze %dma_start3A_350 : memref<1x16x8x64xf32, #tpu.memory_space<vmem>> -> memref<16x8x64xf32, #tpu.memory_space<vmem>>
    %dma_start3A_352 = arith.constant 4 : i32
    %dma_start3A_353 = arith.constant 0 : i32
    %dma_start3A_354 = arith.constant 0 : i32
    %dma_start3A_355 = tpu.memref_slice %dma_start3A_351[%dma_start3A_352, %dma_start3A_353, %dma_start3A_354] : memref<16x8x64xf32, #tpu.memory_space<vmem>> -> memref<1x8x64xf32, #tpu.memory_space<vmem>>
    %dma_start3A_356 = arith.constant 0 : i32
    %dma_start3A_357 = arith.constant 0 : i32
    %dma_start3A_358 = tpu.memref_slice %arg3[%squeeze3A_334, %dma_start3A_356, %dma_start3A_357] : memref<125000x8x64xf32, #tpu.memory_space<hbm>> -> memref<1x8x64xf32, #tpu.memory_space<hbm>>
    tpu.enqueue_dma source(%dma_start3A_358 : memref<1x8x64xf32, #tpu.memory_space<hbm>>) target(%dma_start3A_355 : memref<1x8x64xf32, #tpu.memory_space<vmem>>) target_semaphore(%arg17 : memref<!tpu.dma_semaphore, #tpu.memory_space<semaphore_mem>>)
    %slice3A_359 = vector.extract_strided_slice %get3A_21 {offsets = [4], sizes = [1], strides = [1]} : vector<16xi32> to vector<1xi32>
    %squeeze3A_360 = vector.extract %slice3A_359[0] : i32 from vector<1xi32>
    %dma_start3A_361 = arith.constant 0 : i32
    %dma_start3A_362 = arith.constant 0 : i32
    %dma_start3A_363 = arith.constant 0 : i32
    %dma_start3A_364 = tpu.memref_slice %arg14[%rem3A_15, %dma_start3A_361, %dma_start3A_362, %dma_start3A_363] : memref<2x16x8x64xf32, #tpu.memory_space<vmem>> -> memref<1x16x8x64xf32, #tpu.memory_space<vmem>>
    %dma_start3A_365 = tpu.memref_squeeze %dma_start3A_364 : memref<1x16x8x64xf32, #tpu.memory_space<vmem>> -> memref<16x8x64xf32, #tpu.memory_space<vmem>>
    %dma_start3A_366 = arith.constant 4 : i32
    %dma_start3A_367 = arith.constant 0 : i32
    %dma_start3A_368 = arith.constant 0 : i32
    %dma_start3A_369 = tpu.memref_slice %dma_start3A_365[%dma_start3A_366, %dma_start3A_367, %dma_start3A_368] : memref<16x8x64xf32, #tpu.memory_space<vmem>> -> memref<1x8x64xf32, #tpu.memory_space<vmem>>
    %dma_start3A_370 = arith.constant 0 : i32
    %dma_start3A_371 = arith.constant 0 : i32
    %dma_start3A_372 = tpu.memref_slice %arg4[%squeeze3A_360, %dma_start3A_370, %dma_start3A_371] : memref<125x8x64xf32, #tpu.memory_space<hbm>> -> memref<1x8x64xf32, #tpu.memory_space<hbm>>
    %dma_start3A_373 = arith.constant 0 : i32
    %dma_start3A_374 = arith.constant 0 : i32
    %dma_start3A_375 = arith.constant 0 : i32
    %dma_start3A_376 = tpu.memref_slice %arg14[%rem3A_15, %dma_start3A_373, %dma_start3A_374, %dma_start3A_375] : memref<2x16x8x64xf32, #tpu.memory_space<vmem>> -> memref<1x16x8x64xf32, #tpu.memory_space<vmem>>
    %dma_start3A_377 = tpu.memref_squeeze %dma_start3A_376 : memref<1x16x8x64xf32, #tpu.memory_space<vmem>> -> memref<16x8x64xf32, #tpu.memory_space<vmem>>
    %dma_start3A_378 = arith.constant 4 : i32
    %dma_start3A_379 = arith.constant 0 : i32
    %dma_start3A_380 = arith.constant 0 : i32
    %dma_start3A_381 = tpu.memref_slice %dma_start3A_377[%dma_start3A_378, %dma_start3A_379, %dma_start3A_380] : memref<16x8x64xf32, #tpu.memory_space<vmem>> -> memref<1x8x64xf32, #tpu.memory_space<vmem>>
    %dma_start3A_382 = arith.constant 0 : i32
    %dma_start3A_383 = arith.constant 0 : i32
    %dma_start3A_384 = tpu.memref_slice %arg4[%squeeze3A_360, %dma_start3A_382, %dma_start3A_383] : memref<125x8x64xf32, #tpu.memory_space<hbm>> -> memref<1x8x64xf32, #tpu.memory_space<hbm>>
    tpu.enqueue_dma source(%dma_start3A_384 : memref<1x8x64xf32, #tpu.memory_space<hbm>>) target(%dma_start3A_381 : memref<1x8x64xf32, #tpu.memory_space<vmem>>) target_semaphore(%arg17 : memref<!tpu.dma_semaphore, #tpu.memory_space<semaphore_mem>>)
    %slice3A_385 = vector.extract_strided_slice %get3A_23 {offsets = [4], sizes = [1], strides = [1]} : vector<16xi32> to vector<1xi32>
    %squeeze3A_386 = vector.extract %slice3A_385[0] : i32 from vector<1xi32>
    %dma_start3A_387 = arith.constant 0 : i32
    %dma_start3A_388 = arith.constant 0 : i32
    %dma_start3A_389 = arith.constant 0 : i32
    %dma_start3A_390 = tpu.memref_slice %arg15[%rem3A_15, %dma_start3A_387, %dma_start3A_388, %dma_start3A_389] : memref<2x16x8x64xf32, #tpu.memory_space<vmem>> -> memref<1x16x8x64xf32, #tpu.memory_space<vmem>>
    %dma_start3A_391 = tpu.memref_squeeze %dma_start3A_390 : memref<1x16x8x64xf32, #tpu.memory_space<vmem>> -> memref<16x8x64xf32, #tpu.memory_space<vmem>>
    %dma_start3A_392 = arith.constant 4 : i32
    %dma_start3A_393 = arith.constant 0 : i32
    %dma_start3A_394 = arith.constant 0 : i32
    %dma_start3A_395 = tpu.memref_slice %dma_start3A_391[%dma_start3A_392, %dma_start3A_393, %dma_start3A_394] : memref<16x8x64xf32, #tpu.memory_space<vmem>> -> memref<1x8x64xf32, #tpu.memory_space<vmem>>
    %dma_start3A_396 = arith.constant 0 : i32
    %dma_start3A_397 = arith.constant 0 : i32
    %dma_start3A_398 = tpu.memref_slice %arg3[%squeeze3A_386, %dma_start3A_396, %dma_start3A_397] : memref<125000x8x64xf32, #tpu.memory_space<hbm>> -> memref<1x8x64xf32, #tpu.memory_space<hbm>>
    %dma_start3A_399 = arith.constant 0 : i32
    %dma_start3A_400 = arith.constant 0 : i32
    %dma_start3A_401 = arith.constant 0 : i32
    %dma_start3A_402 = tpu.memref_slice %arg15[%rem3A_15, %dma_start3A_399, %dma_start3A_400, %dma_start3A_401] : memref<2x16x8x64xf32, #tpu.memory_space<vmem>> -> memref<1x16x8x64xf32, #tpu.memory_space<vmem>>
    %dma_start3A_403 = tpu.memref_squeeze %dma_start3A_402 : memref<1x16x8x64xf32, #tpu.memory_space<vmem>> -> memref<16x8x64xf32, #tpu.memory_space<vmem>>
    %dma_start3A_404 = arith.constant 4 : i32
    %dma_start3A_405 = arith.constant 0 : i32
    %dma_start3A_406 = arith.constant 0 : i32
    %dma_start3A_407 = tpu.memref_slice %dma_start3A_403[%dma_start3A_404, %dma_start3A_405, %dma_start3A_406] : memref<16x8x64xf32, #tpu.memory_space<vmem>> -> memref<1x8x64xf32, #tpu.memory_space<vmem>>
    %dma_start3A_408 = arith.constant 0 : i32
    %dma_start3A_409 = arith.constant 0 : i32
    %dma_start3A_410 = tpu.memref_slice %arg3[%squeeze3A_386, %dma_start3A_408, %dma_start3A_409] : memref<125000x8x64xf32, #tpu.memory_space<hbm>> -> memref<1x8x64xf32, #tpu.memory_space<hbm>>
    tpu.enqueue_dma source(%dma_start3A_410 : memref<1x8x64xf32, #tpu.memory_space<hbm>>) target(%dma_start3A_407 : memref<1x8x64xf32, #tpu.memory_space<vmem>>) target_semaphore(%arg17 : memref<!tpu.dma_semaphore, #tpu.memory_space<semaphore_mem>>)
    %slice3A_411 = vector.extract_strided_slice %get3A_19 {offsets = [5], sizes = [1], strides = [1]} : vector<16xi32> to vector<1xi32>
    %squeeze3A_412 = vector.extract %slice3A_411[0] : i32 from vector<1xi32>
    %dma_start3A_413 = arith.constant 0 : i32
    %dma_start3A_414 = arith.constant 0 : i32
    %dma_start3A_415 = arith.constant 0 : i32
    %dma_start3A_416 = tpu.memref_slice %arg13[%rem3A_15, %dma_start3A_413, %dma_start3A_414, %dma_start3A_415] : memref<2x16x8x64xf32, #tpu.memory_space<vmem>> -> memref<1x16x8x64xf32, #tpu.memory_space<vmem>>
    %dma_start3A_417 = tpu.memref_squeeze %dma_start3A_416 : memref<1x16x8x64xf32, #tpu.memory_space<vmem>> -> memref<16x8x64xf32, #tpu.memory_space<vmem>>
    %dma_start3A_418 = arith.constant 5 : i32
    %dma_start3A_419 = arith.constant 0 : i32
    %dma_start3A_420 = arith.constant 0 : i32
    %dma_start3A_421 = tpu.memref_slice %dma_start3A_417[%dma_start3A_418, %dma_start3A_419, %dma_start3A_420] : memref<16x8x64xf32, #tpu.memory_space<vmem>> -> memref<1x8x64xf32, #tpu.memory_space<vmem>>
    %dma_start3A_422 = arith.constant 0 : i32
    %dma_start3A_423 = arith.constant 0 : i32
    %dma_start3A_424 = tpu.memref_slice %arg3[%squeeze3A_412, %dma_start3A_422, %dma_start3A_423] : memref<125000x8x64xf32, #tpu.memory_space<hbm>> -> memref<1x8x64xf32, #tpu.memory_space<hbm>>
    %dma_start3A_425 = arith.constant 0 : i32
    %dma_start3A_426 = arith.constant 0 : i32
    %dma_start3A_427 = arith.constant 0 : i32
    %dma_start3A_428 = tpu.memref_slice %arg13[%rem3A_15, %dma_start3A_425, %dma_start3A_426, %dma_start3A_427] : memref<2x16x8x64xf32, #tpu.memory_space<vmem>> -> memref<1x16x8x64xf32, #tpu.memory_space<vmem>>
    %dma_start3A_429 = tpu.memref_squeeze %dma_start3A_428 : memref<1x16x8x64xf32, #tpu.memory_space<vmem>> -> memref<16x8x64xf32, #tpu.memory_space<vmem>>
    %dma_start3A_430 = arith.constant 5 : i32
    %dma_start3A_431 = arith.constant 0 : i32
    %dma_start3A_432 = arith.constant 0 : i32
    %dma_start3A_433 = tpu.memref_slice %dma_start3A_429[%dma_start3A_430, %dma_start3A_431, %dma_start3A_432] : memref<16x8x64xf32, #tpu.memory_space<vmem>> -> memref<1x8x64xf32, #tpu.memory_space<vmem>>
    %dma_start3A_434 = arith.constant 0 : i32
    %dma_start3A_435 = arith.constant 0 : i32
    %dma_start3A_436 = tpu.memref_slice %arg3[%squeeze3A_412, %dma_start3A_434, %dma_start3A_435] : memref<125000x8x64xf32, #tpu.memory_space<hbm>> -> memref<1x8x64xf32, #tpu.memory_space<hbm>>
    tpu.enqueue_dma source(%dma_start3A_436 : memref<1x8x64xf32, #tpu.memory_space<hbm>>) target(%dma_start3A_433 : memref<1x8x64xf32, #tpu.memory_space<vmem>>) target_semaphore(%arg17 : memref<!tpu.dma_semaphore, #tpu.memory_space<semaphore_mem>>)
    %slice3A_437 = vector.extract_strided_slice %get3A_21 {offsets = [5], sizes = [1], strides = [1]} : vector<16xi32> to vector<1xi32>
    %squeeze3A_438 = vector.extract %slice3A_437[0] : i32 from vector<1xi32>
    %dma_start3A_439 = arith.constant 0 : i32
    %dma_start3A_440 = arith.constant 0 : i32
    %dma_start3A_441 = arith.constant 0 : i32
    %dma_start3A_442 = tpu.memref_slice %arg14[%rem3A_15, %dma_start3A_439, %dma_start3A_440, %dma_start3A_441] : memref<2x16x8x64xf32, #tpu.memory_space<vmem>> -> memref<1x16x8x64xf32, #tpu.memory_space<vmem>>
    %dma_start3A_443 = tpu.memref_squeeze %dma_start3A_442 : memref<1x16x8x64xf32, #tpu.memory_space<vmem>> -> memref<16x8x64xf32, #tpu.memory_space<vmem>>
    %dma_start3A_444 = arith.constant 5 : i32
    %dma_start3A_445 = arith.constant 0 : i32
    %dma_start3A_446 = arith.constant 0 : i32
    %dma_start3A_447 = tpu.memref_slice %dma_start3A_443[%dma_start3A_444, %dma_start3A_445, %dma_start3A_446] : memref<16x8x64xf32, #tpu.memory_space<vmem>> -> memref<1x8x64xf32, #tpu.memory_space<vmem>>
    %dma_start3A_448 = arith.constant 0 : i32
    %dma_start3A_449 = arith.constant 0 : i32
    %dma_start3A_450 = tpu.memref_slice %arg4[%squeeze3A_438, %dma_start3A_448, %dma_start3A_449] : memref<125x8x64xf32, #tpu.memory_space<hbm>> -> memref<1x8x64xf32, #tpu.memory_space<hbm>>
    %dma_start3A_451 = arith.constant 0 : i32
    %dma_start3A_452 = arith.constant 0 : i32
    %dma_start3A_453 = arith.constant 0 : i32
    %dma_start3A_454 = tpu.memref_slice %arg14[%rem3A_15, %dma_start3A_451, %dma_start3A_452, %dma_start3A_453] : memref<2x16x8x64xf32, #tpu.memory_space<vmem>> -> memref<1x16x8x64xf32, #tpu.memory_space<vmem>>
    %dma_start3A_455 = tpu.memref_squeeze %dma_start3A_454 : memref<1x16x8x64xf32, #tpu.memory_space<vmem>> -> memref<16x8x64xf32, #tpu.memory_space<vmem>>
    %dma_start3A_456 = arith.constant 5 : i32
    %dma_start3A_457 = arith.constant 0 : i32
    %dma_start3A_458 = arith.constant 0 : i32
    %dma_start3A_459 = tpu.memref_slice %dma_start3A_455[%dma_start3A_456, %dma_start3A_457, %dma_start3A_458] : memref<16x8x64xf32, #tpu.memory_space<vmem>> -> memref<1x8x64xf32, #tpu.memory_space<vmem>>
    %dma_start3A_460 = arith.constant 0 : i32
    %dma_start3A_461 = arith.constant 0 : i32
    %dma_start3A_462 = tpu.memref_slice %arg4[%squeeze3A_438, %dma_start3A_460, %dma_start3A_461] : memref<125x8x64xf32, #tpu.memory_space<hbm>> -> memref<1x8x64xf32, #tpu.memory_space<hbm>>
    tpu.enqueue_dma source(%dma_start3A_462 : memref<1x8x64xf32, #tpu.memory_space<hbm>>) target(%dma_start3A_459 : memref<1x8x64xf32, #tpu.memory_space<vmem>>) target_semaphore(%arg17 : memref<!tpu.dma_semaphore, #tpu.memory_space<semaphore_mem>>)
    %slice3A_463 = vector.extract_strided_slice %get3A_23 {offsets = [5], sizes = [1], strides = [1]} : vector<16xi32> to vector<1xi32>
    %squeeze3A_464 = vector.extract %slice3A_463[0] : i32 from vector<1xi32>
    %dma_start3A_465 = arith.constant 0 : i32
    %dma_start3A_466 = arith.constant 0 : i32
    %dma_start3A_467 = arith.constant 0 : i32
    %dma_start3A_468 = tpu.memref_slice %arg15[%rem3A_15, %dma_start3A_465, %dma_start3A_466, %dma_start3A_467] : memref<2x16x8x64xf32, #tpu.memory_space<vmem>> -> memref<1x16x8x64xf32, #tpu.memory_space<vmem>>
    %dma_start3A_469 = tpu.memref_squeeze %dma_start3A_468 : memref<1x16x8x64xf32, #tpu.memory_space<vmem>> -> memref<16x8x64xf32, #tpu.memory_space<vmem>>
    %dma_start3A_470 = arith.constant 5 : i32
    %dma_start3A_471 = arith.constant 0 : i32
    %dma_start3A_472 = arith.constant 0 : i32
    %dma_start3A_473 = tpu.memref_slice %dma_start3A_469[%dma_start3A_470, %dma_start3A_471, %dma_start3A_472] : memref<16x8x64xf32, #tpu.memory_space<vmem>> -> memref<1x8x64xf32, #tpu.memory_space<vmem>>
    %dma_start3A_474 = arith.constant 0 : i32
    %dma_start3A_475 = arith.constant 0 : i32
    %dma_start3A_476 = tpu.memref_slice %arg3[%squeeze3A_464, %dma_start3A_474, %dma_start3A_475] : memref<125000x8x64xf32, #tpu.memory_space<hbm>> -> memref<1x8x64xf32, #tpu.memory_space<hbm>>
    %dma_start3A_477 = arith.constant 0 : i32
    %dma_start3A_478 = arith.constant 0 : i32
    %dma_start3A_479 = arith.constant 0 : i32
    %dma_start3A_480 = tpu.memref_slice %arg15[%rem3A_15, %dma_start3A_477, %dma_start3A_478, %dma_start3A_479] : memref<2x16x8x64xf32, #tpu.memory_space<vmem>> -> memref<1x16x8x64xf32, #tpu.memory_space<vmem>>
    %dma_start3A_481 = tpu.memref_squeeze %dma_start3A_480 : memref<1x16x8x64xf32, #tpu.memory_space<vmem>> -> memref<16x8x64xf32, #tpu.memory_space<vmem>>
    %dma_start3A_482 = arith.constant 5 : i32
    %dma_start3A_483 = arith.constant 0 : i32
    %dma_start3A_484 = arith.constant 0 : i32
    %dma_start3A_485 = tpu.memref_slice %dma_start3A_481[%dma_start3A_482, %dma_start3A_483, %dma_start3A_484] : memref<16x8x64xf32, #tpu.memory_space<vmem>> -> memref<1x8x64xf32, #tpu.memory_space<vmem>>
    %dma_start3A_486 = arith.constant 0 : i32
    %dma_start3A_487 = arith.constant 0 : i32
    %dma_start3A_488 = tpu.memref_slice %arg3[%squeeze3A_464, %dma_start3A_486, %dma_start3A_487] : memref<125000x8x64xf32, #tpu.memory_space<hbm>> -> memref<1x8x64xf32, #tpu.memory_space<hbm>>
    tpu.enqueue_dma source(%dma_start3A_488 : memref<1x8x64xf32, #tpu.memory_space<hbm>>) target(%dma_start3A_485 : memref<1x8x64xf32, #tpu.memory_space<vmem>>) target_semaphore(%arg17 : memref<!tpu.dma_semaphore, #tpu.memory_space<semaphore_mem>>)
    %slice3A_489 = vector.extract_strided_slice %get3A_19 {offsets = [6], sizes = [1], strides = [1]} : vector<16xi32> to vector<1xi32>
    %squeeze3A_490 = vector.extract %slice3A_489[0] : i32 from vector<1xi32>
    %dma_start3A_491 = arith.constant 0 : i32
    %dma_start3A_492 = arith.constant 0 : i32
    %dma_start3A_493 = arith.constant 0 : i32
    %dma_start3A_494 = tpu.memref_slice %arg13[%rem3A_15, %dma_start3A_491, %dma_start3A_492, %dma_start3A_493] : memref<2x16x8x64xf32, #tpu.memory_space<vmem>> -> memref<1x16x8x64xf32, #tpu.memory_space<vmem>>
    %dma_start3A_495 = tpu.memref_squeeze %dma_start3A_494 : memref<1x16x8x64xf32, #tpu.memory_space<vmem>> -> memref<16x8x64xf32, #tpu.memory_space<vmem>>
    %dma_start3A_496 = arith.constant 6 : i32
    %dma_start3A_497 = arith.constant 0 : i32
    %dma_start3A_498 = arith.constant 0 : i32
    %dma_start3A_499 = tpu.memref_slice %dma_start3A_495[%dma_start3A_496, %dma_start3A_497, %dma_start3A_498] : memref<16x8x64xf32, #tpu.memory_space<vmem>> -> memref<1x8x64xf32, #tpu.memory_space<vmem>>
    %dma_start3A_500 = arith.constant 0 : i32
    %dma_start3A_501 = arith.constant 0 : i32
    %dma_start3A_502 = tpu.memref_slice %arg3[%squeeze3A_490, %dma_start3A_500, %dma_start3A_501] : memref<125000x8x64xf32, #tpu.memory_space<hbm>> -> memref<1x8x64xf32, #tpu.memory_space<hbm>>
    %dma_start3A_503 = arith.constant 0 : i32
    %dma_start3A_504 = arith.constant 0 : i32
    %dma_start3A_505 = arith.constant 0 : i32
    %dma_start3A_506 = tpu.memref_slice %arg13[%rem3A_15, %dma_start3A_503, %dma_start3A_504, %dma_start3A_505] : memref<2x16x8x64xf32, #tpu.memory_space<vmem>> -> memref<1x16x8x64xf32, #tpu.memory_space<vmem>>
    %dma_start3A_507 = tpu.memref_squeeze %dma_start3A_506 : memref<1x16x8x64xf32, #tpu.memory_space<vmem>> -> memref<16x8x64xf32, #tpu.memory_space<vmem>>
    %dma_start3A_508 = arith.constant 6 : i32
    %dma_start3A_509 = arith.constant 0 : i32
    %dma_start3A_510 = arith.constant 0 : i32
    %dma_start3A_511 = tpu.memref_slice %dma_start3A_507[%dma_start3A_508, %dma_start3A_509, %dma_start3A_510] : memref<16x8x64xf32, #tpu.memory_space<vmem>> -> memref<1x8x64xf32, #tpu.memory_space<vmem>>
    %dma_start3A_512 = arith.constant 0 : i32
    %dma_start3A_513 = arith.constant 0 : i32
    %dma_start3A_514 = tpu.memref_slice %arg3[%squeeze3A_490, %dma_start3A_512, %dma_start3A_513] : memref<125000x8x64xf32, #tpu.memory_space<hbm>> -> memref<1x8x64xf32, #tpu.memory_space<hbm>>
    tpu.enqueue_dma source(%dma_start3A_514 : memref<1x8x64xf32, #tpu.memory_space<hbm>>) target(%dma_start3A_511 : memref<1x8x64xf32, #tpu.memory_space<vmem>>) target_semaphore(%arg17 : memref<!tpu.dma_semaphore, #tpu.memory_space<semaphore_mem>>)
    %slice3A_515 = vector.extract_strided_slice %get3A_21 {offsets = [6], sizes = [1], strides = [1]} : vector<16xi32> to vector<1xi32>
    %squeeze3A_516 = vector.extract %slice3A_515[0] : i32 from vector<1xi32>
    %dma_start3A_517 = arith.constant 0 : i32
    %dma_start3A_518 = arith.constant 0 : i32
    %dma_start3A_519 = arith.constant 0 : i32
    %dma_start3A_520 = tpu.memref_slice %arg14[%rem3A_15, %dma_start3A_517, %dma_start3A_518, %dma_start3A_519] : memref<2x16x8x64xf32, #tpu.memory_space<vmem>> -> memref<1x16x8x64xf32, #tpu.memory_space<vmem>>
    %dma_start3A_521 = tpu.memref_squeeze %dma_start3A_520 : memref<1x16x8x64xf32, #tpu.memory_space<vmem>> -> memref<16x8x64xf32, #tpu.memory_space<vmem>>
    %dma_start3A_522 = arith.constant 6 : i32
    %dma_start3A_523 = arith.constant 0 : i32
    %dma_start3A_524 = arith.constant 0 : i32
    %dma_start3A_525 = tpu.memref_slice %dma_start3A_521[%dma_start3A_522, %dma_start3A_523, %dma_start3A_524] : memref<16x8x64xf32, #tpu.memory_space<vmem>> -> memref<1x8x64xf32, #tpu.memory_space<vmem>>
    %dma_start3A_526 = arith.constant 0 : i32
    %dma_start3A_527 = arith.constant 0 : i32
    %dma_start3A_528 = tpu.memref_slice %arg4[%squeeze3A_516, %dma_start3A_526, %dma_start3A_527] : memref<125x8x64xf32, #tpu.memory_space<hbm>> -> memref<1x8x64xf32, #tpu.memory_space<hbm>>
    %dma_start3A_529 = arith.constant 0 : i32
    %dma_start3A_530 = arith.constant 0 : i32
    %dma_start3A_531 = arith.constant 0 : i32
    %dma_start3A_532 = tpu.memref_slice %arg14[%rem3A_15, %dma_start3A_529, %dma_start3A_530, %dma_start3A_531] : memref<2x16x8x64xf32, #tpu.memory_space<vmem>> -> memref<1x16x8x64xf32, #tpu.memory_space<vmem>>
    %dma_start3A_533 = tpu.memref_squeeze %dma_start3A_532 : memref<1x16x8x64xf32, #tpu.memory_space<vmem>> -> memref<16x8x64xf32, #tpu.memory_space<vmem>>
    %dma_start3A_534 = arith.constant 6 : i32
    %dma_start3A_535 = arith.constant 0 : i32
    %dma_start3A_536 = arith.constant 0 : i32
    %dma_start3A_537 = tpu.memref_slice %dma_start3A_533[%dma_start3A_534, %dma_start3A_535, %dma_start3A_536] : memref<16x8x64xf32, #tpu.memory_space<vmem>> -> memref<1x8x64xf32, #tpu.memory_space<vmem>>
    %dma_start3A_538 = arith.constant 0 : i32
    %dma_start3A_539 = arith.constant 0 : i32
    %dma_start3A_540 = tpu.memref_slice %arg4[%squeeze3A_516, %dma_start3A_538, %dma_start3A_539] : memref<125x8x64xf32, #tpu.memory_space<hbm>> -> memref<1x8x64xf32, #tpu.memory_space<hbm>>
    tpu.enqueue_dma source(%dma_start3A_540 : memref<1x8x64xf32, #tpu.memory_space<hbm>>) target(%dma_start3A_537 : memref<1x8x64xf32, #tpu.memory_space<vmem>>) target_semaphore(%arg17 : memref<!tpu.dma_semaphore, #tpu.memory_space<semaphore_mem>>)
    %slice3A_541 = vector.extract_strided_slice %get3A_23 {offsets = [6], sizes = [1], strides = [1]} : vector<16xi32> to vector<1xi32>
    %squeeze3A_542 = vector.extract %slice3A_541[0] : i32 from vector<1xi32>
    %dma_start3A_543 = arith.constant 0 : i32
    %dma_start3A_544 = arith.constant 0 : i32
    %dma_start3A_545 = arith.constant 0 : i32
    %dma_start3A_546 = tpu.memref_slice %arg15[%rem3A_15, %dma_start3A_543, %dma_start3A_544, %dma_start3A_545] : memref<2x16x8x64xf32, #tpu.memory_space<vmem>> -> memref<1x16x8x64xf32, #tpu.memory_space<vmem>>
    %dma_start3A_547 = tpu.memref_squeeze %dma_start3A_546 : memref<1x16x8x64xf32, #tpu.memory_space<vmem>> -> memref<16x8x64xf32, #tpu.memory_space<vmem>>
    %dma_start3A_548 = arith.constant 6 : i32
    %dma_start3A_549 = arith.constant 0 : i32
    %dma_start3A_550 = arith.constant 0 : i32
    %dma_start3A_551 = tpu.memref_slice %dma_start3A_547[%dma_start3A_548, %dma_start3A_549, %dma_start3A_550] : memref<16x8x64xf32, #tpu.memory_space<vmem>> -> memref<1x8x64xf32, #tpu.memory_space<vmem>>
    %dma_start3A_552 = arith.constant 0 : i32
    %dma_start3A_553 = arith.constant 0 : i32
    %dma_start3A_554 = tpu.memref_slice %arg3[%squeeze3A_542, %dma_start3A_552, %dma_start3A_553] : memref<125000x8x64xf32, #tpu.memory_space<hbm>> -> memref<1x8x64xf32, #tpu.memory_space<hbm>>
    %dma_start3A_555 = arith.constant 0 : i32
    %dma_start3A_556 = arith.constant 0 : i32
    %dma_start3A_557 = arith.constant 0 : i32
    %dma_start3A_558 = tpu.memref_slice %arg15[%rem3A_15, %dma_start3A_555, %dma_start3A_556, %dma_start3A_557] : memref<2x16x8x64xf32, #tpu.memory_space<vmem>> -> memref<1x16x8x64xf32, #tpu.memory_space<vmem>>
    %dma_start3A_559 = tpu.memref_squeeze %dma_start3A_558 : memref<1x16x8x64xf32, #tpu.memory_space<vmem>> -> memref<16x8x64xf32, #tpu.memory_space<vmem>>
    %dma_start3A_560 = arith.constant 6 : i32
    %dma_start3A_561 = arith.constant 0 : i32
    %dma_start3A_562 = arith.constant 0 : i32
    %dma_start3A_563 = tpu.memref_slice %dma_start3A_559[%dma_start3A_560, %dma_start3A_561, %dma_start3A_562] : memref<16x8x64xf32, #tpu.memory_space<vmem>> -> memref<1x8x64xf32, #tpu.memory_space<vmem>>
    %dma_start3A_564 = arith.constant 0 : i32
    %dma_start3A_565 = arith.constant 0 : i32
    %dma_start3A_566 = tpu.memref_slice %arg3[%squeeze3A_542, %dma_start3A_564, %dma_start3A_565] : memref<125000x8x64xf32, #tpu.memory_space<hbm>> -> memref<1x8x64xf32, #tpu.memory_space<hbm>>
    tpu.enqueue_dma source(%dma_start3A_566 : memref<1x8x64xf32, #tpu.memory_space<hbm>>) target(%dma_start3A_563 : memref<1x8x64xf32, #tpu.memory_space<vmem>>) target_semaphore(%arg17 : memref<!tpu.dma_semaphore, #tpu.memory_space<semaphore_mem>>)
    %slice3A_567 = vector.extract_strided_slice %get3A_19 {offsets = [7], sizes = [1], strides = [1]} : vector<16xi32> to vector<1xi32>
    %squeeze3A_568 = vector.extract %slice3A_567[0] : i32 from vector<1xi32>
    %dma_start3A_569 = arith.constant 0 : i32
    %dma_start3A_570 = arith.constant 0 : i32
    %dma_start3A_571 = arith.constant 0 : i32
    %dma_start3A_572 = tpu.memref_slice %arg13[%rem3A_15, %dma_start3A_569, %dma_start3A_570, %dma_start3A_571] : memref<2x16x8x64xf32, #tpu.memory_space<vmem>> -> memref<1x16x8x64xf32, #tpu.memory_space<vmem>>
    %dma_start3A_573 = tpu.memref_squeeze %dma_start3A_572 : memref<1x16x8x64xf32, #tpu.memory_space<vmem>> -> memref<16x8x64xf32, #tpu.memory_space<vmem>>
    %dma_start3A_574 = arith.constant 7 : i32
    %dma_start3A_575 = arith.constant 0 : i32
    %dma_start3A_576 = arith.constant 0 : i32
    %dma_start3A_577 = tpu.memref_slice %dma_start3A_573[%dma_start3A_574, %dma_start3A_575, %dma_start3A_576] : memref<16x8x64xf32, #tpu.memory_space<vmem>> -> memref<1x8x64xf32, #tpu.memory_space<vmem>>
    %dma_start3A_578 = arith.constant 0 : i32
    %dma_start3A_579 = arith.constant 0 : i32
    %dma_start3A_580 = tpu.memref_slice %arg3[%squeeze3A_568, %dma_start3A_578, %dma_start3A_579] : memref<125000x8x64xf32, #tpu.memory_space<hbm>> -> memref<1x8x64xf32, #tpu.memory_space<hbm>>
    %dma_start3A_581 = arith.constant 0 : i32
    %dma_start3A_582 = arith.constant 0 : i32
    %dma_start3A_583 = arith.constant 0 : i32
    %dma_start3A_584 = tpu.memref_slice %arg13[%rem3A_15, %dma_start3A_581, %dma_start3A_582, %dma_start3A_583] : memref<2x16x8x64xf32, #tpu.memory_space<vmem>> -> memref<1x16x8x64xf32, #tpu.memory_space<vmem>>
    %dma_start3A_585 = tpu.memref_squeeze %dma_start3A_584 : memref<1x16x8x64xf32, #tpu.memory_space<vmem>> -> memref<16x8x64xf32, #tpu.memory_space<vmem>>
    %dma_start3A_586 = arith.constant 7 : i32
    %dma_start3A_587 = arith.constant 0 : i32
    %dma_start3A_588 = arith.constant 0 : i32
    %dma_start3A_589 = tpu.memref_slice %dma_start3A_585[%dma_start3A_586, %dma_start3A_587, %dma_start3A_588] : memref<16x8x64xf32, #tpu.memory_space<vmem>> -> memref<1x8x64xf32, #tpu.memory_space<vmem>>
    %dma_start3A_590 = arith.constant 0 : i32
    %dma_start3A_591 = arith.constant 0 : i32
    %dma_start3A_592 = tpu.memref_slice %arg3[%squeeze3A_568, %dma_start3A_590, %dma_start3A_591] : memref<125000x8x64xf32, #tpu.memory_space<hbm>> -> memref<1x8x64xf32, #tpu.memory_space<hbm>>
    tpu.enqueue_dma source(%dma_start3A_592 : memref<1x8x64xf32, #tpu.memory_space<hbm>>) target(%dma_start3A_589 : memref<1x8x64xf32, #tpu.memory_space<vmem>>) target_semaphore(%arg17 : memref<!tpu.dma_semaphore, #tpu.memory_space<semaphore_mem>>)
    %slice3A_593 = vector.extract_strided_slice %get3A_21 {offsets = [7], sizes = [1], strides = [1]} : vector<16xi32> to vector<1xi32>
    %squeeze3A_594 = vector.extract %slice3A_593[0] : i32 from vector<1xi32>
    %dma_start3A_595 = arith.constant 0 : i32
    %dma_start3A_596 = arith.constant 0 : i32
    %dma_start3A_597 = arith.constant 0 : i32
    %dma_start3A_598 = tpu.memref_slice %arg14[%rem3A_15, %dma_start3A_595, %dma_start3A_596, %dma_start3A_597] : memref<2x16x8x64xf32, #tpu.memory_space<vmem>> -> memref<1x16x8x64xf32, #tpu.memory_space<vmem>>
    %dma_start3A_599 = tpu.memref_squeeze %dma_start3A_598 : memref<1x16x8x64xf32, #tpu.memory_space<vmem>> -> memref<16x8x64xf32, #tpu.memory_space<vmem>>
    %dma_start3A_600 = arith.constant 7 : i32
    %dma_start3A_601 = arith.constant 0 : i32
    %dma_start3A_602 = arith.constant 0 : i32
    %dma_start3A_603 = tpu.memref_slice %dma_start3A_599[%dma_start3A_600, %dma_start3A_601, %dma_start3A_602] : memref<16x8x64xf32, #tpu.memory_space<vmem>> -> memref<1x8x64xf32, #tpu.memory_space<vmem>>
    %dma_start3A_604 = arith.constant 0 : i32
    %dma_start3A_605 = arith.constant 0 : i32
    %dma_start3A_606 = tpu.memref_slice %arg4[%squeeze3A_594, %dma_start3A_604, %dma_start3A_605] : memref<125x8x64xf32, #tpu.memory_space<hbm>> -> memref<1x8x64xf32, #tpu.memory_space<hbm>>
    %dma_start3A_607 = arith.constant 0 : i32
    %dma_start3A_608 = arith.constant 0 : i32
    %dma_start3A_609 = arith.constant 0 : i32
    %dma_start3A_610 = tpu.memref_slice %arg14[%rem3A_15, %dma_start3A_607, %dma_start3A_608, %dma_start3A_609] : memref<2x16x8x64xf32, #tpu.memory_space<vmem>> -> memref<1x16x8x64xf32, #tpu.memory_space<vmem>>
    %dma_start3A_611 = tpu.memref_squeeze %dma_start3A_610 : memref<1x16x8x64xf32, #tpu.memory_space<vmem>> -> memref<16x8x64xf32, #tpu.memory_space<vmem>>
    %dma_start3A_612 = arith.constant 7 : i32
    %dma_start3A_613 = arith.constant 0 : i32
    %dma_start3A_614 = arith.constant 0 : i32
    %dma_start3A_615 = tpu.memref_slice %dma_start3A_611[%dma_start3A_612, %dma_start3A_613, %dma_start3A_614] : memref<16x8x64xf32, #tpu.memory_space<vmem>> -> memref<1x8x64xf32, #tpu.memory_space<vmem>>
    %dma_start3A_616 = arith.constant 0 : i32
    %dma_start3A_617 = arith.constant 0 : i32
    %dma_start3A_618 = tpu.memref_slice %arg4[%squeeze3A_594, %dma_start3A_616, %dma_start3A_617] : memref<125x8x64xf32, #tpu.memory_space<hbm>> -> memref<1x8x64xf32, #tpu.memory_space<hbm>>
    tpu.enqueue_dma source(%dma_start3A_618 : memref<1x8x64xf32, #tpu.memory_space<hbm>>) target(%dma_start3A_615 : memref<1x8x64xf32, #tpu.memory_space<vmem>>) target_semaphore(%arg17 : memref<!tpu.dma_semaphore, #tpu.memory_space<semaphore_mem>>)
    %slice3A_619 = vector.extract_strided_slice %get3A_23 {offsets = [7], sizes = [1], strides = [1]} : vector<16xi32> to vector<1xi32>
    %squeeze3A_620 = vector.extract %slice3A_619[0] : i32 from vector<1xi32>
    %dma_start3A_621 = arith.constant 0 : i32
    %dma_start3A_622 = arith.constant 0 : i32
    %dma_start3A_623 = arith.constant 0 : i32
    %dma_start3A_624 = tpu.memref_slice %arg15[%rem3A_15, %dma_start3A_621, %dma_start3A_622, %dma_start3A_623] : memref<2x16x8x64xf32, #tpu.memory_space<vmem>> -> memref<1x16x8x64xf32, #tpu.memory_space<vmem>>
    %dma_start3A_625 = tpu.memref_squeeze %dma_start3A_624 : memref<1x16x8x64xf32, #tpu.memory_space<vmem>> -> memref<16x8x64xf32, #tpu.memory_space<vmem>>
    %dma_start3A_626 = arith.constant 7 : i32
    %dma_start3A_627 = arith.constant 0 : i32
    %dma_start3A_628 = arith.constant 0 : i32
    %dma_start3A_629 = tpu.memref_slice %dma_start3A_625[%dma_start3A_626, %dma_start3A_627, %dma_start3A_628] : memref<16x8x64xf32, #tpu.memory_space<vmem>> -> memref<1x8x64xf32, #tpu.memory_space<vmem>>
    %dma_start3A_630 = arith.constant 0 : i32
    %dma_start3A_631 = arith.constant 0 : i32
    %dma_start3A_632 = tpu.memref_slice %arg3[%squeeze3A_620, %dma_start3A_630, %dma_start3A_631] : memref<125000x8x64xf32, #tpu.memory_space<hbm>> -> memref<1x8x64xf32, #tpu.memory_space<hbm>>
    %dma_start3A_633 = arith.constant 0 : i32
    %dma_start3A_634 = arith.constant 0 : i32
    %dma_start3A_635 = arith.constant 0 : i32
    %dma_start3A_636 = tpu.memref_slice %arg15[%rem3A_15, %dma_start3A_633, %dma_start3A_634, %dma_start3A_635] : memref<2x16x8x64xf32, #tpu.memory_space<vmem>> -> memref<1x16x8x64xf32, #tpu.memory_space<vmem>>
    %dma_start3A_637 = tpu.memref_squeeze %dma_start3A_636 : memref<1x16x8x64xf32, #tpu.memory_space<vmem>> -> memref<16x8x64xf32, #tpu.memory_space<vmem>>
    %dma_start3A_638 = arith.constant 7 : i32
    %dma_start3A_639 = arith.constant 0 : i32
    %dma_start3A_640 = arith.constant 0 : i32
    %dma_start3A_641 = tpu.memref_slice %dma_start3A_637[%dma_start3A_638, %dma_start3A_639, %dma_start3A_640] : memref<16x8x64xf32, #tpu.memory_space<vmem>> -> memref<1x8x64xf32, #tpu.memory_space<vmem>>
    %dma_start3A_642 = arith.constant 0 : i32
    %dma_start3A_643 = arith.constant 0 : i32
    %dma_start3A_644 = tpu.memref_slice %arg3[%squeeze3A_620, %dma_start3A_642, %dma_start3A_643] : memref<125000x8x64xf32, #tpu.memory_space<hbm>> -> memref<1x8x64xf32, #tpu.memory_space<hbm>>
    tpu.enqueue_dma source(%dma_start3A_644 : memref<1x8x64xf32, #tpu.memory_space<hbm>>) target(%dma_start3A_641 : memref<1x8x64xf32, #tpu.memory_space<vmem>>) target_semaphore(%arg17 : memref<!tpu.dma_semaphore, #tpu.memory_space<semaphore_mem>>)
    %slice3A_645 = vector.extract_strided_slice %get3A_19 {offsets = [8], sizes = [1], strides = [1]} : vector<16xi32> to vector<1xi32>
    %squeeze3A_646 = vector.extract %slice3A_645[0] : i32 from vector<1xi32>
    %dma_start3A_647 = arith.constant 0 : i32
    %dma_start3A_648 = arith.constant 0 : i32
    %dma_start3A_649 = arith.constant 0 : i32
    %dma_start3A_650 = tpu.memref_slice %arg13[%rem3A_15, %dma_start3A_647, %dma_start3A_648, %dma_start3A_649] : memref<2x16x8x64xf32, #tpu.memory_space<vmem>> -> memref<1x16x8x64xf32, #tpu.memory_space<vmem>>
    %dma_start3A_651 = tpu.memref_squeeze %dma_start3A_650 : memref<1x16x8x64xf32, #tpu.memory_space<vmem>> -> memref<16x8x64xf32, #tpu.memory_space<vmem>>
    %dma_start3A_652 = arith.constant 8 : i32
    %dma_start3A_653 = arith.constant 0 : i32
    %dma_start3A_654 = arith.constant 0 : i32
    %dma_start3A_655 = tpu.memref_slice %dma_start3A_651[%dma_start3A_652, %dma_start3A_653, %dma_start3A_654] : memref<16x8x64xf32, #tpu.memory_space<vmem>> -> memref<1x8x64xf32, #tpu.memory_space<vmem>>
    %dma_start3A_656 = arith.constant 0 : i32
    %dma_start3A_657 = arith.constant 0 : i32
    %dma_start3A_658 = tpu.memref_slice %arg3[%squeeze3A_646, %dma_start3A_656, %dma_start3A_657] : memref<125000x8x64xf32, #tpu.memory_space<hbm>> -> memref<1x8x64xf32, #tpu.memory_space<hbm>>
    %dma_start3A_659 = arith.constant 0 : i32
    %dma_start3A_660 = arith.constant 0 : i32
    %dma_start3A_661 = arith.constant 0 : i32
    %dma_start3A_662 = tpu.memref_slice %arg13[%rem3A_15, %dma_start3A_659, %dma_start3A_660, %dma_start3A_661] : memref<2x16x8x64xf32, #tpu.memory_space<vmem>> -> memref<1x16x8x64xf32, #tpu.memory_space<vmem>>
    %dma_start3A_663 = tpu.memref_squeeze %dma_start3A_662 : memref<1x16x8x64xf32, #tpu.memory_space<vmem>> -> memref<16x8x64xf32, #tpu.memory_space<vmem>>
    %dma_start3A_664 = arith.constant 8 : i32
    %dma_start3A_665 = arith.constant 0 : i32
    %dma_start3A_666 = arith.constant 0 : i32
    %dma_start3A_667 = tpu.memref_slice %dma_start3A_663[%dma_start3A_664, %dma_start3A_665, %dma_start3A_666] : memref<16x8x64xf32, #tpu.memory_space<vmem>> -> memref<1x8x64xf32, #tpu.memory_space<vmem>>
    %dma_start3A_668 = arith.constant 0 : i32
    %dma_start3A_669 = arith.constant 0 : i32
    %dma_start3A_670 = tpu.memref_slice %arg3[%squeeze3A_646, %dma_start3A_668, %dma_start3A_669] : memref<125000x8x64xf32, #tpu.memory_space<hbm>> -> memref<1x8x64xf32, #tpu.memory_space<hbm>>
    tpu.enqueue_dma source(%dma_start3A_670 : memref<1x8x64xf32, #tpu.memory_space<hbm>>) target(%dma_start3A_667 : memref<1x8x64xf32, #tpu.memory_space<vmem>>) target_semaphore(%arg17 : memref<!tpu.dma_semaphore, #tpu.memory_space<semaphore_mem>>)
    %slice3A_671 = vector.extract_strided_slice %get3A_21 {offsets = [8], sizes = [1], strides = [1]} : vector<16xi32> to vector<1xi32>
    %squeeze3A_672 = vector.extract %slice3A_671[0] : i32 from vector<1xi32>
    %dma_start3A_673 = arith.constant 0 : i32
    %dma_start3A_674 = arith.constant 0 : i32
    %dma_start3A_675 = arith.constant 0 : i32
    %dma_start3A_676 = tpu.memref_slice %arg14[%rem3A_15, %dma_start3A_673, %dma_start3A_674, %dma_start3A_675] : memref<2x16x8x64xf32, #tpu.memory_space<vmem>> -> memref<1x16x8x64xf32, #tpu.memory_space<vmem>>
    %dma_start3A_677 = tpu.memref_squeeze %dma_start3A_676 : memref<1x16x8x64xf32, #tpu.memory_space<vmem>> -> memref<16x8x64xf32, #tpu.memory_space<vmem>>
    %dma_start3A_678 = arith.constant 8 : i32
    %dma_start3A_679 = arith.constant 0 : i32
    %dma_start3A_680 = arith.constant 0 : i32
    %dma_start3A_681 = tpu.memref_slice %dma_start3A_677[%dma_start3A_678, %dma_start3A_679, %dma_start3A_680] : memref<16x8x64xf32, #tpu.memory_space<vmem>> -> memref<1x8x64xf32, #tpu.memory_space<vmem>>
    %dma_start3A_682 = arith.constant 0 : i32
    %dma_start3A_683 = arith.constant 0 : i32
    %dma_start3A_684 = tpu.memref_slice %arg4[%squeeze3A_672, %dma_start3A_682, %dma_start3A_683] : memref<125x8x64xf32, #tpu.memory_space<hbm>> -> memref<1x8x64xf32, #tpu.memory_space<hbm>>
    %dma_start3A_685 = arith.constant 0 : i32
    %dma_start3A_686 = arith.constant 0 : i32
    %dma_start3A_687 = arith.constant 0 : i32
    %dma_start3A_688 = tpu.memref_slice %arg14[%rem3A_15, %dma_start3A_685, %dma_start3A_686, %dma_start3A_687] : memref<2x16x8x64xf32, #tpu.memory_space<vmem>> -> memref<1x16x8x64xf32, #tpu.memory_space<vmem>>
    %dma_start3A_689 = tpu.memref_squeeze %dma_start3A_688 : memref<1x16x8x64xf32, #tpu.memory_space<vmem>> -> memref<16x8x64xf32, #tpu.memory_space<vmem>>
    %dma_start3A_690 = arith.constant 8 : i32
    %dma_start3A_691 = arith.constant 0 : i32
    %dma_start3A_692 = arith.constant 0 : i32
    %dma_start3A_693 = tpu.memref_slice %dma_start3A_689[%dma_start3A_690, %dma_start3A_691, %dma_start3A_692] : memref<16x8x64xf32, #tpu.memory_space<vmem>> -> memref<1x8x64xf32, #tpu.memory_space<vmem>>
    %dma_start3A_694 = arith.constant 0 : i32
    %dma_start3A_695 = arith.constant 0 : i32
    %dma_start3A_696 = tpu.memref_slice %arg4[%squeeze3A_672, %dma_start3A_694, %dma_start3A_695] : memref<125x8x64xf32, #tpu.memory_space<hbm>> -> memref<1x8x64xf32, #tpu.memory_space<hbm>>
    tpu.enqueue_dma source(%dma_start3A_696 : memref<1x8x64xf32, #tpu.memory_space<hbm>>) target(%dma_start3A_693 : memref<1x8x64xf32, #tpu.memory_space<vmem>>) target_semaphore(%arg17 : memref<!tpu.dma_semaphore, #tpu.memory_space<semaphore_mem>>)
    %slice3A_697 = vector.extract_strided_slice %get3A_23 {offsets = [8], sizes = [1], strides = [1]} : vector<16xi32> to vector<1xi32>
    %squeeze3A_698 = vector.extract %slice3A_697[0] : i32 from vector<1xi32>
    %dma_start3A_699 = arith.constant 0 : i32
    %dma_start3A_700 = arith.constant 0 : i32
    %dma_start3A_701 = arith.constant 0 : i32
    %dma_start3A_702 = tpu.memref_slice %arg15[%rem3A_15, %dma_start3A_699, %dma_start3A_700, %dma_start3A_701] : memref<2x16x8x64xf32, #tpu.memory_space<vmem>> -> memref<1x16x8x64xf32, #tpu.memory_space<vmem>>
    %dma_start3A_703 = tpu.memref_squeeze %dma_start3A_702 : memref<1x16x8x64xf32, #tpu.memory_space<vmem>> -> memref<16x8x64xf32, #tpu.memory_space<vmem>>
    %dma_start3A_704 = arith.constant 8 : i32
    %dma_start3A_705 = arith.constant 0 : i32
    %dma_start3A_706 = arith.constant 0 : i32
    %dma_start3A_707 = tpu.memref_slice %dma_start3A_703[%dma_start3A_704, %dma_start3A_705, %dma_start3A_706] : memref<16x8x64xf32, #tpu.memory_space<vmem>> -> memref<1x8x64xf32, #tpu.memory_space<vmem>>
    %dma_start3A_708 = arith.constant 0 : i32
    %dma_start3A_709 = arith.constant 0 : i32
    %dma_start3A_710 = tpu.memref_slice %arg3[%squeeze3A_698, %dma_start3A_708, %dma_start3A_709] : memref<125000x8x64xf32, #tpu.memory_space<hbm>> -> memref<1x8x64xf32, #tpu.memory_space<hbm>>
    %dma_start3A_711 = arith.constant 0 : i32
    %dma_start3A_712 = arith.constant 0 : i32
    %dma_start3A_713 = arith.constant 0 : i32
    %dma_start3A_714 = tpu.memref_slice %arg15[%rem3A_15, %dma_start3A_711, %dma_start3A_712, %dma_start3A_713] : memref<2x16x8x64xf32, #tpu.memory_space<vmem>> -> memref<1x16x8x64xf32, #tpu.memory_space<vmem>>
    %dma_start3A_715 = tpu.memref_squeeze %dma_start3A_714 : memref<1x16x8x64xf32, #tpu.memory_space<vmem>> -> memref<16x8x64xf32, #tpu.memory_space<vmem>>
    %dma_start3A_716 = arith.constant 8 : i32
    %dma_start3A_717 = arith.constant 0 : i32
    %dma_start3A_718 = arith.constant 0 : i32
    %dma_start3A_719 = tpu.memref_slice %dma_start3A_715[%dma_start3A_716, %dma_start3A_717, %dma_start3A_718] : memref<16x8x64xf32, #tpu.memory_space<vmem>> -> memref<1x8x64xf32, #tpu.memory_space<vmem>>
    %dma_start3A_720 = arith.constant 0 : i32
    %dma_start3A_721 = arith.constant 0 : i32
    %dma_start3A_722 = tpu.memref_slice %arg3[%squeeze3A_698, %dma_start3A_720, %dma_start3A_721] : memref<125000x8x64xf32, #tpu.memory_space<hbm>> -> memref<1x8x64xf32, #tpu.memory_space<hbm>>
    tpu.enqueue_dma source(%dma_start3A_722 : memref<1x8x64xf32, #tpu.memory_space<hbm>>) target(%dma_start3A_719 : memref<1x8x64xf32, #tpu.memory_space<vmem>>) target_semaphore(%arg17 : memref<!tpu.dma_semaphore, #tpu.memory_space<semaphore_mem>>)
    %slice3A_723 = vector.extract_strided_slice %get3A_19 {offsets = [9], sizes = [1], strides = [1]} : vector<16xi32> to vector<1xi32>
    %squeeze3A_724 = vector.extract %slice3A_723[0] : i32 from vector<1xi32>
    %dma_start3A_725 = arith.constant 0 : i32
    %dma_start3A_726 = arith.constant 0 : i32
    %dma_start3A_727 = arith.constant 0 : i32
    %dma_start3A_728 = tpu.memref_slice %arg13[%rem3A_15, %dma_start3A_725, %dma_start3A_726, %dma_start3A_727] : memref<2x16x8x64xf32, #tpu.memory_space<vmem>> -> memref<1x16x8x64xf32, #tpu.memory_space<vmem>>
    %dma_start3A_729 = tpu.memref_squeeze %dma_start3A_728 : memref<1x16x8x64xf32, #tpu.memory_space<vmem>> -> memref<16x8x64xf32, #tpu.memory_space<vmem>>
    %dma_start3A_730 = arith.constant 9 : i32
    %dma_start3A_731 = arith.constant 0 : i32
    %dma_start3A_732 = arith.constant 0 : i32
    %dma_start3A_733 = tpu.memref_slice %dma_start3A_729[%dma_start3A_730, %dma_start3A_731, %dma_start3A_732] : memref<16x8x64xf32, #tpu.memory_space<vmem>> -> memref<1x8x64xf32, #tpu.memory_space<vmem>>
    %dma_start3A_734 = arith.constant 0 : i32
    %dma_start3A_735 = arith.constant 0 : i32
    %dma_start3A_736 = tpu.memref_slice %arg3[%squeeze3A_724, %dma_start3A_734, %dma_start3A_735] : memref<125000x8x64xf32, #tpu.memory_space<hbm>> -> memref<1x8x64xf32, #tpu.memory_space<hbm>>
    %dma_start3A_737 = arith.constant 0 : i32
    %dma_start3A_738 = arith.constant 0 : i32
    %dma_start3A_739 = arith.constant 0 : i32
    %dma_start3A_740 = tpu.memref_slice %arg13[%rem3A_15, %dma_start3A_737, %dma_start3A_738, %dma_start3A_739] : memref<2x16x8x64xf32, #tpu.memory_space<vmem>> -> memref<1x16x8x64xf32, #tpu.memory_space<vmem>>
    %dma_start3A_741 = tpu.memref_squeeze %dma_start3A_740 : memref<1x16x8x64xf32, #tpu.memory_space<vmem>> -> memref<16x8x64xf32, #tpu.memory_space<vmem>>
    %dma_start3A_742 = arith.constant 9 : i32
    %dma_start3A_743 = arith.constant 0 : i32
    %dma_start3A_744 = arith.constant 0 : i32
    %dma_start3A_745 = tpu.memref_slice %dma_start3A_741[%dma_start3A_742, %dma_start3A_743, %dma_start3A_744] : memref<16x8x64xf32, #tpu.memory_space<vmem>> -> memref<1x8x64xf32, #tpu.memory_space<vmem>>
    %dma_start3A_746 = arith.constant 0 : i32
    %dma_start3A_747 = arith.constant 0 : i32
    %dma_start3A_748 = tpu.memref_slice %arg3[%squeeze3A_724, %dma_start3A_746, %dma_start3A_747] : memref<125000x8x64xf32, #tpu.memory_space<hbm>> -> memref<1x8x64xf32, #tpu.memory_space<hbm>>
    tpu.enqueue_dma source(%dma_start3A_748 : memref<1x8x64xf32, #tpu.memory_space<hbm>>) target(%dma_start3A_745 : memref<1x8x64xf32, #tpu.memory_space<vmem>>) target_semaphore(%arg17 : memref<!tpu.dma_semaphore, #tpu.memory_space<semaphore_mem>>)
    %slice3A_749 = vector.extract_strided_slice %get3A_21 {offsets = [9], sizes = [1], strides = [1]} : vector<16xi32> to vector<1xi32>
    %squeeze3A_750 = vector.extract %slice3A_749[0] : i32 from vector<1xi32>
    %dma_start3A_751 = arith.constant 0 : i32
    %dma_start3A_752 = arith.constant 0 : i32
    %dma_start3A_753 = arith.constant 0 : i32
    %dma_start3A_754 = tpu.memref_slice %arg14[%rem3A_15, %dma_start3A_751, %dma_start3A_752, %dma_start3A_753] : memref<2x16x8x64xf32, #tpu.memory_space<vmem>> -> memref<1x16x8x64xf32, #tpu.memory_space<vmem>>
    %dma_start3A_755 = tpu.memref_squeeze %dma_start3A_754 : memref<1x16x8x64xf32, #tpu.memory_space<vmem>> -> memref<16x8x64xf32, #tpu.memory_space<vmem>>
    %dma_start3A_756 = arith.constant 9 : i32
    %dma_start3A_757 = arith.constant 0 : i32
    %dma_start3A_758 = arith.constant 0 : i32
    %dma_start3A_759 = tpu.memref_slice %dma_start3A_755[%dma_start3A_756, %dma_start3A_757, %dma_start3A_758] : memref<16x8x64xf32, #tpu.memory_space<vmem>> -> memref<1x8x64xf32, #tpu.memory_space<vmem>>
    %dma_start3A_760 = arith.constant 0 : i32
    %dma_start3A_761 = arith.constant 0 : i32
    %dma_start3A_762 = tpu.memref_slice %arg4[%squeeze3A_750, %dma_start3A_760, %dma_start3A_761] : memref<125x8x64xf32, #tpu.memory_space<hbm>> -> memref<1x8x64xf32, #tpu.memory_space<hbm>>
    %dma_start3A_763 = arith.constant 0 : i32
    %dma_start3A_764 = arith.constant 0 : i32
    %dma_start3A_765 = arith.constant 0 : i32
    %dma_start3A_766 = tpu.memref_slice %arg14[%rem3A_15, %dma_start3A_763, %dma_start3A_764, %dma_start3A_765] : memref<2x16x8x64xf32, #tpu.memory_space<vmem>> -> memref<1x16x8x64xf32, #tpu.memory_space<vmem>>
    %dma_start3A_767 = tpu.memref_squeeze %dma_start3A_766 : memref<1x16x8x64xf32, #tpu.memory_space<vmem>> -> memref<16x8x64xf32, #tpu.memory_space<vmem>>
    %dma_start3A_768 = arith.constant 9 : i32
    %dma_start3A_769 = arith.constant 0 : i32
    %dma_start3A_770 = arith.constant 0 : i32
    %dma_start3A_771 = tpu.memref_slice %dma_start3A_767[%dma_start3A_768, %dma_start3A_769, %dma_start3A_770] : memref<16x8x64xf32, #tpu.memory_space<vmem>> -> memref<1x8x64xf32, #tpu.memory_space<vmem>>
    %dma_start3A_772 = arith.constant 0 : i32
    %dma_start3A_773 = arith.constant 0 : i32
    %dma_start3A_774 = tpu.memref_slice %arg4[%squeeze3A_750, %dma_start3A_772, %dma_start3A_773] : memref<125x8x64xf32, #tpu.memory_space<hbm>> -> memref<1x8x64xf32, #tpu.memory_space<hbm>>
    tpu.enqueue_dma source(%dma_start3A_774 : memref<1x8x64xf32, #tpu.memory_space<hbm>>) target(%dma_start3A_771 : memref<1x8x64xf32, #tpu.memory_space<vmem>>) target_semaphore(%arg17 : memref<!tpu.dma_semaphore, #tpu.memory_space<semaphore_mem>>)
    %slice3A_775 = vector.extract_strided_slice %get3A_23 {offsets = [9], sizes = [1], strides = [1]} : vector<16xi32> to vector<1xi32>
    %squeeze3A_776 = vector.extract %slice3A_775[0] : i32 from vector<1xi32>
    %dma_start3A_777 = arith.constant 0 : i32
    %dma_start3A_778 = arith.constant 0 : i32
    %dma_start3A_779 = arith.constant 0 : i32
    %dma_start3A_780 = tpu.memref_slice %arg15[%rem3A_15, %dma_start3A_777, %dma_start3A_778, %dma_start3A_779] : memref<2x16x8x64xf32, #tpu.memory_space<vmem>> -> memref<1x16x8x64xf32, #tpu.memory_space<vmem>>
    %dma_start3A_781 = tpu.memref_squeeze %dma_start3A_780 : memref<1x16x8x64xf32, #tpu.memory_space<vmem>> -> memref<16x8x64xf32, #tpu.memory_space<vmem>>
    %dma_start3A_782 = arith.constant 9 : i32
    %dma_start3A_783 = arith.constant 0 : i32
    %dma_start3A_784 = arith.constant 0 : i32
    %dma_start3A_785 = tpu.memref_slice %dma_start3A_781[%dma_start3A_782, %dma_start3A_783, %dma_start3A_784] : memref<16x8x64xf32, #tpu.memory_space<vmem>> -> memref<1x8x64xf32, #tpu.memory_space<vmem>>
    %dma_start3A_786 = arith.constant 0 : i32
    %dma_start3A_787 = arith.constant 0 : i32
    %dma_start3A_788 = tpu.memref_slice %arg3[%squeeze3A_776, %dma_start3A_786, %dma_start3A_787] : memref<125000x8x64xf32, #tpu.memory_space<hbm>> -> memref<1x8x64xf32, #tpu.memory_space<hbm>>
    %dma_start3A_789 = arith.constant 0 : i32
    %dma_start3A_790 = arith.constant 0 : i32
    %dma_start3A_791 = arith.constant 0 : i32
    %dma_start3A_792 = tpu.memref_slice %arg15[%rem3A_15, %dma_start3A_789, %dma_start3A_790, %dma_start3A_791] : memref<2x16x8x64xf32, #tpu.memory_space<vmem>> -> memref<1x16x8x64xf32, #tpu.memory_space<vmem>>
    %dma_start3A_793 = tpu.memref_squeeze %dma_start3A_792 : memref<1x16x8x64xf32, #tpu.memory_space<vmem>> -> memref<16x8x64xf32, #tpu.memory_space<vmem>>
    %dma_start3A_794 = arith.constant 9 : i32
    %dma_start3A_795 = arith.constant 0 : i32
    %dma_start3A_796 = arith.constant 0 : i32
    %dma_start3A_797 = tpu.memref_slice %dma_start3A_793[%dma_start3A_794, %dma_start3A_795, %dma_start3A_796] : memref<16x8x64xf32, #tpu.memory_space<vmem>> -> memref<1x8x64xf32, #tpu.memory_space<vmem>>
    %dma_start3A_798 = arith.constant 0 : i32
    %dma_start3A_799 = arith.constant 0 : i32
    %dma_start3A_800 = tpu.memref_slice %arg3[%squeeze3A_776, %dma_start3A_798, %dma_start3A_799] : memref<125000x8x64xf32, #tpu.memory_space<hbm>> -> memref<1x8x64xf32, #tpu.memory_space<hbm>>
    tpu.enqueue_dma source(%dma_start3A_800 : memref<1x8x64xf32, #tpu.memory_space<hbm>>) target(%dma_start3A_797 : memref<1x8x64xf32, #tpu.memory_space<vmem>>) target_semaphore(%arg17 : memref<!tpu.dma_semaphore, #tpu.memory_space<semaphore_mem>>)
    %slice3A_801 = vector.extract_strided_slice %get3A_19 {offsets = [10], sizes = [1], strides = [1]} : vector<16xi32> to vector<1xi32>
    %squeeze3A_802 = vector.extract %slice3A_801[0] : i32 from vector<1xi32>
    %dma_start3A_803 = arith.constant 0 : i32
    %dma_start3A_804 = arith.constant 0 : i32
    %dma_start3A_805 = arith.constant 0 : i32
    %dma_start3A_806 = tpu.memref_slice %arg13[%rem3A_15, %dma_start3A_803, %dma_start3A_804, %dma_start3A_805] : memref<2x16x8x64xf32, #tpu.memory_space<vmem>> -> memref<1x16x8x64xf32, #tpu.memory_space<vmem>>
    %dma_start3A_807 = tpu.memref_squeeze %dma_start3A_806 : memref<1x16x8x64xf32, #tpu.memory_space<vmem>> -> memref<16x8x64xf32, #tpu.memory_space<vmem>>
    %dma_start3A_808 = arith.constant 10 : i32
    %dma_start3A_809 = arith.constant 0 : i32
    %dma_start3A_810 = arith.constant 0 : i32
    %dma_start3A_811 = tpu.memref_slice %dma_start3A_807[%dma_start3A_808, %dma_start3A_809, %dma_start3A_810] : memref<16x8x64xf32, #tpu.memory_space<vmem>> -> memref<1x8x64xf32, #tpu.memory_space<vmem>>
    %dma_start3A_812 = arith.constant 0 : i32
    %dma_start3A_813 = arith.constant 0 : i32
    %dma_start3A_814 = tpu.memref_slice %arg3[%squeeze3A_802, %dma_start3A_812, %dma_start3A_813] : memref<125000x8x64xf32, #tpu.memory_space<hbm>> -> memref<1x8x64xf32, #tpu.memory_space<hbm>>
    %dma_start3A_815 = arith.constant 0 : i32
    %dma_start3A_816 = arith.constant 0 : i32
    %dma_start3A_817 = arith.constant 0 : i32
    %dma_start3A_818 = tpu.memref_slice %arg13[%rem3A_15, %dma_start3A_815, %dma_start3A_816, %dma_start3A_817] : memref<2x16x8x64xf32, #tpu.memory_space<vmem>> -> memref<1x16x8x64xf32, #tpu.memory_space<vmem>>
    %dma_start3A_819 = tpu.memref_squeeze %dma_start3A_818 : memref<1x16x8x64xf32, #tpu.memory_space<vmem>> -> memref<16x8x64xf32, #tpu.memory_space<vmem>>
    %dma_start3A_820 = arith.constant 10 : i32
    %dma_start3A_821 = arith.constant 0 : i32
    %dma_start3A_822 = arith.constant 0 : i32
    %dma_start3A_823 = tpu.memref_slice %dma_start3A_819[%dma_start3A_820, %dma_start3A_821, %dma_start3A_822] : memref<16x8x64xf32, #tpu.memory_space<vmem>> -> memref<1x8x64xf32, #tpu.memory_space<vmem>>
    %dma_start3A_824 = arith.constant 0 : i32
    %dma_start3A_825 = arith.constant 0 : i32
    %dma_start3A_826 = tpu.memref_slice %arg3[%squeeze3A_802, %dma_start3A_824, %dma_start3A_825] : memref<125000x8x64xf32, #tpu.memory_space<hbm>> -> memref<1x8x64xf32, #tpu.memory_space<hbm>>
    tpu.enqueue_dma source(%dma_start3A_826 : memref<1x8x64xf32, #tpu.memory_space<hbm>>) target(%dma_start3A_823 : memref<1x8x64xf32, #tpu.memory_space<vmem>>) target_semaphore(%arg17 : memref<!tpu.dma_semaphore, #tpu.memory_space<semaphore_mem>>)
    %slice3A_827 = vector.extract_strided_slice %get3A_21 {offsets = [10], sizes = [1], strides = [1]} : vector<16xi32> to vector<1xi32>
    %squeeze3A_828 = vector.extract %slice3A_827[0] : i32 from vector<1xi32>
    %dma_start3A_829 = arith.constant 0 : i32
    %dma_start3A_830 = arith.constant 0 : i32
    %dma_start3A_831 = arith.constant 0 : i32
    %dma_start3A_832 = tpu.memref_slice %arg14[%rem3A_15, %dma_start3A_829, %dma_start3A_830, %dma_start3A_831] : memref<2x16x8x64xf32, #tpu.memory_space<vmem>> -> memref<1x16x8x64xf32, #tpu.memory_space<vmem>>
    %dma_start3A_833 = tpu.memref_squeeze %dma_start3A_832 : memref<1x16x8x64xf32, #tpu.memory_space<vmem>> -> memref<16x8x64xf32, #tpu.memory_space<vmem>>
    %dma_start3A_834 = arith.constant 10 : i32
    %dma_start3A_835 = arith.constant 0 : i32
    %dma_start3A_836 = arith.constant 0 : i32
    %dma_start3A_837 = tpu.memref_slice %dma_start3A_833[%dma_start3A_834, %dma_start3A_835, %dma_start3A_836] : memref<16x8x64xf32, #tpu.memory_space<vmem>> -> memref<1x8x64xf32, #tpu.memory_space<vmem>>
    %dma_start3A_838 = arith.constant 0 : i32
    %dma_start3A_839 = arith.constant 0 : i32
    %dma_start3A_840 = tpu.memref_slice %arg4[%squeeze3A_828, %dma_start3A_838, %dma_start3A_839] : memref<125x8x64xf32, #tpu.memory_space<hbm>> -> memref<1x8x64xf32, #tpu.memory_space<hbm>>
    %dma_start3A_841 = arith.constant 0 : i32
    %dma_start3A_842 = arith.constant 0 : i32
    %dma_start3A_843 = arith.constant 0 : i32
    %dma_start3A_844 = tpu.memref_slice %arg14[%rem3A_15, %dma_start3A_841, %dma_start3A_842, %dma_start3A_843] : memref<2x16x8x64xf32, #tpu.memory_space<vmem>> -> memref<1x16x8x64xf32, #tpu.memory_space<vmem>>
    %dma_start3A_845 = tpu.memref_squeeze %dma_start3A_844 : memref<1x16x8x64xf32, #tpu.memory_space<vmem>> -> memref<16x8x64xf32, #tpu.memory_space<vmem>>
    %dma_start3A_846 = arith.constant 10 : i32
    %dma_start3A_847 = arith.constant 0 : i32
    %dma_start3A_848 = arith.constant 0 : i32
    %dma_start3A_849 = tpu.memref_slice %dma_start3A_845[%dma_start3A_846, %dma_start3A_847, %dma_start3A_848] : memref<16x8x64xf32, #tpu.memory_space<vmem>> -> memref<1x8x64xf32, #tpu.memory_space<vmem>>
    %dma_start3A_850 = arith.constant 0 : i32
    %dma_start3A_851 = arith.constant 0 : i32
    %dma_start3A_852 = tpu.memref_slice %arg4[%squeeze3A_828, %dma_start3A_850, %dma_start3A_851] : memref<125x8x64xf32, #tpu.memory_space<hbm>> -> memref<1x8x64xf32, #tpu.memory_space<hbm>>
    tpu.enqueue_dma source(%dma_start3A_852 : memref<1x8x64xf32, #tpu.memory_space<hbm>>) target(%dma_start3A_849 : memref<1x8x64xf32, #tpu.memory_space<vmem>>) target_semaphore(%arg17 : memref<!tpu.dma_semaphore, #tpu.memory_space<semaphore_mem>>)
    %slice3A_853 = vector.extract_strided_slice %get3A_23 {offsets = [10], sizes = [1], strides = [1]} : vector<16xi32> to vector<1xi32>
    %squeeze3A_854 = vector.extract %slice3A_853[0] : i32 from vector<1xi32>
    %dma_start3A_855 = arith.constant 0 : i32
    %dma_start3A_856 = arith.constant 0 : i32
    %dma_start3A_857 = arith.constant 0 : i32
    %dma_start3A_858 = tpu.memref_slice %arg15[%rem3A_15, %dma_start3A_855, %dma_start3A_856, %dma_start3A_857] : memref<2x16x8x64xf32, #tpu.memory_space<vmem>> -> memref<1x16x8x64xf32, #tpu.memory_space<vmem>>
    %dma_start3A_859 = tpu.memref_squeeze %dma_start3A_858 : memref<1x16x8x64xf32, #tpu.memory_space<vmem>> -> memref<16x8x64xf32, #tpu.memory_space<vmem>>
    %dma_start3A_860 = arith.constant 10 : i32
    %dma_start3A_861 = arith.constant 0 : i32
    %dma_start3A_862 = arith.constant 0 : i32
    %dma_start3A_863 = tpu.memref_slice %dma_start3A_859[%dma_start3A_860, %dma_start3A_861, %dma_start3A_862] : memref<16x8x64xf32, #tpu.memory_space<vmem>> -> memref<1x8x64xf32, #tpu.memory_space<vmem>>
    %dma_start3A_864 = arith.constant 0 : i32
    %dma_start3A_865 = arith.constant 0 : i32
    %dma_start3A_866 = tpu.memref_slice %arg3[%squeeze3A_854, %dma_start3A_864, %dma_start3A_865] : memref<125000x8x64xf32, #tpu.memory_space<hbm>> -> memref<1x8x64xf32, #tpu.memory_space<hbm>>
    %dma_start3A_867 = arith.constant 0 : i32
    %dma_start3A_868 = arith.constant 0 : i32
    %dma_start3A_869 = arith.constant 0 : i32
    %dma_start3A_870 = tpu.memref_slice %arg15[%rem3A_15, %dma_start3A_867, %dma_start3A_868, %dma_start3A_869] : memref<2x16x8x64xf32, #tpu.memory_space<vmem>> -> memref<1x16x8x64xf32, #tpu.memory_space<vmem>>
    %dma_start3A_871 = tpu.memref_squeeze %dma_start3A_870 : memref<1x16x8x64xf32, #tpu.memory_space<vmem>> -> memref<16x8x64xf32, #tpu.memory_space<vmem>>
    %dma_start3A_872 = arith.constant 10 : i32
    %dma_start3A_873 = arith.constant 0 : i32
    %dma_start3A_874 = arith.constant 0 : i32
    %dma_start3A_875 = tpu.memref_slice %dma_start3A_871[%dma_start3A_872, %dma_start3A_873, %dma_start3A_874] : memref<16x8x64xf32, #tpu.memory_space<vmem>> -> memref<1x8x64xf32, #tpu.memory_space<vmem>>
    %dma_start3A_876 = arith.constant 0 : i32
    %dma_start3A_877 = arith.constant 0 : i32
    %dma_start3A_878 = tpu.memref_slice %arg3[%squeeze3A_854, %dma_start3A_876, %dma_start3A_877] : memref<125000x8x64xf32, #tpu.memory_space<hbm>> -> memref<1x8x64xf32, #tpu.memory_space<hbm>>
    tpu.enqueue_dma source(%dma_start3A_878 : memref<1x8x64xf32, #tpu.memory_space<hbm>>) target(%dma_start3A_875 : memref<1x8x64xf32, #tpu.memory_space<vmem>>) target_semaphore(%arg17 : memref<!tpu.dma_semaphore, #tpu.memory_space<semaphore_mem>>)
    %slice3A_879 = vector.extract_strided_slice %get3A_19 {offsets = [11], sizes = [1], strides = [1]} : vector<16xi32> to vector<1xi32>
    %squeeze3A_880 = vector.extract %slice3A_879[0] : i32 from vector<1xi32>
    %dma_start3A_881 = arith.constant 0 : i32
    %dma_start3A_882 = arith.constant 0 : i32
    %dma_start3A_883 = arith.constant 0 : i32
    %dma_start3A_884 = tpu.memref_slice %arg13[%rem3A_15, %dma_start3A_881, %dma_start3A_882, %dma_start3A_883] : memref<2x16x8x64xf32, #tpu.memory_space<vmem>> -> memref<1x16x8x64xf32, #tpu.memory_space<vmem>>
    %dma_start3A_885 = tpu.memref_squeeze %dma_start3A_884 : memref<1x16x8x64xf32, #tpu.memory_space<vmem>> -> memref<16x8x64xf32, #tpu.memory_space<vmem>>
    %dma_start3A_886 = arith.constant 11 : i32
    %dma_start3A_887 = arith.constant 0 : i32
    %dma_start3A_888 = arith.constant 0 : i32
    %dma_start3A_889 = tpu.memref_slice %dma_start3A_885[%dma_start3A_886, %dma_start3A_887, %dma_start3A_888] : memref<16x8x64xf32, #tpu.memory_space<vmem>> -> memref<1x8x64xf32, #tpu.memory_space<vmem>>
    %dma_start3A_890 = arith.constant 0 : i32
    %dma_start3A_891 = arith.constant 0 : i32
    %dma_start3A_892 = tpu.memref_slice %arg3[%squeeze3A_880, %dma_start3A_890, %dma_start3A_891] : memref<125000x8x64xf32, #tpu.memory_space<hbm>> -> memref<1x8x64xf32, #tpu.memory_space<hbm>>
    %dma_start3A_893 = arith.constant 0 : i32
    %dma_start3A_894 = arith.constant 0 : i32
    %dma_start3A_895 = arith.constant 0 : i32
    %dma_start3A_896 = tpu.memref_slice %arg13[%rem3A_15, %dma_start3A_893, %dma_start3A_894, %dma_start3A_895] : memref<2x16x8x64xf32, #tpu.memory_space<vmem>> -> memref<1x16x8x64xf32, #tpu.memory_space<vmem>>
    %dma_start3A_897 = tpu.memref_squeeze %dma_start3A_896 : memref<1x16x8x64xf32, #tpu.memory_space<vmem>> -> memref<16x8x64xf32, #tpu.memory_space<vmem>>
    %dma_start3A_898 = arith.constant 11 : i32
    %dma_start3A_899 = arith.constant 0 : i32
    %dma_start3A_900 = arith.constant 0 : i32
    %dma_start3A_901 = tpu.memref_slice %dma_start3A_897[%dma_start3A_898, %dma_start3A_899, %dma_start3A_900] : memref<16x8x64xf32, #tpu.memory_space<vmem>> -> memref<1x8x64xf32, #tpu.memory_space<vmem>>
    %dma_start3A_902 = arith.constant 0 : i32
    %dma_start3A_903 = arith.constant 0 : i32
    %dma_start3A_904 = tpu.memref_slice %arg3[%squeeze3A_880, %dma_start3A_902, %dma_start3A_903] : memref<125000x8x64xf32, #tpu.memory_space<hbm>> -> memref<1x8x64xf32, #tpu.memory_space<hbm>>
    tpu.enqueue_dma source(%dma_start3A_904 : memref<1x8x64xf32, #tpu.memory_space<hbm>>) target(%dma_start3A_901 : memref<1x8x64xf32, #tpu.memory_space<vmem>>) target_semaphore(%arg17 : memref<!tpu.dma_semaphore, #tpu.memory_space<semaphore_mem>>)
    %slice3A_905 = vector.extract_strided_slice %get3A_21 {offsets = [11], sizes = [1], strides = [1]} : vector<16xi32> to vector<1xi32>
    %squeeze3A_906 = vector.extract %slice3A_905[0] : i32 from vector<1xi32>
    %dma_start3A_907 = arith.constant 0 : i32
    %dma_start3A_908 = arith.constant 0 : i32
    %dma_start3A_909 = arith.constant 0 : i32
    %dma_start3A_910 = tpu.memref_slice %arg14[%rem3A_15, %dma_start3A_907, %dma_start3A_908, %dma_start3A_909] : memref<2x16x8x64xf32, #tpu.memory_space<vmem>> -> memref<1x16x8x64xf32, #tpu.memory_space<vmem>>
    %dma_start3A_911 = tpu.memref_squeeze %dma_start3A_910 : memref<1x16x8x64xf32, #tpu.memory_space<vmem>> -> memref<16x8x64xf32, #tpu.memory_space<vmem>>
    %dma_start3A_912 = arith.constant 11 : i32
    %dma_start3A_913 = arith.constant 0 : i32
    %dma_start3A_914 = arith.constant 0 : i32
    %dma_start3A_915 = tpu.memref_slice %dma_start3A_911[%dma_start3A_912, %dma_start3A_913, %dma_start3A_914] : memref<16x8x64xf32, #tpu.memory_space<vmem>> -> memref<1x8x64xf32, #tpu.memory_space<vmem>>
    %dma_start3A_916 = arith.constant 0 : i32
    %dma_start3A_917 = arith.constant 0 : i32
    %dma_start3A_918 = tpu.memref_slice %arg4[%squeeze3A_906, %dma_start3A_916, %dma_start3A_917] : memref<125x8x64xf32, #tpu.memory_space<hbm>> -> memref<1x8x64xf32, #tpu.memory_space<hbm>>
    %dma_start3A_919 = arith.constant 0 : i32
    %dma_start3A_920 = arith.constant 0 : i32
    %dma_start3A_921 = arith.constant 0 : i32
    %dma_start3A_922 = tpu.memref_slice %arg14[%rem3A_15, %dma_start3A_919, %dma_start3A_920, %dma_start3A_921] : memref<2x16x8x64xf32, #tpu.memory_space<vmem>> -> memref<1x16x8x64xf32, #tpu.memory_space<vmem>>
    %dma_start3A_923 = tpu.memref_squeeze %dma_start3A_922 : memref<1x16x8x64xf32, #tpu.memory_space<vmem>> -> memref<16x8x64xf32, #tpu.memory_space<vmem>>
    %dma_start3A_924 = arith.constant 11 : i32
    %dma_start3A_925 = arith.constant 0 : i32
    %dma_start3A_926 = arith.constant 0 : i32
    %dma_start3A_927 = tpu.memref_slice %dma_start3A_923[%dma_start3A_924, %dma_start3A_925, %dma_start3A_926] : memref<16x8x64xf32, #tpu.memory_space<vmem>> -> memref<1x8x64xf32, #tpu.memory_space<vmem>>
    %dma_start3A_928 = arith.constant 0 : i32
    %dma_start3A_929 = arith.constant 0 : i32
    %dma_start3A_930 = tpu.memref_slice %arg4[%squeeze3A_906, %dma_start3A_928, %dma_start3A_929] : memref<125x8x64xf32, #tpu.memory_space<hbm>> -> memref<1x8x64xf32, #tpu.memory_space<hbm>>
    tpu.enqueue_dma source(%dma_start3A_930 : memref<1x8x64xf32, #tpu.memory_space<hbm>>) target(%dma_start3A_927 : memref<1x8x64xf32, #tpu.memory_space<vmem>>) target_semaphore(%arg17 : memref<!tpu.dma_semaphore, #tpu.memory_space<semaphore_mem>>)
    %slice3A_931 = vector.extract_strided_slice %get3A_23 {offsets = [11], sizes = [1], strides = [1]} : vector<16xi32> to vector<1xi32>
    %squeeze3A_932 = vector.extract %slice3A_931[0] : i32 from vector<1xi32>
    %dma_start3A_933 = arith.constant 0 : i32
    %dma_start3A_934 = arith.constant 0 : i32
    %dma_start3A_935 = arith.constant 0 : i32
    %dma_start3A_936 = tpu.memref_slice %arg15[%rem3A_15, %dma_start3A_933, %dma_start3A_934, %dma_start3A_935] : memref<2x16x8x64xf32, #tpu.memory_space<vmem>> -> memref<1x16x8x64xf32, #tpu.memory_space<vmem>>
    %dma_start3A_937 = tpu.memref_squeeze %dma_start3A_936 : memref<1x16x8x64xf32, #tpu.memory_space<vmem>> -> memref<16x8x64xf32, #tpu.memory_space<vmem>>
    %dma_start3A_938 = arith.constant 11 : i32
    %dma_start3A_939 = arith.constant 0 : i32
    %dma_start3A_940 = arith.constant 0 : i32
    %dma_start3A_941 = tpu.memref_slice %dma_start3A_937[%dma_start3A_938, %dma_start3A_939, %dma_start3A_940] : memref<16x8x64xf32, #tpu.memory_space<vmem>> -> memref<1x8x64xf32, #tpu.memory_space<vmem>>
    %dma_start3A_942 = arith.constant 0 : i32
    %dma_start3A_943 = arith.constant 0 : i32
    %dma_start3A_944 = tpu.memref_slice %arg3[%squeeze3A_932, %dma_start3A_942, %dma_start3A_943] : memref<125000x8x64xf32, #tpu.memory_space<hbm>> -> memref<1x8x64xf32, #tpu.memory_space<hbm>>
    %dma_start3A_945 = arith.constant 0 : i32
    %dma_start3A_946 = arith.constant 0 : i32
    %dma_start3A_947 = arith.constant 0 : i32
    %dma_start3A_948 = tpu.memref_slice %arg15[%rem3A_15, %dma_start3A_945, %dma_start3A_946, %dma_start3A_947] : memref<2x16x8x64xf32, #tpu.memory_space<vmem>> -> memref<1x16x8x64xf32, #tpu.memory_space<vmem>>
    %dma_start3A_949 = tpu.memref_squeeze %dma_start3A_948 : memref<1x16x8x64xf32, #tpu.memory_space<vmem>> -> memref<16x8x64xf32, #tpu.memory_space<vmem>>
    %dma_start3A_950 = arith.constant 11 : i32
    %dma_start3A_951 = arith.constant 0 : i32
    %dma_start3A_952 = arith.constant 0 : i32
    %dma_start3A_953 = tpu.memref_slice %dma_start3A_949[%dma_start3A_950, %dma_start3A_951, %dma_start3A_952] : memref<16x8x64xf32, #tpu.memory_space<vmem>> -> memref<1x8x64xf32, #tpu.memory_space<vmem>>
    %dma_start3A_954 = arith.constant 0 : i32
    %dma_start3A_955 = arith.constant 0 : i32
    %dma_start3A_956 = tpu.memref_slice %arg3[%squeeze3A_932, %dma_start3A_954, %dma_start3A_955] : memref<125000x8x64xf32, #tpu.memory_space<hbm>> -> memref<1x8x64xf32, #tpu.memory_space<hbm>>
    tpu.enqueue_dma source(%dma_start3A_956 : memref<1x8x64xf32, #tpu.memory_space<hbm>>) target(%dma_start3A_953 : memref<1x8x64xf32, #tpu.memory_space<vmem>>) target_semaphore(%arg17 : memref<!tpu.dma_semaphore, #tpu.memory_space<semaphore_mem>>)
    %slice3A_957 = vector.extract_strided_slice %get3A_19 {offsets = [12], sizes = [1], strides = [1]} : vector<16xi32> to vector<1xi32>
    %squeeze3A_958 = vector.extract %slice3A_957[0] : i32 from vector<1xi32>
    %dma_start3A_959 = arith.constant 0 : i32
    %dma_start3A_960 = arith.constant 0 : i32
    %dma_start3A_961 = arith.constant 0 : i32
    %dma_start3A_962 = tpu.memref_slice %arg13[%rem3A_15, %dma_start3A_959, %dma_start3A_960, %dma_start3A_961] : memref<2x16x8x64xf32, #tpu.memory_space<vmem>> -> memref<1x16x8x64xf32, #tpu.memory_space<vmem>>
    %dma_start3A_963 = tpu.memref_squeeze %dma_start3A_962 : memref<1x16x8x64xf32, #tpu.memory_space<vmem>> -> memref<16x8x64xf32, #tpu.memory_space<vmem>>
    %dma_start3A_964 = arith.constant 12 : i32
    %dma_start3A_965 = arith.constant 0 : i32
    %dma_start3A_966 = arith.constant 0 : i32
    %dma_start3A_967 = tpu.memref_slice %dma_start3A_963[%dma_start3A_964, %dma_start3A_965, %dma_start3A_966] : memref<16x8x64xf32, #tpu.memory_space<vmem>> -> memref<1x8x64xf32, #tpu.memory_space<vmem>>
    %dma_start3A_968 = arith.constant 0 : i32
    %dma_start3A_969 = arith.constant 0 : i32
    %dma_start3A_970 = tpu.memref_slice %arg3[%squeeze3A_958, %dma_start3A_968, %dma_start3A_969] : memref<125000x8x64xf32, #tpu.memory_space<hbm>> -> memref<1x8x64xf32, #tpu.memory_space<hbm>>
    %dma_start3A_971 = arith.constant 0 : i32
    %dma_start3A_972 = arith.constant 0 : i32
    %dma_start3A_973 = arith.constant 0 : i32
    %dma_start3A_974 = tpu.memref_slice %arg13[%rem3A_15, %dma_start3A_971, %dma_start3A_972, %dma_start3A_973] : memref<2x16x8x64xf32, #tpu.memory_space<vmem>> -> memref<1x16x8x64xf32, #tpu.memory_space<vmem>>
    %dma_start3A_975 = tpu.memref_squeeze %dma_start3A_974 : memref<1x16x8x64xf32, #tpu.memory_space<vmem>> -> memref<16x8x64xf32, #tpu.memory_space<vmem>>
    %dma_start3A_976 = arith.constant 12 : i32
    %dma_start3A_977 = arith.constant 0 : i32
    %dma_start3A_978 = arith.constant 0 : i32
    %dma_start3A_979 = tpu.memref_slice %dma_start3A_975[%dma_start3A_976, %dma_start3A_977, %dma_start3A_978] : memref<16x8x64xf32, #tpu.memory_space<vmem>> -> memref<1x8x64xf32, #tpu.memory_space<vmem>>
    %dma_start3A_980 = arith.constant 0 : i32
    %dma_start3A_981 = arith.constant 0 : i32
    %dma_start3A_982 = tpu.memref_slice %arg3[%squeeze3A_958, %dma_start3A_980, %dma_start3A_981] : memref<125000x8x64xf32, #tpu.memory_space<hbm>> -> memref<1x8x64xf32, #tpu.memory_space<hbm>>
    tpu.enqueue_dma source(%dma_start3A_982 : memref<1x8x64xf32, #tpu.memory_space<hbm>>) target(%dma_start3A_979 : memref<1x8x64xf32, #tpu.memory_space<vmem>>) target_semaphore(%arg17 : memref<!tpu.dma_semaphore, #tpu.memory_space<semaphore_mem>>)
    %slice3A_983 = vector.extract_strided_slice %get3A_21 {offsets = [12], sizes = [1], strides = [1]} : vector<16xi32> to vector<1xi32>
    %squeeze3A_984 = vector.extract %slice3A_983[0] : i32 from vector<1xi32>
    %dma_start3A_985 = arith.constant 0 : i32
    %dma_start3A_986 = arith.constant 0 : i32
    %dma_start3A_987 = arith.constant 0 : i32
    %dma_start3A_988 = tpu.memref_slice %arg14[%rem3A_15, %dma_start3A_985, %dma_start3A_986, %dma_start3A_987] : memref<2x16x8x64xf32, #tpu.memory_space<vmem>> -> memref<1x16x8x64xf32, #tpu.memory_space<vmem>>
    %dma_start3A_989 = tpu.memref_squeeze %dma_start3A_988 : memref<1x16x8x64xf32, #tpu.memory_space<vmem>> -> memref<16x8x64xf32, #tpu.memory_space<vmem>>
    %dma_start3A_990 = arith.constant 12 : i32
    %dma_start3A_991 = arith.constant 0 : i32
    %dma_start3A_992 = arith.constant 0 : i32
    %dma_start3A_993 = tpu.memref_slice %dma_start3A_989[%dma_start3A_990, %dma_start3A_991, %dma_start3A_992] : memref<16x8x64xf32, #tpu.memory_space<vmem>> -> memref<1x8x64xf32, #tpu.memory_space<vmem>>
    %dma_start3A_994 = arith.constant 0 : i32
    %dma_start3A_995 = arith.constant 0 : i32
    %dma_start3A_996 = tpu.memref_slice %arg4[%squeeze3A_984, %dma_start3A_994, %dma_start3A_995] : memref<125x8x64xf32, #tpu.memory_space<hbm>> -> memref<1x8x64xf32, #tpu.memory_space<hbm>>
    %dma_start3A_997 = arith.constant 0 : i32
    %dma_start3A_998 = arith.constant 0 : i32
    %dma_start3A_999 = arith.constant 0 : i32
    %dma_start3A_1000 = tpu.memref_slice %arg14[%rem3A_15, %dma_start3A_997, %dma_start3A_998, %dma_start3A_999] : memref<2x16x8x64xf32, #tpu.memory_space<vmem>> -> memref<1x16x8x64xf32, #tpu.memory_space<vmem>>
    %dma_start3A_1001 = tpu.memref_squeeze %dma_start3A_1000 : memref<1x16x8x64xf32, #tpu.memory_space<vmem>> -> memref<16x8x64xf32, #tpu.memory_space<vmem>>
    %dma_start3A_1002 = arith.constant 12 : i32
    %dma_start3A_1003 = arith.constant 0 : i32
    %dma_start3A_1004 = arith.constant 0 : i32
    %dma_start3A_1005 = tpu.memref_slice %dma_start3A_1001[%dma_start3A_1002, %dma_start3A_1003, %dma_start3A_1004] : memref<16x8x64xf32, #tpu.memory_space<vmem>> -> memref<1x8x64xf32, #tpu.memory_space<vmem>>
    %dma_start3A_1006 = arith.constant 0 : i32
    %dma_start3A_1007 = arith.constant 0 : i32
    %dma_start3A_1008 = tpu.memref_slice %arg4[%squeeze3A_984, %dma_start3A_1006, %dma_start3A_1007] : memref<125x8x64xf32, #tpu.memory_space<hbm>> -> memref<1x8x64xf32, #tpu.memory_space<hbm>>
    tpu.enqueue_dma source(%dma_start3A_1008 : memref<1x8x64xf32, #tpu.memory_space<hbm>>) target(%dma_start3A_1005 : memref<1x8x64xf32, #tpu.memory_space<vmem>>) target_semaphore(%arg17 : memref<!tpu.dma_semaphore, #tpu.memory_space<semaphore_mem>>)
    %slice3A_1009 = vector.extract_strided_slice %get3A_23 {offsets = [12], sizes = [1], strides = [1]} : vector<16xi32> to vector<1xi32>
    %squeeze3A_1010 = vector.extract %slice3A_1009[0] : i32 from vector<1xi32>
    %dma_start3A_1011 = arith.constant 0 : i32
    %dma_start3A_1012 = arith.constant 0 : i32
    %dma_start3A_1013 = arith.constant 0 : i32
    %dma_start3A_1014 = tpu.memref_slice %arg15[%rem3A_15, %dma_start3A_1011, %dma_start3A_1012, %dma_start3A_1013] : memref<2x16x8x64xf32, #tpu.memory_space<vmem>> -> memref<1x16x8x64xf32, #tpu.memory_space<vmem>>
    %dma_start3A_1015 = tpu.memref_squeeze %dma_start3A_1014 : memref<1x16x8x64xf32, #tpu.memory_space<vmem>> -> memref<16x8x64xf32, #tpu.memory_space<vmem>>
    %dma_start3A_1016 = arith.constant 12 : i32
    %dma_start3A_1017 = arith.constant 0 : i32
    %dma_start3A_1018 = arith.constant 0 : i32
    %dma_start3A_1019 = tpu.memref_slice %dma_start3A_1015[%dma_start3A_1016, %dma_start3A_1017, %dma_start3A_1018] : memref<16x8x64xf32, #tpu.memory_space<vmem>> -> memref<1x8x64xf32, #tpu.memory_space<vmem>>
    %dma_start3A_1020 = arith.constant 0 : i32
    %dma_start3A_1021 = arith.constant 0 : i32
    %dma_start3A_1022 = tpu.memref_slice %arg3[%squeeze3A_1010, %dma_start3A_1020, %dma_start3A_1021] : memref<125000x8x64xf32, #tpu.memory_space<hbm>> -> memref<1x8x64xf32, #tpu.memory_space<hbm>>
    %dma_start3A_1023 = arith.constant 0 : i32
    %dma_start3A_1024 = arith.constant 0 : i32
    %dma_start3A_1025 = arith.constant 0 : i32
    %dma_start3A_1026 = tpu.memref_slice %arg15[%rem3A_15, %dma_start3A_1023, %dma_start3A_1024, %dma_start3A_1025] : memref<2x16x8x64xf32, #tpu.memory_space<vmem>> -> memref<1x16x8x64xf32, #tpu.memory_space<vmem>>
    %dma_start3A_1027 = tpu.memref_squeeze %dma_start3A_1026 : memref<1x16x8x64xf32, #tpu.memory_space<vmem>> -> memref<16x8x64xf32, #tpu.memory_space<vmem>>
    %dma_start3A_1028 = arith.constant 12 : i32
    %dma_start3A_1029 = arith.constant 0 : i32
    %dma_start3A_1030 = arith.constant 0 : i32
    %dma_start3A_1031 = tpu.memref_slice %dma_start3A_1027[%dma_start3A_1028, %dma_start3A_1029, %dma_start3A_1030] : memref<16x8x64xf32, #tpu.memory_space<vmem>> -> memref<1x8x64xf32, #tpu.memory_space<vmem>>
    %dma_start3A_1032 = arith.constant 0 : i32
    %dma_start3A_1033 = arith.constant 0 : i32
    %dma_start3A_1034 = tpu.memref_slice %arg3[%squeeze3A_1010, %dma_start3A_1032, %dma_start3A_1033] : memref<125000x8x64xf32, #tpu.memory_space<hbm>> -> memref<1x8x64xf32, #tpu.memory_space<hbm>>
    tpu.enqueue_dma source(%dma_start3A_1034 : memref<1x8x64xf32, #tpu.memory_space<hbm>>) target(%dma_start3A_1031 : memref<1x8x64xf32, #tpu.memory_space<vmem>>) target_semaphore(%arg17 : memref<!tpu.dma_semaphore, #tpu.memory_space<semaphore_mem>>)
    %slice3A_1035 = vector.extract_strided_slice %get3A_19 {offsets = [13], sizes = [1], strides = [1]} : vector<16xi32> to vector<1xi32>
    %squeeze3A_1036 = vector.extract %slice3A_1035[0] : i32 from vector<1xi32>
    %dma_start3A_1037 = arith.constant 0 : i32
    %dma_start3A_1038 = arith.constant 0 : i32
    %dma_start3A_1039 = arith.constant 0 : i32
    %dma_start3A_1040 = tpu.memref_slice %arg13[%rem3A_15, %dma_start3A_1037, %dma_start3A_1038, %dma_start3A_1039] : memref<2x16x8x64xf32, #tpu.memory_space<vmem>> -> memref<1x16x8x64xf32, #tpu.memory_space<vmem>>
    %dma_start3A_1041 = tpu.memref_squeeze %dma_start3A_1040 : memref<1x16x8x64xf32, #tpu.memory_space<vmem>> -> memref<16x8x64xf32, #tpu.memory_space<vmem>>
    %dma_start3A_1042 = arith.constant 13 : i32
    %dma_start3A_1043 = arith.constant 0 : i32
    %dma_start3A_1044 = arith.constant 0 : i32
    %dma_start3A_1045 = tpu.memref_slice %dma_start3A_1041[%dma_start3A_1042, %dma_start3A_1043, %dma_start3A_1044] : memref<16x8x64xf32, #tpu.memory_space<vmem>> -> memref<1x8x64xf32, #tpu.memory_space<vmem>>
    %dma_start3A_1046 = arith.constant 0 : i32
    %dma_start3A_1047 = arith.constant 0 : i32
    %dma_start3A_1048 = tpu.memref_slice %arg3[%squeeze3A_1036, %dma_start3A_1046, %dma_start3A_1047] : memref<125000x8x64xf32, #tpu.memory_space<hbm>> -> memref<1x8x64xf32, #tpu.memory_space<hbm>>
    %dma_start3A_1049 = arith.constant 0 : i32
    %dma_start3A_1050 = arith.constant 0 : i32
    %dma_start3A_1051 = arith.constant 0 : i32
    %dma_start3A_1052 = tpu.memref_slice %arg13[%rem3A_15, %dma_start3A_1049, %dma_start3A_1050, %dma_start3A_1051] : memref<2x16x8x64xf32, #tpu.memory_space<vmem>> -> memref<1x16x8x64xf32, #tpu.memory_space<vmem>>
    %dma_start3A_1053 = tpu.memref_squeeze %dma_start3A_1052 : memref<1x16x8x64xf32, #tpu.memory_space<vmem>> -> memref<16x8x64xf32, #tpu.memory_space<vmem>>
    %dma_start3A_1054 = arith.constant 13 : i32
    %dma_start3A_1055 = arith.constant 0 : i32
    %dma_start3A_1056 = arith.constant 0 : i32
    %dma_start3A_1057 = tpu.memref_slice %dma_start3A_1053[%dma_start3A_1054, %dma_start3A_1055, %dma_start3A_1056] : memref<16x8x64xf32, #tpu.memory_space<vmem>> -> memref<1x8x64xf32, #tpu.memory_space<vmem>>
    %dma_start3A_1058 = arith.constant 0 : i32
    %dma_start3A_1059 = arith.constant 0 : i32
    %dma_start3A_1060 = tpu.memref_slice %arg3[%squeeze3A_1036, %dma_start3A_1058, %dma_start3A_1059] : memref<125000x8x64xf32, #tpu.memory_space<hbm>> -> memref<1x8x64xf32, #tpu.memory_space<hbm>>
    tpu.enqueue_dma source(%dma_start3A_1060 : memref<1x8x64xf32, #tpu.memory_space<hbm>>) target(%dma_start3A_1057 : memref<1x8x64xf32, #tpu.memory_space<vmem>>) target_semaphore(%arg17 : memref<!tpu.dma_semaphore, #tpu.memory_space<semaphore_mem>>)
    %slice3A_1061 = vector.extract_strided_slice %get3A_21 {offsets = [13], sizes = [1], strides = [1]} : vector<16xi32> to vector<1xi32>
    %squeeze3A_1062 = vector.extract %slice3A_1061[0] : i32 from vector<1xi32>
    %dma_start3A_1063 = arith.constant 0 : i32
    %dma_start3A_1064 = arith.constant 0 : i32
    %dma_start3A_1065 = arith.constant 0 : i32
    %dma_start3A_1066 = tpu.memref_slice %arg14[%rem3A_15, %dma_start3A_1063, %dma_start3A_1064, %dma_start3A_1065] : memref<2x16x8x64xf32, #tpu.memory_space<vmem>> -> memref<1x16x8x64xf32, #tpu.memory_space<vmem>>
    %dma_start3A_1067 = tpu.memref_squeeze %dma_start3A_1066 : memref<1x16x8x64xf32, #tpu.memory_space<vmem>> -> memref<16x8x64xf32, #tpu.memory_space<vmem>>
    %dma_start3A_1068 = arith.constant 13 : i32
    %dma_start3A_1069 = arith.constant 0 : i32
    %dma_start3A_1070 = arith.constant 0 : i32
    %dma_start3A_1071 = tpu.memref_slice %dma_start3A_1067[%dma_start3A_1068, %dma_start3A_1069, %dma_start3A_1070] : memref<16x8x64xf32, #tpu.memory_space<vmem>> -> memref<1x8x64xf32, #tpu.memory_space<vmem>>
    %dma_start3A_1072 = arith.constant 0 : i32
    %dma_start3A_1073 = arith.constant 0 : i32
    %dma_start3A_1074 = tpu.memref_slice %arg4[%squeeze3A_1062, %dma_start3A_1072, %dma_start3A_1073] : memref<125x8x64xf32, #tpu.memory_space<hbm>> -> memref<1x8x64xf32, #tpu.memory_space<hbm>>
    %dma_start3A_1075 = arith.constant 0 : i32
    %dma_start3A_1076 = arith.constant 0 : i32
    %dma_start3A_1077 = arith.constant 0 : i32
    %dma_start3A_1078 = tpu.memref_slice %arg14[%rem3A_15, %dma_start3A_1075, %dma_start3A_1076, %dma_start3A_1077] : memref<2x16x8x64xf32, #tpu.memory_space<vmem>> -> memref<1x16x8x64xf32, #tpu.memory_space<vmem>>
    %dma_start3A_1079 = tpu.memref_squeeze %dma_start3A_1078 : memref<1x16x8x64xf32, #tpu.memory_space<vmem>> -> memref<16x8x64xf32, #tpu.memory_space<vmem>>
    %dma_start3A_1080 = arith.constant 13 : i32
    %dma_start3A_1081 = arith.constant 0 : i32
    %dma_start3A_1082 = arith.constant 0 : i32
    %dma_start3A_1083 = tpu.memref_slice %dma_start3A_1079[%dma_start3A_1080, %dma_start3A_1081, %dma_start3A_1082] : memref<16x8x64xf32, #tpu.memory_space<vmem>> -> memref<1x8x64xf32, #tpu.memory_space<vmem>>
    %dma_start3A_1084 = arith.constant 0 : i32
    %dma_start3A_1085 = arith.constant 0 : i32
    %dma_start3A_1086 = tpu.memref_slice %arg4[%squeeze3A_1062, %dma_start3A_1084, %dma_start3A_1085] : memref<125x8x64xf32, #tpu.memory_space<hbm>> -> memref<1x8x64xf32, #tpu.memory_space<hbm>>
    tpu.enqueue_dma source(%dma_start3A_1086 : memref<1x8x64xf32, #tpu.memory_space<hbm>>) target(%dma_start3A_1083 : memref<1x8x64xf32, #tpu.memory_space<vmem>>) target_semaphore(%arg17 : memref<!tpu.dma_semaphore, #tpu.memory_space<semaphore_mem>>)
    %slice3A_1087 = vector.extract_strided_slice %get3A_23 {offsets = [13], sizes = [1], strides = [1]} : vector<16xi32> to vector<1xi32>
    %squeeze3A_1088 = vector.extract %slice3A_1087[0] : i32 from vector<1xi32>
    %dma_start3A_1089 = arith.constant 0 : i32
    %dma_start3A_1090 = arith.constant 0 : i32
    %dma_start3A_1091 = arith.constant 0 : i32
    %dma_start3A_1092 = tpu.memref_slice %arg15[%rem3A_15, %dma_start3A_1089, %dma_start3A_1090, %dma_start3A_1091] : memref<2x16x8x64xf32, #tpu.memory_space<vmem>> -> memref<1x16x8x64xf32, #tpu.memory_space<vmem>>
    %dma_start3A_1093 = tpu.memref_squeeze %dma_start3A_1092 : memref<1x16x8x64xf32, #tpu.memory_space<vmem>> -> memref<16x8x64xf32, #tpu.memory_space<vmem>>
    %dma_start3A_1094 = arith.constant 13 : i32
    %dma_start3A_1095 = arith.constant 0 : i32
    %dma_start3A_1096 = arith.constant 0 : i32
    %dma_start3A_1097 = tpu.memref_slice %dma_start3A_1093[%dma_start3A_1094, %dma_start3A_1095, %dma_start3A_1096] : memref<16x8x64xf32, #tpu.memory_space<vmem>> -> memref<1x8x64xf32, #tpu.memory_space<vmem>>
    %dma_start3A_1098 = arith.constant 0 : i32
    %dma_start3A_1099 = arith.constant 0 : i32
    %dma_start3A_1100 = tpu.memref_slice %arg3[%squeeze3A_1088, %dma_start3A_1098, %dma_start3A_1099] : memref<125000x8x64xf32, #tpu.memory_space<hbm>> -> memref<1x8x64xf32, #tpu.memory_space<hbm>>
    %dma_start3A_1101 = arith.constant 0 : i32
    %dma_start3A_1102 = arith.constant 0 : i32
    %dma_start3A_1103 = arith.constant 0 : i32
    %dma_start3A_1104 = tpu.memref_slice %arg15[%rem3A_15, %dma_start3A_1101, %dma_start3A_1102, %dma_start3A_1103] : memref<2x16x8x64xf32, #tpu.memory_space<vmem>> -> memref<1x16x8x64xf32, #tpu.memory_space<vmem>>
    %dma_start3A_1105 = tpu.memref_squeeze %dma_start3A_1104 : memref<1x16x8x64xf32, #tpu.memory_space<vmem>> -> memref<16x8x64xf32, #tpu.memory_space<vmem>>
    %dma_start3A_1106 = arith.constant 13 : i32
    %dma_start3A_1107 = arith.constant 0 : i32
    %dma_start3A_1108 = arith.constant 0 : i32
    %dma_start3A_1109 = tpu.memref_slice %dma_start3A_1105[%dma_start3A_1106, %dma_start3A_1107, %dma_start3A_1108] : memref<16x8x64xf32, #tpu.memory_space<vmem>> -> memref<1x8x64xf32, #tpu.memory_space<vmem>>
    %dma_start3A_1110 = arith.constant 0 : i32
    %dma_start3A_1111 = arith.constant 0 : i32
    %dma_start3A_1112 = tpu.memref_slice %arg3[%squeeze3A_1088, %dma_start3A_1110, %dma_start3A_1111] : memref<125000x8x64xf32, #tpu.memory_space<hbm>> -> memref<1x8x64xf32, #tpu.memory_space<hbm>>
    tpu.enqueue_dma source(%dma_start3A_1112 : memref<1x8x64xf32, #tpu.memory_space<hbm>>) target(%dma_start3A_1109 : memref<1x8x64xf32, #tpu.memory_space<vmem>>) target_semaphore(%arg17 : memref<!tpu.dma_semaphore, #tpu.memory_space<semaphore_mem>>)
    %slice3A_1113 = vector.extract_strided_slice %get3A_19 {offsets = [14], sizes = [1], strides = [1]} : vector<16xi32> to vector<1xi32>
    %squeeze3A_1114 = vector.extract %slice3A_1113[0] : i32 from vector<1xi32>
    %dma_start3A_1115 = arith.constant 0 : i32
    %dma_start3A_1116 = arith.constant 0 : i32
    %dma_start3A_1117 = arith.constant 0 : i32
    %dma_start3A_1118 = tpu.memref_slice %arg13[%rem3A_15, %dma_start3A_1115, %dma_start3A_1116, %dma_start3A_1117] : memref<2x16x8x64xf32, #tpu.memory_space<vmem>> -> memref<1x16x8x64xf32, #tpu.memory_space<vmem>>
    %dma_start3A_1119 = tpu.memref_squeeze %dma_start3A_1118 : memref<1x16x8x64xf32, #tpu.memory_space<vmem>> -> memref<16x8x64xf32, #tpu.memory_space<vmem>>
    %dma_start3A_1120 = arith.constant 14 : i32
    %dma_start3A_1121 = arith.constant 0 : i32
    %dma_start3A_1122 = arith.constant 0 : i32
    %dma_start3A_1123 = tpu.memref_slice %dma_start3A_1119[%dma_start3A_1120, %dma_start3A_1121, %dma_start3A_1122] : memref<16x8x64xf32, #tpu.memory_space<vmem>> -> memref<1x8x64xf32, #tpu.memory_space<vmem>>
    %dma_start3A_1124 = arith.constant 0 : i32
    %dma_start3A_1125 = arith.constant 0 : i32
    %dma_start3A_1126 = tpu.memref_slice %arg3[%squeeze3A_1114, %dma_start3A_1124, %dma_start3A_1125] : memref<125000x8x64xf32, #tpu.memory_space<hbm>> -> memref<1x8x64xf32, #tpu.memory_space<hbm>>
    %dma_start3A_1127 = arith.constant 0 : i32
    %dma_start3A_1128 = arith.constant 0 : i32
    %dma_start3A_1129 = arith.constant 0 : i32
    %dma_start3A_1130 = tpu.memref_slice %arg13[%rem3A_15, %dma_start3A_1127, %dma_start3A_1128, %dma_start3A_1129] : memref<2x16x8x64xf32, #tpu.memory_space<vmem>> -> memref<1x16x8x64xf32, #tpu.memory_space<vmem>>
    %dma_start3A_1131 = tpu.memref_squeeze %dma_start3A_1130 : memref<1x16x8x64xf32, #tpu.memory_space<vmem>> -> memref<16x8x64xf32, #tpu.memory_space<vmem>>
    %dma_start3A_1132 = arith.constant 14 : i32
    %dma_start3A_1133 = arith.constant 0 : i32
    %dma_start3A_1134 = arith.constant 0 : i32
    %dma_start3A_1135 = tpu.memref_slice %dma_start3A_1131[%dma_start3A_1132, %dma_start3A_1133, %dma_start3A_1134] : memref<16x8x64xf32, #tpu.memory_space<vmem>> -> memref<1x8x64xf32, #tpu.memory_space<vmem>>
    %dma_start3A_1136 = arith.constant 0 : i32
    %dma_start3A_1137 = arith.constant 0 : i32
    %dma_start3A_1138 = tpu.memref_slice %arg3[%squeeze3A_1114, %dma_start3A_1136, %dma_start3A_1137] : memref<125000x8x64xf32, #tpu.memory_space<hbm>> -> memref<1x8x64xf32, #tpu.memory_space<hbm>>
    tpu.enqueue_dma source(%dma_start3A_1138 : memref<1x8x64xf32, #tpu.memory_space<hbm>>) target(%dma_start3A_1135 : memref<1x8x64xf32, #tpu.memory_space<vmem>>) target_semaphore(%arg17 : memref<!tpu.dma_semaphore, #tpu.memory_space<semaphore_mem>>)
    %slice3A_1139 = vector.extract_strided_slice %get3A_21 {offsets = [14], sizes = [1], strides = [1]} : vector<16xi32> to vector<1xi32>
    %squeeze3A_1140 = vector.extract %slice3A_1139[0] : i32 from vector<1xi32>
    %dma_start3A_1141 = arith.constant 0 : i32
    %dma_start3A_1142 = arith.constant 0 : i32
    %dma_start3A_1143 = arith.constant 0 : i32
    %dma_start3A_1144 = tpu.memref_slice %arg14[%rem3A_15, %dma_start3A_1141, %dma_start3A_1142, %dma_start3A_1143] : memref<2x16x8x64xf32, #tpu.memory_space<vmem>> -> memref<1x16x8x64xf32, #tpu.memory_space<vmem>>
    %dma_start3A_1145 = tpu.memref_squeeze %dma_start3A_1144 : memref<1x16x8x64xf32, #tpu.memory_space<vmem>> -> memref<16x8x64xf32, #tpu.memory_space<vmem>>
    %dma_start3A_1146 = arith.constant 14 : i32
    %dma_start3A_1147 = arith.constant 0 : i32
    %dma_start3A_1148 = arith.constant 0 : i32
    %dma_start3A_1149 = tpu.memref_slice %dma_start3A_1145[%dma_start3A_1146, %dma_start3A_1147, %dma_start3A_1148] : memref<16x8x64xf32, #tpu.memory_space<vmem>> -> memref<1x8x64xf32, #tpu.memory_space<vmem>>
    %dma_start3A_1150 = arith.constant 0 : i32
    %dma_start3A_1151 = arith.constant 0 : i32
    %dma_start3A_1152 = tpu.memref_slice %arg4[%squeeze3A_1140, %dma_start3A_1150, %dma_start3A_1151] : memref<125x8x64xf32, #tpu.memory_space<hbm>> -> memref<1x8x64xf32, #tpu.memory_space<hbm>>
    %dma_start3A_1153 = arith.constant 0 : i32
    %dma_start3A_1154 = arith.constant 0 : i32
    %dma_start3A_1155 = arith.constant 0 : i32
    %dma_start3A_1156 = tpu.memref_slice %arg14[%rem3A_15, %dma_start3A_1153, %dma_start3A_1154, %dma_start3A_1155] : memref<2x16x8x64xf32, #tpu.memory_space<vmem>> -> memref<1x16x8x64xf32, #tpu.memory_space<vmem>>
    %dma_start3A_1157 = tpu.memref_squeeze %dma_start3A_1156 : memref<1x16x8x64xf32, #tpu.memory_space<vmem>> -> memref<16x8x64xf32, #tpu.memory_space<vmem>>
    %dma_start3A_1158 = arith.constant 14 : i32
    %dma_start3A_1159 = arith.constant 0 : i32
    %dma_start3A_1160 = arith.constant 0 : i32
    %dma_start3A_1161 = tpu.memref_slice %dma_start3A_1157[%dma_start3A_1158, %dma_start3A_1159, %dma_start3A_1160] : memref<16x8x64xf32, #tpu.memory_space<vmem>> -> memref<1x8x64xf32, #tpu.memory_space<vmem>>
    %dma_start3A_1162 = arith.constant 0 : i32
    %dma_start3A_1163 = arith.constant 0 : i32
    %dma_start3A_1164 = tpu.memref_slice %arg4[%squeeze3A_1140, %dma_start3A_1162, %dma_start3A_1163] : memref<125x8x64xf32, #tpu.memory_space<hbm>> -> memref<1x8x64xf32, #tpu.memory_space<hbm>>
    tpu.enqueue_dma source(%dma_start3A_1164 : memref<1x8x64xf32, #tpu.memory_space<hbm>>) target(%dma_start3A_1161 : memref<1x8x64xf32, #tpu.memory_space<vmem>>) target_semaphore(%arg17 : memref<!tpu.dma_semaphore, #tpu.memory_space<semaphore_mem>>)
    %slice3A_1165 = vector.extract_strided_slice %get3A_23 {offsets = [14], sizes = [1], strides = [1]} : vector<16xi32> to vector<1xi32>
    %squeeze3A_1166 = vector.extract %slice3A_1165[0] : i32 from vector<1xi32>
    %dma_start3A_1167 = arith.constant 0 : i32
    %dma_start3A_1168 = arith.constant 0 : i32
    %dma_start3A_1169 = arith.constant 0 : i32
    %dma_start3A_1170 = tpu.memref_slice %arg15[%rem3A_15, %dma_start3A_1167, %dma_start3A_1168, %dma_start3A_1169] : memref<2x16x8x64xf32, #tpu.memory_space<vmem>> -> memref<1x16x8x64xf32, #tpu.memory_space<vmem>>
    %dma_start3A_1171 = tpu.memref_squeeze %dma_start3A_1170 : memref<1x16x8x64xf32, #tpu.memory_space<vmem>> -> memref<16x8x64xf32, #tpu.memory_space<vmem>>
    %dma_start3A_1172 = arith.constant 14 : i32
    %dma_start3A_1173 = arith.constant 0 : i32
    %dma_start3A_1174 = arith.constant 0 : i32
    %dma_start3A_1175 = tpu.memref_slice %dma_start3A_1171[%dma_start3A_1172, %dma_start3A_1173, %dma_start3A_1174] : memref<16x8x64xf32, #tpu.memory_space<vmem>> -> memref<1x8x64xf32, #tpu.memory_space<vmem>>
    %dma_start3A_1176 = arith.constant 0 : i32
    %dma_start3A_1177 = arith.constant 0 : i32
    %dma_start3A_1178 = tpu.memref_slice %arg3[%squeeze3A_1166, %dma_start3A_1176, %dma_start3A_1177] : memref<125000x8x64xf32, #tpu.memory_space<hbm>> -> memref<1x8x64xf32, #tpu.memory_space<hbm>>
    %dma_start3A_1179 = arith.constant 0 : i32
    %dma_start3A_1180 = arith.constant 0 : i32
    %dma_start3A_1181 = arith.constant 0 : i32
    %dma_start3A_1182 = tpu.memref_slice %arg15[%rem3A_15, %dma_start3A_1179, %dma_start3A_1180, %dma_start3A_1181] : memref<2x16x8x64xf32, #tpu.memory_space<vmem>> -> memref<1x16x8x64xf32, #tpu.memory_space<vmem>>
    %dma_start3A_1183 = tpu.memref_squeeze %dma_start3A_1182 : memref<1x16x8x64xf32, #tpu.memory_space<vmem>> -> memref<16x8x64xf32, #tpu.memory_space<vmem>>
    %dma_start3A_1184 = arith.constant 14 : i32
    %dma_start3A_1185 = arith.constant 0 : i32
    %dma_start3A_1186 = arith.constant 0 : i32
    %dma_start3A_1187 = tpu.memref_slice %dma_start3A_1183[%dma_start3A_1184, %dma_start3A_1185, %dma_start3A_1186] : memref<16x8x64xf32, #tpu.memory_space<vmem>> -> memref<1x8x64xf32, #tpu.memory_space<vmem>>
    %dma_start3A_1188 = arith.constant 0 : i32
    %dma_start3A_1189 = arith.constant 0 : i32
    %dma_start3A_1190 = tpu.memref_slice %arg3[%squeeze3A_1166, %dma_start3A_1188, %dma_start3A_1189] : memref<125000x8x64xf32, #tpu.memory_space<hbm>> -> memref<1x8x64xf32, #tpu.memory_space<hbm>>
    tpu.enqueue_dma source(%dma_start3A_1190 : memref<1x8x64xf32, #tpu.memory_space<hbm>>) target(%dma_start3A_1187 : memref<1x8x64xf32, #tpu.memory_space<vmem>>) target_semaphore(%arg17 : memref<!tpu.dma_semaphore, #tpu.memory_space<semaphore_mem>>)
    %slice3A_1191 = vector.extract_strided_slice %get3A_19 {offsets = [15], sizes = [1], strides = [1]} : vector<16xi32> to vector<1xi32>
    %squeeze3A_1192 = vector.extract %slice3A_1191[0] : i32 from vector<1xi32>
    %dma_start3A_1193 = arith.constant 0 : i32
    %dma_start3A_1194 = arith.constant 0 : i32
    %dma_start3A_1195 = arith.constant 0 : i32
    %dma_start3A_1196 = tpu.memref_slice %arg13[%rem3A_15, %dma_start3A_1193, %dma_start3A_1194, %dma_start3A_1195] : memref<2x16x8x64xf32, #tpu.memory_space<vmem>> -> memref<1x16x8x64xf32, #tpu.memory_space<vmem>>
    %dma_start3A_1197 = tpu.memref_squeeze %dma_start3A_1196 : memref<1x16x8x64xf32, #tpu.memory_space<vmem>> -> memref<16x8x64xf32, #tpu.memory_space<vmem>>
    %dma_start3A_1198 = arith.constant 15 : i32
    %dma_start3A_1199 = arith.constant 0 : i32
    %dma_start3A_1200 = arith.constant 0 : i32
    %dma_start3A_1201 = tpu.memref_slice %dma_start3A_1197[%dma_start3A_1198, %dma_start3A_1199, %dma_start3A_1200] : memref<16x8x64xf32, #tpu.memory_space<vmem>> -> memref<1x8x64xf32, #tpu.memory_space<vmem>>
    %dma_start3A_1202 = arith.constant 0 : i32
    %dma_start3A_1203 = arith.constant 0 : i32
    %dma_start3A_1204 = tpu.memref_slice %arg3[%squeeze3A_1192, %dma_start3A_1202, %dma_start3A_1203] : memref<125000x8x64xf32, #tpu.memory_space<hbm>> -> memref<1x8x64xf32, #tpu.memory_space<hbm>>
    %dma_start3A_1205 = arith.constant 0 : i32
    %dma_start3A_1206 = arith.constant 0 : i32
    %dma_start3A_1207 = arith.constant 0 : i32
    %dma_start3A_1208 = tpu.memref_slice %arg13[%rem3A_15, %dma_start3A_1205, %dma_start3A_1206, %dma_start3A_1207] : memref<2x16x8x64xf32, #tpu.memory_space<vmem>> -> memref<1x16x8x64xf32, #tpu.memory_space<vmem>>
    %dma_start3A_1209 = tpu.memref_squeeze %dma_start3A_1208 : memref<1x16x8x64xf32, #tpu.memory_space<vmem>> -> memref<16x8x64xf32, #tpu.memory_space<vmem>>
    %dma_start3A_1210 = arith.constant 15 : i32
    %dma_start3A_1211 = arith.constant 0 : i32
    %dma_start3A_1212 = arith.constant 0 : i32
    %dma_start3A_1213 = tpu.memref_slice %dma_start3A_1209[%dma_start3A_1210, %dma_start3A_1211, %dma_start3A_1212] : memref<16x8x64xf32, #tpu.memory_space<vmem>> -> memref<1x8x64xf32, #tpu.memory_space<vmem>>
    %dma_start3A_1214 = arith.constant 0 : i32
    %dma_start3A_1215 = arith.constant 0 : i32
    %dma_start3A_1216 = tpu.memref_slice %arg3[%squeeze3A_1192, %dma_start3A_1214, %dma_start3A_1215] : memref<125000x8x64xf32, #tpu.memory_space<hbm>> -> memref<1x8x64xf32, #tpu.memory_space<hbm>>
    tpu.enqueue_dma source(%dma_start3A_1216 : memref<1x8x64xf32, #tpu.memory_space<hbm>>) target(%dma_start3A_1213 : memref<1x8x64xf32, #tpu.memory_space<vmem>>) target_semaphore(%arg17 : memref<!tpu.dma_semaphore, #tpu.memory_space<semaphore_mem>>)
    %slice3A_1217 = vector.extract_strided_slice %get3A_21 {offsets = [15], sizes = [1], strides = [1]} : vector<16xi32> to vector<1xi32>
    %squeeze3A_1218 = vector.extract %slice3A_1217[0] : i32 from vector<1xi32>
    %dma_start3A_1219 = arith.constant 0 : i32
    %dma_start3A_1220 = arith.constant 0 : i32
    %dma_start3A_1221 = arith.constant 0 : i32
    %dma_start3A_1222 = tpu.memref_slice %arg14[%rem3A_15, %dma_start3A_1219, %dma_start3A_1220, %dma_start3A_1221] : memref<2x16x8x64xf32, #tpu.memory_space<vmem>> -> memref<1x16x8x64xf32, #tpu.memory_space<vmem>>
    %dma_start3A_1223 = tpu.memref_squeeze %dma_start3A_1222 : memref<1x16x8x64xf32, #tpu.memory_space<vmem>> -> memref<16x8x64xf32, #tpu.memory_space<vmem>>
    %dma_start3A_1224 = arith.constant 15 : i32
    %dma_start3A_1225 = arith.constant 0 : i32
    %dma_start3A_1226 = arith.constant 0 : i32
    %dma_start3A_1227 = tpu.memref_slice %dma_start3A_1223[%dma_start3A_1224, %dma_start3A_1225, %dma_start3A_1226] : memref<16x8x64xf32, #tpu.memory_space<vmem>> -> memref<1x8x64xf32, #tpu.memory_space<vmem>>
    %dma_start3A_1228 = arith.constant 0 : i32
    %dma_start3A_1229 = arith.constant 0 : i32
    %dma_start3A_1230 = tpu.memref_slice %arg4[%squeeze3A_1218, %dma_start3A_1228, %dma_start3A_1229] : memref<125x8x64xf32, #tpu.memory_space<hbm>> -> memref<1x8x64xf32, #tpu.memory_space<hbm>>
    %dma_start3A_1231 = arith.constant 0 : i32
    %dma_start3A_1232 = arith.constant 0 : i32
    %dma_start3A_1233 = arith.constant 0 : i32
    %dma_start3A_1234 = tpu.memref_slice %arg14[%rem3A_15, %dma_start3A_1231, %dma_start3A_1232, %dma_start3A_1233] : memref<2x16x8x64xf32, #tpu.memory_space<vmem>> -> memref<1x16x8x64xf32, #tpu.memory_space<vmem>>
    %dma_start3A_1235 = tpu.memref_squeeze %dma_start3A_1234 : memref<1x16x8x64xf32, #tpu.memory_space<vmem>> -> memref<16x8x64xf32, #tpu.memory_space<vmem>>
    %dma_start3A_1236 = arith.constant 15 : i32
    %dma_start3A_1237 = arith.constant 0 : i32
    %dma_start3A_1238 = arith.constant 0 : i32
    %dma_start3A_1239 = tpu.memref_slice %dma_start3A_1235[%dma_start3A_1236, %dma_start3A_1237, %dma_start3A_1238] : memref<16x8x64xf32, #tpu.memory_space<vmem>> -> memref<1x8x64xf32, #tpu.memory_space<vmem>>
    %dma_start3A_1240 = arith.constant 0 : i32
    %dma_start3A_1241 = arith.constant 0 : i32
    %dma_start3A_1242 = tpu.memref_slice %arg4[%squeeze3A_1218, %dma_start3A_1240, %dma_start3A_1241] : memref<125x8x64xf32, #tpu.memory_space<hbm>> -> memref<1x8x64xf32, #tpu.memory_space<hbm>>
    tpu.enqueue_dma source(%dma_start3A_1242 : memref<1x8x64xf32, #tpu.memory_space<hbm>>) target(%dma_start3A_1239 : memref<1x8x64xf32, #tpu.memory_space<vmem>>) target_semaphore(%arg17 : memref<!tpu.dma_semaphore, #tpu.memory_space<semaphore_mem>>)
    %slice3A_1243 = vector.extract_strided_slice %get3A_23 {offsets = [15], sizes = [1], strides = [1]} : vector<16xi32> to vector<1xi32>
    %squeeze3A_1244 = vector.extract %slice3A_1243[0] : i32 from vector<1xi32>
    %dma_start3A_1245 = arith.constant 0 : i32
    %dma_start3A_1246 = arith.constant 0 : i32
    %dma_start3A_1247 = arith.constant 0 : i32
    %dma_start3A_1248 = tpu.memref_slice %arg15[%rem3A_15, %dma_start3A_1245, %dma_start3A_1246, %dma_start3A_1247] : memref<2x16x8x64xf32, #tpu.memory_space<vmem>> -> memref<1x16x8x64xf32, #tpu.memory_space<vmem>>
    %dma_start3A_1249 = tpu.memref_squeeze %dma_start3A_1248 : memref<1x16x8x64xf32, #tpu.memory_space<vmem>> -> memref<16x8x64xf32, #tpu.memory_space<vmem>>
    %dma_start3A_1250 = arith.constant 15 : i32
    %dma_start3A_1251 = arith.constant 0 : i32
    %dma_start3A_1252 = arith.constant 0 : i32
    %dma_start3A_1253 = tpu.memref_slice %dma_start3A_1249[%dma_start3A_1250, %dma_start3A_1251, %dma_start3A_1252] : memref<16x8x64xf32, #tpu.memory_space<vmem>> -> memref<1x8x64xf32, #tpu.memory_space<vmem>>
    %dma_start3A_1254 = arith.constant 0 : i32
    %dma_start3A_1255 = arith.constant 0 : i32
    %dma_start3A_1256 = tpu.memref_slice %arg3[%squeeze3A_1244, %dma_start3A_1254, %dma_start3A_1255] : memref<125000x8x64xf32, #tpu.memory_space<hbm>> -> memref<1x8x64xf32, #tpu.memory_space<hbm>>
    %dma_start3A_1257 = arith.constant 0 : i32
    %dma_start3A_1258 = arith.constant 0 : i32
    %dma_start3A_1259 = arith.constant 0 : i32
    %dma_start3A_1260 = tpu.memref_slice %arg15[%rem3A_15, %dma_start3A_1257, %dma_start3A_1258, %dma_start3A_1259] : memref<2x16x8x64xf32, #tpu.memory_space<vmem>> -> memref<1x16x8x64xf32, #tpu.memory_space<vmem>>
    %dma_start3A_1261 = tpu.memref_squeeze %dma_start3A_1260 : memref<1x16x8x64xf32, #tpu.memory_space<vmem>> -> memref<16x8x64xf32, #tpu.memory_space<vmem>>
    %dma_start3A_1262 = arith.constant 15 : i32
    %dma_start3A_1263 = arith.constant 0 : i32
    %dma_start3A_1264 = arith.constant 0 : i32
    %dma_start3A_1265 = tpu.memref_slice %dma_start3A_1261[%dma_start3A_1262, %dma_start3A_1263, %dma_start3A_1264] : memref<16x8x64xf32, #tpu.memory_space<vmem>> -> memref<1x8x64xf32, #tpu.memory_space<vmem>>
    %dma_start3A_1266 = arith.constant 0 : i32
    %dma_start3A_1267 = arith.constant 0 : i32
    %dma_start3A_1268 = tpu.memref_slice %arg3[%squeeze3A_1244, %dma_start3A_1266, %dma_start3A_1267] : memref<125000x8x64xf32, #tpu.memory_space<hbm>> -> memref<1x8x64xf32, #tpu.memory_space<hbm>>
    tpu.enqueue_dma source(%dma_start3A_1268 : memref<1x8x64xf32, #tpu.memory_space<hbm>>) target(%dma_start3A_1265 : memref<1x8x64xf32, #tpu.memory_space<vmem>>) target_semaphore(%arg17 : memref<!tpu.dma_semaphore, #tpu.memory_space<semaphore_mem>>)
    %scan3A_1269 = arith.constant 0 : i32
    %scan3A_1270 = arith.constant 0 : i32
    %scan3A_1271 = arith.constant 32 : i32
    %scan3A_1272 = arith.addi %scan3A_1270, %scan3A_1271 : i32
    %scan3A_1273 = arith.constant 1 : i32
    %scan3A_1274 = scf.for %scan3A_1301 = %scan3A_1270 to %scan3A_1272 step %scan3A_1273 iter_args(%scan3A_1302 = %scan3A_1269) -> (i32)  : i32 {
      %add3A_1303 = arith.constant 1 : i32
      %add3A_1304 = arith.addi %scan3A_1301, %add3A_1303 : i32
      %lt3A = arith.constant 32 : i32
      %lt3A_1305 = arith.cmpi slt, %add3A_1304, %lt3A : i32
      %convert_element_type3A = arith.extui %lt3A_1305 : i1 to i32
      %cond3A = arith.constant 0 : i32
      %cond3A_1306 = arith.cmpi ne, %convert_element_type3A, %cond3A : i32
      scf.if %cond3A_1306 {
        %add3A_3089 = arith.constant 1 : i32
        %add3A_3090 = arith.addi %scan3A_1301, %add3A_3089 : i32
        %rem3A_3091 = arith.constant 2 : i32
        %rem3A_3092 = arith.remsi %add3A_3090, %rem3A_3091 : i32
        %mul3A_3093 = arith.constant 16 : i32
        %mul3A_3094 = arith.muli %add3A_3090, %mul3A_3093 : i32
        %get3A_3095 = arith.index_cast %mul3A_3094 : i32 to index
        %get3A_3096 = tpu.vector_load %arg7[%get3A_3095] {strides = array<i32>} : memref<512xi32, #tpu.memory_space<vmem>>, vector<16xi32>,
        %get3A_3097 = arith.index_cast %mul3A_3094 : i32 to index
        %get3A_3098 = tpu.vector_load %arg8[%get3A_3097] {strides = array<i32>} : memref<512xi32, #tpu.memory_space<vmem>>, vector<16xi32>,
        %get3A_3099 = arith.index_cast %mul3A_3094 : i32 to index
        %get3A_3100 = tpu.vector_load %arg9[%get3A_3099] {strides = array<i32>} : memref<512xi32, #tpu.memory_space<vmem>>, vector<16xi32>,
        %slice3A_3101 = vector.extract_strided_slice %get3A_3096 {offsets = [0], sizes = [1], strides = [1]} : vector<16xi32> to vector<1xi32>
        %squeeze3A_3102 = vector.extract %slice3A_3101[0] : i32 from vector<1xi32>
        %dma_start3A_3103 = arith.constant 0 : i32
        %dma_start3A_3104 = arith.constant 0 : i32
        %dma_start3A_3105 = arith.constant 0 : i32
        %dma_start3A_3106 = tpu.memref_slice %arg13[%rem3A_3092, %dma_start3A_3103, %dma_start3A_3104, %dma_start3A_3105] : memref<2x16x8x64xf32, #tpu.memory_space<vmem>> -> memref<1x16x8x64xf32, #tpu.memory_space<vmem>>
        %dma_start3A_3107 = tpu.memref_squeeze %dma_start3A_3106 : memref<1x16x8x64xf32, #tpu.memory_space<vmem>> -> memref<16x8x64xf32, #tpu.memory_space<vmem>>
        %dma_start3A_3108 = arith.constant 0 : i32
        %dma_start3A_3109 = arith.constant 0 : i32
        %dma_start3A_3110 = arith.constant 0 : i32
        %dma_start3A_3111 = tpu.memref_slice %dma_start3A_3107[%dma_start3A_3108, %dma_start3A_3109, %dma_start3A_3110] : memref<16x8x64xf32, #tpu.memory_space<vmem>> -> memref<1x8x64xf32, #tpu.memory_space<vmem>>
        %dma_start3A_3112 = arith.constant 0 : i32
        %dma_start3A_3113 = arith.constant 0 : i32
        %dma_start3A_3114 = tpu.memref_slice %arg3[%squeeze3A_3102, %dma_start3A_3112, %dma_start3A_3113] : memref<125000x8x64xf32, #tpu.memory_space<hbm>> -> memref<1x8x64xf32, #tpu.memory_space<hbm>>
        %dma_start3A_3115 = arith.constant 0 : i32
        %dma_start3A_3116 = arith.constant 0 : i32
        %dma_start3A_3117 = arith.constant 0 : i32
        %dma_start3A_3118 = tpu.memref_slice %arg13[%rem3A_3092, %dma_start3A_3115, %dma_start3A_3116, %dma_start3A_3117] : memref<2x16x8x64xf32, #tpu.memory_space<vmem>> -> memref<1x16x8x64xf32, #tpu.memory_space<vmem>>
        %dma_start3A_3119 = tpu.memref_squeeze %dma_start3A_3118 : memref<1x16x8x64xf32, #tpu.memory_space<vmem>> -> memref<16x8x64xf32, #tpu.memory_space<vmem>>
        %dma_start3A_3120 = arith.constant 0 : i32
        %dma_start3A_3121 = arith.constant 0 : i32
        %dma_start3A_3122 = arith.constant 0 : i32
        %dma_start3A_3123 = tpu.memref_slice %dma_start3A_3119[%dma_start3A_3120, %dma_start3A_3121, %dma_start3A_3122] : memref<16x8x64xf32, #tpu.memory_space<vmem>> -> memref<1x8x64xf32, #tpu.memory_space<vmem>>
        %dma_start3A_3124 = arith.constant 0 : i32
        %dma_start3A_3125 = arith.constant 0 : i32
        %dma_start3A_3126 = tpu.memref_slice %arg3[%squeeze3A_3102, %dma_start3A_3124, %dma_start3A_3125] : memref<125000x8x64xf32, #tpu.memory_space<hbm>> -> memref<1x8x64xf32, #tpu.memory_space<hbm>>
        tpu.enqueue_dma source(%dma_start3A_3126 : memref<1x8x64xf32, #tpu.memory_space<hbm>>) target(%dma_start3A_3123 : memref<1x8x64xf32, #tpu.memory_space<vmem>>) target_semaphore(%arg17 : memref<!tpu.dma_semaphore, #tpu.memory_space<semaphore_mem>>)
        %slice3A_3127 = vector.extract_strided_slice %get3A_3098 {offsets = [0], sizes = [1], strides = [1]} : vector<16xi32> to vector<1xi32>
        %squeeze3A_3128 = vector.extract %slice3A_3127[0] : i32 from vector<1xi32>
        %dma_start3A_3129 = arith.constant 0 : i32
        %dma_start3A_3130 = arith.constant 0 : i32
        %dma_start3A_3131 = arith.constant 0 : i32
        %dma_start3A_3132 = tpu.memref_slice %arg14[%rem3A_3092, %dma_start3A_3129, %dma_start3A_3130, %dma_start3A_3131] : memref<2x16x8x64xf32, #tpu.memory_space<vmem>> -> memref<1x16x8x64xf32, #tpu.memory_space<vmem>>
        %dma_start3A_3133 = tpu.memref_squeeze %dma_start3A_3132 : memref<1x16x8x64xf32, #tpu.memory_space<vmem>> -> memref<16x8x64xf32, #tpu.memory_space<vmem>>
        %dma_start3A_3134 = arith.constant 0 : i32
        %dma_start3A_3135 = arith.constant 0 : i32
        %dma_start3A_3136 = arith.constant 0 : i32
        %dma_start3A_3137 = tpu.memref_slice %dma_start3A_3133[%dma_start3A_3134, %dma_start3A_3135, %dma_start3A_3136] : memref<16x8x64xf32, #tpu.memory_space<vmem>> -> memref<1x8x64xf32, #tpu.memory_space<vmem>>
        %dma_start3A_3138 = arith.constant 0 : i32
        %dma_start3A_3139 = arith.constant 0 : i32
        %dma_start3A_3140 = tpu.memref_slice %arg4[%squeeze3A_3128, %dma_start3A_3138, %dma_start3A_3139] : memref<125x8x64xf32, #tpu.memory_space<hbm>> -> memref<1x8x64xf32, #tpu.memory_space<hbm>>
        %dma_start3A_3141 = arith.constant 0 : i32
        %dma_start3A_3142 = arith.constant 0 : i32
        %dma_start3A_3143 = arith.constant 0 : i32
        %dma_start3A_3144 = tpu.memref_slice %arg14[%rem3A_3092, %dma_start3A_3141, %dma_start3A_3142, %dma_start3A_3143] : memref<2x16x8x64xf32, #tpu.memory_space<vmem>> -> memref<1x16x8x64xf32, #tpu.memory_space<vmem>>
        %dma_start3A_3145 = tpu.memref_squeeze %dma_start3A_3144 : memref<1x16x8x64xf32, #tpu.memory_space<vmem>> -> memref<16x8x64xf32, #tpu.memory_space<vmem>>
        %dma_start3A_3146 = arith.constant 0 : i32
        %dma_start3A_3147 = arith.constant 0 : i32
        %dma_start3A_3148 = arith.constant 0 : i32
        %dma_start3A_3149 = tpu.memref_slice %dma_start3A_3145[%dma_start3A_3146, %dma_start3A_3147, %dma_start3A_3148] : memref<16x8x64xf32, #tpu.memory_space<vmem>> -> memref<1x8x64xf32, #tpu.memory_space<vmem>>
        %dma_start3A_3150 = arith.constant 0 : i32
        %dma_start3A_3151 = arith.constant 0 : i32
        %dma_start3A_3152 = tpu.memref_slice %arg4[%squeeze3A_3128, %dma_start3A_3150, %dma_start3A_3151] : memref<125x8x64xf32, #tpu.memory_space<hbm>> -> memref<1x8x64xf32, #tpu.memory_space<hbm>>
        tpu.enqueue_dma source(%dma_start3A_3152 : memref<1x8x64xf32, #tpu.memory_space<hbm>>) target(%dma_start3A_3149 : memref<1x8x64xf32, #tpu.memory_space<vmem>>) target_semaphore(%arg17 : memref<!tpu.dma_semaphore, #tpu.memory_space<semaphore_mem>>)
        %slice3A_3153 = vector.extract_strided_slice %get3A_3100 {offsets = [0], sizes = [1], strides = [1]} : vector<16xi32> to vector<1xi32>
        %squeeze3A_3154 = vector.extract %slice3A_3153[0] : i32 from vector<1xi32>
        %dma_start3A_3155 = arith.constant 0 : i32
        %dma_start3A_3156 = arith.constant 0 : i32
        %dma_start3A_3157 = arith.constant 0 : i32
        %dma_start3A_3158 = tpu.memref_slice %arg15[%rem3A_3092, %dma_start3A_3155, %dma_start3A_3156, %dma_start3A_3157] : memref<2x16x8x64xf32, #tpu.memory_space<vmem>> -> memref<1x16x8x64xf32, #tpu.memory_space<vmem>>
        %dma_start3A_3159 = tpu.memref_squeeze %dma_start3A_3158 : memref<1x16x8x64xf32, #tpu.memory_space<vmem>> -> memref<16x8x64xf32, #tpu.memory_space<vmem>>
        %dma_start3A_3160 = arith.constant 0 : i32
        %dma_start3A_3161 = arith.constant 0 : i32
        %dma_start3A_3162 = arith.constant 0 : i32
        %dma_start3A_3163 = tpu.memref_slice %dma_start3A_3159[%dma_start3A_3160, %dma_start3A_3161, %dma_start3A_3162] : memref<16x8x64xf32, #tpu.memory_space<vmem>> -> memref<1x8x64xf32, #tpu.memory_space<vmem>>
        %dma_start3A_3164 = arith.constant 0 : i32
        %dma_start3A_3165 = arith.constant 0 : i32
        %dma_start3A_3166 = tpu.memref_slice %arg3[%squeeze3A_3154, %dma_start3A_3164, %dma_start3A_3165] : memref<125000x8x64xf32, #tpu.memory_space<hbm>> -> memref<1x8x64xf32, #tpu.memory_space<hbm>>
        %dma_start3A_3167 = arith.constant 0 : i32
        %dma_start3A_3168 = arith.constant 0 : i32
        %dma_start3A_3169 = arith.constant 0 : i32
        %dma_start3A_3170 = tpu.memref_slice %arg15[%rem3A_3092, %dma_start3A_3167, %dma_start3A_3168, %dma_start3A_3169] : memref<2x16x8x64xf32, #tpu.memory_space<vmem>> -> memref<1x16x8x64xf32, #tpu.memory_space<vmem>>
        %dma_start3A_3171 = tpu.memref_squeeze %dma_start3A_3170 : memref<1x16x8x64xf32, #tpu.memory_space<vmem>> -> memref<16x8x64xf32, #tpu.memory_space<vmem>>
        %dma_start3A_3172 = arith.constant 0 : i32
        %dma_start3A_3173 = arith.constant 0 : i32
        %dma_start3A_3174 = arith.constant 0 : i32
        %dma_start3A_3175 = tpu.memref_slice %dma_start3A_3171[%dma_start3A_3172, %dma_start3A_3173, %dma_start3A_3174] : memref<16x8x64xf32, #tpu.memory_space<vmem>> -> memref<1x8x64xf32, #tpu.memory_space<vmem>>
        %dma_start3A_3176 = arith.constant 0 : i32
        %dma_start3A_3177 = arith.constant 0 : i32
        %dma_start3A_3178 = tpu.memref_slice %arg3[%squeeze3A_3154, %dma_start3A_3176, %dma_start3A_3177] : memref<125000x8x64xf32, #tpu.memory_space<hbm>> -> memref<1x8x64xf32, #tpu.memory_space<hbm>>
        tpu.enqueue_dma source(%dma_start3A_3178 : memref<1x8x64xf32, #tpu.memory_space<hbm>>) target(%dma_start3A_3175 : memref<1x8x64xf32, #tpu.memory_space<vmem>>) target_semaphore(%arg17 : memref<!tpu.dma_semaphore, #tpu.memory_space<semaphore_mem>>)
        %slice3A_3179 = vector.extract_strided_slice %get3A_3096 {offsets = [1], sizes = [1], strides = [1]} : vector<16xi32> to vector<1xi32>
        %squeeze3A_3180 = vector.extract %slice3A_3179[0] : i32 from vector<1xi32>
        %dma_start3A_3181 = arith.constant 0 : i32
        %dma_start3A_3182 = arith.constant 0 : i32
        %dma_start3A_3183 = arith.constant 0 : i32
        %dma_start3A_3184 = tpu.memref_slice %arg13[%rem3A_3092, %dma_start3A_3181, %dma_start3A_3182, %dma_start3A_3183] : memref<2x16x8x64xf32, #tpu.memory_space<vmem>> -> memref<1x16x8x64xf32, #tpu.memory_space<vmem>>
        %dma_start3A_3185 = tpu.memref_squeeze %dma_start3A_3184 : memref<1x16x8x64xf32, #tpu.memory_space<vmem>> -> memref<16x8x64xf32, #tpu.memory_space<vmem>>
        %dma_start3A_3186 = arith.constant 1 : i32
        %dma_start3A_3187 = arith.constant 0 : i32
        %dma_start3A_3188 = arith.constant 0 : i32
        %dma_start3A_3189 = tpu.memref_slice %dma_start3A_3185[%dma_start3A_3186, %dma_start3A_3187, %dma_start3A_3188] : memref<16x8x64xf32, #tpu.memory_space<vmem>> -> memref<1x8x64xf32, #tpu.memory_space<vmem>>
        %dma_start3A_3190 = arith.constant 0 : i32
        %dma_start3A_3191 = arith.constant 0 : i32
        %dma_start3A_3192 = tpu.memref_slice %arg3[%squeeze3A_3180, %dma_start3A_3190, %dma_start3A_3191] : memref<125000x8x64xf32, #tpu.memory_space<hbm>> -> memref<1x8x64xf32, #tpu.memory_space<hbm>>
        %dma_start3A_3193 = arith.constant 0 : i32
        %dma_start3A_3194 = arith.constant 0 : i32
        %dma_start3A_3195 = arith.constant 0 : i32
        %dma_start3A_3196 = tpu.memref_slice %arg13[%rem3A_3092, %dma_start3A_3193, %dma_start3A_3194, %dma_start3A_3195] : memref<2x16x8x64xf32, #tpu.memory_space<vmem>> -> memref<1x16x8x64xf32, #tpu.memory_space<vmem>>
        %dma_start3A_3197 = tpu.memref_squeeze %dma_start3A_3196 : memref<1x16x8x64xf32, #tpu.memory_space<vmem>> -> memref<16x8x64xf32, #tpu.memory_space<vmem>>
        %dma_start3A_3198 = arith.constant 1 : i32
        %dma_start3A_3199 = arith.constant 0 : i32
        %dma_start3A_3200 = arith.constant 0 : i32
        %dma_start3A_3201 = tpu.memref_slice %dma_start3A_3197[%dma_start3A_3198, %dma_start3A_3199, %dma_start3A_3200] : memref<16x8x64xf32, #tpu.memory_space<vmem>> -> memref<1x8x64xf32, #tpu.memory_space<vmem>>
        %dma_start3A_3202 = arith.constant 0 : i32
        %dma_start3A_3203 = arith.constant 0 : i32
        %dma_start3A_3204 = tpu.memref_slice %arg3[%squeeze3A_3180, %dma_start3A_3202, %dma_start3A_3203] : memref<125000x8x64xf32, #tpu.memory_space<hbm>> -> memref<1x8x64xf32, #tpu.memory_space<hbm>>
        tpu.enqueue_dma source(%dma_start3A_3204 : memref<1x8x64xf32, #tpu.memory_space<hbm>>) target(%dma_start3A_3201 : memref<1x8x64xf32, #tpu.memory_space<vmem>>) target_semaphore(%arg17 : memref<!tpu.dma_semaphore, #tpu.memory_space<semaphore_mem>>)
        %slice3A_3205 = vector.extract_strided_slice %get3A_3098 {offsets = [1], sizes = [1], strides = [1]} : vector<16xi32> to vector<1xi32>
        %squeeze3A_3206 = vector.extract %slice3A_3205[0] : i32 from vector<1xi32>
        %dma_start3A_3207 = arith.constant 0 : i32
        %dma_start3A_3208 = arith.constant 0 : i32
        %dma_start3A_3209 = arith.constant 0 : i32
        %dma_start3A_3210 = tpu.memref_slice %arg14[%rem3A_3092, %dma_start3A_3207, %dma_start3A_3208, %dma_start3A_3209] : memref<2x16x8x64xf32, #tpu.memory_space<vmem>> -> memref<1x16x8x64xf32, #tpu.memory_space<vmem>>
        %dma_start3A_3211 = tpu.memref_squeeze %dma_start3A_3210 : memref<1x16x8x64xf32, #tpu.memory_space<vmem>> -> memref<16x8x64xf32, #tpu.memory_space<vmem>>
        %dma_start3A_3212 = arith.constant 1 : i32
        %dma_start3A_3213 = arith.constant 0 : i32
        %dma_start3A_3214 = arith.constant 0 : i32
        %dma_start3A_3215 = tpu.memref_slice %dma_start3A_3211[%dma_start3A_3212, %dma_start3A_3213, %dma_start3A_3214] : memref<16x8x64xf32, #tpu.memory_space<vmem>> -> memref<1x8x64xf32, #tpu.memory_space<vmem>>
        %dma_start3A_3216 = arith.constant 0 : i32
        %dma_start3A_3217 = arith.constant 0 : i32
        %dma_start3A_3218 = tpu.memref_slice %arg4[%squeeze3A_3206, %dma_start3A_3216, %dma_start3A_3217] : memref<125x8x64xf32, #tpu.memory_space<hbm>> -> memref<1x8x64xf32, #tpu.memory_space<hbm>>
        %dma_start3A_3219 = arith.constant 0 : i32
        %dma_start3A_3220 = arith.constant 0 : i32
        %dma_start3A_3221 = arith.constant 0 : i32
        %dma_start3A_3222 = tpu.memref_slice %arg14[%rem3A_3092, %dma_start3A_3219, %dma_start3A_3220, %dma_start3A_3221] : memref<2x16x8x64xf32, #tpu.memory_space<vmem>> -> memref<1x16x8x64xf32, #tpu.memory_space<vmem>>
        %dma_start3A_3223 = tpu.memref_squeeze %dma_start3A_3222 : memref<1x16x8x64xf32, #tpu.memory_space<vmem>> -> memref<16x8x64xf32, #tpu.memory_space<vmem>>
        %dma_start3A_3224 = arith.constant 1 : i32
        %dma_start3A_3225 = arith.constant 0 : i32
        %dma_start3A_3226 = arith.constant 0 : i32
        %dma_start3A_3227 = tpu.memref_slice %dma_start3A_3223[%dma_start3A_3224, %dma_start3A_3225, %dma_start3A_3226] : memref<16x8x64xf32, #tpu.memory_space<vmem>> -> memref<1x8x64xf32, #tpu.memory_space<vmem>>
        %dma_start3A_3228 = arith.constant 0 : i32
        %dma_start3A_3229 = arith.constant 0 : i32
        %dma_start3A_3230 = tpu.memref_slice %arg4[%squeeze3A_3206, %dma_start3A_3228, %dma_start3A_3229] : memref<125x8x64xf32, #tpu.memory_space<hbm>> -> memref<1x8x64xf32, #tpu.memory_space<hbm>>
        tpu.enqueue_dma source(%dma_start3A_3230 : memref<1x8x64xf32, #tpu.memory_space<hbm>>) target(%dma_start3A_3227 : memref<1x8x64xf32, #tpu.memory_space<vmem>>) target_semaphore(%arg17 : memref<!tpu.dma_semaphore, #tpu.memory_space<semaphore_mem>>)
        %slice3A_3231 = vector.extract_strided_slice %get3A_3100 {offsets = [1], sizes = [1], strides = [1]} : vector<16xi32> to vector<1xi32>
        %squeeze3A_3232 = vector.extract %slice3A_3231[0] : i32 from vector<1xi32>
        %dma_start3A_3233 = arith.constant 0 : i32
        %dma_start3A_3234 = arith.constant 0 : i32
        %dma_start3A_3235 = arith.constant 0 : i32
        %dma_start3A_3236 = tpu.memref_slice %arg15[%rem3A_3092, %dma_start3A_3233, %dma_start3A_3234, %dma_start3A_3235] : memref<2x16x8x64xf32, #tpu.memory_space<vmem>> -> memref<1x16x8x64xf32, #tpu.memory_space<vmem>>
        %dma_start3A_3237 = tpu.memref_squeeze %dma_start3A_3236 : memref<1x16x8x64xf32, #tpu.memory_space<vmem>> -> memref<16x8x64xf32, #tpu.memory_space<vmem>>
        %dma_start3A_3238 = arith.constant 1 : i32
        %dma_start3A_3239 = arith.constant 0 : i32
        %dma_start3A_3240 = arith.constant 0 : i32
        %dma_start3A_3241 = tpu.memref_slice %dma_start3A_3237[%dma_start3A_3238, %dma_start3A_3239, %dma_start3A_3240] : memref<16x8x64xf32, #tpu.memory_space<vmem>> -> memref<1x8x64xf32, #tpu.memory_space<vmem>>
        %dma_start3A_3242 = arith.constant 0 : i32
        %dma_start3A_3243 = arith.constant 0 : i32
        %dma_start3A_3244 = tpu.memref_slice %arg3[%squeeze3A_3232, %dma_start3A_3242, %dma_start3A_3243] : memref<125000x8x64xf32, #tpu.memory_space<hbm>> -> memref<1x8x64xf32, #tpu.memory_space<hbm>>
        %dma_start3A_3245 = arith.constant 0 : i32
        %dma_start3A_3246 = arith.constant 0 : i32
        %dma_start3A_3247 = arith.constant 0 : i32
        %dma_start3A_3248 = tpu.memref_slice %arg15[%rem3A_3092, %dma_start3A_3245, %dma_start3A_3246, %dma_start3A_3247] : memref<2x16x8x64xf32, #tpu.memory_space<vmem>> -> memref<1x16x8x64xf32, #tpu.memory_space<vmem>>
        %dma_start3A_3249 = tpu.memref_squeeze %dma_start3A_3248 : memref<1x16x8x64xf32, #tpu.memory_space<vmem>> -> memref<16x8x64xf32, #tpu.memory_space<vmem>>
        %dma_start3A_3250 = arith.constant 1 : i32
        %dma_start3A_3251 = arith.constant 0 : i32
        %dma_start3A_3252 = arith.constant 0 : i32
        %dma_start3A_3253 = tpu.memref_slice %dma_start3A_3249[%dma_start3A_3250, %dma_start3A_3251, %dma_start3A_3252] : memref<16x8x64xf32, #tpu.memory_space<vmem>> -> memref<1x8x64xf32, #tpu.memory_space<vmem>>
        %dma_start3A_3254 = arith.constant 0 : i32
        %dma_start3A_3255 = arith.constant 0 : i32
        %dma_start3A_3256 = tpu.memref_slice %arg3[%squeeze3A_3232, %dma_start3A_3254, %dma_start3A_3255] : memref<125000x8x64xf32, #tpu.memory_space<hbm>> -> memref<1x8x64xf32, #tpu.memory_space<hbm>>
        tpu.enqueue_dma source(%dma_start3A_3256 : memref<1x8x64xf32, #tpu.memory_space<hbm>>) target(%dma_start3A_3253 : memref<1x8x64xf32, #tpu.memory_space<vmem>>) target_semaphore(%arg17 : memref<!tpu.dma_semaphore, #tpu.memory_space<semaphore_mem>>)
        %slice3A_3257 = vector.extract_strided_slice %get3A_3096 {offsets = [2], sizes = [1], strides = [1]} : vector<16xi32> to vector<1xi32>
        %squeeze3A_3258 = vector.extract %slice3A_3257[0] : i32 from vector<1xi32>
        %dma_start3A_3259 = arith.constant 0 : i32
        %dma_start3A_3260 = arith.constant 0 : i32
        %dma_start3A_3261 = arith.constant 0 : i32
        %dma_start3A_3262 = tpu.memref_slice %arg13[%rem3A_3092, %dma_start3A_3259, %dma_start3A_3260, %dma_start3A_3261] : memref<2x16x8x64xf32, #tpu.memory_space<vmem>> -> memref<1x16x8x64xf32, #tpu.memory_space<vmem>>
        %dma_start3A_3263 = tpu.memref_squeeze %dma_start3A_3262 : memref<1x16x8x64xf32, #tpu.memory_space<vmem>> -> memref<16x8x64xf32, #tpu.memory_space<vmem>>
        %dma_start3A_3264 = arith.constant 2 : i32
        %dma_start3A_3265 = arith.constant 0 : i32
        %dma_start3A_3266 = arith.constant 0 : i32
        %dma_start3A_3267 = tpu.memref_slice %dma_start3A_3263[%dma_start3A_3264, %dma_start3A_3265, %dma_start3A_3266] : memref<16x8x64xf32, #tpu.memory_space<vmem>> -> memref<1x8x64xf32, #tpu.memory_space<vmem>>
        %dma_start3A_3268 = arith.constant 0 : i32
        %dma_start3A_3269 = arith.constant 0 : i32
        %dma_start3A_3270 = tpu.memref_slice %arg3[%squeeze3A_3258, %dma_start3A_3268, %dma_start3A_3269] : memref<125000x8x64xf32, #tpu.memory_space<hbm>> -> memref<1x8x64xf32, #tpu.memory_space<hbm>>
        %dma_start3A_3271 = arith.constant 0 : i32
        %dma_start3A_3272 = arith.constant 0 : i32
        %dma_start3A_3273 = arith.constant 0 : i32
        %dma_start3A_3274 = tpu.memref_slice %arg13[%rem3A_3092, %dma_start3A_3271, %dma_start3A_3272, %dma_start3A_3273] : memref<2x16x8x64xf32, #tpu.memory_space<vmem>> -> memref<1x16x8x64xf32, #tpu.memory_space<vmem>>
        %dma_start3A_3275 = tpu.memref_squeeze %dma_start3A_3274 : memref<1x16x8x64xf32, #tpu.memory_space<vmem>> -> memref<16x8x64xf32, #tpu.memory_space<vmem>>
        %dma_start3A_3276 = arith.constant 2 : i32
        %dma_start3A_3277 = arith.constant 0 : i32
        %dma_start3A_3278 = arith.constant 0 : i32
        %dma_start3A_3279 = tpu.memref_slice %dma_start3A_3275[%dma_start3A_3276, %dma_start3A_3277, %dma_start3A_3278] : memref<16x8x64xf32, #tpu.memory_space<vmem>> -> memref<1x8x64xf32, #tpu.memory_space<vmem>>
        %dma_start3A_3280 = arith.constant 0 : i32
        %dma_start3A_3281 = arith.constant 0 : i32
        %dma_start3A_3282 = tpu.memref_slice %arg3[%squeeze3A_3258, %dma_start3A_3280, %dma_start3A_3281] : memref<125000x8x64xf32, #tpu.memory_space<hbm>> -> memref<1x8x64xf32, #tpu.memory_space<hbm>>
        tpu.enqueue_dma source(%dma_start3A_3282 : memref<1x8x64xf32, #tpu.memory_space<hbm>>) target(%dma_start3A_3279 : memref<1x8x64xf32, #tpu.memory_space<vmem>>) target_semaphore(%arg17 : memref<!tpu.dma_semaphore, #tpu.memory_space<semaphore_mem>>)
        %slice3A_3283 = vector.extract_strided_slice %get3A_3098 {offsets = [2], sizes = [1], strides = [1]} : vector<16xi32> to vector<1xi32>
        %squeeze3A_3284 = vector.extract %slice3A_3283[0] : i32 from vector<1xi32>
        %dma_start3A_3285 = arith.constant 0 : i32
        %dma_start3A_3286 = arith.constant 0 : i32
        %dma_start3A_3287 = arith.constant 0 : i32
        %dma_start3A_3288 = tpu.memref_slice %arg14[%rem3A_3092, %dma_start3A_3285, %dma_start3A_3286, %dma_start3A_3287] : memref<2x16x8x64xf32, #tpu.memory_space<vmem>> -> memref<1x16x8x64xf32, #tpu.memory_space<vmem>>
        %dma_start3A_3289 = tpu.memref_squeeze %dma_start3A_3288 : memref<1x16x8x64xf32, #tpu.memory_space<vmem>> -> memref<16x8x64xf32, #tpu.memory_space<vmem>>
        %dma_start3A_3290 = arith.constant 2 : i32
        %dma_start3A_3291 = arith.constant 0 : i32
        %dma_start3A_3292 = arith.constant 0 : i32
        %dma_start3A_3293 = tpu.memref_slice %dma_start3A_3289[%dma_start3A_3290, %dma_start3A_3291, %dma_start3A_3292] : memref<16x8x64xf32, #tpu.memory_space<vmem>> -> memref<1x8x64xf32, #tpu.memory_space<vmem>>
        %dma_start3A_3294 = arith.constant 0 : i32
        %dma_start3A_3295 = arith.constant 0 : i32
        %dma_start3A_3296 = tpu.memref_slice %arg4[%squeeze3A_3284, %dma_start3A_3294, %dma_start3A_3295] : memref<125x8x64xf32, #tpu.memory_space<hbm>> -> memref<1x8x64xf32, #tpu.memory_space<hbm>>
        %dma_start3A_3297 = arith.constant 0 : i32
        %dma_start3A_3298 = arith.constant 0 : i32
        %dma_start3A_3299 = arith.constant 0 : i32
        %dma_start3A_3300 = tpu.memref_slice %arg14[%rem3A_3092, %dma_start3A_3297, %dma_start3A_3298, %dma_start3A_3299] : memref<2x16x8x64xf32, #tpu.memory_space<vmem>> -> memref<1x16x8x64xf32, #tpu.memory_space<vmem>>
        %dma_start3A_3301 = tpu.memref_squeeze %dma_start3A_3300 : memref<1x16x8x64xf32, #tpu.memory_space<vmem>> -> memref<16x8x64xf32, #tpu.memory_space<vmem>>
        %dma_start3A_3302 = arith.constant 2 : i32
        %dma_start3A_3303 = arith.constant 0 : i32
        %dma_start3A_3304 = arith.constant 0 : i32
        %dma_start3A_3305 = tpu.memref_slice %dma_start3A_3301[%dma_start3A_3302, %dma_start3A_3303, %dma_start3A_3304] : memref<16x8x64xf32, #tpu.memory_space<vmem>> -> memref<1x8x64xf32, #tpu.memory_space<vmem>>
        %dma_start3A_3306 = arith.constant 0 : i32
        %dma_start3A_3307 = arith.constant 0 : i32
        %dma_start3A_3308 = tpu.memref_slice %arg4[%squeeze3A_3284, %dma_start3A_3306, %dma_start3A_3307] : memref<125x8x64xf32, #tpu.memory_space<hbm>> -> memref<1x8x64xf32, #tpu.memory_space<hbm>>
        tpu.enqueue_dma source(%dma_start3A_3308 : memref<1x8x64xf32, #tpu.memory_space<hbm>>) target(%dma_start3A_3305 : memref<1x8x64xf32, #tpu.memory_space<vmem>>) target_semaphore(%arg17 : memref<!tpu.dma_semaphore, #tpu.memory_space<semaphore_mem>>)
        %slice3A_3309 = vector.extract_strided_slice %get3A_3100 {offsets = [2], sizes = [1], strides = [1]} : vector<16xi32> to vector<1xi32>
        %squeeze3A_3310 = vector.extract %slice3A_3309[0] : i32 from vector<1xi32>
        %dma_start3A_3311 = arith.constant 0 : i32
        %dma_start3A_3312 = arith.constant 0 : i32
        %dma_start3A_3313 = arith.constant 0 : i32
        %dma_start3A_3314 = tpu.memref_slice %arg15[%rem3A_3092, %dma_start3A_3311, %dma_start3A_3312, %dma_start3A_3313] : memref<2x16x8x64xf32, #tpu.memory_space<vmem>> -> memref<1x16x8x64xf32, #tpu.memory_space<vmem>>
        %dma_start3A_3315 = tpu.memref_squeeze %dma_start3A_3314 : memref<1x16x8x64xf32, #tpu.memory_space<vmem>> -> memref<16x8x64xf32, #tpu.memory_space<vmem>>
        %dma_start3A_3316 = arith.constant 2 : i32
        %dma_start3A_3317 = arith.constant 0 : i32
        %dma_start3A_3318 = arith.constant 0 : i32
        %dma_start3A_3319 = tpu.memref_slice %dma_start3A_3315[%dma_start3A_3316, %dma_start3A_3317, %dma_start3A_3318] : memref<16x8x64xf32, #tpu.memory_space<vmem>> -> memref<1x8x64xf32, #tpu.memory_space<vmem>>
        %dma_start3A_3320 = arith.constant 0 : i32
        %dma_start3A_3321 = arith.constant 0 : i32
        %dma_start3A_3322 = tpu.memref_slice %arg3[%squeeze3A_3310, %dma_start3A_3320, %dma_start3A_3321] : memref<125000x8x64xf32, #tpu.memory_space<hbm>> -> memref<1x8x64xf32, #tpu.memory_space<hbm>>
        %dma_start3A_3323 = arith.constant 0 : i32
        %dma_start3A_3324 = arith.constant 0 : i32
        %dma_start3A_3325 = arith.constant 0 : i32
        %dma_start3A_3326 = tpu.memref_slice %arg15[%rem3A_3092, %dma_start3A_3323, %dma_start3A_3324, %dma_start3A_3325] : memref<2x16x8x64xf32, #tpu.memory_space<vmem>> -> memref<1x16x8x64xf32, #tpu.memory_space<vmem>>
        %dma_start3A_3327 = tpu.memref_squeeze %dma_start3A_3326 : memref<1x16x8x64xf32, #tpu.memory_space<vmem>> -> memref<16x8x64xf32, #tpu.memory_space<vmem>>
        %dma_start3A_3328 = arith.constant 2 : i32
        %dma_start3A_3329 = arith.constant 0 : i32
        %dma_start3A_3330 = arith.constant 0 : i32
        %dma_start3A_3331 = tpu.memref_slice %dma_start3A_3327[%dma_start3A_3328, %dma_start3A_3329, %dma_start3A_3330] : memref<16x8x64xf32, #tpu.memory_space<vmem>> -> memref<1x8x64xf32, #tpu.memory_space<vmem>>
        %dma_start3A_3332 = arith.constant 0 : i32
        %dma_start3A_3333 = arith.constant 0 : i32
        %dma_start3A_3334 = tpu.memref_slice %arg3[%squeeze3A_3310, %dma_start3A_3332, %dma_start3A_3333] : memref<125000x8x64xf32, #tpu.memory_space<hbm>> -> memref<1x8x64xf32, #tpu.memory_space<hbm>>
        tpu.enqueue_dma source(%dma_start3A_3334 : memref<1x8x64xf32, #tpu.memory_space<hbm>>) target(%dma_start3A_3331 : memref<1x8x64xf32, #tpu.memory_space<vmem>>) target_semaphore(%arg17 : memref<!tpu.dma_semaphore, #tpu.memory_space<semaphore_mem>>)
        %slice3A_3335 = vector.extract_strided_slice %get3A_3096 {offsets = [3], sizes = [1], strides = [1]} : vector<16xi32> to vector<1xi32>
        %squeeze3A_3336 = vector.extract %slice3A_3335[0] : i32 from vector<1xi32>
        %dma_start3A_3337 = arith.constant 0 : i32
        %dma_start3A_3338 = arith.constant 0 : i32
        %dma_start3A_3339 = arith.constant 0 : i32
        %dma_start3A_3340 = tpu.memref_slice %arg13[%rem3A_3092, %dma_start3A_3337, %dma_start3A_3338, %dma_start3A_3339] : memref<2x16x8x64xf32, #tpu.memory_space<vmem>> -> memref<1x16x8x64xf32, #tpu.memory_space<vmem>>
        %dma_start3A_3341 = tpu.memref_squeeze %dma_start3A_3340 : memref<1x16x8x64xf32, #tpu.memory_space<vmem>> -> memref<16x8x64xf32, #tpu.memory_space<vmem>>
        %dma_start3A_3342 = arith.constant 3 : i32
        %dma_start3A_3343 = arith.constant 0 : i32
        %dma_start3A_3344 = arith.constant 0 : i32
        %dma_start3A_3345 = tpu.memref_slice %dma_start3A_3341[%dma_start3A_3342, %dma_start3A_3343, %dma_start3A_3344] : memref<16x8x64xf32, #tpu.memory_space<vmem>> -> memref<1x8x64xf32, #tpu.memory_space<vmem>>
        %dma_start3A_3346 = arith.constant 0 : i32
        %dma_start3A_3347 = arith.constant 0 : i32
        %dma_start3A_3348 = tpu.memref_slice %arg3[%squeeze3A_3336, %dma_start3A_3346, %dma_start3A_3347] : memref<125000x8x64xf32, #tpu.memory_space<hbm>> -> memref<1x8x64xf32, #tpu.memory_space<hbm>>
        %dma_start3A_3349 = arith.constant 0 : i32
        %dma_start3A_3350 = arith.constant 0 : i32
        %dma_start3A_3351 = arith.constant 0 : i32
        %dma_start3A_3352 = tpu.memref_slice %arg13[%rem3A_3092, %dma_start3A_3349, %dma_start3A_3350, %dma_start3A_3351] : memref<2x16x8x64xf32, #tpu.memory_space<vmem>> -> memref<1x16x8x64xf32, #tpu.memory_space<vmem>>
        %dma_start3A_3353 = tpu.memref_squeeze %dma_start3A_3352 : memref<1x16x8x64xf32, #tpu.memory_space<vmem>> -> memref<16x8x64xf32, #tpu.memory_space<vmem>>
        %dma_start3A_3354 = arith.constant 3 : i32
        %dma_start3A_3355 = arith.constant 0 : i32
        %dma_start3A_3356 = arith.constant 0 : i32
        %dma_start3A_3357 = tpu.memref_slice %dma_start3A_3353[%dma_start3A_3354, %dma_start3A_3355, %dma_start3A_3356] : memref<16x8x64xf32, #tpu.memory_space<vmem>> -> memref<1x8x64xf32, #tpu.memory_space<vmem>>
        %dma_start3A_3358 = arith.constant 0 : i32
        %dma_start3A_3359 = arith.constant 0 : i32
        %dma_start3A_3360 = tpu.memref_slice %arg3[%squeeze3A_3336, %dma_start3A_3358, %dma_start3A_3359] : memref<125000x8x64xf32, #tpu.memory_space<hbm>> -> memref<1x8x64xf32, #tpu.memory_space<hbm>>
        tpu.enqueue_dma source(%dma_start3A_3360 : memref<1x8x64xf32, #tpu.memory_space<hbm>>) target(%dma_start3A_3357 : memref<1x8x64xf32, #tpu.memory_space<vmem>>) target_semaphore(%arg17 : memref<!tpu.dma_semaphore, #tpu.memory_space<semaphore_mem>>)
        %slice3A_3361 = vector.extract_strided_slice %get3A_3098 {offsets = [3], sizes = [1], strides = [1]} : vector<16xi32> to vector<1xi32>
        %squeeze3A_3362 = vector.extract %slice3A_3361[0] : i32 from vector<1xi32>
        %dma_start3A_3363 = arith.constant 0 : i32
        %dma_start3A_3364 = arith.constant 0 : i32
        %dma_start3A_3365 = arith.constant 0 : i32
        %dma_start3A_3366 = tpu.memref_slice %arg14[%rem3A_3092, %dma_start3A_3363, %dma_start3A_3364, %dma_start3A_3365] : memref<2x16x8x64xf32, #tpu.memory_space<vmem>> -> memref<1x16x8x64xf32, #tpu.memory_space<vmem>>
        %dma_start3A_3367 = tpu.memref_squeeze %dma_start3A_3366 : memref<1x16x8x64xf32, #tpu.memory_space<vmem>> -> memref<16x8x64xf32, #tpu.memory_space<vmem>>
        %dma_start3A_3368 = arith.constant 3 : i32
        %dma_start3A_3369 = arith.constant 0 : i32
        %dma_start3A_3370 = arith.constant 0 : i32
        %dma_start3A_3371 = tpu.memref_slice %dma_start3A_3367[%dma_start3A_3368, %dma_start3A_3369, %dma_start3A_3370] : memref<16x8x64xf32, #tpu.memory_space<vmem>> -> memref<1x8x64xf32, #tpu.memory_space<vmem>>
        %dma_start3A_3372 = arith.constant 0 : i32
        %dma_start3A_3373 = arith.constant 0 : i32
        %dma_start3A_3374 = tpu.memref_slice %arg4[%squeeze3A_3362, %dma_start3A_3372, %dma_start3A_3373] : memref<125x8x64xf32, #tpu.memory_space<hbm>> -> memref<1x8x64xf32, #tpu.memory_space<hbm>>
        %dma_start3A_3375 = arith.constant 0 : i32
        %dma_start3A_3376 = arith.constant 0 : i32
        %dma_start3A_3377 = arith.constant 0 : i32
        %dma_start3A_3378 = tpu.memref_slice %arg14[%rem3A_3092, %dma_start3A_3375, %dma_start3A_3376, %dma_start3A_3377] : memref<2x16x8x64xf32, #tpu.memory_space<vmem>> -> memref<1x16x8x64xf32, #tpu.memory_space<vmem>>
        %dma_start3A_3379 = tpu.memref_squeeze %dma_start3A_3378 : memref<1x16x8x64xf32, #tpu.memory_space<vmem>> -> memref<16x8x64xf32, #tpu.memory_space<vmem>>
        %dma_start3A_3380 = arith.constant 3 : i32
        %dma_start3A_3381 = arith.constant 0 : i32
        %dma_start3A_3382 = arith.constant 0 : i32
        %dma_start3A_3383 = tpu.memref_slice %dma_start3A_3379[%dma_start3A_3380, %dma_start3A_3381, %dma_start3A_3382] : memref<16x8x64xf32, #tpu.memory_space<vmem>> -> memref<1x8x64xf32, #tpu.memory_space<vmem>>
        %dma_start3A_3384 = arith.constant 0 : i32
        %dma_start3A_3385 = arith.constant 0 : i32
        %dma_start3A_3386 = tpu.memref_slice %arg4[%squeeze3A_3362, %dma_start3A_3384, %dma_start3A_3385] : memref<125x8x64xf32, #tpu.memory_space<hbm>> -> memref<1x8x64xf32, #tpu.memory_space<hbm>>
        tpu.enqueue_dma source(%dma_start3A_3386 : memref<1x8x64xf32, #tpu.memory_space<hbm>>) target(%dma_start3A_3383 : memref<1x8x64xf32, #tpu.memory_space<vmem>>) target_semaphore(%arg17 : memref<!tpu.dma_semaphore, #tpu.memory_space<semaphore_mem>>)
        %slice3A_3387 = vector.extract_strided_slice %get3A_3100 {offsets = [3], sizes = [1], strides = [1]} : vector<16xi32> to vector<1xi32>
        %squeeze3A_3388 = vector.extract %slice3A_3387[0] : i32 from vector<1xi32>
        %dma_start3A_3389 = arith.constant 0 : i32
        %dma_start3A_3390 = arith.constant 0 : i32
        %dma_start3A_3391 = arith.constant 0 : i32
        %dma_start3A_3392 = tpu.memref_slice %arg15[%rem3A_3092, %dma_start3A_3389, %dma_start3A_3390, %dma_start3A_3391] : memref<2x16x8x64xf32, #tpu.memory_space<vmem>> -> memref<1x16x8x64xf32, #tpu.memory_space<vmem>>
        %dma_start3A_3393 = tpu.memref_squeeze %dma_start3A_3392 : memref<1x16x8x64xf32, #tpu.memory_space<vmem>> -> memref<16x8x64xf32, #tpu.memory_space<vmem>>
        %dma_start3A_3394 = arith.constant 3 : i32
        %dma_start3A_3395 = arith.constant 0 : i32
        %dma_start3A_3396 = arith.constant 0 : i32
        %dma_start3A_3397 = tpu.memref_slice %dma_start3A_3393[%dma_start3A_3394, %dma_start3A_3395, %dma_start3A_3396] : memref<16x8x64xf32, #tpu.memory_space<vmem>> -> memref<1x8x64xf32, #tpu.memory_space<vmem>>
        %dma_start3A_3398 = arith.constant 0 : i32
        %dma_start3A_3399 = arith.constant 0 : i32
        %dma_start3A_3400 = tpu.memref_slice %arg3[%squeeze3A_3388, %dma_start3A_3398, %dma_start3A_3399] : memref<125000x8x64xf32, #tpu.memory_space<hbm>> -> memref<1x8x64xf32, #tpu.memory_space<hbm>>
        %dma_start3A_3401 = arith.constant 0 : i32
        %dma_start3A_3402 = arith.constant 0 : i32
        %dma_start3A_3403 = arith.constant 0 : i32
        %dma_start3A_3404 = tpu.memref_slice %arg15[%rem3A_3092, %dma_start3A_3401, %dma_start3A_3402, %dma_start3A_3403] : memref<2x16x8x64xf32, #tpu.memory_space<vmem>> -> memref<1x16x8x64xf32, #tpu.memory_space<vmem>>
        %dma_start3A_3405 = tpu.memref_squeeze %dma_start3A_3404 : memref<1x16x8x64xf32, #tpu.memory_space<vmem>> -> memref<16x8x64xf32, #tpu.memory_space<vmem>>
        %dma_start3A_3406 = arith.constant 3 : i32
        %dma_start3A_3407 = arith.constant 0 : i32
        %dma_start3A_3408 = arith.constant 0 : i32
        %dma_start3A_3409 = tpu.memref_slice %dma_start3A_3405[%dma_start3A_3406, %dma_start3A_3407, %dma_start3A_3408] : memref<16x8x64xf32, #tpu.memory_space<vmem>> -> memref<1x8x64xf32, #tpu.memory_space<vmem>>
        %dma_start3A_3410 = arith.constant 0 : i32
        %dma_start3A_3411 = arith.constant 0 : i32
        %dma_start3A_3412 = tpu.memref_slice %arg3[%squeeze3A_3388, %dma_start3A_3410, %dma_start3A_3411] : memref<125000x8x64xf32, #tpu.memory_space<hbm>> -> memref<1x8x64xf32, #tpu.memory_space<hbm>>
        tpu.enqueue_dma source(%dma_start3A_3412 : memref<1x8x64xf32, #tpu.memory_space<hbm>>) target(%dma_start3A_3409 : memref<1x8x64xf32, #tpu.memory_space<vmem>>) target_semaphore(%arg17 : memref<!tpu.dma_semaphore, #tpu.memory_space<semaphore_mem>>)
        %slice3A_3413 = vector.extract_strided_slice %get3A_3096 {offsets = [4], sizes = [1], strides = [1]} : vector<16xi32> to vector<1xi32>
        %squeeze3A_3414 = vector.extract %slice3A_3413[0] : i32 from vector<1xi32>
        %dma_start3A_3415 = arith.constant 0 : i32
        %dma_start3A_3416 = arith.constant 0 : i32
        %dma_start3A_3417 = arith.constant 0 : i32
        %dma_start3A_3418 = tpu.memref_slice %arg13[%rem3A_3092, %dma_start3A_3415, %dma_start3A_3416, %dma_start3A_3417] : memref<2x16x8x64xf32, #tpu.memory_space<vmem>> -> memref<1x16x8x64xf32, #tpu.memory_space<vmem>>
        %dma_start3A_3419 = tpu.memref_squeeze %dma_start3A_3418 : memref<1x16x8x64xf32, #tpu.memory_space<vmem>> -> memref<16x8x64xf32, #tpu.memory_space<vmem>>
        %dma_start3A_3420 = arith.constant 4 : i32
        %dma_start3A_3421 = arith.constant 0 : i32
        %dma_start3A_3422 = arith.constant 0 : i32
        %dma_start3A_3423 = tpu.memref_slice %dma_start3A_3419[%dma_start3A_3420, %dma_start3A_3421, %dma_start3A_3422] : memref<16x8x64xf32, #tpu.memory_space<vmem>> -> memref<1x8x64xf32, #tpu.memory_space<vmem>>
        %dma_start3A_3424 = arith.constant 0 : i32
        %dma_start3A_3425 = arith.constant 0 : i32
        %dma_start3A_3426 = tpu.memref_slice %arg3[%squeeze3A_3414, %dma_start3A_3424, %dma_start3A_3425] : memref<125000x8x64xf32, #tpu.memory_space<hbm>> -> memref<1x8x64xf32, #tpu.memory_space<hbm>>
        %dma_start3A_3427 = arith.constant 0 : i32
        %dma_start3A_3428 = arith.constant 0 : i32
        %dma_start3A_3429 = arith.constant 0 : i32
        %dma_start3A_3430 = tpu.memref_slice %arg13[%rem3A_3092, %dma_start3A_3427, %dma_start3A_3428, %dma_start3A_3429] : memref<2x16x8x64xf32, #tpu.memory_space<vmem>> -> memref<1x16x8x64xf32, #tpu.memory_space<vmem>>
        %dma_start3A_3431 = tpu.memref_squeeze %dma_start3A_3430 : memref<1x16x8x64xf32, #tpu.memory_space<vmem>> -> memref<16x8x64xf32, #tpu.memory_space<vmem>>
        %dma_start3A_3432 = arith.constant 4 : i32
        %dma_start3A_3433 = arith.constant 0 : i32
        %dma_start3A_3434 = arith.constant 0 : i32
        %dma_start3A_3435 = tpu.memref_slice %dma_start3A_3431[%dma_start3A_3432, %dma_start3A_3433, %dma_start3A_3434] : memref<16x8x64xf32, #tpu.memory_space<vmem>> -> memref<1x8x64xf32, #tpu.memory_space<vmem>>
        %dma_start3A_3436 = arith.constant 0 : i32
        %dma_start3A_3437 = arith.constant 0 : i32
        %dma_start3A_3438 = tpu.memref_slice %arg3[%squeeze3A_3414, %dma_start3A_3436, %dma_start3A_3437] : memref<125000x8x64xf32, #tpu.memory_space<hbm>> -> memref<1x8x64xf32, #tpu.memory_space<hbm>>
        tpu.enqueue_dma source(%dma_start3A_3438 : memref<1x8x64xf32, #tpu.memory_space<hbm>>) target(%dma_start3A_3435 : memref<1x8x64xf32, #tpu.memory_space<vmem>>) target_semaphore(%arg17 : memref<!tpu.dma_semaphore, #tpu.memory_space<semaphore_mem>>)
        %slice3A_3439 = vector.extract_strided_slice %get3A_3098 {offsets = [4], sizes = [1], strides = [1]} : vector<16xi32> to vector<1xi32>
        %squeeze3A_3440 = vector.extract %slice3A_3439[0] : i32 from vector<1xi32>
        %dma_start3A_3441 = arith.constant 0 : i32
        %dma_start3A_3442 = arith.constant 0 : i32
        %dma_start3A_3443 = arith.constant 0 : i32
        %dma_start3A_3444 = tpu.memref_slice %arg14[%rem3A_3092, %dma_start3A_3441, %dma_start3A_3442, %dma_start3A_3443] : memref<2x16x8x64xf32, #tpu.memory_space<vmem>> -> memref<1x16x8x64xf32, #tpu.memory_space<vmem>>
        %dma_start3A_3445 = tpu.memref_squeeze %dma_start3A_3444 : memref<1x16x8x64xf32, #tpu.memory_space<vmem>> -> memref<16x8x64xf32, #tpu.memory_space<vmem>>
        %dma_start3A_3446 = arith.constant 4 : i32
        %dma_start3A_3447 = arith.constant 0 : i32
        %dma_start3A_3448 = arith.constant 0 : i32
        %dma_start3A_3449 = tpu.memref_slice %dma_start3A_3445[%dma_start3A_3446, %dma_start3A_3447, %dma_start3A_3448] : memref<16x8x64xf32, #tpu.memory_space<vmem>> -> memref<1x8x64xf32, #tpu.memory_space<vmem>>
        %dma_start3A_3450 = arith.constant 0 : i32
        %dma_start3A_3451 = arith.constant 0 : i32
        %dma_start3A_3452 = tpu.memref_slice %arg4[%squeeze3A_3440, %dma_start3A_3450, %dma_start3A_3451] : memref<125x8x64xf32, #tpu.memory_space<hbm>> -> memref<1x8x64xf32, #tpu.memory_space<hbm>>
        %dma_start3A_3453 = arith.constant 0 : i32
        %dma_start3A_3454 = arith.constant 0 : i32
        %dma_start3A_3455 = arith.constant 0 : i32
        %dma_start3A_3456 = tpu.memref_slice %arg14[%rem3A_3092, %dma_start3A_3453, %dma_start3A_3454, %dma_start3A_3455] : memref<2x16x8x64xf32, #tpu.memory_space<vmem>> -> memref<1x16x8x64xf32, #tpu.memory_space<vmem>>
        %dma_start3A_3457 = tpu.memref_squeeze %dma_start3A_3456 : memref<1x16x8x64xf32, #tpu.memory_space<vmem>> -> memref<16x8x64xf32, #tpu.memory_space<vmem>>
        %dma_start3A_3458 = arith.constant 4 : i32
        %dma_start3A_3459 = arith.constant 0 : i32
        %dma_start3A_3460 = arith.constant 0 : i32
        %dma_start3A_3461 = tpu.memref_slice %dma_start3A_3457[%dma_start3A_3458, %dma_start3A_3459, %dma_start3A_3460] : memref<16x8x64xf32, #tpu.memory_space<vmem>> -> memref<1x8x64xf32, #tpu.memory_space<vmem>>
        %dma_start3A_3462 = arith.constant 0 : i32
        %dma_start3A_3463 = arith.constant 0 : i32
        %dma_start3A_3464 = tpu.memref_slice %arg4[%squeeze3A_3440, %dma_start3A_3462, %dma_start3A_3463] : memref<125x8x64xf32, #tpu.memory_space<hbm>> -> memref<1x8x64xf32, #tpu.memory_space<hbm>>
        tpu.enqueue_dma source(%dma_start3A_3464 : memref<1x8x64xf32, #tpu.memory_space<hbm>>) target(%dma_start3A_3461 : memref<1x8x64xf32, #tpu.memory_space<vmem>>) target_semaphore(%arg17 : memref<!tpu.dma_semaphore, #tpu.memory_space<semaphore_mem>>)
        %slice3A_3465 = vector.extract_strided_slice %get3A_3100 {offsets = [4], sizes = [1], strides = [1]} : vector<16xi32> to vector<1xi32>
        %squeeze3A_3466 = vector.extract %slice3A_3465[0] : i32 from vector<1xi32>
        %dma_start3A_3467 = arith.constant 0 : i32
        %dma_start3A_3468 = arith.constant 0 : i32
        %dma_start3A_3469 = arith.constant 0 : i32
        %dma_start3A_3470 = tpu.memref_slice %arg15[%rem3A_3092, %dma_start3A_3467, %dma_start3A_3468, %dma_start3A_3469] : memref<2x16x8x64xf32, #tpu.memory_space<vmem>> -> memref<1x16x8x64xf32, #tpu.memory_space<vmem>>
        %dma_start3A_3471 = tpu.memref_squeeze %dma_start3A_3470 : memref<1x16x8x64xf32, #tpu.memory_space<vmem>> -> memref<16x8x64xf32, #tpu.memory_space<vmem>>
        %dma_start3A_3472 = arith.constant 4 : i32
        %dma_start3A_3473 = arith.constant 0 : i32
        %dma_start3A_3474 = arith.constant 0 : i32
        %dma_start3A_3475 = tpu.memref_slice %dma_start3A_3471[%dma_start3A_3472, %dma_start3A_3473, %dma_start3A_3474] : memref<16x8x64xf32, #tpu.memory_space<vmem>> -> memref<1x8x64xf32, #tpu.memory_space<vmem>>
        %dma_start3A_3476 = arith.constant 0 : i32
        %dma_start3A_3477 = arith.constant 0 : i32
        %dma_start3A_3478 = tpu.memref_slice %arg3[%squeeze3A_3466, %dma_start3A_3476, %dma_start3A_3477] : memref<125000x8x64xf32, #tpu.memory_space<hbm>> -> memref<1x8x64xf32, #tpu.memory_space<hbm>>
        %dma_start3A_3479 = arith.constant 0 : i32
        %dma_start3A_3480 = arith.constant 0 : i32
        %dma_start3A_3481 = arith.constant 0 : i32
        %dma_start3A_3482 = tpu.memref_slice %arg15[%rem3A_3092, %dma_start3A_3479, %dma_start3A_3480, %dma_start3A_3481] : memref<2x16x8x64xf32, #tpu.memory_space<vmem>> -> memref<1x16x8x64xf32, #tpu.memory_space<vmem>>
        %dma_start3A_3483 = tpu.memref_squeeze %dma_start3A_3482 : memref<1x16x8x64xf32, #tpu.memory_space<vmem>> -> memref<16x8x64xf32, #tpu.memory_space<vmem>>
        %dma_start3A_3484 = arith.constant 4 : i32
        %dma_start3A_3485 = arith.constant 0 : i32
        %dma_start3A_3486 = arith.constant 0 : i32
        %dma_start3A_3487 = tpu.memref_slice %dma_start3A_3483[%dma_start3A_3484, %dma_start3A_3485, %dma_start3A_3486] : memref<16x8x64xf32, #tpu.memory_space<vmem>> -> memref<1x8x64xf32, #tpu.memory_space<vmem>>
        %dma_start3A_3488 = arith.constant 0 : i32
        %dma_start3A_3489 = arith.constant 0 : i32
        %dma_start3A_3490 = tpu.memref_slice %arg3[%squeeze3A_3466, %dma_start3A_3488, %dma_start3A_3489] : memref<125000x8x64xf32, #tpu.memory_space<hbm>> -> memref<1x8x64xf32, #tpu.memory_space<hbm>>
        tpu.enqueue_dma source(%dma_start3A_3490 : memref<1x8x64xf32, #tpu.memory_space<hbm>>) target(%dma_start3A_3487 : memref<1x8x64xf32, #tpu.memory_space<vmem>>) target_semaphore(%arg17 : memref<!tpu.dma_semaphore, #tpu.memory_space<semaphore_mem>>)
        %slice3A_3491 = vector.extract_strided_slice %get3A_3096 {offsets = [5], sizes = [1], strides = [1]} : vector<16xi32> to vector<1xi32>
        %squeeze3A_3492 = vector.extract %slice3A_3491[0] : i32 from vector<1xi32>
        %dma_start3A_3493 = arith.constant 0 : i32
        %dma_start3A_3494 = arith.constant 0 : i32
        %dma_start3A_3495 = arith.constant 0 : i32
        %dma_start3A_3496 = tpu.memref_slice %arg13[%rem3A_3092, %dma_start3A_3493, %dma_start3A_3494, %dma_start3A_3495] : memref<2x16x8x64xf32, #tpu.memory_space<vmem>> -> memref<1x16x8x64xf32, #tpu.memory_space<vmem>>
        %dma_start3A_3497 = tpu.memref_squeeze %dma_start3A_3496 : memref<1x16x8x64xf32, #tpu.memory_space<vmem>> -> memref<16x8x64xf32, #tpu.memory_space<vmem>>
        %dma_start3A_3498 = arith.constant 5 : i32
        %dma_start3A_3499 = arith.constant 0 : i32
        %dma_start3A_3500 = arith.constant 0 : i32
        %dma_start3A_3501 = tpu.memref_slice %dma_start3A_3497[%dma_start3A_3498, %dma_start3A_3499, %dma_start3A_3500] : memref<16x8x64xf32, #tpu.memory_space<vmem>> -> memref<1x8x64xf32, #tpu.memory_space<vmem>>
        %dma_start3A_3502 = arith.constant 0 : i32
        %dma_start3A_3503 = arith.constant 0 : i32
        %dma_start3A_3504 = tpu.memref_slice %arg3[%squeeze3A_3492, %dma_start3A_3502, %dma_start3A_3503] : memref<125000x8x64xf32, #tpu.memory_space<hbm>> -> memref<1x8x64xf32, #tpu.memory_space<hbm>>
        %dma_start3A_3505 = arith.constant 0 : i32
        %dma_start3A_3506 = arith.constant 0 : i32
        %dma_start3A_3507 = arith.constant 0 : i32
        %dma_start3A_3508 = tpu.memref_slice %arg13[%rem3A_3092, %dma_start3A_3505, %dma_start3A_3506, %dma_start3A_3507] : memref<2x16x8x64xf32, #tpu.memory_space<vmem>> -> memref<1x16x8x64xf32, #tpu.memory_space<vmem>>
        %dma_start3A_3509 = tpu.memref_squeeze %dma_start3A_3508 : memref<1x16x8x64xf32, #tpu.memory_space<vmem>> -> memref<16x8x64xf32, #tpu.memory_space<vmem>>
        %dma_start3A_3510 = arith.constant 5 : i32
        %dma_start3A_3511 = arith.constant 0 : i32
        %dma_start3A_3512 = arith.constant 0 : i32
        %dma_start3A_3513 = tpu.memref_slice %dma_start3A_3509[%dma_start3A_3510, %dma_start3A_3511, %dma_start3A_3512] : memref<16x8x64xf32, #tpu.memory_space<vmem>> -> memref<1x8x64xf32, #tpu.memory_space<vmem>>
        %dma_start3A_3514 = arith.constant 0 : i32
        %dma_start3A_3515 = arith.constant 0 : i32
        %dma_start3A_3516 = tpu.memref_slice %arg3[%squeeze3A_3492, %dma_start3A_3514, %dma_start3A_3515] : memref<125000x8x64xf32, #tpu.memory_space<hbm>> -> memref<1x8x64xf32, #tpu.memory_space<hbm>>
        tpu.enqueue_dma source(%dma_start3A_3516 : memref<1x8x64xf32, #tpu.memory_space<hbm>>) target(%dma_start3A_3513 : memref<1x8x64xf32, #tpu.memory_space<vmem>>) target_semaphore(%arg17 : memref<!tpu.dma_semaphore, #tpu.memory_space<semaphore_mem>>)
        %slice3A_3517 = vector.extract_strided_slice %get3A_3098 {offsets = [5], sizes = [1], strides = [1]} : vector<16xi32> to vector<1xi32>
        %squeeze3A_3518 = vector.extract %slice3A_3517[0] : i32 from vector<1xi32>
        %dma_start3A_3519 = arith.constant 0 : i32
        %dma_start3A_3520 = arith.constant 0 : i32
        %dma_start3A_3521 = arith.constant 0 : i32
        %dma_start3A_3522 = tpu.memref_slice %arg14[%rem3A_3092, %dma_start3A_3519, %dma_start3A_3520, %dma_start3A_3521] : memref<2x16x8x64xf32, #tpu.memory_space<vmem>> -> memref<1x16x8x64xf32, #tpu.memory_space<vmem>>
        %dma_start3A_3523 = tpu.memref_squeeze %dma_start3A_3522 : memref<1x16x8x64xf32, #tpu.memory_space<vmem>> -> memref<16x8x64xf32, #tpu.memory_space<vmem>>
        %dma_start3A_3524 = arith.constant 5 : i32
        %dma_start3A_3525 = arith.constant 0 : i32
        %dma_start3A_3526 = arith.constant 0 : i32
        %dma_start3A_3527 = tpu.memref_slice %dma_start3A_3523[%dma_start3A_3524, %dma_start3A_3525, %dma_start3A_3526] : memref<16x8x64xf32, #tpu.memory_space<vmem>> -> memref<1x8x64xf32, #tpu.memory_space<vmem>>
        %dma_start3A_3528 = arith.constant 0 : i32
        %dma_start3A_3529 = arith.constant 0 : i32
        %dma_start3A_3530 = tpu.memref_slice %arg4[%squeeze3A_3518, %dma_start3A_3528, %dma_start3A_3529] : memref<125x8x64xf32, #tpu.memory_space<hbm>> -> memref<1x8x64xf32, #tpu.memory_space<hbm>>
        %dma_start3A_3531 = arith.constant 0 : i32
        %dma_start3A_3532 = arith.constant 0 : i32
        %dma_start3A_3533 = arith.constant 0 : i32
        %dma_start3A_3534 = tpu.memref_slice %arg14[%rem3A_3092, %dma_start3A_3531, %dma_start3A_3532, %dma_start3A_3533] : memref<2x16x8x64xf32, #tpu.memory_space<vmem>> -> memref<1x16x8x64xf32, #tpu.memory_space<vmem>>
        %dma_start3A_3535 = tpu.memref_squeeze %dma_start3A_3534 : memref<1x16x8x64xf32, #tpu.memory_space<vmem>> -> memref<16x8x64xf32, #tpu.memory_space<vmem>>
        %dma_start3A_3536 = arith.constant 5 : i32
        %dma_start3A_3537 = arith.constant 0 : i32
        %dma_start3A_3538 = arith.constant 0 : i32
        %dma_start3A_3539 = tpu.memref_slice %dma_start3A_3535[%dma_start3A_3536, %dma_start3A_3537, %dma_start3A_3538] : memref<16x8x64xf32, #tpu.memory_space<vmem>> -> memref<1x8x64xf32, #tpu.memory_space<vmem>>
        %dma_start3A_3540 = arith.constant 0 : i32
        %dma_start3A_3541 = arith.constant 0 : i32
        %dma_start3A_3542 = tpu.memref_slice %arg4[%squeeze3A_3518, %dma_start3A_3540, %dma_start3A_3541] : memref<125x8x64xf32, #tpu.memory_space<hbm>> -> memref<1x8x64xf32, #tpu.memory_space<hbm>>
        tpu.enqueue_dma source(%dma_start3A_3542 : memref<1x8x64xf32, #tpu.memory_space<hbm>>) target(%dma_start3A_3539 : memref<1x8x64xf32, #tpu.memory_space<vmem>>) target_semaphore(%arg17 : memref<!tpu.dma_semaphore, #tpu.memory_space<semaphore_mem>>)
        %slice3A_3543 = vector.extract_strided_slice %get3A_3100 {offsets = [5], sizes = [1], strides = [1]} : vector<16xi32> to vector<1xi32>
        %squeeze3A_3544 = vector.extract %slice3A_3543[0] : i32 from vector<1xi32>
        %dma_start3A_3545 = arith.constant 0 : i32
        %dma_start3A_3546 = arith.constant 0 : i32
        %dma_start3A_3547 = arith.constant 0 : i32
        %dma_start3A_3548 = tpu.memref_slice %arg15[%rem3A_3092, %dma_start3A_3545, %dma_start3A_3546, %dma_start3A_3547] : memref<2x16x8x64xf32, #tpu.memory_space<vmem>> -> memref<1x16x8x64xf32, #tpu.memory_space<vmem>>
        %dma_start3A_3549 = tpu.memref_squeeze %dma_start3A_3548 : memref<1x16x8x64xf32, #tpu.memory_space<vmem>> -> memref<16x8x64xf32, #tpu.memory_space<vmem>>
        %dma_start3A_3550 = arith.constant 5 : i32
        %dma_start3A_3551 = arith.constant 0 : i32
        %dma_start3A_3552 = arith.constant 0 : i32
        %dma_start3A_3553 = tpu.memref_slice %dma_start3A_3549[%dma_start3A_3550, %dma_start3A_3551, %dma_start3A_3552] : memref<16x8x64xf32, #tpu.memory_space<vmem>> -> memref<1x8x64xf32, #tpu.memory_space<vmem>>
        %dma_start3A_3554 = arith.constant 0 : i32
        %dma_start3A_3555 = arith.constant 0 : i32
        %dma_start3A_3556 = tpu.memref_slice %arg3[%squeeze3A_3544, %dma_start3A_3554, %dma_start3A_3555] : memref<125000x8x64xf32, #tpu.memory_space<hbm>> -> memref<1x8x64xf32, #tpu.memory_space<hbm>>
        %dma_start3A_3557 = arith.constant 0 : i32
        %dma_start3A_3558 = arith.constant 0 : i32
        %dma_start3A_3559 = arith.constant 0 : i32
        %dma_start3A_3560 = tpu.memref_slice %arg15[%rem3A_3092, %dma_start3A_3557, %dma_start3A_3558, %dma_start3A_3559] : memref<2x16x8x64xf32, #tpu.memory_space<vmem>> -> memref<1x16x8x64xf32, #tpu.memory_space<vmem>>
        %dma_start3A_3561 = tpu.memref_squeeze %dma_start3A_3560 : memref<1x16x8x64xf32, #tpu.memory_space<vmem>> -> memref<16x8x64xf32, #tpu.memory_space<vmem>>
        %dma_start3A_3562 = arith.constant 5 : i32
        %dma_start3A_3563 = arith.constant 0 : i32
        %dma_start3A_3564 = arith.constant 0 : i32
        %dma_start3A_3565 = tpu.memref_slice %dma_start3A_3561[%dma_start3A_3562, %dma_start3A_3563, %dma_start3A_3564] : memref<16x8x64xf32, #tpu.memory_space<vmem>> -> memref<1x8x64xf32, #tpu.memory_space<vmem>>
        %dma_start3A_3566 = arith.constant 0 : i32
        %dma_start3A_3567 = arith.constant 0 : i32
        %dma_start3A_3568 = tpu.memref_slice %arg3[%squeeze3A_3544, %dma_start3A_3566, %dma_start3A_3567] : memref<125000x8x64xf32, #tpu.memory_space<hbm>> -> memref<1x8x64xf32, #tpu.memory_space<hbm>>
        tpu.enqueue_dma source(%dma_start3A_3568 : memref<1x8x64xf32, #tpu.memory_space<hbm>>) target(%dma_start3A_3565 : memref<1x8x64xf32, #tpu.memory_space<vmem>>) target_semaphore(%arg17 : memref<!tpu.dma_semaphore, #tpu.memory_space<semaphore_mem>>)
        %slice3A_3569 = vector.extract_strided_slice %get3A_3096 {offsets = [6], sizes = [1], strides = [1]} : vector<16xi32> to vector<1xi32>
        %squeeze3A_3570 = vector.extract %slice3A_3569[0] : i32 from vector<1xi32>
        %dma_start3A_3571 = arith.constant 0 : i32
        %dma_start3A_3572 = arith.constant 0 : i32
        %dma_start3A_3573 = arith.constant 0 : i32
        %dma_start3A_3574 = tpu.memref_slice %arg13[%rem3A_3092, %dma_start3A_3571, %dma_start3A_3572, %dma_start3A_3573] : memref<2x16x8x64xf32, #tpu.memory_space<vmem>> -> memref<1x16x8x64xf32, #tpu.memory_space<vmem>>
        %dma_start3A_3575 = tpu.memref_squeeze %dma_start3A_3574 : memref<1x16x8x64xf32, #tpu.memory_space<vmem>> -> memref<16x8x64xf32, #tpu.memory_space<vmem>>
        %dma_start3A_3576 = arith.constant 6 : i32
        %dma_start3A_3577 = arith.constant 0 : i32
        %dma_start3A_3578 = arith.constant 0 : i32
        %dma_start3A_3579 = tpu.memref_slice %dma_start3A_3575[%dma_start3A_3576, %dma_start3A_3577, %dma_start3A_3578] : memref<16x8x64xf32, #tpu.memory_space<vmem>> -> memref<1x8x64xf32, #tpu.memory_space<vmem>>
        %dma_start3A_3580 = arith.constant 0 : i32
        %dma_start3A_3581 = arith.constant 0 : i32
        %dma_start3A_3582 = tpu.memref_slice %arg3[%squeeze3A_3570, %dma_start3A_3580, %dma_start3A_3581] : memref<125000x8x64xf32, #tpu.memory_space<hbm>> -> memref<1x8x64xf32, #tpu.memory_space<hbm>>
        %dma_start3A_3583 = arith.constant 0 : i32
        %dma_start3A_3584 = arith.constant 0 : i32
        %dma_start3A_3585 = arith.constant 0 : i32
        %dma_start3A_3586 = tpu.memref_slice %arg13[%rem3A_3092, %dma_start3A_3583, %dma_start3A_3584, %dma_start3A_3585] : memref<2x16x8x64xf32, #tpu.memory_space<vmem>> -> memref<1x16x8x64xf32, #tpu.memory_space<vmem>>
        %dma_start3A_3587 = tpu.memref_squeeze %dma_start3A_3586 : memref<1x16x8x64xf32, #tpu.memory_space<vmem>> -> memref<16x8x64xf32, #tpu.memory_space<vmem>>
        %dma_start3A_3588 = arith.constant 6 : i32
        %dma_start3A_3589 = arith.constant 0 : i32
        %dma_start3A_3590 = arith.constant 0 : i32
        %dma_start3A_3591 = tpu.memref_slice %dma_start3A_3587[%dma_start3A_3588, %dma_start3A_3589, %dma_start3A_3590] : memref<16x8x64xf32, #tpu.memory_space<vmem>> -> memref<1x8x64xf32, #tpu.memory_space<vmem>>
        %dma_start3A_3592 = arith.constant 0 : i32
        %dma_start3A_3593 = arith.constant 0 : i32
        %dma_start3A_3594 = tpu.memref_slice %arg3[%squeeze3A_3570, %dma_start3A_3592, %dma_start3A_3593] : memref<125000x8x64xf32, #tpu.memory_space<hbm>> -> memref<1x8x64xf32, #tpu.memory_space<hbm>>
        tpu.enqueue_dma source(%dma_start3A_3594 : memref<1x8x64xf32, #tpu.memory_space<hbm>>) target(%dma_start3A_3591 : memref<1x8x64xf32, #tpu.memory_space<vmem>>) target_semaphore(%arg17 : memref<!tpu.dma_semaphore, #tpu.memory_space<semaphore_mem>>)
        %slice3A_3595 = vector.extract_strided_slice %get3A_3098 {offsets = [6], sizes = [1], strides = [1]} : vector<16xi32> to vector<1xi32>
        %squeeze3A_3596 = vector.extract %slice3A_3595[0] : i32 from vector<1xi32>
        %dma_start3A_3597 = arith.constant 0 : i32
        %dma_start3A_3598 = arith.constant 0 : i32
        %dma_start3A_3599 = arith.constant 0 : i32
        %dma_start3A_3600 = tpu.memref_slice %arg14[%rem3A_3092, %dma_start3A_3597, %dma_start3A_3598, %dma_start3A_3599] : memref<2x16x8x64xf32, #tpu.memory_space<vmem>> -> memref<1x16x8x64xf32, #tpu.memory_space<vmem>>
        %dma_start3A_3601 = tpu.memref_squeeze %dma_start3A_3600 : memref<1x16x8x64xf32, #tpu.memory_space<vmem>> -> memref<16x8x64xf32, #tpu.memory_space<vmem>>
        %dma_start3A_3602 = arith.constant 6 : i32
        %dma_start3A_3603 = arith.constant 0 : i32
        %dma_start3A_3604 = arith.constant 0 : i32
        %dma_start3A_3605 = tpu.memref_slice %dma_start3A_3601[%dma_start3A_3602, %dma_start3A_3603, %dma_start3A_3604] : memref<16x8x64xf32, #tpu.memory_space<vmem>> -> memref<1x8x64xf32, #tpu.memory_space<vmem>>
        %dma_start3A_3606 = arith.constant 0 : i32
        %dma_start3A_3607 = arith.constant 0 : i32
        %dma_start3A_3608 = tpu.memref_slice %arg4[%squeeze3A_3596, %dma_start3A_3606, %dma_start3A_3607] : memref<125x8x64xf32, #tpu.memory_space<hbm>> -> memref<1x8x64xf32, #tpu.memory_space<hbm>>
        %dma_start3A_3609 = arith.constant 0 : i32
        %dma_start3A_3610 = arith.constant 0 : i32
        %dma_start3A_3611 = arith.constant 0 : i32
        %dma_start3A_3612 = tpu.memref_slice %arg14[%rem3A_3092, %dma_start3A_3609, %dma_start3A_3610, %dma_start3A_3611] : memref<2x16x8x64xf32, #tpu.memory_space<vmem>> -> memref<1x16x8x64xf32, #tpu.memory_space<vmem>>
        %dma_start3A_3613 = tpu.memref_squeeze %dma_start3A_3612 : memref<1x16x8x64xf32, #tpu.memory_space<vmem>> -> memref<16x8x64xf32, #tpu.memory_space<vmem>>
        %dma_start3A_3614 = arith.constant 6 : i32
        %dma_start3A_3615 = arith.constant 0 : i32
        %dma_start3A_3616 = arith.constant 0 : i32
        %dma_start3A_3617 = tpu.memref_slice %dma_start3A_3613[%dma_start3A_3614, %dma_start3A_3615, %dma_start3A_3616] : memref<16x8x64xf32, #tpu.memory_space<vmem>> -> memref<1x8x64xf32, #tpu.memory_space<vmem>>
        %dma_start3A_3618 = arith.constant 0 : i32
        %dma_start3A_3619 = arith.constant 0 : i32
        %dma_start3A_3620 = tpu.memref_slice %arg4[%squeeze3A_3596, %dma_start3A_3618, %dma_start3A_3619] : memref<125x8x64xf32, #tpu.memory_space<hbm>> -> memref<1x8x64xf32, #tpu.memory_space<hbm>>
        tpu.enqueue_dma source(%dma_start3A_3620 : memref<1x8x64xf32, #tpu.memory_space<hbm>>) target(%dma_start3A_3617 : memref<1x8x64xf32, #tpu.memory_space<vmem>>) target_semaphore(%arg17 : memref<!tpu.dma_semaphore, #tpu.memory_space<semaphore_mem>>)
        %slice3A_3621 = vector.extract_strided_slice %get3A_3100 {offsets = [6], sizes = [1], strides = [1]} : vector<16xi32> to vector<1xi32>
        %squeeze3A_3622 = vector.extract %slice3A_3621[0] : i32 from vector<1xi32>
        %dma_start3A_3623 = arith.constant 0 : i32
        %dma_start3A_3624 = arith.constant 0 : i32
        %dma_start3A_3625 = arith.constant 0 : i32
        %dma_start3A_3626 = tpu.memref_slice %arg15[%rem3A_3092, %dma_start3A_3623, %dma_start3A_3624, %dma_start3A_3625] : memref<2x16x8x64xf32, #tpu.memory_space<vmem>> -> memref<1x16x8x64xf32, #tpu.memory_space<vmem>>
        %dma_start3A_3627 = tpu.memref_squeeze %dma_start3A_3626 : memref<1x16x8x64xf32, #tpu.memory_space<vmem>> -> memref<16x8x64xf32, #tpu.memory_space<vmem>>
        %dma_start3A_3628 = arith.constant 6 : i32
        %dma_start3A_3629 = arith.constant 0 : i32
        %dma_start3A_3630 = arith.constant 0 : i32
        %dma_start3A_3631 = tpu.memref_slice %dma_start3A_3627[%dma_start3A_3628, %dma_start3A_3629, %dma_start3A_3630] : memref<16x8x64xf32, #tpu.memory_space<vmem>> -> memref<1x8x64xf32, #tpu.memory_space<vmem>>
        %dma_start3A_3632 = arith.constant 0 : i32
        %dma_start3A_3633 = arith.constant 0 : i32
        %dma_start3A_3634 = tpu.memref_slice %arg3[%squeeze3A_3622, %dma_start3A_3632, %dma_start3A_3633] : memref<125000x8x64xf32, #tpu.memory_space<hbm>> -> memref<1x8x64xf32, #tpu.memory_space<hbm>>
        %dma_start3A_3635 = arith.constant 0 : i32
        %dma_start3A_3636 = arith.constant 0 : i32
        %dma_start3A_3637 = arith.constant 0 : i32
        %dma_start3A_3638 = tpu.memref_slice %arg15[%rem3A_3092, %dma_start3A_3635, %dma_start3A_3636, %dma_start3A_3637] : memref<2x16x8x64xf32, #tpu.memory_space<vmem>> -> memref<1x16x8x64xf32, #tpu.memory_space<vmem>>
        %dma_start3A_3639 = tpu.memref_squeeze %dma_start3A_3638 : memref<1x16x8x64xf32, #tpu.memory_space<vmem>> -> memref<16x8x64xf32, #tpu.memory_space<vmem>>
        %dma_start3A_3640 = arith.constant 6 : i32
        %dma_start3A_3641 = arith.constant 0 : i32
        %dma_start3A_3642 = arith.constant 0 : i32
        %dma_start3A_3643 = tpu.memref_slice %dma_start3A_3639[%dma_start3A_3640, %dma_start3A_3641, %dma_start3A_3642] : memref<16x8x64xf32, #tpu.memory_space<vmem>> -> memref<1x8x64xf32, #tpu.memory_space<vmem>>
        %dma_start3A_3644 = arith.constant 0 : i32
        %dma_start3A_3645 = arith.constant 0 : i32
        %dma_start3A_3646 = tpu.memref_slice %arg3[%squeeze3A_3622, %dma_start3A_3644, %dma_start3A_3645] : memref<125000x8x64xf32, #tpu.memory_space<hbm>> -> memref<1x8x64xf32, #tpu.memory_space<hbm>>
        tpu.enqueue_dma source(%dma_start3A_3646 : memref<1x8x64xf32, #tpu.memory_space<hbm>>) target(%dma_start3A_3643 : memref<1x8x64xf32, #tpu.memory_space<vmem>>) target_semaphore(%arg17 : memref<!tpu.dma_semaphore, #tpu.memory_space<semaphore_mem>>)
        %slice3A_3647 = vector.extract_strided_slice %get3A_3096 {offsets = [7], sizes = [1], strides = [1]} : vector<16xi32> to vector<1xi32>
        %squeeze3A_3648 = vector.extract %slice3A_3647[0] : i32 from vector<1xi32>
        %dma_start3A_3649 = arith.constant 0 : i32
        %dma_start3A_3650 = arith.constant 0 : i32
        %dma_start3A_3651 = arith.constant 0 : i32
        %dma_start3A_3652 = tpu.memref_slice %arg13[%rem3A_3092, %dma_start3A_3649, %dma_start3A_3650, %dma_start3A_3651] : memref<2x16x8x64xf32, #tpu.memory_space<vmem>> -> memref<1x16x8x64xf32, #tpu.memory_space<vmem>>
        %dma_start3A_3653 = tpu.memref_squeeze %dma_start3A_3652 : memref<1x16x8x64xf32, #tpu.memory_space<vmem>> -> memref<16x8x64xf32, #tpu.memory_space<vmem>>
        %dma_start3A_3654 = arith.constant 7 : i32
        %dma_start3A_3655 = arith.constant 0 : i32
        %dma_start3A_3656 = arith.constant 0 : i32
        %dma_start3A_3657 = tpu.memref_slice %dma_start3A_3653[%dma_start3A_3654, %dma_start3A_3655, %dma_start3A_3656] : memref<16x8x64xf32, #tpu.memory_space<vmem>> -> memref<1x8x64xf32, #tpu.memory_space<vmem>>
        %dma_start3A_3658 = arith.constant 0 : i32
        %dma_start3A_3659 = arith.constant 0 : i32
        %dma_start3A_3660 = tpu.memref_slice %arg3[%squeeze3A_3648, %dma_start3A_3658, %dma_start3A_3659] : memref<125000x8x64xf32, #tpu.memory_space<hbm>> -> memref<1x8x64xf32, #tpu.memory_space<hbm>>
        %dma_start3A_3661 = arith.constant 0 : i32
        %dma_start3A_3662 = arith.constant 0 : i32
        %dma_start3A_3663 = arith.constant 0 : i32
        %dma_start3A_3664 = tpu.memref_slice %arg13[%rem3A_3092, %dma_start3A_3661, %dma_start3A_3662, %dma_start3A_3663] : memref<2x16x8x64xf32, #tpu.memory_space<vmem>> -> memref<1x16x8x64xf32, #tpu.memory_space<vmem>>
        %dma_start3A_3665 = tpu.memref_squeeze %dma_start3A_3664 : memref<1x16x8x64xf32, #tpu.memory_space<vmem>> -> memref<16x8x64xf32, #tpu.memory_space<vmem>>
        %dma_start3A_3666 = arith.constant 7 : i32
        %dma_start3A_3667 = arith.constant 0 : i32
        %dma_start3A_3668 = arith.constant 0 : i32
        %dma_start3A_3669 = tpu.memref_slice %dma_start3A_3665[%dma_start3A_3666, %dma_start3A_3667, %dma_start3A_3668] : memref<16x8x64xf32, #tpu.memory_space<vmem>> -> memref<1x8x64xf32, #tpu.memory_space<vmem>>
        %dma_start3A_3670 = arith.constant 0 : i32
        %dma_start3A_3671 = arith.constant 0 : i32
        %dma_start3A_3672 = tpu.memref_slice %arg3[%squeeze3A_3648, %dma_start3A_3670, %dma_start3A_3671] : memref<125000x8x64xf32, #tpu.memory_space<hbm>> -> memref<1x8x64xf32, #tpu.memory_space<hbm>>
        tpu.enqueue_dma source(%dma_start3A_3672 : memref<1x8x64xf32, #tpu.memory_space<hbm>>) target(%dma_start3A_3669 : memref<1x8x64xf32, #tpu.memory_space<vmem>>) target_semaphore(%arg17 : memref<!tpu.dma_semaphore, #tpu.memory_space<semaphore_mem>>)
        %slice3A_3673 = vector.extract_strided_slice %get3A_3098 {offsets = [7], sizes = [1], strides = [1]} : vector<16xi32> to vector<1xi32>
        %squeeze3A_3674 = vector.extract %slice3A_3673[0] : i32 from vector<1xi32>
        %dma_start3A_3675 = arith.constant 0 : i32
        %dma_start3A_3676 = arith.constant 0 : i32
        %dma_start3A_3677 = arith.constant 0 : i32
        %dma_start3A_3678 = tpu.memref_slice %arg14[%rem3A_3092, %dma_start3A_3675, %dma_start3A_3676, %dma_start3A_3677] : memref<2x16x8x64xf32, #tpu.memory_space<vmem>> -> memref<1x16x8x64xf32, #tpu.memory_space<vmem>>
        %dma_start3A_3679 = tpu.memref_squeeze %dma_start3A_3678 : memref<1x16x8x64xf32, #tpu.memory_space<vmem>> -> memref<16x8x64xf32, #tpu.memory_space<vmem>>
        %dma_start3A_3680 = arith.constant 7 : i32
        %dma_start3A_3681 = arith.constant 0 : i32
        %dma_start3A_3682 = arith.constant 0 : i32
        %dma_start3A_3683 = tpu.memref_slice %dma_start3A_3679[%dma_start3A_3680, %dma_start3A_3681, %dma_start3A_3682] : memref<16x8x64xf32, #tpu.memory_space<vmem>> -> memref<1x8x64xf32, #tpu.memory_space<vmem>>
        %dma_start3A_3684 = arith.constant 0 : i32
        %dma_start3A_3685 = arith.constant 0 : i32
        %dma_start3A_3686 = tpu.memref_slice %arg4[%squeeze3A_3674, %dma_start3A_3684, %dma_start3A_3685] : memref<125x8x64xf32, #tpu.memory_space<hbm>> -> memref<1x8x64xf32, #tpu.memory_space<hbm>>
        %dma_start3A_3687 = arith.constant 0 : i32
        %dma_start3A_3688 = arith.constant 0 : i32
        %dma_start3A_3689 = arith.constant 0 : i32
        %dma_start3A_3690 = tpu.memref_slice %arg14[%rem3A_3092, %dma_start3A_3687, %dma_start3A_3688, %dma_start3A_3689] : memref<2x16x8x64xf32, #tpu.memory_space<vmem>> -> memref<1x16x8x64xf32, #tpu.memory_space<vmem>>
        %dma_start3A_3691 = tpu.memref_squeeze %dma_start3A_3690 : memref<1x16x8x64xf32, #tpu.memory_space<vmem>> -> memref<16x8x64xf32, #tpu.memory_space<vmem>>
        %dma_start3A_3692 = arith.constant 7 : i32
        %dma_start3A_3693 = arith.constant 0 : i32
        %dma_start3A_3694 = arith.constant 0 : i32
        %dma_start3A_3695 = tpu.memref_slice %dma_start3A_3691[%dma_start3A_3692, %dma_start3A_3693, %dma_start3A_3694] : memref<16x8x64xf32, #tpu.memory_space<vmem>> -> memref<1x8x64xf32, #tpu.memory_space<vmem>>
        %dma_start3A_3696 = arith.constant 0 : i32
        %dma_start3A_3697 = arith.constant 0 : i32
        %dma_start3A_3698 = tpu.memref_slice %arg4[%squeeze3A_3674, %dma_start3A_3696, %dma_start3A_3697] : memref<125x8x64xf32, #tpu.memory_space<hbm>> -> memref<1x8x64xf32, #tpu.memory_space<hbm>>
        tpu.enqueue_dma source(%dma_start3A_3698 : memref<1x8x64xf32, #tpu.memory_space<hbm>>) target(%dma_start3A_3695 : memref<1x8x64xf32, #tpu.memory_space<vmem>>) target_semaphore(%arg17 : memref<!tpu.dma_semaphore, #tpu.memory_space<semaphore_mem>>)
        %slice3A_3699 = vector.extract_strided_slice %get3A_3100 {offsets = [7], sizes = [1], strides = [1]} : vector<16xi32> to vector<1xi32>
        %squeeze3A_3700 = vector.extract %slice3A_3699[0] : i32 from vector<1xi32>
        %dma_start3A_3701 = arith.constant 0 : i32
        %dma_start3A_3702 = arith.constant 0 : i32
        %dma_start3A_3703 = arith.constant 0 : i32
        %dma_start3A_3704 = tpu.memref_slice %arg15[%rem3A_3092, %dma_start3A_3701, %dma_start3A_3702, %dma_start3A_3703] : memref<2x16x8x64xf32, #tpu.memory_space<vmem>> -> memref<1x16x8x64xf32, #tpu.memory_space<vmem>>
        %dma_start3A_3705 = tpu.memref_squeeze %dma_start3A_3704 : memref<1x16x8x64xf32, #tpu.memory_space<vmem>> -> memref<16x8x64xf32, #tpu.memory_space<vmem>>
        %dma_start3A_3706 = arith.constant 7 : i32
        %dma_start3A_3707 = arith.constant 0 : i32
        %dma_start3A_3708 = arith.constant 0 : i32
        %dma_start3A_3709 = tpu.memref_slice %dma_start3A_3705[%dma_start3A_3706, %dma_start3A_3707, %dma_start3A_3708] : memref<16x8x64xf32, #tpu.memory_space<vmem>> -> memref<1x8x64xf32, #tpu.memory_space<vmem>>
        %dma_start3A_3710 = arith.constant 0 : i32
        %dma_start3A_3711 = arith.constant 0 : i32
        %dma_start3A_3712 = tpu.memref_slice %arg3[%squeeze3A_3700, %dma_start3A_3710, %dma_start3A_3711] : memref<125000x8x64xf32, #tpu.memory_space<hbm>> -> memref<1x8x64xf32, #tpu.memory_space<hbm>>
        %dma_start3A_3713 = arith.constant 0 : i32
        %dma_start3A_3714 = arith.constant 0 : i32
        %dma_start3A_3715 = arith.constant 0 : i32
        %dma_start3A_3716 = tpu.memref_slice %arg15[%rem3A_3092, %dma_start3A_3713, %dma_start3A_3714, %dma_start3A_3715] : memref<2x16x8x64xf32, #tpu.memory_space<vmem>> -> memref<1x16x8x64xf32, #tpu.memory_space<vmem>>
        %dma_start3A_3717 = tpu.memref_squeeze %dma_start3A_3716 : memref<1x16x8x64xf32, #tpu.memory_space<vmem>> -> memref<16x8x64xf32, #tpu.memory_space<vmem>>
        %dma_start3A_3718 = arith.constant 7 : i32
        %dma_start3A_3719 = arith.constant 0 : i32
        %dma_start3A_3720 = arith.constant 0 : i32
        %dma_start3A_3721 = tpu.memref_slice %dma_start3A_3717[%dma_start3A_3718, %dma_start3A_3719, %dma_start3A_3720] : memref<16x8x64xf32, #tpu.memory_space<vmem>> -> memref<1x8x64xf32, #tpu.memory_space<vmem>>
        %dma_start3A_3722 = arith.constant 0 : i32
        %dma_start3A_3723 = arith.constant 0 : i32
        %dma_start3A_3724 = tpu.memref_slice %arg3[%squeeze3A_3700, %dma_start3A_3722, %dma_start3A_3723] : memref<125000x8x64xf32, #tpu.memory_space<hbm>> -> memref<1x8x64xf32, #tpu.memory_space<hbm>>
        tpu.enqueue_dma source(%dma_start3A_3724 : memref<1x8x64xf32, #tpu.memory_space<hbm>>) target(%dma_start3A_3721 : memref<1x8x64xf32, #tpu.memory_space<vmem>>) target_semaphore(%arg17 : memref<!tpu.dma_semaphore, #tpu.memory_space<semaphore_mem>>)
        %slice3A_3725 = vector.extract_strided_slice %get3A_3096 {offsets = [8], sizes = [1], strides = [1]} : vector<16xi32> to vector<1xi32>
        %squeeze3A_3726 = vector.extract %slice3A_3725[0] : i32 from vector<1xi32>
        %dma_start3A_3727 = arith.constant 0 : i32
        %dma_start3A_3728 = arith.constant 0 : i32
        %dma_start3A_3729 = arith.constant 0 : i32
        %dma_start3A_3730 = tpu.memref_slice %arg13[%rem3A_3092, %dma_start3A_3727, %dma_start3A_3728, %dma_start3A_3729] : memref<2x16x8x64xf32, #tpu.memory_space<vmem>> -> memref<1x16x8x64xf32, #tpu.memory_space<vmem>>
        %dma_start3A_3731 = tpu.memref_squeeze %dma_start3A_3730 : memref<1x16x8x64xf32, #tpu.memory_space<vmem>> -> memref<16x8x64xf32, #tpu.memory_space<vmem>>
        %dma_start3A_3732 = arith.constant 8 : i32
        %dma_start3A_3733 = arith.constant 0 : i32
        %dma_start3A_3734 = arith.constant 0 : i32
        %dma_start3A_3735 = tpu.memref_slice %dma_start3A_3731[%dma_start3A_3732, %dma_start3A_3733, %dma_start3A_3734] : memref<16x8x64xf32, #tpu.memory_space<vmem>> -> memref<1x8x64xf32, #tpu.memory_space<vmem>>
        %dma_start3A_3736 = arith.constant 0 : i32
        %dma_start3A_3737 = arith.constant 0 : i32
        %dma_start3A_3738 = tpu.memref_slice %arg3[%squeeze3A_3726, %dma_start3A_3736, %dma_start3A_3737] : memref<125000x8x64xf32, #tpu.memory_space<hbm>> -> memref<1x8x64xf32, #tpu.memory_space<hbm>>
        %dma_start3A_3739 = arith.constant 0 : i32
        %dma_start3A_3740 = arith.constant 0 : i32
        %dma_start3A_3741 = arith.constant 0 : i32
        %dma_start3A_3742 = tpu.memref_slice %arg13[%rem3A_3092, %dma_start3A_3739, %dma_start3A_3740, %dma_start3A_3741] : memref<2x16x8x64xf32, #tpu.memory_space<vmem>> -> memref<1x16x8x64xf32, #tpu.memory_space<vmem>>
        %dma_start3A_3743 = tpu.memref_squeeze %dma_start3A_3742 : memref<1x16x8x64xf32, #tpu.memory_space<vmem>> -> memref<16x8x64xf32, #tpu.memory_space<vmem>>
        %dma_start3A_3744 = arith.constant 8 : i32
        %dma_start3A_3745 = arith.constant 0 : i32
        %dma_start3A_3746 = arith.constant 0 : i32
        %dma_start3A_3747 = tpu.memref_slice %dma_start3A_3743[%dma_start3A_3744, %dma_start3A_3745, %dma_start3A_3746] : memref<16x8x64xf32, #tpu.memory_space<vmem>> -> memref<1x8x64xf32, #tpu.memory_space<vmem>>
        %dma_start3A_3748 = arith.constant 0 : i32
        %dma_start3A_3749 = arith.constant 0 : i32
        %dma_start3A_3750 = tpu.memref_slice %arg3[%squeeze3A_3726, %dma_start3A_3748, %dma_start3A_3749] : memref<125000x8x64xf32, #tpu.memory_space<hbm>> -> memref<1x8x64xf32, #tpu.memory_space<hbm>>
        tpu.enqueue_dma source(%dma_start3A_3750 : memref<1x8x64xf32, #tpu.memory_space<hbm>>) target(%dma_start3A_3747 : memref<1x8x64xf32, #tpu.memory_space<vmem>>) target_semaphore(%arg17 : memref<!tpu.dma_semaphore, #tpu.memory_space<semaphore_mem>>)
        %slice3A_3751 = vector.extract_strided_slice %get3A_3098 {offsets = [8], sizes = [1], strides = [1]} : vector<16xi32> to vector<1xi32>
        %squeeze3A_3752 = vector.extract %slice3A_3751[0] : i32 from vector<1xi32>
        %dma_start3A_3753 = arith.constant 0 : i32
        %dma_start3A_3754 = arith.constant 0 : i32
        %dma_start3A_3755 = arith.constant 0 : i32
        %dma_start3A_3756 = tpu.memref_slice %arg14[%rem3A_3092, %dma_start3A_3753, %dma_start3A_3754, %dma_start3A_3755] : memref<2x16x8x64xf32, #tpu.memory_space<vmem>> -> memref<1x16x8x64xf32, #tpu.memory_space<vmem>>
        %dma_start3A_3757 = tpu.memref_squeeze %dma_start3A_3756 : memref<1x16x8x64xf32, #tpu.memory_space<vmem>> -> memref<16x8x64xf32, #tpu.memory_space<vmem>>
        %dma_start3A_3758 = arith.constant 8 : i32
        %dma_start3A_3759 = arith.constant 0 : i32
        %dma_start3A_3760 = arith.constant 0 : i32
        %dma_start3A_3761 = tpu.memref_slice %dma_start3A_3757[%dma_start3A_3758, %dma_start3A_3759, %dma_start3A_3760] : memref<16x8x64xf32, #tpu.memory_space<vmem>> -> memref<1x8x64xf32, #tpu.memory_space<vmem>>
        %dma_start3A_3762 = arith.constant 0 : i32
        %dma_start3A_3763 = arith.constant 0 : i32
        %dma_start3A_3764 = tpu.memref_slice %arg4[%squeeze3A_3752, %dma_start3A_3762, %dma_start3A_3763] : memref<125x8x64xf32, #tpu.memory_space<hbm>> -> memref<1x8x64xf32, #tpu.memory_space<hbm>>
        %dma_start3A_3765 = arith.constant 0 : i32
        %dma_start3A_3766 = arith.constant 0 : i32
        %dma_start3A_3767 = arith.constant 0 : i32
        %dma_start3A_3768 = tpu.memref_slice %arg14[%rem3A_3092, %dma_start3A_3765, %dma_start3A_3766, %dma_start3A_3767] : memref<2x16x8x64xf32, #tpu.memory_space<vmem>> -> memref<1x16x8x64xf32, #tpu.memory_space<vmem>>
        %dma_start3A_3769 = tpu.memref_squeeze %dma_start3A_3768 : memref<1x16x8x64xf32, #tpu.memory_space<vmem>> -> memref<16x8x64xf32, #tpu.memory_space<vmem>>
        %dma_start3A_3770 = arith.constant 8 : i32
        %dma_start3A_3771 = arith.constant 0 : i32
        %dma_start3A_3772 = arith.constant 0 : i32
        %dma_start3A_3773 = tpu.memref_slice %dma_start3A_3769[%dma_start3A_3770, %dma_start3A_3771, %dma_start3A_3772] : memref<16x8x64xf32, #tpu.memory_space<vmem>> -> memref<1x8x64xf32, #tpu.memory_space<vmem>>
        %dma_start3A_3774 = arith.constant 0 : i32
        %dma_start3A_3775 = arith.constant 0 : i32
        %dma_start3A_3776 = tpu.memref_slice %arg4[%squeeze3A_3752, %dma_start3A_3774, %dma_start3A_3775] : memref<125x8x64xf32, #tpu.memory_space<hbm>> -> memref<1x8x64xf32, #tpu.memory_space<hbm>>
        tpu.enqueue_dma source(%dma_start3A_3776 : memref<1x8x64xf32, #tpu.memory_space<hbm>>) target(%dma_start3A_3773 : memref<1x8x64xf32, #tpu.memory_space<vmem>>) target_semaphore(%arg17 : memref<!tpu.dma_semaphore, #tpu.memory_space<semaphore_mem>>)
        %slice3A_3777 = vector.extract_strided_slice %get3A_3100 {offsets = [8], sizes = [1], strides = [1]} : vector<16xi32> to vector<1xi32>
        %squeeze3A_3778 = vector.extract %slice3A_3777[0] : i32 from vector<1xi32>
        %dma_start3A_3779 = arith.constant 0 : i32
        %dma_start3A_3780 = arith.constant 0 : i32
        %dma_start3A_3781 = arith.constant 0 : i32
        %dma_start3A_3782 = tpu.memref_slice %arg15[%rem3A_3092, %dma_start3A_3779, %dma_start3A_3780, %dma_start3A_3781] : memref<2x16x8x64xf32, #tpu.memory_space<vmem>> -> memref<1x16x8x64xf32, #tpu.memory_space<vmem>>
        %dma_start3A_3783 = tpu.memref_squeeze %dma_start3A_3782 : memref<1x16x8x64xf32, #tpu.memory_space<vmem>> -> memref<16x8x64xf32, #tpu.memory_space<vmem>>
        %dma_start3A_3784 = arith.constant 8 : i32
        %dma_start3A_3785 = arith.constant 0 : i32
        %dma_start3A_3786 = arith.constant 0 : i32
        %dma_start3A_3787 = tpu.memref_slice %dma_start3A_3783[%dma_start3A_3784, %dma_start3A_3785, %dma_start3A_3786] : memref<16x8x64xf32, #tpu.memory_space<vmem>> -> memref<1x8x64xf32, #tpu.memory_space<vmem>>
        %dma_start3A_3788 = arith.constant 0 : i32
        %dma_start3A_3789 = arith.constant 0 : i32
        %dma_start3A_3790 = tpu.memref_slice %arg3[%squeeze3A_3778, %dma_start3A_3788, %dma_start3A_3789] : memref<125000x8x64xf32, #tpu.memory_space<hbm>> -> memref<1x8x64xf32, #tpu.memory_space<hbm>>
        %dma_start3A_3791 = arith.constant 0 : i32
        %dma_start3A_3792 = arith.constant 0 : i32
        %dma_start3A_3793 = arith.constant 0 : i32
        %dma_start3A_3794 = tpu.memref_slice %arg15[%rem3A_3092, %dma_start3A_3791, %dma_start3A_3792, %dma_start3A_3793] : memref<2x16x8x64xf32, #tpu.memory_space<vmem>> -> memref<1x16x8x64xf32, #tpu.memory_space<vmem>>
        %dma_start3A_3795 = tpu.memref_squeeze %dma_start3A_3794 : memref<1x16x8x64xf32, #tpu.memory_space<vmem>> -> memref<16x8x64xf32, #tpu.memory_space<vmem>>
        %dma_start3A_3796 = arith.constant 8 : i32
        %dma_start3A_3797 = arith.constant 0 : i32
        %dma_start3A_3798 = arith.constant 0 : i32
        %dma_start3A_3799 = tpu.memref_slice %dma_start3A_3795[%dma_start3A_3796, %dma_start3A_3797, %dma_start3A_3798] : memref<16x8x64xf32, #tpu.memory_space<vmem>> -> memref<1x8x64xf32, #tpu.memory_space<vmem>>
        %dma_start3A_3800 = arith.constant 0 : i32
        %dma_start3A_3801 = arith.constant 0 : i32
        %dma_start3A_3802 = tpu.memref_slice %arg3[%squeeze3A_3778, %dma_start3A_3800, %dma_start3A_3801] : memref<125000x8x64xf32, #tpu.memory_space<hbm>> -> memref<1x8x64xf32, #tpu.memory_space<hbm>>
        tpu.enqueue_dma source(%dma_start3A_3802 : memref<1x8x64xf32, #tpu.memory_space<hbm>>) target(%dma_start3A_3799 : memref<1x8x64xf32, #tpu.memory_space<vmem>>) target_semaphore(%arg17 : memref<!tpu.dma_semaphore, #tpu.memory_space<semaphore_mem>>)
        %slice3A_3803 = vector.extract_strided_slice %get3A_3096 {offsets = [9], sizes = [1], strides = [1]} : vector<16xi32> to vector<1xi32>
        %squeeze3A_3804 = vector.extract %slice3A_3803[0] : i32 from vector<1xi32>
        %dma_start3A_3805 = arith.constant 0 : i32
        %dma_start3A_3806 = arith.constant 0 : i32
        %dma_start3A_3807 = arith.constant 0 : i32
        %dma_start3A_3808 = tpu.memref_slice %arg13[%rem3A_3092, %dma_start3A_3805, %dma_start3A_3806, %dma_start3A_3807] : memref<2x16x8x64xf32, #tpu.memory_space<vmem>> -> memref<1x16x8x64xf32, #tpu.memory_space<vmem>>
        %dma_start3A_3809 = tpu.memref_squeeze %dma_start3A_3808 : memref<1x16x8x64xf32, #tpu.memory_space<vmem>> -> memref<16x8x64xf32, #tpu.memory_space<vmem>>
        %dma_start3A_3810 = arith.constant 9 : i32
        %dma_start3A_3811 = arith.constant 0 : i32
        %dma_start3A_3812 = arith.constant 0 : i32
        %dma_start3A_3813 = tpu.memref_slice %dma_start3A_3809[%dma_start3A_3810, %dma_start3A_3811, %dma_start3A_3812] : memref<16x8x64xf32, #tpu.memory_space<vmem>> -> memref<1x8x64xf32, #tpu.memory_space<vmem>>
        %dma_start3A_3814 = arith.constant 0 : i32
        %dma_start3A_3815 = arith.constant 0 : i32
        %dma_start3A_3816 = tpu.memref_slice %arg3[%squeeze3A_3804, %dma_start3A_3814, %dma_start3A_3815] : memref<125000x8x64xf32, #tpu.memory_space<hbm>> -> memref<1x8x64xf32, #tpu.memory_space<hbm>>
        %dma_start3A_3817 = arith.constant 0 : i32
        %dma_start3A_3818 = arith.constant 0 : i32
        %dma_start3A_3819 = arith.constant 0 : i32
        %dma_start3A_3820 = tpu.memref_slice %arg13[%rem3A_3092, %dma_start3A_3817, %dma_start3A_3818, %dma_start3A_3819] : memref<2x16x8x64xf32, #tpu.memory_space<vmem>> -> memref<1x16x8x64xf32, #tpu.memory_space<vmem>>
        %dma_start3A_3821 = tpu.memref_squeeze %dma_start3A_3820 : memref<1x16x8x64xf32, #tpu.memory_space<vmem>> -> memref<16x8x64xf32, #tpu.memory_space<vmem>>
        %dma_start3A_3822 = arith.constant 9 : i32
        %dma_start3A_3823 = arith.constant 0 : i32
        %dma_start3A_3824 = arith.constant 0 : i32
        %dma_start3A_3825 = tpu.memref_slice %dma_start3A_3821[%dma_start3A_3822, %dma_start3A_3823, %dma_start3A_3824] : memref<16x8x64xf32, #tpu.memory_space<vmem>> -> memref<1x8x64xf32, #tpu.memory_space<vmem>>
        %dma_start3A_3826 = arith.constant 0 : i32
        %dma_start3A_3827 = arith.constant 0 : i32
        %dma_start3A_3828 = tpu.memref_slice %arg3[%squeeze3A_3804, %dma_start3A_3826, %dma_start3A_3827] : memref<125000x8x64xf32, #tpu.memory_space<hbm>> -> memref<1x8x64xf32, #tpu.memory_space<hbm>>
        tpu.enqueue_dma source(%dma_start3A_3828 : memref<1x8x64xf32, #tpu.memory_space<hbm>>) target(%dma_start3A_3825 : memref<1x8x64xf32, #tpu.memory_space<vmem>>) target_semaphore(%arg17 : memref<!tpu.dma_semaphore, #tpu.memory_space<semaphore_mem>>)
        %slice3A_3829 = vector.extract_strided_slice %get3A_3098 {offsets = [9], sizes = [1], strides = [1]} : vector<16xi32> to vector<1xi32>
        %squeeze3A_3830 = vector.extract %slice3A_3829[0] : i32 from vector<1xi32>
        %dma_start3A_3831 = arith.constant 0 : i32
        %dma_start3A_3832 = arith.constant 0 : i32
        %dma_start3A_3833 = arith.constant 0 : i32
        %dma_start3A_3834 = tpu.memref_slice %arg14[%rem3A_3092, %dma_start3A_3831, %dma_start3A_3832, %dma_start3A_3833] : memref<2x16x8x64xf32, #tpu.memory_space<vmem>> -> memref<1x16x8x64xf32, #tpu.memory_space<vmem>>
        %dma_start3A_3835 = tpu.memref_squeeze %dma_start3A_3834 : memref<1x16x8x64xf32, #tpu.memory_space<vmem>> -> memref<16x8x64xf32, #tpu.memory_space<vmem>>
        %dma_start3A_3836 = arith.constant 9 : i32
        %dma_start3A_3837 = arith.constant 0 : i32
        %dma_start3A_3838 = arith.constant 0 : i32
        %dma_start3A_3839 = tpu.memref_slice %dma_start3A_3835[%dma_start3A_3836, %dma_start3A_3837, %dma_start3A_3838] : memref<16x8x64xf32, #tpu.memory_space<vmem>> -> memref<1x8x64xf32, #tpu.memory_space<vmem>>
        %dma_start3A_3840 = arith.constant 0 : i32
        %dma_start3A_3841 = arith.constant 0 : i32
        %dma_start3A_3842 = tpu.memref_slice %arg4[%squeeze3A_3830, %dma_start3A_3840, %dma_start3A_3841] : memref<125x8x64xf32, #tpu.memory_space<hbm>> -> memref<1x8x64xf32, #tpu.memory_space<hbm>>
        %dma_start3A_3843 = arith.constant 0 : i32
        %dma_start3A_3844 = arith.constant 0 : i32
        %dma_start3A_3845 = arith.constant 0 : i32
        %dma_start3A_3846 = tpu.memref_slice %arg14[%rem3A_3092, %dma_start3A_3843, %dma_start3A_3844, %dma_start3A_3845] : memref<2x16x8x64xf32, #tpu.memory_space<vmem>> -> memref<1x16x8x64xf32, #tpu.memory_space<vmem>>
        %dma_start3A_3847 = tpu.memref_squeeze %dma_start3A_3846 : memref<1x16x8x64xf32, #tpu.memory_space<vmem>> -> memref<16x8x64xf32, #tpu.memory_space<vmem>>
        %dma_start3A_3848 = arith.constant 9 : i32
        %dma_start3A_3849 = arith.constant 0 : i32
        %dma_start3A_3850 = arith.constant 0 : i32
        %dma_start3A_3851 = tpu.memref_slice %dma_start3A_3847[%dma_start3A_3848, %dma_start3A_3849, %dma_start3A_3850] : memref<16x8x64xf32, #tpu.memory_space<vmem>> -> memref<1x8x64xf32, #tpu.memory_space<vmem>>
        %dma_start3A_3852 = arith.constant 0 : i32
        %dma_start3A_3853 = arith.constant 0 : i32
        %dma_start3A_3854 = tpu.memref_slice %arg4[%squeeze3A_3830, %dma_start3A_3852, %dma_start3A_3853] : memref<125x8x64xf32, #tpu.memory_space<hbm>> -> memref<1x8x64xf32, #tpu.memory_space<hbm>>
        tpu.enqueue_dma source(%dma_start3A_3854 : memref<1x8x64xf32, #tpu.memory_space<hbm>>) target(%dma_start3A_3851 : memref<1x8x64xf32, #tpu.memory_space<vmem>>) target_semaphore(%arg17 : memref<!tpu.dma_semaphore, #tpu.memory_space<semaphore_mem>>)
        %slice3A_3855 = vector.extract_strided_slice %get3A_3100 {offsets = [9], sizes = [1], strides = [1]} : vector<16xi32> to vector<1xi32>
        %squeeze3A_3856 = vector.extract %slice3A_3855[0] : i32 from vector<1xi32>
        %dma_start3A_3857 = arith.constant 0 : i32
        %dma_start3A_3858 = arith.constant 0 : i32
        %dma_start3A_3859 = arith.constant 0 : i32
        %dma_start3A_3860 = tpu.memref_slice %arg15[%rem3A_3092, %dma_start3A_3857, %dma_start3A_3858, %dma_start3A_3859] : memref<2x16x8x64xf32, #tpu.memory_space<vmem>> -> memref<1x16x8x64xf32, #tpu.memory_space<vmem>>
        %dma_start3A_3861 = tpu.memref_squeeze %dma_start3A_3860 : memref<1x16x8x64xf32, #tpu.memory_space<vmem>> -> memref<16x8x64xf32, #tpu.memory_space<vmem>>
        %dma_start3A_3862 = arith.constant 9 : i32
        %dma_start3A_3863 = arith.constant 0 : i32
        %dma_start3A_3864 = arith.constant 0 : i32
        %dma_start3A_3865 = tpu.memref_slice %dma_start3A_3861[%dma_start3A_3862, %dma_start3A_3863, %dma_start3A_3864] : memref<16x8x64xf32, #tpu.memory_space<vmem>> -> memref<1x8x64xf32, #tpu.memory_space<vmem>>
        %dma_start3A_3866 = arith.constant 0 : i32
        %dma_start3A_3867 = arith.constant 0 : i32
        %dma_start3A_3868 = tpu.memref_slice %arg3[%squeeze3A_3856, %dma_start3A_3866, %dma_start3A_3867] : memref<125000x8x64xf32, #tpu.memory_space<hbm>> -> memref<1x8x64xf32, #tpu.memory_space<hbm>>
        %dma_start3A_3869 = arith.constant 0 : i32
        %dma_start3A_3870 = arith.constant 0 : i32
        %dma_start3A_3871 = arith.constant 0 : i32
        %dma_start3A_3872 = tpu.memref_slice %arg15[%rem3A_3092, %dma_start3A_3869, %dma_start3A_3870, %dma_start3A_3871] : memref<2x16x8x64xf32, #tpu.memory_space<vmem>> -> memref<1x16x8x64xf32, #tpu.memory_space<vmem>>
        %dma_start3A_3873 = tpu.memref_squeeze %dma_start3A_3872 : memref<1x16x8x64xf32, #tpu.memory_space<vmem>> -> memref<16x8x64xf32, #tpu.memory_space<vmem>>
        %dma_start3A_3874 = arith.constant 9 : i32
        %dma_start3A_3875 = arith.constant 0 : i32
        %dma_start3A_3876 = arith.constant 0 : i32
        %dma_start3A_3877 = tpu.memref_slice %dma_start3A_3873[%dma_start3A_3874, %dma_start3A_3875, %dma_start3A_3876] : memref<16x8x64xf32, #tpu.memory_space<vmem>> -> memref<1x8x64xf32, #tpu.memory_space<vmem>>
        %dma_start3A_3878 = arith.constant 0 : i32
        %dma_start3A_3879 = arith.constant 0 : i32
        %dma_start3A_3880 = tpu.memref_slice %arg3[%squeeze3A_3856, %dma_start3A_3878, %dma_start3A_3879] : memref<125000x8x64xf32, #tpu.memory_space<hbm>> -> memref<1x8x64xf32, #tpu.memory_space<hbm>>
        tpu.enqueue_dma source(%dma_start3A_3880 : memref<1x8x64xf32, #tpu.memory_space<hbm>>) target(%dma_start3A_3877 : memref<1x8x64xf32, #tpu.memory_space<vmem>>) target_semaphore(%arg17 : memref<!tpu.dma_semaphore, #tpu.memory_space<semaphore_mem>>)
        %slice3A_3881 = vector.extract_strided_slice %get3A_3096 {offsets = [10], sizes = [1], strides = [1]} : vector<16xi32> to vector<1xi32>
        %squeeze3A_3882 = vector.extract %slice3A_3881[0] : i32 from vector<1xi32>
        %dma_start3A_3883 = arith.constant 0 : i32
        %dma_start3A_3884 = arith.constant 0 : i32
        %dma_start3A_3885 = arith.constant 0 : i32
        %dma_start3A_3886 = tpu.memref_slice %arg13[%rem3A_3092, %dma_start3A_3883, %dma_start3A_3884, %dma_start3A_3885] : memref<2x16x8x64xf32, #tpu.memory_space<vmem>> -> memref<1x16x8x64xf32, #tpu.memory_space<vmem>>
        %dma_start3A_3887 = tpu.memref_squeeze %dma_start3A_3886 : memref<1x16x8x64xf32, #tpu.memory_space<vmem>> -> memref<16x8x64xf32, #tpu.memory_space<vmem>>
        %dma_start3A_3888 = arith.constant 10 : i32
        %dma_start3A_3889 = arith.constant 0 : i32
        %dma_start3A_3890 = arith.constant 0 : i32
        %dma_start3A_3891 = tpu.memref_slice %dma_start3A_3887[%dma_start3A_3888, %dma_start3A_3889, %dma_start3A_3890] : memref<16x8x64xf32, #tpu.memory_space<vmem>> -> memref<1x8x64xf32, #tpu.memory_space<vmem>>
        %dma_start3A_3892 = arith.constant 0 : i32
        %dma_start3A_3893 = arith.constant 0 : i32
        %dma_start3A_3894 = tpu.memref_slice %arg3[%squeeze3A_3882, %dma_start3A_3892, %dma_start3A_3893] : memref<125000x8x64xf32, #tpu.memory_space<hbm>> -> memref<1x8x64xf32, #tpu.memory_space<hbm>>
        %dma_start3A_3895 = arith.constant 0 : i32
        %dma_start3A_3896 = arith.constant 0 : i32
        %dma_start3A_3897 = arith.constant 0 : i32
        %dma_start3A_3898 = tpu.memref_slice %arg13[%rem3A_3092, %dma_start3A_3895, %dma_start3A_3896, %dma_start3A_3897] : memref<2x16x8x64xf32, #tpu.memory_space<vmem>> -> memref<1x16x8x64xf32, #tpu.memory_space<vmem>>
        %dma_start3A_3899 = tpu.memref_squeeze %dma_start3A_3898 : memref<1x16x8x64xf32, #tpu.memory_space<vmem>> -> memref<16x8x64xf32, #tpu.memory_space<vmem>>
        %dma_start3A_3900 = arith.constant 10 : i32
        %dma_start3A_3901 = arith.constant 0 : i32
        %dma_start3A_3902 = arith.constant 0 : i32
        %dma_start3A_3903 = tpu.memref_slice %dma_start3A_3899[%dma_start3A_3900, %dma_start3A_3901, %dma_start3A_3902] : memref<16x8x64xf32, #tpu.memory_space<vmem>> -> memref<1x8x64xf32, #tpu.memory_space<vmem>>
        %dma_start3A_3904 = arith.constant 0 : i32
        %dma_start3A_3905 = arith.constant 0 : i32
        %dma_start3A_3906 = tpu.memref_slice %arg3[%squeeze3A_3882, %dma_start3A_3904, %dma_start3A_3905] : memref<125000x8x64xf32, #tpu.memory_space<hbm>> -> memref<1x8x64xf32, #tpu.memory_space<hbm>>
        tpu.enqueue_dma source(%dma_start3A_3906 : memref<1x8x64xf32, #tpu.memory_space<hbm>>) target(%dma_start3A_3903 : memref<1x8x64xf32, #tpu.memory_space<vmem>>) target_semaphore(%arg17 : memref<!tpu.dma_semaphore, #tpu.memory_space<semaphore_mem>>)
        %slice3A_3907 = vector.extract_strided_slice %get3A_3098 {offsets = [10], sizes = [1], strides = [1]} : vector<16xi32> to vector<1xi32>
        %squeeze3A_3908 = vector.extract %slice3A_3907[0] : i32 from vector<1xi32>
        %dma_start3A_3909 = arith.constant 0 : i32
        %dma_start3A_3910 = arith.constant 0 : i32
        %dma_start3A_3911 = arith.constant 0 : i32
        %dma_start3A_3912 = tpu.memref_slice %arg14[%rem3A_3092, %dma_start3A_3909, %dma_start3A_3910, %dma_start3A_3911] : memref<2x16x8x64xf32, #tpu.memory_space<vmem>> -> memref<1x16x8x64xf32, #tpu.memory_space<vmem>>
        %dma_start3A_3913 = tpu.memref_squeeze %dma_start3A_3912 : memref<1x16x8x64xf32, #tpu.memory_space<vmem>> -> memref<16x8x64xf32, #tpu.memory_space<vmem>>
        %dma_start3A_3914 = arith.constant 10 : i32
        %dma_start3A_3915 = arith.constant 0 : i32
        %dma_start3A_3916 = arith.constant 0 : i32
        %dma_start3A_3917 = tpu.memref_slice %dma_start3A_3913[%dma_start3A_3914, %dma_start3A_3915, %dma_start3A_3916] : memref<16x8x64xf32, #tpu.memory_space<vmem>> -> memref<1x8x64xf32, #tpu.memory_space<vmem>>
        %dma_start3A_3918 = arith.constant 0 : i32
        %dma_start3A_3919 = arith.constant 0 : i32
        %dma_start3A_3920 = tpu.memref_slice %arg4[%squeeze3A_3908, %dma_start3A_3918, %dma_start3A_3919] : memref<125x8x64xf32, #tpu.memory_space<hbm>> -> memref<1x8x64xf32, #tpu.memory_space<hbm>>
        %dma_start3A_3921 = arith.constant 0 : i32
        %dma_start3A_3922 = arith.constant 0 : i32
        %dma_start3A_3923 = arith.constant 0 : i32
        %dma_start3A_3924 = tpu.memref_slice %arg14[%rem3A_3092, %dma_start3A_3921, %dma_start3A_3922, %dma_start3A_3923] : memref<2x16x8x64xf32, #tpu.memory_space<vmem>> -> memref<1x16x8x64xf32, #tpu.memory_space<vmem>>
        %dma_start3A_3925 = tpu.memref_squeeze %dma_start3A_3924 : memref<1x16x8x64xf32, #tpu.memory_space<vmem>> -> memref<16x8x64xf32, #tpu.memory_space<vmem>>
        %dma_start3A_3926 = arith.constant 10 : i32
        %dma_start3A_3927 = arith.constant 0 : i32
        %dma_start3A_3928 = arith.constant 0 : i32
        %dma_start3A_3929 = tpu.memref_slice %dma_start3A_3925[%dma_start3A_3926, %dma_start3A_3927, %dma_start3A_3928] : memref<16x8x64xf32, #tpu.memory_space<vmem>> -> memref<1x8x64xf32, #tpu.memory_space<vmem>>
        %dma_start3A_3930 = arith.constant 0 : i32
        %dma_start3A_3931 = arith.constant 0 : i32
        %dma_start3A_3932 = tpu.memref_slice %arg4[%squeeze3A_3908, %dma_start3A_3930, %dma_start3A_3931] : memref<125x8x64xf32, #tpu.memory_space<hbm>> -> memref<1x8x64xf32, #tpu.memory_space<hbm>>
        tpu.enqueue_dma source(%dma_start3A_3932 : memref<1x8x64xf32, #tpu.memory_space<hbm>>) target(%dma_start3A_3929 : memref<1x8x64xf32, #tpu.memory_space<vmem>>) target_semaphore(%arg17 : memref<!tpu.dma_semaphore, #tpu.memory_space<semaphore_mem>>)
        %slice3A_3933 = vector.extract_strided_slice %get3A_3100 {offsets = [10], sizes = [1], strides = [1]} : vector<16xi32> to vector<1xi32>
        %squeeze3A_3934 = vector.extract %slice3A_3933[0] : i32 from vector<1xi32>
        %dma_start3A_3935 = arith.constant 0 : i32
        %dma_start3A_3936 = arith.constant 0 : i32
        %dma_start3A_3937 = arith.constant 0 : i32
        %dma_start3A_3938 = tpu.memref_slice %arg15[%rem3A_3092, %dma_start3A_3935, %dma_start3A_3936, %dma_start3A_3937] : memref<2x16x8x64xf32, #tpu.memory_space<vmem>> -> memref<1x16x8x64xf32, #tpu.memory_space<vmem>>
        %dma_start3A_3939 = tpu.memref_squeeze %dma_start3A_3938 : memref<1x16x8x64xf32, #tpu.memory_space<vmem>> -> memref<16x8x64xf32, #tpu.memory_space<vmem>>
        %dma_start3A_3940 = arith.constant 10 : i32
        %dma_start3A_3941 = arith.constant 0 : i32
        %dma_start3A_3942 = arith.constant 0 : i32
        %dma_start3A_3943 = tpu.memref_slice %dma_start3A_3939[%dma_start3A_3940, %dma_start3A_3941, %dma_start3A_3942] : memref<16x8x64xf32, #tpu.memory_space<vmem>> -> memref<1x8x64xf32, #tpu.memory_space<vmem>>
        %dma_start3A_3944 = arith.constant 0 : i32
        %dma_start3A_3945 = arith.constant 0 : i32
        %dma_start3A_3946 = tpu.memref_slice %arg3[%squeeze3A_3934, %dma_start3A_3944, %dma_start3A_3945] : memref<125000x8x64xf32, #tpu.memory_space<hbm>> -> memref<1x8x64xf32, #tpu.memory_space<hbm>>
        %dma_start3A_3947 = arith.constant 0 : i32
        %dma_start3A_3948 = arith.constant 0 : i32
        %dma_start3A_3949 = arith.constant 0 : i32
        %dma_start3A_3950 = tpu.memref_slice %arg15[%rem3A_3092, %dma_start3A_3947, %dma_start3A_3948, %dma_start3A_3949] : memref<2x16x8x64xf32, #tpu.memory_space<vmem>> -> memref<1x16x8x64xf32, #tpu.memory_space<vmem>>
        %dma_start3A_3951 = tpu.memref_squeeze %dma_start3A_3950 : memref<1x16x8x64xf32, #tpu.memory_space<vmem>> -> memref<16x8x64xf32, #tpu.memory_space<vmem>>
        %dma_start3A_3952 = arith.constant 10 : i32
        %dma_start3A_3953 = arith.constant 0 : i32
        %dma_start3A_3954 = arith.constant 0 : i32
        %dma_start3A_3955 = tpu.memref_slice %dma_start3A_3951[%dma_start3A_3952, %dma_start3A_3953, %dma_start3A_3954] : memref<16x8x64xf32, #tpu.memory_space<vmem>> -> memref<1x8x64xf32, #tpu.memory_space<vmem>>
        %dma_start3A_3956 = arith.constant 0 : i32
        %dma_start3A_3957 = arith.constant 0 : i32
        %dma_start3A_3958 = tpu.memref_slice %arg3[%squeeze3A_3934, %dma_start3A_3956, %dma_start3A_3957] : memref<125000x8x64xf32, #tpu.memory_space<hbm>> -> memref<1x8x64xf32, #tpu.memory_space<hbm>>
        tpu.enqueue_dma source(%dma_start3A_3958 : memref<1x8x64xf32, #tpu.memory_space<hbm>>) target(%dma_start3A_3955 : memref<1x8x64xf32, #tpu.memory_space<vmem>>) target_semaphore(%arg17 : memref<!tpu.dma_semaphore, #tpu.memory_space<semaphore_mem>>)
        %slice3A_3959 = vector.extract_strided_slice %get3A_3096 {offsets = [11], sizes = [1], strides = [1]} : vector<16xi32> to vector<1xi32>
        %squeeze3A_3960 = vector.extract %slice3A_3959[0] : i32 from vector<1xi32>
        %dma_start3A_3961 = arith.constant 0 : i32
        %dma_start3A_3962 = arith.constant 0 : i32
        %dma_start3A_3963 = arith.constant 0 : i32
        %dma_start3A_3964 = tpu.memref_slice %arg13[%rem3A_3092, %dma_start3A_3961, %dma_start3A_3962, %dma_start3A_3963] : memref<2x16x8x64xf32, #tpu.memory_space<vmem>> -> memref<1x16x8x64xf32, #tpu.memory_space<vmem>>
        %dma_start3A_3965 = tpu.memref_squeeze %dma_start3A_3964 : memref<1x16x8x64xf32, #tpu.memory_space<vmem>> -> memref<16x8x64xf32, #tpu.memory_space<vmem>>
        %dma_start3A_3966 = arith.constant 11 : i32
        %dma_start3A_3967 = arith.constant 0 : i32
        %dma_start3A_3968 = arith.constant 0 : i32
        %dma_start3A_3969 = tpu.memref_slice %dma_start3A_3965[%dma_start3A_3966, %dma_start3A_3967, %dma_start3A_3968] : memref<16x8x64xf32, #tpu.memory_space<vmem>> -> memref<1x8x64xf32, #tpu.memory_space<vmem>>
        %dma_start3A_3970 = arith.constant 0 : i32
        %dma_start3A_3971 = arith.constant 0 : i32
        %dma_start3A_3972 = tpu.memref_slice %arg3[%squeeze3A_3960, %dma_start3A_3970, %dma_start3A_3971] : memref<125000x8x64xf32, #tpu.memory_space<hbm>> -> memref<1x8x64xf32, #tpu.memory_space<hbm>>
        %dma_start3A_3973 = arith.constant 0 : i32
        %dma_start3A_3974 = arith.constant 0 : i32
        %dma_start3A_3975 = arith.constant 0 : i32
        %dma_start3A_3976 = tpu.memref_slice %arg13[%rem3A_3092, %dma_start3A_3973, %dma_start3A_3974, %dma_start3A_3975] : memref<2x16x8x64xf32, #tpu.memory_space<vmem>> -> memref<1x16x8x64xf32, #tpu.memory_space<vmem>>
        %dma_start3A_3977 = tpu.memref_squeeze %dma_start3A_3976 : memref<1x16x8x64xf32, #tpu.memory_space<vmem>> -> memref<16x8x64xf32, #tpu.memory_space<vmem>>
        %dma_start3A_3978 = arith.constant 11 : i32
        %dma_start3A_3979 = arith.constant 0 : i32
        %dma_start3A_3980 = arith.constant 0 : i32
        %dma_start3A_3981 = tpu.memref_slice %dma_start3A_3977[%dma_start3A_3978, %dma_start3A_3979, %dma_start3A_3980] : memref<16x8x64xf32, #tpu.memory_space<vmem>> -> memref<1x8x64xf32, #tpu.memory_space<vmem>>
        %dma_start3A_3982 = arith.constant 0 : i32
        %dma_start3A_3983 = arith.constant 0 : i32
        %dma_start3A_3984 = tpu.memref_slice %arg3[%squeeze3A_3960, %dma_start3A_3982, %dma_start3A_3983] : memref<125000x8x64xf32, #tpu.memory_space<hbm>> -> memref<1x8x64xf32, #tpu.memory_space<hbm>>
        tpu.enqueue_dma source(%dma_start3A_3984 : memref<1x8x64xf32, #tpu.memory_space<hbm>>) target(%dma_start3A_3981 : memref<1x8x64xf32, #tpu.memory_space<vmem>>) target_semaphore(%arg17 : memref<!tpu.dma_semaphore, #tpu.memory_space<semaphore_mem>>)
        %slice3A_3985 = vector.extract_strided_slice %get3A_3098 {offsets = [11], sizes = [1], strides = [1]} : vector<16xi32> to vector<1xi32>
        %squeeze3A_3986 = vector.extract %slice3A_3985[0] : i32 from vector<1xi32>
        %dma_start3A_3987 = arith.constant 0 : i32
        %dma_start3A_3988 = arith.constant 0 : i32
        %dma_start3A_3989 = arith.constant 0 : i32
        %dma_start3A_3990 = tpu.memref_slice %arg14[%rem3A_3092, %dma_start3A_3987, %dma_start3A_3988, %dma_start3A_3989] : memref<2x16x8x64xf32, #tpu.memory_space<vmem>> -> memref<1x16x8x64xf32, #tpu.memory_space<vmem>>
        %dma_start3A_3991 = tpu.memref_squeeze %dma_start3A_3990 : memref<1x16x8x64xf32, #tpu.memory_space<vmem>> -> memref<16x8x64xf32, #tpu.memory_space<vmem>>
        %dma_start3A_3992 = arith.constant 11 : i32
        %dma_start3A_3993 = arith.constant 0 : i32
        %dma_start3A_3994 = arith.constant 0 : i32
        %dma_start3A_3995 = tpu.memref_slice %dma_start3A_3991[%dma_start3A_3992, %dma_start3A_3993, %dma_start3A_3994] : memref<16x8x64xf32, #tpu.memory_space<vmem>> -> memref<1x8x64xf32, #tpu.memory_space<vmem>>
        %dma_start3A_3996 = arith.constant 0 : i32
        %dma_start3A_3997 = arith.constant 0 : i32
        %dma_start3A_3998 = tpu.memref_slice %arg4[%squeeze3A_3986, %dma_start3A_3996, %dma_start3A_3997] : memref<125x8x64xf32, #tpu.memory_space<hbm>> -> memref<1x8x64xf32, #tpu.memory_space<hbm>>
        %dma_start3A_3999 = arith.constant 0 : i32
        %dma_start3A_4000 = arith.constant 0 : i32
        %dma_start3A_4001 = arith.constant 0 : i32
        %dma_start3A_4002 = tpu.memref_slice %arg14[%rem3A_3092, %dma_start3A_3999, %dma_start3A_4000, %dma_start3A_4001] : memref<2x16x8x64xf32, #tpu.memory_space<vmem>> -> memref<1x16x8x64xf32, #tpu.memory_space<vmem>>
        %dma_start3A_4003 = tpu.memref_squeeze %dma_start3A_4002 : memref<1x16x8x64xf32, #tpu.memory_space<vmem>> -> memref<16x8x64xf32, #tpu.memory_space<vmem>>
        %dma_start3A_4004 = arith.constant 11 : i32
        %dma_start3A_4005 = arith.constant 0 : i32
        %dma_start3A_4006 = arith.constant 0 : i32
        %dma_start3A_4007 = tpu.memref_slice %dma_start3A_4003[%dma_start3A_4004, %dma_start3A_4005, %dma_start3A_4006] : memref<16x8x64xf32, #tpu.memory_space<vmem>> -> memref<1x8x64xf32, #tpu.memory_space<vmem>>
        %dma_start3A_4008 = arith.constant 0 : i32
        %dma_start3A_4009 = arith.constant 0 : i32
        %dma_start3A_4010 = tpu.memref_slice %arg4[%squeeze3A_3986, %dma_start3A_4008, %dma_start3A_4009] : memref<125x8x64xf32, #tpu.memory_space<hbm>> -> memref<1x8x64xf32, #tpu.memory_space<hbm>>
        tpu.enqueue_dma source(%dma_start3A_4010 : memref<1x8x64xf32, #tpu.memory_space<hbm>>) target(%dma_start3A_4007 : memref<1x8x64xf32, #tpu.memory_space<vmem>>) target_semaphore(%arg17 : memref<!tpu.dma_semaphore, #tpu.memory_space<semaphore_mem>>)
        %slice3A_4011 = vector.extract_strided_slice %get3A_3100 {offsets = [11], sizes = [1], strides = [1]} : vector<16xi32> to vector<1xi32>
        %squeeze3A_4012 = vector.extract %slice3A_4011[0] : i32 from vector<1xi32>
        %dma_start3A_4013 = arith.constant 0 : i32
        %dma_start3A_4014 = arith.constant 0 : i32
        %dma_start3A_4015 = arith.constant 0 : i32
        %dma_start3A_4016 = tpu.memref_slice %arg15[%rem3A_3092, %dma_start3A_4013, %dma_start3A_4014, %dma_start3A_4015] : memref<2x16x8x64xf32, #tpu.memory_space<vmem>> -> memref<1x16x8x64xf32, #tpu.memory_space<vmem>>
        %dma_start3A_4017 = tpu.memref_squeeze %dma_start3A_4016 : memref<1x16x8x64xf32, #tpu.memory_space<vmem>> -> memref<16x8x64xf32, #tpu.memory_space<vmem>>
        %dma_start3A_4018 = arith.constant 11 : i32
        %dma_start3A_4019 = arith.constant 0 : i32
        %dma_start3A_4020 = arith.constant 0 : i32
        %dma_start3A_4021 = tpu.memref_slice %dma_start3A_4017[%dma_start3A_4018, %dma_start3A_4019, %dma_start3A_4020] : memref<16x8x64xf32, #tpu.memory_space<vmem>> -> memref<1x8x64xf32, #tpu.memory_space<vmem>>
        %dma_start3A_4022 = arith.constant 0 : i32
        %dma_start3A_4023 = arith.constant 0 : i32
        %dma_start3A_4024 = tpu.memref_slice %arg3[%squeeze3A_4012, %dma_start3A_4022, %dma_start3A_4023] : memref<125000x8x64xf32, #tpu.memory_space<hbm>> -> memref<1x8x64xf32, #tpu.memory_space<hbm>>
        %dma_start3A_4025 = arith.constant 0 : i32
        %dma_start3A_4026 = arith.constant 0 : i32
        %dma_start3A_4027 = arith.constant 0 : i32
        %dma_start3A_4028 = tpu.memref_slice %arg15[%rem3A_3092, %dma_start3A_4025, %dma_start3A_4026, %dma_start3A_4027] : memref<2x16x8x64xf32, #tpu.memory_space<vmem>> -> memref<1x16x8x64xf32, #tpu.memory_space<vmem>>
        %dma_start3A_4029 = tpu.memref_squeeze %dma_start3A_4028 : memref<1x16x8x64xf32, #tpu.memory_space<vmem>> -> memref<16x8x64xf32, #tpu.memory_space<vmem>>
        %dma_start3A_4030 = arith.constant 11 : i32
        %dma_start3A_4031 = arith.constant 0 : i32
        %dma_start3A_4032 = arith.constant 0 : i32
        %dma_start3A_4033 = tpu.memref_slice %dma_start3A_4029[%dma_start3A_4030, %dma_start3A_4031, %dma_start3A_4032] : memref<16x8x64xf32, #tpu.memory_space<vmem>> -> memref<1x8x64xf32, #tpu.memory_space<vmem>>
        %dma_start3A_4034 = arith.constant 0 : i32
        %dma_start3A_4035 = arith.constant 0 : i32
        %dma_start3A_4036 = tpu.memref_slice %arg3[%squeeze3A_4012, %dma_start3A_4034, %dma_start3A_4035] : memref<125000x8x64xf32, #tpu.memory_space<hbm>> -> memref<1x8x64xf32, #tpu.memory_space<hbm>>
        tpu.enqueue_dma source(%dma_start3A_4036 : memref<1x8x64xf32, #tpu.memory_space<hbm>>) target(%dma_start3A_4033 : memref<1x8x64xf32, #tpu.memory_space<vmem>>) target_semaphore(%arg17 : memref<!tpu.dma_semaphore, #tpu.memory_space<semaphore_mem>>)
        %slice3A_4037 = vector.extract_strided_slice %get3A_3096 {offsets = [12], sizes = [1], strides = [1]} : vector<16xi32> to vector<1xi32>
        %squeeze3A_4038 = vector.extract %slice3A_4037[0] : i32 from vector<1xi32>
        %dma_start3A_4039 = arith.constant 0 : i32
        %dma_start3A_4040 = arith.constant 0 : i32
        %dma_start3A_4041 = arith.constant 0 : i32
        %dma_start3A_4042 = tpu.memref_slice %arg13[%rem3A_3092, %dma_start3A_4039, %dma_start3A_4040, %dma_start3A_4041] : memref<2x16x8x64xf32, #tpu.memory_space<vmem>> -> memref<1x16x8x64xf32, #tpu.memory_space<vmem>>
        %dma_start3A_4043 = tpu.memref_squeeze %dma_start3A_4042 : memref<1x16x8x64xf32, #tpu.memory_space<vmem>> -> memref<16x8x64xf32, #tpu.memory_space<vmem>>
        %dma_start3A_4044 = arith.constant 12 : i32
        %dma_start3A_4045 = arith.constant 0 : i32
        %dma_start3A_4046 = arith.constant 0 : i32
        %dma_start3A_4047 = tpu.memref_slice %dma_start3A_4043[%dma_start3A_4044, %dma_start3A_4045, %dma_start3A_4046] : memref<16x8x64xf32, #tpu.memory_space<vmem>> -> memref<1x8x64xf32, #tpu.memory_space<vmem>>
        %dma_start3A_4048 = arith.constant 0 : i32
        %dma_start3A_4049 = arith.constant 0 : i32
        %dma_start3A_4050 = tpu.memref_slice %arg3[%squeeze3A_4038, %dma_start3A_4048, %dma_start3A_4049] : memref<125000x8x64xf32, #tpu.memory_space<hbm>> -> memref<1x8x64xf32, #tpu.memory_space<hbm>>
        %dma_start3A_4051 = arith.constant 0 : i32
        %dma_start3A_4052 = arith.constant 0 : i32
        %dma_start3A_4053 = arith.constant 0 : i32
        %dma_start3A_4054 = tpu.memref_slice %arg13[%rem3A_3092, %dma_start3A_4051, %dma_start3A_4052, %dma_start3A_4053] : memref<2x16x8x64xf32, #tpu.memory_space<vmem>> -> memref<1x16x8x64xf32, #tpu.memory_space<vmem>>
        %dma_start3A_4055 = tpu.memref_squeeze %dma_start3A_4054 : memref<1x16x8x64xf32, #tpu.memory_space<vmem>> -> memref<16x8x64xf32, #tpu.memory_space<vmem>>
        %dma_start3A_4056 = arith.constant 12 : i32
        %dma_start3A_4057 = arith.constant 0 : i32
        %dma_start3A_4058 = arith.constant 0 : i32
        %dma_start3A_4059 = tpu.memref_slice %dma_start3A_4055[%dma_start3A_4056, %dma_start3A_4057, %dma_start3A_4058] : memref<16x8x64xf32, #tpu.memory_space<vmem>> -> memref<1x8x64xf32, #tpu.memory_space<vmem>>
        %dma_start3A_4060 = arith.constant 0 : i32
        %dma_start3A_4061 = arith.constant 0 : i32
        %dma_start3A_4062 = tpu.memref_slice %arg3[%squeeze3A_4038, %dma_start3A_4060, %dma_start3A_4061] : memref<125000x8x64xf32, #tpu.memory_space<hbm>> -> memref<1x8x64xf32, #tpu.memory_space<hbm>>
        tpu.enqueue_dma source(%dma_start3A_4062 : memref<1x8x64xf32, #tpu.memory_space<hbm>>) target(%dma_start3A_4059 : memref<1x8x64xf32, #tpu.memory_space<vmem>>) target_semaphore(%arg17 : memref<!tpu.dma_semaphore, #tpu.memory_space<semaphore_mem>>)
        %slice3A_4063 = vector.extract_strided_slice %get3A_3098 {offsets = [12], sizes = [1], strides = [1]} : vector<16xi32> to vector<1xi32>
        %squeeze3A_4064 = vector.extract %slice3A_4063[0] : i32 from vector<1xi32>
        %dma_start3A_4065 = arith.constant 0 : i32
        %dma_start3A_4066 = arith.constant 0 : i32
        %dma_start3A_4067 = arith.constant 0 : i32
        %dma_start3A_4068 = tpu.memref_slice %arg14[%rem3A_3092, %dma_start3A_4065, %dma_start3A_4066, %dma_start3A_4067] : memref<2x16x8x64xf32, #tpu.memory_space<vmem>> -> memref<1x16x8x64xf32, #tpu.memory_space<vmem>>
        %dma_start3A_4069 = tpu.memref_squeeze %dma_start3A_4068 : memref<1x16x8x64xf32, #tpu.memory_space<vmem>> -> memref<16x8x64xf32, #tpu.memory_space<vmem>>
        %dma_start3A_4070 = arith.constant 12 : i32
        %dma_start3A_4071 = arith.constant 0 : i32
        %dma_start3A_4072 = arith.constant 0 : i32
        %dma_start3A_4073 = tpu.memref_slice %dma_start3A_4069[%dma_start3A_4070, %dma_start3A_4071, %dma_start3A_4072] : memref<16x8x64xf32, #tpu.memory_space<vmem>> -> memref<1x8x64xf32, #tpu.memory_space<vmem>>
        %dma_start3A_4074 = arith.constant 0 : i32
        %dma_start3A_4075 = arith.constant 0 : i32
        %dma_start3A_4076 = tpu.memref_slice %arg4[%squeeze3A_4064, %dma_start3A_4074, %dma_start3A_4075] : memref<125x8x64xf32, #tpu.memory_space<hbm>> -> memref<1x8x64xf32, #tpu.memory_space<hbm>>
        %dma_start3A_4077 = arith.constant 0 : i32
        %dma_start3A_4078 = arith.constant 0 : i32
        %dma_start3A_4079 = arith.constant 0 : i32
        %dma_start3A_4080 = tpu.memref_slice %arg14[%rem3A_3092, %dma_start3A_4077, %dma_start3A_4078, %dma_start3A_4079] : memref<2x16x8x64xf32, #tpu.memory_space<vmem>> -> memref<1x16x8x64xf32, #tpu.memory_space<vmem>>
        %dma_start3A_4081 = tpu.memref_squeeze %dma_start3A_4080 : memref<1x16x8x64xf32, #tpu.memory_space<vmem>> -> memref<16x8x64xf32, #tpu.memory_space<vmem>>
        %dma_start3A_4082 = arith.constant 12 : i32
        %dma_start3A_4083 = arith.constant 0 : i32
        %dma_start3A_4084 = arith.constant 0 : i32
        %dma_start3A_4085 = tpu.memref_slice %dma_start3A_4081[%dma_start3A_4082, %dma_start3A_4083, %dma_start3A_4084] : memref<16x8x64xf32, #tpu.memory_space<vmem>> -> memref<1x8x64xf32, #tpu.memory_space<vmem>>
        %dma_start3A_4086 = arith.constant 0 : i32
        %dma_start3A_4087 = arith.constant 0 : i32
        %dma_start3A_4088 = tpu.memref_slice %arg4[%squeeze3A_4064, %dma_start3A_4086, %dma_start3A_4087] : memref<125x8x64xf32, #tpu.memory_space<hbm>> -> memref<1x8x64xf32, #tpu.memory_space<hbm>>
        tpu.enqueue_dma source(%dma_start3A_4088 : memref<1x8x64xf32, #tpu.memory_space<hbm>>) target(%dma_start3A_4085 : memref<1x8x64xf32, #tpu.memory_space<vmem>>) target_semaphore(%arg17 : memref<!tpu.dma_semaphore, #tpu.memory_space<semaphore_mem>>)
        %slice3A_4089 = vector.extract_strided_slice %get3A_3100 {offsets = [12], sizes = [1], strides = [1]} : vector<16xi32> to vector<1xi32>
        %squeeze3A_4090 = vector.extract %slice3A_4089[0] : i32 from vector<1xi32>
        %dma_start3A_4091 = arith.constant 0 : i32
        %dma_start3A_4092 = arith.constant 0 : i32
        %dma_start3A_4093 = arith.constant 0 : i32
        %dma_start3A_4094 = tpu.memref_slice %arg15[%rem3A_3092, %dma_start3A_4091, %dma_start3A_4092, %dma_start3A_4093] : memref<2x16x8x64xf32, #tpu.memory_space<vmem>> -> memref<1x16x8x64xf32, #tpu.memory_space<vmem>>
        %dma_start3A_4095 = tpu.memref_squeeze %dma_start3A_4094 : memref<1x16x8x64xf32, #tpu.memory_space<vmem>> -> memref<16x8x64xf32, #tpu.memory_space<vmem>>
        %dma_start3A_4096 = arith.constant 12 : i32
        %dma_start3A_4097 = arith.constant 0 : i32
        %dma_start3A_4098 = arith.constant 0 : i32
        %dma_start3A_4099 = tpu.memref_slice %dma_start3A_4095[%dma_start3A_4096, %dma_start3A_4097, %dma_start3A_4098] : memref<16x8x64xf32, #tpu.memory_space<vmem>> -> memref<1x8x64xf32, #tpu.memory_space<vmem>>
        %dma_start3A_4100 = arith.constant 0 : i32
        %dma_start3A_4101 = arith.constant 0 : i32
        %dma_start3A_4102 = tpu.memref_slice %arg3[%squeeze3A_4090, %dma_start3A_4100, %dma_start3A_4101] : memref<125000x8x64xf32, #tpu.memory_space<hbm>> -> memref<1x8x64xf32, #tpu.memory_space<hbm>>
        %dma_start3A_4103 = arith.constant 0 : i32
        %dma_start3A_4104 = arith.constant 0 : i32
        %dma_start3A_4105 = arith.constant 0 : i32
        %dma_start3A_4106 = tpu.memref_slice %arg15[%rem3A_3092, %dma_start3A_4103, %dma_start3A_4104, %dma_start3A_4105] : memref<2x16x8x64xf32, #tpu.memory_space<vmem>> -> memref<1x16x8x64xf32, #tpu.memory_space<vmem>>
        %dma_start3A_4107 = tpu.memref_squeeze %dma_start3A_4106 : memref<1x16x8x64xf32, #tpu.memory_space<vmem>> -> memref<16x8x64xf32, #tpu.memory_space<vmem>>
        %dma_start3A_4108 = arith.constant 12 : i32
        %dma_start3A_4109 = arith.constant 0 : i32
        %dma_start3A_4110 = arith.constant 0 : i32
        %dma_start3A_4111 = tpu.memref_slice %dma_start3A_4107[%dma_start3A_4108, %dma_start3A_4109, %dma_start3A_4110] : memref<16x8x64xf32, #tpu.memory_space<vmem>> -> memref<1x8x64xf32, #tpu.memory_space<vmem>>
        %dma_start3A_4112 = arith.constant 0 : i32
        %dma_start3A_4113 = arith.constant 0 : i32
        %dma_start3A_4114 = tpu.memref_slice %arg3[%squeeze3A_4090, %dma_start3A_4112, %dma_start3A_4113] : memref<125000x8x64xf32, #tpu.memory_space<hbm>> -> memref<1x8x64xf32, #tpu.memory_space<hbm>>
        tpu.enqueue_dma source(%dma_start3A_4114 : memref<1x8x64xf32, #tpu.memory_space<hbm>>) target(%dma_start3A_4111 : memref<1x8x64xf32, #tpu.memory_space<vmem>>) target_semaphore(%arg17 : memref<!tpu.dma_semaphore, #tpu.memory_space<semaphore_mem>>)
        %slice3A_4115 = vector.extract_strided_slice %get3A_3096 {offsets = [13], sizes = [1], strides = [1]} : vector<16xi32> to vector<1xi32>
        %squeeze3A_4116 = vector.extract %slice3A_4115[0] : i32 from vector<1xi32>
        %dma_start3A_4117 = arith.constant 0 : i32
        %dma_start3A_4118 = arith.constant 0 : i32
        %dma_start3A_4119 = arith.constant 0 : i32
        %dma_start3A_4120 = tpu.memref_slice %arg13[%rem3A_3092, %dma_start3A_4117, %dma_start3A_4118, %dma_start3A_4119] : memref<2x16x8x64xf32, #tpu.memory_space<vmem>> -> memref<1x16x8x64xf32, #tpu.memory_space<vmem>>
        %dma_start3A_4121 = tpu.memref_squeeze %dma_start3A_4120 : memref<1x16x8x64xf32, #tpu.memory_space<vmem>> -> memref<16x8x64xf32, #tpu.memory_space<vmem>>
        %dma_start3A_4122 = arith.constant 13 : i32
        %dma_start3A_4123 = arith.constant 0 : i32
        %dma_start3A_4124 = arith.constant 0 : i32
        %dma_start3A_4125 = tpu.memref_slice %dma_start3A_4121[%dma_start3A_4122, %dma_start3A_4123, %dma_start3A_4124] : memref<16x8x64xf32, #tpu.memory_space<vmem>> -> memref<1x8x64xf32, #tpu.memory_space<vmem>>
        %dma_start3A_4126 = arith.constant 0 : i32
        %dma_start3A_4127 = arith.constant 0 : i32
        %dma_start3A_4128 = tpu.memref_slice %arg3[%squeeze3A_4116, %dma_start3A_4126, %dma_start3A_4127] : memref<125000x8x64xf32, #tpu.memory_space<hbm>> -> memref<1x8x64xf32, #tpu.memory_space<hbm>>
        %dma_start3A_4129 = arith.constant 0 : i32
        %dma_start3A_4130 = arith.constant 0 : i32
        %dma_start3A_4131 = arith.constant 0 : i32
        %dma_start3A_4132 = tpu.memref_slice %arg13[%rem3A_3092, %dma_start3A_4129, %dma_start3A_4130, %dma_start3A_4131] : memref<2x16x8x64xf32, #tpu.memory_space<vmem>> -> memref<1x16x8x64xf32, #tpu.memory_space<vmem>>
        %dma_start3A_4133 = tpu.memref_squeeze %dma_start3A_4132 : memref<1x16x8x64xf32, #tpu.memory_space<vmem>> -> memref<16x8x64xf32, #tpu.memory_space<vmem>>
        %dma_start3A_4134 = arith.constant 13 : i32
        %dma_start3A_4135 = arith.constant 0 : i32
        %dma_start3A_4136 = arith.constant 0 : i32
        %dma_start3A_4137 = tpu.memref_slice %dma_start3A_4133[%dma_start3A_4134, %dma_start3A_4135, %dma_start3A_4136] : memref<16x8x64xf32, #tpu.memory_space<vmem>> -> memref<1x8x64xf32, #tpu.memory_space<vmem>>
        %dma_start3A_4138 = arith.constant 0 : i32
        %dma_start3A_4139 = arith.constant 0 : i32
        %dma_start3A_4140 = tpu.memref_slice %arg3[%squeeze3A_4116, %dma_start3A_4138, %dma_start3A_4139] : memref<125000x8x64xf32, #tpu.memory_space<hbm>> -> memref<1x8x64xf32, #tpu.memory_space<hbm>>
        tpu.enqueue_dma source(%dma_start3A_4140 : memref<1x8x64xf32, #tpu.memory_space<hbm>>) target(%dma_start3A_4137 : memref<1x8x64xf32, #tpu.memory_space<vmem>>) target_semaphore(%arg17 : memref<!tpu.dma_semaphore, #tpu.memory_space<semaphore_mem>>)
        %slice3A_4141 = vector.extract_strided_slice %get3A_3098 {offsets = [13], sizes = [1], strides = [1]} : vector<16xi32> to vector<1xi32>
        %squeeze3A_4142 = vector.extract %slice3A_4141[0] : i32 from vector<1xi32>
        %dma_start3A_4143 = arith.constant 0 : i32
        %dma_start3A_4144 = arith.constant 0 : i32
        %dma_start3A_4145 = arith.constant 0 : i32
        %dma_start3A_4146 = tpu.memref_slice %arg14[%rem3A_3092, %dma_start3A_4143, %dma_start3A_4144, %dma_start3A_4145] : memref<2x16x8x64xf32, #tpu.memory_space<vmem>> -> memref<1x16x8x64xf32, #tpu.memory_space<vmem>>
        %dma_start3A_4147 = tpu.memref_squeeze %dma_start3A_4146 : memref<1x16x8x64xf32, #tpu.memory_space<vmem>> -> memref<16x8x64xf32, #tpu.memory_space<vmem>>
        %dma_start3A_4148 = arith.constant 13 : i32
        %dma_start3A_4149 = arith.constant 0 : i32
        %dma_start3A_4150 = arith.constant 0 : i32
        %dma_start3A_4151 = tpu.memref_slice %dma_start3A_4147[%dma_start3A_4148, %dma_start3A_4149, %dma_start3A_4150] : memref<16x8x64xf32, #tpu.memory_space<vmem>> -> memref<1x8x64xf32, #tpu.memory_space<vmem>>
        %dma_start3A_4152 = arith.constant 0 : i32
        %dma_start3A_4153 = arith.constant 0 : i32
        %dma_start3A_4154 = tpu.memref_slice %arg4[%squeeze3A_4142, %dma_start3A_4152, %dma_start3A_4153] : memref<125x8x64xf32, #tpu.memory_space<hbm>> -> memref<1x8x64xf32, #tpu.memory_space<hbm>>
        %dma_start3A_4155 = arith.constant 0 : i32
        %dma_start3A_4156 = arith.constant 0 : i32
        %dma_start3A_4157 = arith.constant 0 : i32
        %dma_start3A_4158 = tpu.memref_slice %arg14[%rem3A_3092, %dma_start3A_4155, %dma_start3A_4156, %dma_start3A_4157] : memref<2x16x8x64xf32, #tpu.memory_space<vmem>> -> memref<1x16x8x64xf32, #tpu.memory_space<vmem>>
        %dma_start3A_4159 = tpu.memref_squeeze %dma_start3A_4158 : memref<1x16x8x64xf32, #tpu.memory_space<vmem>> -> memref<16x8x64xf32, #tpu.memory_space<vmem>>
        %dma_start3A_4160 = arith.constant 13 : i32
        %dma_start3A_4161 = arith.constant 0 : i32
        %dma_start3A_4162 = arith.constant 0 : i32
        %dma_start3A_4163 = tpu.memref_slice %dma_start3A_4159[%dma_start3A_4160, %dma_start3A_4161, %dma_start3A_4162] : memref<16x8x64xf32, #tpu.memory_space<vmem>> -> memref<1x8x64xf32, #tpu.memory_space<vmem>>
        %dma_start3A_4164 = arith.constant 0 : i32
        %dma_start3A_4165 = arith.constant 0 : i32
        %dma_start3A_4166 = tpu.memref_slice %arg4[%squeeze3A_4142, %dma_start3A_4164, %dma_start3A_4165] : memref<125x8x64xf32, #tpu.memory_space<hbm>> -> memref<1x8x64xf32, #tpu.memory_space<hbm>>
        tpu.enqueue_dma source(%dma_start3A_4166 : memref<1x8x64xf32, #tpu.memory_space<hbm>>) target(%dma_start3A_4163 : memref<1x8x64xf32, #tpu.memory_space<vmem>>) target_semaphore(%arg17 : memref<!tpu.dma_semaphore, #tpu.memory_space<semaphore_mem>>)
        %slice3A_4167 = vector.extract_strided_slice %get3A_3100 {offsets = [13], sizes = [1], strides = [1]} : vector<16xi32> to vector<1xi32>
        %squeeze3A_4168 = vector.extract %slice3A_4167[0] : i32 from vector<1xi32>
        %dma_start3A_4169 = arith.constant 0 : i32
        %dma_start3A_4170 = arith.constant 0 : i32
        %dma_start3A_4171 = arith.constant 0 : i32
        %dma_start3A_4172 = tpu.memref_slice %arg15[%rem3A_3092, %dma_start3A_4169, %dma_start3A_4170, %dma_start3A_4171] : memref<2x16x8x64xf32, #tpu.memory_space<vmem>> -> memref<1x16x8x64xf32, #tpu.memory_space<vmem>>
        %dma_start3A_4173 = tpu.memref_squeeze %dma_start3A_4172 : memref<1x16x8x64xf32, #tpu.memory_space<vmem>> -> memref<16x8x64xf32, #tpu.memory_space<vmem>>
        %dma_start3A_4174 = arith.constant 13 : i32
        %dma_start3A_4175 = arith.constant 0 : i32
        %dma_start3A_4176 = arith.constant 0 : i32
        %dma_start3A_4177 = tpu.memref_slice %dma_start3A_4173[%dma_start3A_4174, %dma_start3A_4175, %dma_start3A_4176] : memref<16x8x64xf32, #tpu.memory_space<vmem>> -> memref<1x8x64xf32, #tpu.memory_space<vmem>>
        %dma_start3A_4178 = arith.constant 0 : i32
        %dma_start3A_4179 = arith.constant 0 : i32
        %dma_start3A_4180 = tpu.memref_slice %arg3[%squeeze3A_4168, %dma_start3A_4178, %dma_start3A_4179] : memref<125000x8x64xf32, #tpu.memory_space<hbm>> -> memref<1x8x64xf32, #tpu.memory_space<hbm>>
        %dma_start3A_4181 = arith.constant 0 : i32
        %dma_start3A_4182 = arith.constant 0 : i32
        %dma_start3A_4183 = arith.constant 0 : i32
        %dma_start3A_4184 = tpu.memref_slice %arg15[%rem3A_3092, %dma_start3A_4181, %dma_start3A_4182, %dma_start3A_4183] : memref<2x16x8x64xf32, #tpu.memory_space<vmem>> -> memref<1x16x8x64xf32, #tpu.memory_space<vmem>>
        %dma_start3A_4185 = tpu.memref_squeeze %dma_start3A_4184 : memref<1x16x8x64xf32, #tpu.memory_space<vmem>> -> memref<16x8x64xf32, #tpu.memory_space<vmem>>
        %dma_start3A_4186 = arith.constant 13 : i32
        %dma_start3A_4187 = arith.constant 0 : i32
        %dma_start3A_4188 = arith.constant 0 : i32
        %dma_start3A_4189 = tpu.memref_slice %dma_start3A_4185[%dma_start3A_4186, %dma_start3A_4187, %dma_start3A_4188] : memref<16x8x64xf32, #tpu.memory_space<vmem>> -> memref<1x8x64xf32, #tpu.memory_space<vmem>>
        %dma_start3A_4190 = arith.constant 0 : i32
        %dma_start3A_4191 = arith.constant 0 : i32
        %dma_start3A_4192 = tpu.memref_slice %arg3[%squeeze3A_4168, %dma_start3A_4190, %dma_start3A_4191] : memref<125000x8x64xf32, #tpu.memory_space<hbm>> -> memref<1x8x64xf32, #tpu.memory_space<hbm>>
        tpu.enqueue_dma source(%dma_start3A_4192 : memref<1x8x64xf32, #tpu.memory_space<hbm>>) target(%dma_start3A_4189 : memref<1x8x64xf32, #tpu.memory_space<vmem>>) target_semaphore(%arg17 : memref<!tpu.dma_semaphore, #tpu.memory_space<semaphore_mem>>)
        %slice3A_4193 = vector.extract_strided_slice %get3A_3096 {offsets = [14], sizes = [1], strides = [1]} : vector<16xi32> to vector<1xi32>
        %squeeze3A_4194 = vector.extract %slice3A_4193[0] : i32 from vector<1xi32>
        %dma_start3A_4195 = arith.constant 0 : i32
        %dma_start3A_4196 = arith.constant 0 : i32
        %dma_start3A_4197 = arith.constant 0 : i32
        %dma_start3A_4198 = tpu.memref_slice %arg13[%rem3A_3092, %dma_start3A_4195, %dma_start3A_4196, %dma_start3A_4197] : memref<2x16x8x64xf32, #tpu.memory_space<vmem>> -> memref<1x16x8x64xf32, #tpu.memory_space<vmem>>
        %dma_start3A_4199 = tpu.memref_squeeze %dma_start3A_4198 : memref<1x16x8x64xf32, #tpu.memory_space<vmem>> -> memref<16x8x64xf32, #tpu.memory_space<vmem>>
        %dma_start3A_4200 = arith.constant 14 : i32
        %dma_start3A_4201 = arith.constant 0 : i32
        %dma_start3A_4202 = arith.constant 0 : i32
        %dma_start3A_4203 = tpu.memref_slice %dma_start3A_4199[%dma_start3A_4200, %dma_start3A_4201, %dma_start3A_4202] : memref<16x8x64xf32, #tpu.memory_space<vmem>> -> memref<1x8x64xf32, #tpu.memory_space<vmem>>
        %dma_start3A_4204 = arith.constant 0 : i32
        %dma_start3A_4205 = arith.constant 0 : i32
        %dma_start3A_4206 = tpu.memref_slice %arg3[%squeeze3A_4194, %dma_start3A_4204, %dma_start3A_4205] : memref<125000x8x64xf32, #tpu.memory_space<hbm>> -> memref<1x8x64xf32, #tpu.memory_space<hbm>>
        %dma_start3A_4207 = arith.constant 0 : i32
        %dma_start3A_4208 = arith.constant 0 : i32
        %dma_start3A_4209 = arith.constant 0 : i32
        %dma_start3A_4210 = tpu.memref_slice %arg13[%rem3A_3092, %dma_start3A_4207, %dma_start3A_4208, %dma_start3A_4209] : memref<2x16x8x64xf32, #tpu.memory_space<vmem>> -> memref<1x16x8x64xf32, #tpu.memory_space<vmem>>
        %dma_start3A_4211 = tpu.memref_squeeze %dma_start3A_4210 : memref<1x16x8x64xf32, #tpu.memory_space<vmem>> -> memref<16x8x64xf32, #tpu.memory_space<vmem>>
        %dma_start3A_4212 = arith.constant 14 : i32
        %dma_start3A_4213 = arith.constant 0 : i32
        %dma_start3A_4214 = arith.constant 0 : i32
        %dma_start3A_4215 = tpu.memref_slice %dma_start3A_4211[%dma_start3A_4212, %dma_start3A_4213, %dma_start3A_4214] : memref<16x8x64xf32, #tpu.memory_space<vmem>> -> memref<1x8x64xf32, #tpu.memory_space<vmem>>
        %dma_start3A_4216 = arith.constant 0 : i32
        %dma_start3A_4217 = arith.constant 0 : i32
        %dma_start3A_4218 = tpu.memref_slice %arg3[%squeeze3A_4194, %dma_start3A_4216, %dma_start3A_4217] : memref<125000x8x64xf32, #tpu.memory_space<hbm>> -> memref<1x8x64xf32, #tpu.memory_space<hbm>>
        tpu.enqueue_dma source(%dma_start3A_4218 : memref<1x8x64xf32, #tpu.memory_space<hbm>>) target(%dma_start3A_4215 : memref<1x8x64xf32, #tpu.memory_space<vmem>>) target_semaphore(%arg17 : memref<!tpu.dma_semaphore, #tpu.memory_space<semaphore_mem>>)
        %slice3A_4219 = vector.extract_strided_slice %get3A_3098 {offsets = [14], sizes = [1], strides = [1]} : vector<16xi32> to vector<1xi32>
        %squeeze3A_4220 = vector.extract %slice3A_4219[0] : i32 from vector<1xi32>
        %dma_start3A_4221 = arith.constant 0 : i32
        %dma_start3A_4222 = arith.constant 0 : i32
        %dma_start3A_4223 = arith.constant 0 : i32
        %dma_start3A_4224 = tpu.memref_slice %arg14[%rem3A_3092, %dma_start3A_4221, %dma_start3A_4222, %dma_start3A_4223] : memref<2x16x8x64xf32, #tpu.memory_space<vmem>> -> memref<1x16x8x64xf32, #tpu.memory_space<vmem>>
        %dma_start3A_4225 = tpu.memref_squeeze %dma_start3A_4224 : memref<1x16x8x64xf32, #tpu.memory_space<vmem>> -> memref<16x8x64xf32, #tpu.memory_space<vmem>>
        %dma_start3A_4226 = arith.constant 14 : i32
        %dma_start3A_4227 = arith.constant 0 : i32
        %dma_start3A_4228 = arith.constant 0 : i32
        %dma_start3A_4229 = tpu.memref_slice %dma_start3A_4225[%dma_start3A_4226, %dma_start3A_4227, %dma_start3A_4228] : memref<16x8x64xf32, #tpu.memory_space<vmem>> -> memref<1x8x64xf32, #tpu.memory_space<vmem>>
        %dma_start3A_4230 = arith.constant 0 : i32
        %dma_start3A_4231 = arith.constant 0 : i32
        %dma_start3A_4232 = tpu.memref_slice %arg4[%squeeze3A_4220, %dma_start3A_4230, %dma_start3A_4231] : memref<125x8x64xf32, #tpu.memory_space<hbm>> -> memref<1x8x64xf32, #tpu.memory_space<hbm>>
        %dma_start3A_4233 = arith.constant 0 : i32
        %dma_start3A_4234 = arith.constant 0 : i32
        %dma_start3A_4235 = arith.constant 0 : i32
        %dma_start3A_4236 = tpu.memref_slice %arg14[%rem3A_3092, %dma_start3A_4233, %dma_start3A_4234, %dma_start3A_4235] : memref<2x16x8x64xf32, #tpu.memory_space<vmem>> -> memref<1x16x8x64xf32, #tpu.memory_space<vmem>>
        %dma_start3A_4237 = tpu.memref_squeeze %dma_start3A_4236 : memref<1x16x8x64xf32, #tpu.memory_space<vmem>> -> memref<16x8x64xf32, #tpu.memory_space<vmem>>
        %dma_start3A_4238 = arith.constant 14 : i32
        %dma_start3A_4239 = arith.constant 0 : i32
        %dma_start3A_4240 = arith.constant 0 : i32
        %dma_start3A_4241 = tpu.memref_slice %dma_start3A_4237[%dma_start3A_4238, %dma_start3A_4239, %dma_start3A_4240] : memref<16x8x64xf32, #tpu.memory_space<vmem>> -> memref<1x8x64xf32, #tpu.memory_space<vmem>>
        %dma_start3A_4242 = arith.constant 0 : i32
        %dma_start3A_4243 = arith.constant 0 : i32
        %dma_start3A_4244 = tpu.memref_slice %arg4[%squeeze3A_4220, %dma_start3A_4242, %dma_start3A_4243] : memref<125x8x64xf32, #tpu.memory_space<hbm>> -> memref<1x8x64xf32, #tpu.memory_space<hbm>>
        tpu.enqueue_dma source(%dma_start3A_4244 : memref<1x8x64xf32, #tpu.memory_space<hbm>>) target(%dma_start3A_4241 : memref<1x8x64xf32, #tpu.memory_space<vmem>>) target_semaphore(%arg17 : memref<!tpu.dma_semaphore, #tpu.memory_space<semaphore_mem>>)
        %slice3A_4245 = vector.extract_strided_slice %get3A_3100 {offsets = [14], sizes = [1], strides = [1]} : vector<16xi32> to vector<1xi32>
        %squeeze3A_4246 = vector.extract %slice3A_4245[0] : i32 from vector<1xi32>
        %dma_start3A_4247 = arith.constant 0 : i32
        %dma_start3A_4248 = arith.constant 0 : i32
        %dma_start3A_4249 = arith.constant 0 : i32
        %dma_start3A_4250 = tpu.memref_slice %arg15[%rem3A_3092, %dma_start3A_4247, %dma_start3A_4248, %dma_start3A_4249] : memref<2x16x8x64xf32, #tpu.memory_space<vmem>> -> memref<1x16x8x64xf32, #tpu.memory_space<vmem>>
        %dma_start3A_4251 = tpu.memref_squeeze %dma_start3A_4250 : memref<1x16x8x64xf32, #tpu.memory_space<vmem>> -> memref<16x8x64xf32, #tpu.memory_space<vmem>>
        %dma_start3A_4252 = arith.constant 14 : i32
        %dma_start3A_4253 = arith.constant 0 : i32
        %dma_start3A_4254 = arith.constant 0 : i32
        %dma_start3A_4255 = tpu.memref_slice %dma_start3A_4251[%dma_start3A_4252, %dma_start3A_4253, %dma_start3A_4254] : memref<16x8x64xf32, #tpu.memory_space<vmem>> -> memref<1x8x64xf32, #tpu.memory_space<vmem>>
        %dma_start3A_4256 = arith.constant 0 : i32
        %dma_start3A_4257 = arith.constant 0 : i32
        %dma_start3A_4258 = tpu.memref_slice %arg3[%squeeze3A_4246, %dma_start3A_4256, %dma_start3A_4257] : memref<125000x8x64xf32, #tpu.memory_space<hbm>> -> memref<1x8x64xf32, #tpu.memory_space<hbm>>
        %dma_start3A_4259 = arith.constant 0 : i32
        %dma_start3A_4260 = arith.constant 0 : i32
        %dma_start3A_4261 = arith.constant 0 : i32
        %dma_start3A_4262 = tpu.memref_slice %arg15[%rem3A_3092, %dma_start3A_4259, %dma_start3A_4260, %dma_start3A_4261] : memref<2x16x8x64xf32, #tpu.memory_space<vmem>> -> memref<1x16x8x64xf32, #tpu.memory_space<vmem>>
        %dma_start3A_4263 = tpu.memref_squeeze %dma_start3A_4262 : memref<1x16x8x64xf32, #tpu.memory_space<vmem>> -> memref<16x8x64xf32, #tpu.memory_space<vmem>>
        %dma_start3A_4264 = arith.constant 14 : i32
        %dma_start3A_4265 = arith.constant 0 : i32
        %dma_start3A_4266 = arith.constant 0 : i32
        %dma_start3A_4267 = tpu.memref_slice %dma_start3A_4263[%dma_start3A_4264, %dma_start3A_4265, %dma_start3A_4266] : memref<16x8x64xf32, #tpu.memory_space<vmem>> -> memref<1x8x64xf32, #tpu.memory_space<vmem>>
        %dma_start3A_4268 = arith.constant 0 : i32
        %dma_start3A_4269 = arith.constant 0 : i32
        %dma_start3A_4270 = tpu.memref_slice %arg3[%squeeze3A_4246, %dma_start3A_4268, %dma_start3A_4269] : memref<125000x8x64xf32, #tpu.memory_space<hbm>> -> memref<1x8x64xf32, #tpu.memory_space<hbm>>
        tpu.enqueue_dma source(%dma_start3A_4270 : memref<1x8x64xf32, #tpu.memory_space<hbm>>) target(%dma_start3A_4267 : memref<1x8x64xf32, #tpu.memory_space<vmem>>) target_semaphore(%arg17 : memref<!tpu.dma_semaphore, #tpu.memory_space<semaphore_mem>>)
        %slice3A_4271 = vector.extract_strided_slice %get3A_3096 {offsets = [15], sizes = [1], strides = [1]} : vector<16xi32> to vector<1xi32>
        %squeeze3A_4272 = vector.extract %slice3A_4271[0] : i32 from vector<1xi32>
        %dma_start3A_4273 = arith.constant 0 : i32
        %dma_start3A_4274 = arith.constant 0 : i32
        %dma_start3A_4275 = arith.constant 0 : i32
        %dma_start3A_4276 = tpu.memref_slice %arg13[%rem3A_3092, %dma_start3A_4273, %dma_start3A_4274, %dma_start3A_4275] : memref<2x16x8x64xf32, #tpu.memory_space<vmem>> -> memref<1x16x8x64xf32, #tpu.memory_space<vmem>>
        %dma_start3A_4277 = tpu.memref_squeeze %dma_start3A_4276 : memref<1x16x8x64xf32, #tpu.memory_space<vmem>> -> memref<16x8x64xf32, #tpu.memory_space<vmem>>
        %dma_start3A_4278 = arith.constant 15 : i32
        %dma_start3A_4279 = arith.constant 0 : i32
        %dma_start3A_4280 = arith.constant 0 : i32
        %dma_start3A_4281 = tpu.memref_slice %dma_start3A_4277[%dma_start3A_4278, %dma_start3A_4279, %dma_start3A_4280] : memref<16x8x64xf32, #tpu.memory_space<vmem>> -> memref<1x8x64xf32, #tpu.memory_space<vmem>>
        %dma_start3A_4282 = arith.constant 0 : i32
        %dma_start3A_4283 = arith.constant 0 : i32
        %dma_start3A_4284 = tpu.memref_slice %arg3[%squeeze3A_4272, %dma_start3A_4282, %dma_start3A_4283] : memref<125000x8x64xf32, #tpu.memory_space<hbm>> -> memref<1x8x64xf32, #tpu.memory_space<hbm>>
        %dma_start3A_4285 = arith.constant 0 : i32
        %dma_start3A_4286 = arith.constant 0 : i32
        %dma_start3A_4287 = arith.constant 0 : i32
        %dma_start3A_4288 = tpu.memref_slice %arg13[%rem3A_3092, %dma_start3A_4285, %dma_start3A_4286, %dma_start3A_4287] : memref<2x16x8x64xf32, #tpu.memory_space<vmem>> -> memref<1x16x8x64xf32, #tpu.memory_space<vmem>>
        %dma_start3A_4289 = tpu.memref_squeeze %dma_start3A_4288 : memref<1x16x8x64xf32, #tpu.memory_space<vmem>> -> memref<16x8x64xf32, #tpu.memory_space<vmem>>
        %dma_start3A_4290 = arith.constant 15 : i32
        %dma_start3A_4291 = arith.constant 0 : i32
        %dma_start3A_4292 = arith.constant 0 : i32
        %dma_start3A_4293 = tpu.memref_slice %dma_start3A_4289[%dma_start3A_4290, %dma_start3A_4291, %dma_start3A_4292] : memref<16x8x64xf32, #tpu.memory_space<vmem>> -> memref<1x8x64xf32, #tpu.memory_space<vmem>>
        %dma_start3A_4294 = arith.constant 0 : i32
        %dma_start3A_4295 = arith.constant 0 : i32
        %dma_start3A_4296 = tpu.memref_slice %arg3[%squeeze3A_4272, %dma_start3A_4294, %dma_start3A_4295] : memref<125000x8x64xf32, #tpu.memory_space<hbm>> -> memref<1x8x64xf32, #tpu.memory_space<hbm>>
        tpu.enqueue_dma source(%dma_start3A_4296 : memref<1x8x64xf32, #tpu.memory_space<hbm>>) target(%dma_start3A_4293 : memref<1x8x64xf32, #tpu.memory_space<vmem>>) target_semaphore(%arg17 : memref<!tpu.dma_semaphore, #tpu.memory_space<semaphore_mem>>)
        %slice3A_4297 = vector.extract_strided_slice %get3A_3098 {offsets = [15], sizes = [1], strides = [1]} : vector<16xi32> to vector<1xi32>
        %squeeze3A_4298 = vector.extract %slice3A_4297[0] : i32 from vector<1xi32>
        %dma_start3A_4299 = arith.constant 0 : i32
        %dma_start3A_4300 = arith.constant 0 : i32
        %dma_start3A_4301 = arith.constant 0 : i32
        %dma_start3A_4302 = tpu.memref_slice %arg14[%rem3A_3092, %dma_start3A_4299, %dma_start3A_4300, %dma_start3A_4301] : memref<2x16x8x64xf32, #tpu.memory_space<vmem>> -> memref<1x16x8x64xf32, #tpu.memory_space<vmem>>
        %dma_start3A_4303 = tpu.memref_squeeze %dma_start3A_4302 : memref<1x16x8x64xf32, #tpu.memory_space<vmem>> -> memref<16x8x64xf32, #tpu.memory_space<vmem>>
        %dma_start3A_4304 = arith.constant 15 : i32
        %dma_start3A_4305 = arith.constant 0 : i32
        %dma_start3A_4306 = arith.constant 0 : i32
        %dma_start3A_4307 = tpu.memref_slice %dma_start3A_4303[%dma_start3A_4304, %dma_start3A_4305, %dma_start3A_4306] : memref<16x8x64xf32, #tpu.memory_space<vmem>> -> memref<1x8x64xf32, #tpu.memory_space<vmem>>
        %dma_start3A_4308 = arith.constant 0 : i32
        %dma_start3A_4309 = arith.constant 0 : i32
        %dma_start3A_4310 = tpu.memref_slice %arg4[%squeeze3A_4298, %dma_start3A_4308, %dma_start3A_4309] : memref<125x8x64xf32, #tpu.memory_space<hbm>> -> memref<1x8x64xf32, #tpu.memory_space<hbm>>
        %dma_start3A_4311 = arith.constant 0 : i32
        %dma_start3A_4312 = arith.constant 0 : i32
        %dma_start3A_4313 = arith.constant 0 : i32
        %dma_start3A_4314 = tpu.memref_slice %arg14[%rem3A_3092, %dma_start3A_4311, %dma_start3A_4312, %dma_start3A_4313] : memref<2x16x8x64xf32, #tpu.memory_space<vmem>> -> memref<1x16x8x64xf32, #tpu.memory_space<vmem>>
        %dma_start3A_4315 = tpu.memref_squeeze %dma_start3A_4314 : memref<1x16x8x64xf32, #tpu.memory_space<vmem>> -> memref<16x8x64xf32, #tpu.memory_space<vmem>>
        %dma_start3A_4316 = arith.constant 15 : i32
        %dma_start3A_4317 = arith.constant 0 : i32
        %dma_start3A_4318 = arith.constant 0 : i32
        %dma_start3A_4319 = tpu.memref_slice %dma_start3A_4315[%dma_start3A_4316, %dma_start3A_4317, %dma_start3A_4318] : memref<16x8x64xf32, #tpu.memory_space<vmem>> -> memref<1x8x64xf32, #tpu.memory_space<vmem>>
        %dma_start3A_4320 = arith.constant 0 : i32
        %dma_start3A_4321 = arith.constant 0 : i32
        %dma_start3A_4322 = tpu.memref_slice %arg4[%squeeze3A_4298, %dma_start3A_4320, %dma_start3A_4321] : memref<125x8x64xf32, #tpu.memory_space<hbm>> -> memref<1x8x64xf32, #tpu.memory_space<hbm>>
        tpu.enqueue_dma source(%dma_start3A_4322 : memref<1x8x64xf32, #tpu.memory_space<hbm>>) target(%dma_start3A_4319 : memref<1x8x64xf32, #tpu.memory_space<vmem>>) target_semaphore(%arg17 : memref<!tpu.dma_semaphore, #tpu.memory_space<semaphore_mem>>)
        %slice3A_4323 = vector.extract_strided_slice %get3A_3100 {offsets = [15], sizes = [1], strides = [1]} : vector<16xi32> to vector<1xi32>
        %squeeze3A_4324 = vector.extract %slice3A_4323[0] : i32 from vector<1xi32>
        %dma_start3A_4325 = arith.constant 0 : i32
        %dma_start3A_4326 = arith.constant 0 : i32
        %dma_start3A_4327 = arith.constant 0 : i32
        %dma_start3A_4328 = tpu.memref_slice %arg15[%rem3A_3092, %dma_start3A_4325, %dma_start3A_4326, %dma_start3A_4327] : memref<2x16x8x64xf32, #tpu.memory_space<vmem>> -> memref<1x16x8x64xf32, #tpu.memory_space<vmem>>
        %dma_start3A_4329 = tpu.memref_squeeze %dma_start3A_4328 : memref<1x16x8x64xf32, #tpu.memory_space<vmem>> -> memref<16x8x64xf32, #tpu.memory_space<vmem>>
        %dma_start3A_4330 = arith.constant 15 : i32
        %dma_start3A_4331 = arith.constant 0 : i32
        %dma_start3A_4332 = arith.constant 0 : i32
        %dma_start3A_4333 = tpu.memref_slice %dma_start3A_4329[%dma_start3A_4330, %dma_start3A_4331, %dma_start3A_4332] : memref<16x8x64xf32, #tpu.memory_space<vmem>> -> memref<1x8x64xf32, #tpu.memory_space<vmem>>
        %dma_start3A_4334 = arith.constant 0 : i32
        %dma_start3A_4335 = arith.constant 0 : i32
        %dma_start3A_4336 = tpu.memref_slice %arg3[%squeeze3A_4324, %dma_start3A_4334, %dma_start3A_4335] : memref<125000x8x64xf32, #tpu.memory_space<hbm>> -> memref<1x8x64xf32, #tpu.memory_space<hbm>>
        %dma_start3A_4337 = arith.constant 0 : i32
        %dma_start3A_4338 = arith.constant 0 : i32
        %dma_start3A_4339 = arith.constant 0 : i32
        %dma_start3A_4340 = tpu.memref_slice %arg15[%rem3A_3092, %dma_start3A_4337, %dma_start3A_4338, %dma_start3A_4339] : memref<2x16x8x64xf32, #tpu.memory_space<vmem>> -> memref<1x16x8x64xf32, #tpu.memory_space<vmem>>
        %dma_start3A_4341 = tpu.memref_squeeze %dma_start3A_4340 : memref<1x16x8x64xf32, #tpu.memory_space<vmem>> -> memref<16x8x64xf32, #tpu.memory_space<vmem>>
        %dma_start3A_4342 = arith.constant 15 : i32
        %dma_start3A_4343 = arith.constant 0 : i32
        %dma_start3A_4344 = arith.constant 0 : i32
        %dma_start3A_4345 = tpu.memref_slice %dma_start3A_4341[%dma_start3A_4342, %dma_start3A_4343, %dma_start3A_4344] : memref<16x8x64xf32, #tpu.memory_space<vmem>> -> memref<1x8x64xf32, #tpu.memory_space<vmem>>
        %dma_start3A_4346 = arith.constant 0 : i32
        %dma_start3A_4347 = arith.constant 0 : i32
        %dma_start3A_4348 = tpu.memref_slice %arg3[%squeeze3A_4324, %dma_start3A_4346, %dma_start3A_4347] : memref<125000x8x64xf32, #tpu.memory_space<hbm>> -> memref<1x8x64xf32, #tpu.memory_space<hbm>>
        tpu.enqueue_dma source(%dma_start3A_4348 : memref<1x8x64xf32, #tpu.memory_space<hbm>>) target(%dma_start3A_4345 : memref<1x8x64xf32, #tpu.memory_space<vmem>>) target_semaphore(%arg17 : memref<!tpu.dma_semaphore, #tpu.memory_space<semaphore_mem>>)
      } else {
      }
      %rem3A_1307 = arith.constant 2 : i32
      %rem3A_1308 = arith.remsi %scan3A_1301, %rem3A_1307 : i32
      %dma_wait3A_1309 = arith.constant 0 : i32
      %dma_wait3A_1310 = arith.constant 0 : i32
      %dma_wait3A_1311 = arith.constant 0 : i32
      %dma_wait3A_1312 = arith.constant 0 : i32
      %dma_wait3A_1313 = tpu.memref_slice %arg13[%dma_wait3A_1309, %dma_wait3A_1310, %dma_wait3A_1311, %dma_wait3A_1312] : memref<2x16x8x64xf32, #tpu.memory_space<vmem>> -> memref<1x16x8x64xf32, #tpu.memory_space<vmem>>
      %dma_wait3A_1314 = tpu.memref_squeeze %dma_wait3A_1313 : memref<1x16x8x64xf32, #tpu.memory_space<vmem>> -> memref<16x8x64xf32, #tpu.memory_space<vmem>>
      %dma_wait3A_1315 = arith.constant 0 : i32
      %dma_wait3A_1316 = arith.constant 0 : i32
      %dma_wait3A_1317 = arith.constant 0 : i32
      %dma_wait3A_1318 = tpu.memref_slice %arg3[%dma_wait3A_1315, %dma_wait3A_1316, %dma_wait3A_1317] : memref<125000x8x64xf32, #tpu.memory_space<hbm>> -> memref<16x8x64xf32, #tpu.memory_space<hbm>>
      %dma_wait3A_1319 = arith.constant 0 : i32
      %dma_wait3A_1320 = arith.constant 0 : i32
      %dma_wait3A_1321 = arith.constant 0 : i32
      %dma_wait3A_1322 = tpu.memref_slice %arg13[%dma_wait3A_1309, %dma_wait3A_1319, %dma_wait3A_1320, %dma_wait3A_1321] : memref<2x16x8x64xf32, #tpu.memory_space<vmem>> -> memref<1x16x8x64xf32, #tpu.memory_space<vmem>>
      %dma_wait3A_1323 = tpu.memref_squeeze %dma_wait3A_1322 : memref<1x16x8x64xf32, #tpu.memory_space<vmem>> -> memref<16x8x64xf32, #tpu.memory_space<vmem>>
      %dma_wait3A_1324 = arith.constant 0 : i32
      %dma_wait3A_1325 = arith.constant 0 : i32
      %dma_wait3A_1326 = arith.constant 0 : i32
      %dma_wait3A_1327 = tpu.memref_slice %arg3[%dma_wait3A_1324, %dma_wait3A_1325, %dma_wait3A_1326] : memref<125000x8x64xf32, #tpu.memory_space<hbm>> -> memref<16x8x64xf32, #tpu.memory_space<hbm>>
      tpu.wait_dma2 semaphore(%arg17 : memref<!tpu.dma_semaphore, #tpu.memory_space<semaphore_mem>>) src(%dma_wait3A_1327 : memref<16x8x64xf32, #tpu.memory_space<hbm>>) dst(%dma_wait3A_1323 : memref<16x8x64xf32, #tpu.memory_space<vmem>>)
      %dma_wait3A_1328 = arith.constant 0 : i32
      %dma_wait3A_1329 = arith.constant 0 : i32
      %dma_wait3A_1330 = arith.constant 0 : i32
      %dma_wait3A_1331 = arith.constant 0 : i32
      %dma_wait3A_1332 = tpu.memref_slice %arg14[%dma_wait3A_1328, %dma_wait3A_1329, %dma_wait3A_1330, %dma_wait3A_1331] : memref<2x16x8x64xf32, #tpu.memory_space<vmem>> -> memref<1x16x8x64xf32, #tpu.memory_space<vmem>>
      %dma_wait3A_1333 = tpu.memref_squeeze %dma_wait3A_1332 : memref<1x16x8x64xf32, #tpu.memory_space<vmem>> -> memref<16x8x64xf32, #tpu.memory_space<vmem>>
      %dma_wait3A_1334 = arith.constant 0 : i32
      %dma_wait3A_1335 = arith.constant 0 : i32
      %dma_wait3A_1336 = arith.constant 0 : i32
      %dma_wait3A_1337 = tpu.memref_slice %arg3[%dma_wait3A_1334, %dma_wait3A_1335, %dma_wait3A_1336] : memref<125000x8x64xf32, #tpu.memory_space<hbm>> -> memref<16x8x64xf32, #tpu.memory_space<hbm>>
      %dma_wait3A_1338 = arith.constant 0 : i32
      %dma_wait3A_1339 = arith.constant 0 : i32
      %dma_wait3A_1340 = arith.constant 0 : i32
      %dma_wait3A_1341 = tpu.memref_slice %arg14[%dma_wait3A_1328, %dma_wait3A_1338, %dma_wait3A_1339, %dma_wait3A_1340] : memref<2x16x8x64xf32, #tpu.memory_space<vmem>> -> memref<1x16x8x64xf32, #tpu.memory_space<vmem>>
      %dma_wait3A_1342 = tpu.memref_squeeze %dma_wait3A_1341 : memref<1x16x8x64xf32, #tpu.memory_space<vmem>> -> memref<16x8x64xf32, #tpu.memory_space<vmem>>
      %dma_wait3A_1343 = arith.constant 0 : i32
      %dma_wait3A_1344 = arith.constant 0 : i32
      %dma_wait3A_1345 = arith.constant 0 : i32
      %dma_wait3A_1346 = tpu.memref_slice %arg3[%dma_wait3A_1343, %dma_wait3A_1344, %dma_wait3A_1345] : memref<125000x8x64xf32, #tpu.memory_space<hbm>> -> memref<16x8x64xf32, #tpu.memory_space<hbm>>
      tpu.wait_dma2 semaphore(%arg17 : memref<!tpu.dma_semaphore, #tpu.memory_space<semaphore_mem>>) src(%dma_wait3A_1346 : memref<16x8x64xf32, #tpu.memory_space<hbm>>) dst(%dma_wait3A_1342 : memref<16x8x64xf32, #tpu.memory_space<vmem>>)
      %dma_wait3A_1347 = arith.constant 0 : i32
      %dma_wait3A_1348 = arith.constant 0 : i32
      %dma_wait3A_1349 = arith.constant 0 : i32
      %dma_wait3A_1350 = arith.constant 0 : i32
      %dma_wait3A_1351 = tpu.memref_slice %arg15[%dma_wait3A_1347, %dma_wait3A_1348, %dma_wait3A_1349, %dma_wait3A_1350] : memref<2x16x8x64xf32, #tpu.memory_space<vmem>> -> memref<1x16x8x64xf32, #tpu.memory_space<vmem>>
      %dma_wait3A_1352 = tpu.memref_squeeze %dma_wait3A_1351 : memref<1x16x8x64xf32, #tpu.memory_space<vmem>> -> memref<16x8x64xf32, #tpu.memory_space<vmem>>
      %dma_wait3A_1353 = arith.constant 0 : i32
      %dma_wait3A_1354 = arith.constant 0 : i32
      %dma_wait3A_1355 = arith.constant 0 : i32
      %dma_wait3A_1356 = tpu.memref_slice %arg3[%dma_wait3A_1353, %dma_wait3A_1354, %dma_wait3A_1355] : memref<125000x8x64xf32, #tpu.memory_space<hbm>> -> memref<16x8x64xf32, #tpu.memory_space<hbm>>
      %dma_wait3A_1357 = arith.constant 0 : i32
      %dma_wait3A_1358 = arith.constant 0 : i32
      %dma_wait3A_1359 = arith.constant 0 : i32
      %dma_wait3A_1360 = tpu.memref_slice %arg15[%dma_wait3A_1347, %dma_wait3A_1357, %dma_wait3A_1358, %dma_wait3A_1359] : memref<2x16x8x64xf32, #tpu.memory_space<vmem>> -> memref<1x16x8x64xf32, #tpu.memory_space<vmem>>
      %dma_wait3A_1361 = tpu.memref_squeeze %dma_wait3A_1360 : memref<1x16x8x64xf32, #tpu.memory_space<vmem>> -> memref<16x8x64xf32, #tpu.memory_space<vmem>>
      %dma_wait3A_1362 = arith.constant 0 : i32
      %dma_wait3A_1363 = arith.constant 0 : i32
      %dma_wait3A_1364 = arith.constant 0 : i32
      %dma_wait3A_1365 = tpu.memref_slice %arg3[%dma_wait3A_1362, %dma_wait3A_1363, %dma_wait3A_1364] : memref<125000x8x64xf32, #tpu.memory_space<hbm>> -> memref<16x8x64xf32, #tpu.memory_space<hbm>>
      tpu.wait_dma2 semaphore(%arg17 : memref<!tpu.dma_semaphore, #tpu.memory_space<semaphore_mem>>) src(%dma_wait3A_1365 : memref<16x8x64xf32, #tpu.memory_space<hbm>>) dst(%dma_wait3A_1361 : memref<16x8x64xf32, #tpu.memory_space<vmem>>)
      %mul3A_1366 = arith.constant 16 : i32
      %mul3A_1367 = arith.muli %scan3A_1301, %mul3A_1366 : i32
      %get3A_1368 = arith.index_cast %mul3A_1367 : i32 to index
      %get3A_1369 = tpu.vector_load %arg10[%get3A_1368] {strides = array<i32>} : memref<512xi32, #tpu.memory_space<vmem>>, vector<16xi32>,
      %get3A_1370 = arith.index_cast %mul3A_1367 : i32 to index
      %get3A_1371 = tpu.vector_load %arg11[%get3A_1370] {strides = array<i32>} : memref<512xi32, #tpu.memory_space<vmem>>, vector<16xi32>,
      %get3A_1372 = arith.index_cast %mul3A_1367 : i32 to index
      %get3A_1373 = tpu.vector_load %arg12[%get3A_1372] {strides = array<i32>} : memref<512xi32, #tpu.memory_space<vmem>>, vector<16xi32>,
      %slice3A_1374 = vector.extract_strided_slice %get3A_1369 {offsets = [0], sizes = [1], strides = [1]} : vector<16xi32> to vector<1xi32>
      %squeeze3A_1375 = vector.extract %slice3A_1374[0] : i32 from vector<1xi32>
      %slice3A_1376 = vector.extract_strided_slice %get3A_1371 {offsets = [0], sizes = [1], strides = [1]} : vector<16xi32> to vector<1xi32>
      %squeeze3A_1377 = vector.extract %slice3A_1376[0] : i32 from vector<1xi32>
      %slice3A_1378 = vector.extract_strided_slice %get3A_1373 {offsets = [0], sizes = [1], strides = [1]} : vector<16xi32> to vector<1xi32>
      %squeeze3A_1379 = vector.extract %slice3A_1378[0] : i32 from vector<1xi32>
      %get3A_1380 = arith.constant 0 : i32
      %get3A_1381 = arith.index_cast %rem3A_1308 : i32 to index
      %get3A_1382 = arith.index_cast %get3A_1380 : i32 to index
      %get3A_1383 = arith.index_cast %squeeze3A_1375 : i32 to index
      %get3A_1384 = arith.constant 0 : index
      %get3A_1385 = tpu.vector_load %arg13[%get3A_1381, %get3A_1382, %get3A_1383, %get3A_1384] {strides = array<i32>} : memref<2x16x8x64xf32, #tpu.memory_space<vmem>>, vector<16xf32>,
      %get3A_1386 = arith.constant 0 : i32
      %get3A_1387 = arith.index_cast %rem3A_1308 : i32 to index
      %get3A_1388 = arith.index_cast %get3A_1386 : i32 to index
      %get3A_1389 = arith.index_cast %squeeze3A_1377 : i32 to index
      %get3A_1390 = arith.constant 0 : index
      %get3A_1391 = tpu.vector_load %arg14[%get3A_1387, %get3A_1388, %get3A_1389, %get3A_1390] {strides = array<i32>} : memref<2x16x8x64xf32, #tpu.memory_space<vmem>>, vector<16xf32>,
      %mul3A_1392 = arith.mulf %get3A_1385, %get3A_1391 : vector<16xf32>
      %get3A_1393 = arith.constant 0 : i32
      %get3A_1394 = arith.index_cast %rem3A_1308 : i32 to index
      %get3A_1395 = arith.index_cast %get3A_1393 : i32 to index
      %get3A_1396 = arith.index_cast %squeeze3A_1379 : i32 to index
      %get3A_1397 = arith.constant 0 : index
      %get3A_1398 = tpu.vector_load %arg15[%get3A_1394, %get3A_1395, %get3A_1396, %get3A_1397] {strides = array<i32>} : memref<2x16x8x64xf32, #tpu.memory_space<vmem>>, vector<16xf32>,
      %mul3A_1399 = arith.mulf %mul3A_1392, %get3A_1398 : vector<16xf32>
      %swap3A = arith.constant 0 : i32
      %swap3A_1400 = arith.index_cast %rem3A_1308 : i32 to index
      %swap3A_1401 = arith.index_cast %swap3A : i32 to index
      %swap3A_1402 = arith.constant 0 : index
      %swap3A_1403 = tpu.vector_load %arg16[%swap3A_1400, %swap3A_1401, %swap3A_1402] {strides = array<i32>} : memref<2x16x64xf32, #tpu.memory_space<vmem>>, vector<16xf32>,
      tpu.vector_store %arg16[%swap3A_1400, %swap3A_1401, %swap3A_1402], %mul3A_1399 {strides = array<i32>} : memref<2x16x64xf32, #tpu.memory_space<vmem>>, vector<16xf32>,
      %get3A_1404 = arith.constant 0 : i32
      %get3A_1405 = arith.index_cast %rem3A_1308 : i32 to index
      %get3A_1406 = arith.index_cast %get3A_1404 : i32 to index
      %get3A_1407 = arith.index_cast %squeeze3A_1375 : i32 to index
      %get3A_1408 = arith.constant 16 : index
      %get3A_1409 = tpu.vector_load %arg13[%get3A_1405, %get3A_1406, %get3A_1407, %get3A_1408] {strides = array<i32>} : memref<2x16x8x64xf32, #tpu.memory_space<vmem>>, vector<16xf32>,
      %get3A_1410 = arith.constant 0 : i32
      %get3A_1411 = arith.index_cast %rem3A_1308 : i32 to index
      %get3A_1412 = arith.index_cast %get3A_1410 : i32 to index
      %get3A_1413 = arith.index_cast %squeeze3A_1377 : i32 to index
      %get3A_1414 = arith.constant 16 : index
      %get3A_1415 = tpu.vector_load %arg14[%get3A_1411, %get3A_1412, %get3A_1413, %get3A_1414] {strides = array<i32>} : memref<2x16x8x64xf32, #tpu.memory_space<vmem>>, vector<16xf32>,
      %mul3A_1416 = arith.mulf %get3A_1409, %get3A_1415 : vector<16xf32>
      %get3A_1417 = arith.constant 0 : i32
      %get3A_1418 = arith.index_cast %rem3A_1308 : i32 to index
      %get3A_1419 = arith.index_cast %get3A_1417 : i32 to index
      %get3A_1420 = arith.index_cast %squeeze3A_1379 : i32 to index
      %get3A_1421 = arith.constant 16 : index
      %get3A_1422 = tpu.vector_load %arg15[%get3A_1418, %get3A_1419, %get3A_1420, %get3A_1421] {strides = array<i32>} : memref<2x16x8x64xf32, #tpu.memory_space<vmem>>, vector<16xf32>,
      %mul3A_1423 = arith.mulf %mul3A_1416, %get3A_1422 : vector<16xf32>
      %swap3A_1424 = arith.constant 0 : i32
      %swap3A_1425 = arith.index_cast %rem3A_1308 : i32 to index
      %swap3A_1426 = arith.index_cast %swap3A_1424 : i32 to index
      %swap3A_1427 = arith.constant 16 : index
      %swap3A_1428 = tpu.vector_load %arg16[%swap3A_1425, %swap3A_1426, %swap3A_1427] {strides = array<i32>} : memref<2x16x64xf32, #tpu.memory_space<vmem>>, vector<16xf32>,
      tpu.vector_store %arg16[%swap3A_1425, %swap3A_1426, %swap3A_1427], %mul3A_1423 {strides = array<i32>} : memref<2x16x64xf32, #tpu.memory_space<vmem>>, vector<16xf32>,
      %get3A_1429 = arith.constant 0 : i32
      %get3A_1430 = arith.index_cast %rem3A_1308 : i32 to index
      %get3A_1431 = arith.index_cast %get3A_1429 : i32 to index
      %get3A_1432 = arith.index_cast %squeeze3A_1375 : i32 to index
      %get3A_1433 = arith.constant 32 : index
      %get3A_1434 = tpu.vector_load %arg13[%get3A_1430, %get3A_1431, %get3A_1432, %get3A_1433] {strides = array<i32>} : memref<2x16x8x64xf32, #tpu.memory_space<vmem>>, vector<16xf32>,
      %get3A_1435 = arith.constant 0 : i32
      %get3A_1436 = arith.index_cast %rem3A_1308 : i32 to index
      %get3A_1437 = arith.index_cast %get3A_1435 : i32 to index
      %get3A_1438 = arith.index_cast %squeeze3A_1377 : i32 to index
      %get3A_1439 = arith.constant 32 : index
      %get3A_1440 = tpu.vector_load %arg14[%get3A_1436, %get3A_1437, %get3A_1438, %get3A_1439] {strides = array<i32>} : memref<2x16x8x64xf32, #tpu.memory_space<vmem>>, vector<16xf32>,
      %mul3A_1441 = arith.mulf %get3A_1434, %get3A_1440 : vector<16xf32>
      %get3A_1442 = arith.constant 0 : i32
      %get3A_1443 = arith.index_cast %rem3A_1308 : i32 to index
      %get3A_1444 = arith.index_cast %get3A_1442 : i32 to index
      %get3A_1445 = arith.index_cast %squeeze3A_1379 : i32 to index
      %get3A_1446 = arith.constant 32 : index
      %get3A_1447 = tpu.vector_load %arg15[%get3A_1443, %get3A_1444, %get3A_1445, %get3A_1446] {strides = array<i32>} : memref<2x16x8x64xf32, #tpu.memory_space<vmem>>, vector<16xf32>,
      %mul3A_1448 = arith.mulf %mul3A_1441, %get3A_1447 : vector<16xf32>
      %swap3A_1449 = arith.constant 0 : i32
      %swap3A_1450 = arith.index_cast %rem3A_1308 : i32 to index
      %swap3A_1451 = arith.index_cast %swap3A_1449 : i32 to index
      %swap3A_1452 = arith.constant 32 : index
      %swap3A_1453 = tpu.vector_load %arg16[%swap3A_1450, %swap3A_1451, %swap3A_1452] {strides = array<i32>} : memref<2x16x64xf32, #tpu.memory_space<vmem>>, vector<16xf32>,
      tpu.vector_store %arg16[%swap3A_1450, %swap3A_1451, %swap3A_1452], %mul3A_1448 {strides = array<i32>} : memref<2x16x64xf32, #tpu.memory_space<vmem>>, vector<16xf32>,
      %get3A_1454 = arith.constant 0 : i32
      %get3A_1455 = arith.index_cast %rem3A_1308 : i32 to index
      %get3A_1456 = arith.index_cast %get3A_1454 : i32 to index
      %get3A_1457 = arith.index_cast %squeeze3A_1375 : i32 to index
      %get3A_1458 = arith.constant 48 : index
      %get3A_1459 = tpu.vector_load %arg13[%get3A_1455, %get3A_1456, %get3A_1457, %get3A_1458] {strides = array<i32>} : memref<2x16x8x64xf32, #tpu.memory_space<vmem>>, vector<16xf32>,
      %get3A_1460 = arith.constant 0 : i32
      %get3A_1461 = arith.index_cast %rem3A_1308 : i32 to index
      %get3A_1462 = arith.index_cast %get3A_1460 : i32 to index
      %get3A_1463 = arith.index_cast %squeeze3A_1377 : i32 to index
      %get3A_1464 = arith.constant 48 : index
      %get3A_1465 = tpu.vector_load %arg14[%get3A_1461, %get3A_1462, %get3A_1463, %get3A_1464] {strides = array<i32>} : memref<2x16x8x64xf32, #tpu.memory_space<vmem>>, vector<16xf32>,
      %mul3A_1466 = arith.mulf %get3A_1459, %get3A_1465 : vector<16xf32>
      %get3A_1467 = arith.constant 0 : i32
      %get3A_1468 = arith.index_cast %rem3A_1308 : i32 to index
      %get3A_1469 = arith.index_cast %get3A_1467 : i32 to index
      %get3A_1470 = arith.index_cast %squeeze3A_1379 : i32 to index
      %get3A_1471 = arith.constant 48 : index
      %get3A_1472 = tpu.vector_load %arg15[%get3A_1468, %get3A_1469, %get3A_1470, %get3A_1471] {strides = array<i32>} : memref<2x16x8x64xf32, #tpu.memory_space<vmem>>, vector<16xf32>,
      %mul3A_1473 = arith.mulf %mul3A_1466, %get3A_1472 : vector<16xf32>
      %swap3A_1474 = arith.constant 0 : i32
      %swap3A_1475 = arith.index_cast %rem3A_1308 : i32 to index
      %swap3A_1476 = arith.index_cast %swap3A_1474 : i32 to index
      %swap3A_1477 = arith.constant 48 : index
      %swap3A_1478 = tpu.vector_load %arg16[%swap3A_1475, %swap3A_1476, %swap3A_1477] {strides = array<i32>} : memref<2x16x64xf32, #tpu.memory_space<vmem>>, vector<16xf32>,
      tpu.vector_store %arg16[%swap3A_1475, %swap3A_1476, %swap3A_1477], %mul3A_1473 {strides = array<i32>} : memref<2x16x64xf32, #tpu.memory_space<vmem>>, vector<16xf32>,
      %slice3A_1479 = vector.extract_strided_slice %get3A_1369 {offsets = [1], sizes = [1], strides = [1]} : vector<16xi32> to vector<1xi32>
      %squeeze3A_1480 = vector.extract %slice3A_1479[0] : i32 from vector<1xi32>
      %slice3A_1481 = vector.extract_strided_slice %get3A_1371 {offsets = [1], sizes = [1], strides = [1]} : vector<16xi32> to vector<1xi32>
      %squeeze3A_1482 = vector.extract %slice3A_1481[0] : i32 from vector<1xi32>
      %slice3A_1483 = vector.extract_strided_slice %get3A_1373 {offsets = [1], sizes = [1], strides = [1]} : vector<16xi32> to vector<1xi32>
      %squeeze3A_1484 = vector.extract %slice3A_1483[0] : i32 from vector<1xi32>
      %get3A_1485 = arith.constant 1 : i32
      %get3A_1486 = arith.index_cast %rem3A_1308 : i32 to index
      %get3A_1487 = arith.index_cast %get3A_1485 : i32 to index
      %get3A_1488 = arith.index_cast %squeeze3A_1480 : i32 to index
      %get3A_1489 = arith.constant 0 : index
      %get3A_1490 = tpu.vector_load %arg13[%get3A_1486, %get3A_1487, %get3A_1488, %get3A_1489] {strides = array<i32>} : memref<2x16x8x64xf32, #tpu.memory_space<vmem>>, vector<16xf32>,
      %get3A_1491 = arith.constant 1 : i32
      %get3A_1492 = arith.index_cast %rem3A_1308 : i32 to index
      %get3A_1493 = arith.index_cast %get3A_1491 : i32 to index
      %get3A_1494 = arith.index_cast %squeeze3A_1482 : i32 to index
      %get3A_1495 = arith.constant 0 : index
      %get3A_1496 = tpu.vector_load %arg14[%get3A_1492, %get3A_1493, %get3A_1494, %get3A_1495] {strides = array<i32>} : memref<2x16x8x64xf32, #tpu.memory_space<vmem>>, vector<16xf32>,
      %mul3A_1497 = arith.mulf %get3A_1490, %get3A_1496 : vector<16xf32>
      %get3A_1498 = arith.constant 1 : i32
      %get3A_1499 = arith.index_cast %rem3A_1308 : i32 to index
      %get3A_1500 = arith.index_cast %get3A_1498 : i32 to index
      %get3A_1501 = arith.index_cast %squeeze3A_1484 : i32 to index
      %get3A_1502 = arith.constant 0 : index
      %get3A_1503 = tpu.vector_load %arg15[%get3A_1499, %get3A_1500, %get3A_1501, %get3A_1502] {strides = array<i32>} : memref<2x16x8x64xf32, #tpu.memory_space<vmem>>, vector<16xf32>,
      %mul3A_1504 = arith.mulf %mul3A_1497, %get3A_1503 : vector<16xf32>
      %swap3A_1505 = arith.constant 1 : i32
      %swap3A_1506 = arith.index_cast %rem3A_1308 : i32 to index
      %swap3A_1507 = arith.index_cast %swap3A_1505 : i32 to index
      %swap3A_1508 = arith.constant 0 : index
      %swap3A_1509 = tpu.vector_load %arg16[%swap3A_1506, %swap3A_1507, %swap3A_1508] {strides = array<i32>} : memref<2x16x64xf32, #tpu.memory_space<vmem>>, vector<16xf32>,
      tpu.vector_store %arg16[%swap3A_1506, %swap3A_1507, %swap3A_1508], %mul3A_1504 {strides = array<i32>} : memref<2x16x64xf32, #tpu.memory_space<vmem>>, vector<16xf32>,
      %get3A_1510 = arith.constant 1 : i32
      %get3A_1511 = arith.index_cast %rem3A_1308 : i32 to index
      %get3A_1512 = arith.index_cast %get3A_1510 : i32 to index
      %get3A_1513 = arith.index_cast %squeeze3A_1480 : i32 to index
      %get3A_1514 = arith.constant 16 : index
      %get3A_1515 = tpu.vector_load %arg13[%get3A_1511, %get3A_1512, %get3A_1513, %get3A_1514] {strides = array<i32>} : memref<2x16x8x64xf32, #tpu.memory_space<vmem>>, vector<16xf32>,
      %get3A_1516 = arith.constant 1 : i32
      %get3A_1517 = arith.index_cast %rem3A_1308 : i32 to index
      %get3A_1518 = arith.index_cast %get3A_1516 : i32 to index
      %get3A_1519 = arith.index_cast %squeeze3A_1482 : i32 to index
      %get3A_1520 = arith.constant 16 : index
      %get3A_1521 = tpu.vector_load %arg14[%get3A_1517, %get3A_1518, %get3A_1519, %get3A_1520] {strides = array<i32>} : memref<2x16x8x64xf32, #tpu.memory_space<vmem>>, vector<16xf32>,
      %mul3A_1522 = arith.mulf %get3A_1515, %get3A_1521 : vector<16xf32>
      %get3A_1523 = arith.constant 1 : i32
      %get3A_1524 = arith.index_cast %rem3A_1308 : i32 to index
      %get3A_1525 = arith.index_cast %get3A_1523 : i32 to index
      %get3A_1526 = arith.index_cast %squeeze3A_1484 : i32 to index
      %get3A_1527 = arith.constant 16 : index
      %get3A_1528 = tpu.vector_load %arg15[%get3A_1524, %get3A_1525, %get3A_1526, %get3A_1527] {strides = array<i32>} : memref<2x16x8x64xf32, #tpu.memory_space<vmem>>, vector<16xf32>,
      %mul3A_1529 = arith.mulf %mul3A_1522, %get3A_1528 : vector<16xf32>
      %swap3A_1530 = arith.constant 1 : i32
      %swap3A_1531 = arith.index_cast %rem3A_1308 : i32 to index
      %swap3A_1532 = arith.index_cast %swap3A_1530 : i32 to index
      %swap3A_1533 = arith.constant 16 : index
      %swap3A_1534 = tpu.vector_load %arg16[%swap3A_1531, %swap3A_1532, %swap3A_1533] {strides = array<i32>} : memref<2x16x64xf32, #tpu.memory_space<vmem>>, vector<16xf32>,
      tpu.vector_store %arg16[%swap3A_1531, %swap3A_1532, %swap3A_1533], %mul3A_1529 {strides = array<i32>} : memref<2x16x64xf32, #tpu.memory_space<vmem>>, vector<16xf32>,
      %get3A_1535 = arith.constant 1 : i32
      %get3A_1536 = arith.index_cast %rem3A_1308 : i32 to index
      %get3A_1537 = arith.index_cast %get3A_1535 : i32 to index
      %get3A_1538 = arith.index_cast %squeeze3A_1480 : i32 to index
      %get3A_1539 = arith.constant 32 : index
      %get3A_1540 = tpu.vector_load %arg13[%get3A_1536, %get3A_1537, %get3A_1538, %get3A_1539] {strides = array<i32>} : memref<2x16x8x64xf32, #tpu.memory_space<vmem>>, vector<16xf32>,
      %get3A_1541 = arith.constant 1 : i32
      %get3A_1542 = arith.index_cast %rem3A_1308 : i32 to index
      %get3A_1543 = arith.index_cast %get3A_1541 : i32 to index
      %get3A_1544 = arith.index_cast %squeeze3A_1482 : i32 to index
      %get3A_1545 = arith.constant 32 : index
      %get3A_1546 = tpu.vector_load %arg14[%get3A_1542, %get3A_1543, %get3A_1544, %get3A_1545] {strides = array<i32>} : memref<2x16x8x64xf32, #tpu.memory_space<vmem>>, vector<16xf32>,
      %mul3A_1547 = arith.mulf %get3A_1540, %get3A_1546 : vector<16xf32>
      %get3A_1548 = arith.constant 1 : i32
      %get3A_1549 = arith.index_cast %rem3A_1308 : i32 to index
      %get3A_1550 = arith.index_cast %get3A_1548 : i32 to index
      %get3A_1551 = arith.index_cast %squeeze3A_1484 : i32 to index
      %get3A_1552 = arith.constant 32 : index
      %get3A_1553 = tpu.vector_load %arg15[%get3A_1549, %get3A_1550, %get3A_1551, %get3A_1552] {strides = array<i32>} : memref<2x16x8x64xf32, #tpu.memory_space<vmem>>, vector<16xf32>,
      %mul3A_1554 = arith.mulf %mul3A_1547, %get3A_1553 : vector<16xf32>
      %swap3A_1555 = arith.constant 1 : i32
      %swap3A_1556 = arith.index_cast %rem3A_1308 : i32 to index
      %swap3A_1557 = arith.index_cast %swap3A_1555 : i32 to index
      %swap3A_1558 = arith.constant 32 : index
      %swap3A_1559 = tpu.vector_load %arg16[%swap3A_1556, %swap3A_1557, %swap3A_1558] {strides = array<i32>} : memref<2x16x64xf32, #tpu.memory_space<vmem>>, vector<16xf32>,
      tpu.vector_store %arg16[%swap3A_1556, %swap3A_1557, %swap3A_1558], %mul3A_1554 {strides = array<i32>} : memref<2x16x64xf32, #tpu.memory_space<vmem>>, vector<16xf32>,
      %get3A_1560 = arith.constant 1 : i32
      %get3A_1561 = arith.index_cast %rem3A_1308 : i32 to index
      %get3A_1562 = arith.index_cast %get3A_1560 : i32 to index
      %get3A_1563 = arith.index_cast %squeeze3A_1480 : i32 to index
      %get3A_1564 = arith.constant 48 : index
      %get3A_1565 = tpu.vector_load %arg13[%get3A_1561, %get3A_1562, %get3A_1563, %get3A_1564] {strides = array<i32>} : memref<2x16x8x64xf32, #tpu.memory_space<vmem>>, vector<16xf32>,
      %get3A_1566 = arith.constant 1 : i32
      %get3A_1567 = arith.index_cast %rem3A_1308 : i32 to index
      %get3A_1568 = arith.index_cast %get3A_1566 : i32 to index
      %get3A_1569 = arith.index_cast %squeeze3A_1482 : i32 to index
      %get3A_1570 = arith.constant 48 : index
      %get3A_1571 = tpu.vector_load %arg14[%get3A_1567, %get3A_1568, %get3A_1569, %get3A_1570] {strides = array<i32>} : memref<2x16x8x64xf32, #tpu.memory_space<vmem>>, vector<16xf32>,
      %mul3A_1572 = arith.mulf %get3A_1565, %get3A_1571 : vector<16xf32>
      %get3A_1573 = arith.constant 1 : i32
      %get3A_1574 = arith.index_cast %rem3A_1308 : i32 to index
      %get3A_1575 = arith.index_cast %get3A_1573 : i32 to index
      %get3A_1576 = arith.index_cast %squeeze3A_1484 : i32 to index
      %get3A_1577 = arith.constant 48 : index
      %get3A_1578 = tpu.vector_load %arg15[%get3A_1574, %get3A_1575, %get3A_1576, %get3A_1577] {strides = array<i32>} : memref<2x16x8x64xf32, #tpu.memory_space<vmem>>, vector<16xf32>,
      %mul3A_1579 = arith.mulf %mul3A_1572, %get3A_1578 : vector<16xf32>
      %swap3A_1580 = arith.constant 1 : i32
      %swap3A_1581 = arith.index_cast %rem3A_1308 : i32 to index
      %swap3A_1582 = arith.index_cast %swap3A_1580 : i32 to index
      %swap3A_1583 = arith.constant 48 : index
      %swap3A_1584 = tpu.vector_load %arg16[%swap3A_1581, %swap3A_1582, %swap3A_1583] {strides = array<i32>} : memref<2x16x64xf32, #tpu.memory_space<vmem>>, vector<16xf32>,
      tpu.vector_store %arg16[%swap3A_1581, %swap3A_1582, %swap3A_1583], %mul3A_1579 {strides = array<i32>} : memref<2x16x64xf32, #tpu.memory_space<vmem>>, vector<16xf32>,
      %slice3A_1585 = vector.extract_strided_slice %get3A_1369 {offsets = [2], sizes = [1], strides = [1]} : vector<16xi32> to vector<1xi32>
      %squeeze3A_1586 = vector.extract %slice3A_1585[0] : i32 from vector<1xi32>
      %slice3A_1587 = vector.extract_strided_slice %get3A_1371 {offsets = [2], sizes = [1], strides = [1]} : vector<16xi32> to vector<1xi32>
      %squeeze3A_1588 = vector.extract %slice3A_1587[0] : i32 from vector<1xi32>
      %slice3A_1589 = vector.extract_strided_slice %get3A_1373 {offsets = [2], sizes = [1], strides = [1]} : vector<16xi32> to vector<1xi32>
      %squeeze3A_1590 = vector.extract %slice3A_1589[0] : i32 from vector<1xi32>
      %get3A_1591 = arith.constant 2 : i32
      %get3A_1592 = arith.index_cast %rem3A_1308 : i32 to index
      %get3A_1593 = arith.index_cast %get3A_1591 : i32 to index
      %get3A_1594 = arith.index_cast %squeeze3A_1586 : i32 to index
      %get3A_1595 = arith.constant 0 : index
      %get3A_1596 = tpu.vector_load %arg13[%get3A_1592, %get3A_1593, %get3A_1594, %get3A_1595] {strides = array<i32>} : memref<2x16x8x64xf32, #tpu.memory_space<vmem>>, vector<16xf32>,
      %get3A_1597 = arith.constant 2 : i32
      %get3A_1598 = arith.index_cast %rem3A_1308 : i32 to index
      %get3A_1599 = arith.index_cast %get3A_1597 : i32 to index
      %get3A_1600 = arith.index_cast %squeeze3A_1588 : i32 to index
      %get3A_1601 = arith.constant 0 : index
      %get3A_1602 = tpu.vector_load %arg14[%get3A_1598, %get3A_1599, %get3A_1600, %get3A_1601] {strides = array<i32>} : memref<2x16x8x64xf32, #tpu.memory_space<vmem>>, vector<16xf32>,
      %mul3A_1603 = arith.mulf %get3A_1596, %get3A_1602 : vector<16xf32>
      %get3A_1604 = arith.constant 2 : i32
      %get3A_1605 = arith.index_cast %rem3A_1308 : i32 to index
      %get3A_1606 = arith.index_cast %get3A_1604 : i32 to index
      %get3A_1607 = arith.index_cast %squeeze3A_1590 : i32 to index
      %get3A_1608 = arith.constant 0 : index
      %get3A_1609 = tpu.vector_load %arg15[%get3A_1605, %get3A_1606, %get3A_1607, %get3A_1608] {strides = array<i32>} : memref<2x16x8x64xf32, #tpu.memory_space<vmem>>, vector<16xf32>,
      %mul3A_1610 = arith.mulf %mul3A_1603, %get3A_1609 : vector<16xf32>
      %swap3A_1611 = arith.constant 2 : i32
      %swap3A_1612 = arith.index_cast %rem3A_1308 : i32 to index
      %swap3A_1613 = arith.index_cast %swap3A_1611 : i32 to index
      %swap3A_1614 = arith.constant 0 : index
      %swap3A_1615 = tpu.vector_load %arg16[%swap3A_1612, %swap3A_1613, %swap3A_1614] {strides = array<i32>} : memref<2x16x64xf32, #tpu.memory_space<vmem>>, vector<16xf32>,
      tpu.vector_store %arg16[%swap3A_1612, %swap3A_1613, %swap3A_1614], %mul3A_1610 {strides = array<i32>} : memref<2x16x64xf32, #tpu.memory_space<vmem>>, vector<16xf32>,
      %get3A_1616 = arith.constant 2 : i32
      %get3A_1617 = arith.index_cast %rem3A_1308 : i32 to index
      %get3A_1618 = arith.index_cast %get3A_1616 : i32 to index
      %get3A_1619 = arith.index_cast %squeeze3A_1586 : i32 to index
      %get3A_1620 = arith.constant 16 : index
      %get3A_1621 = tpu.vector_load %arg13[%get3A_1617, %get3A_1618, %get3A_1619, %get3A_1620] {strides = array<i32>} : memref<2x16x8x64xf32, #tpu.memory_space<vmem>>, vector<16xf32>,
      %get3A_1622 = arith.constant 2 : i32
      %get3A_1623 = arith.index_cast %rem3A_1308 : i32 to index
      %get3A_1624 = arith.index_cast %get3A_1622 : i32 to index
      %get3A_1625 = arith.index_cast %squeeze3A_1588 : i32 to index
      %get3A_1626 = arith.constant 16 : index
      %get3A_1627 = tpu.vector_load %arg14[%get3A_1623, %get3A_1624, %get3A_1625, %get3A_1626] {strides = array<i32>} : memref<2x16x8x64xf32, #tpu.memory_space<vmem>>, vector<16xf32>,
      %mul3A_1628 = arith.mulf %get3A_1621, %get3A_1627 : vector<16xf32>
      %get3A_1629 = arith.constant 2 : i32
      %get3A_1630 = arith.index_cast %rem3A_1308 : i32 to index
      %get3A_1631 = arith.index_cast %get3A_1629 : i32 to index
      %get3A_1632 = arith.index_cast %squeeze3A_1590 : i32 to index
      %get3A_1633 = arith.constant 16 : index
      %get3A_1634 = tpu.vector_load %arg15[%get3A_1630, %get3A_1631, %get3A_1632, %get3A_1633] {strides = array<i32>} : memref<2x16x8x64xf32, #tpu.memory_space<vmem>>, vector<16xf32>,
      %mul3A_1635 = arith.mulf %mul3A_1628, %get3A_1634 : vector<16xf32>
      %swap3A_1636 = arith.constant 2 : i32
      %swap3A_1637 = arith.index_cast %rem3A_1308 : i32 to index
      %swap3A_1638 = arith.index_cast %swap3A_1636 : i32 to index
      %swap3A_1639 = arith.constant 16 : index
      %swap3A_1640 = tpu.vector_load %arg16[%swap3A_1637, %swap3A_1638, %swap3A_1639] {strides = array<i32>} : memref<2x16x64xf32, #tpu.memory_space<vmem>>, vector<16xf32>,
      tpu.vector_store %arg16[%swap3A_1637, %swap3A_1638, %swap3A_1639], %mul3A_1635 {strides = array<i32>} : memref<2x16x64xf32, #tpu.memory_space<vmem>>, vector<16xf32>,
      %get3A_1641 = arith.constant 2 : i32
      %get3A_1642 = arith.index_cast %rem3A_1308 : i32 to index
      %get3A_1643 = arith.index_cast %get3A_1641 : i32 to index
      %get3A_1644 = arith.index_cast %squeeze3A_1586 : i32 to index
      %get3A_1645 = arith.constant 32 : index
      %get3A_1646 = tpu.vector_load %arg13[%get3A_1642, %get3A_1643, %get3A_1644, %get3A_1645] {strides = array<i32>} : memref<2x16x8x64xf32, #tpu.memory_space<vmem>>, vector<16xf32>,
      %get3A_1647 = arith.constant 2 : i32
      %get3A_1648 = arith.index_cast %rem3A_1308 : i32 to index
      %get3A_1649 = arith.index_cast %get3A_1647 : i32 to index
      %get3A_1650 = arith.index_cast %squeeze3A_1588 : i32 to index
      %get3A_1651 = arith.constant 32 : index
      %get3A_1652 = tpu.vector_load %arg14[%get3A_1648, %get3A_1649, %get3A_1650, %get3A_1651] {strides = array<i32>} : memref<2x16x8x64xf32, #tpu.memory_space<vmem>>, vector<16xf32>,
      %mul3A_1653 = arith.mulf %get3A_1646, %get3A_1652 : vector<16xf32>
      %get3A_1654 = arith.constant 2 : i32
      %get3A_1655 = arith.index_cast %rem3A_1308 : i32 to index
      %get3A_1656 = arith.index_cast %get3A_1654 : i32 to index
      %get3A_1657 = arith.index_cast %squeeze3A_1590 : i32 to index
      %get3A_1658 = arith.constant 32 : index
      %get3A_1659 = tpu.vector_load %arg15[%get3A_1655, %get3A_1656, %get3A_1657, %get3A_1658] {strides = array<i32>} : memref<2x16x8x64xf32, #tpu.memory_space<vmem>>, vector<16xf32>,
      %mul3A_1660 = arith.mulf %mul3A_1653, %get3A_1659 : vector<16xf32>
      %swap3A_1661 = arith.constant 2 : i32
      %swap3A_1662 = arith.index_cast %rem3A_1308 : i32 to index
      %swap3A_1663 = arith.index_cast %swap3A_1661 : i32 to index
      %swap3A_1664 = arith.constant 32 : index
      %swap3A_1665 = tpu.vector_load %arg16[%swap3A_1662, %swap3A_1663, %swap3A_1664] {strides = array<i32>} : memref<2x16x64xf32, #tpu.memory_space<vmem>>, vector<16xf32>,
      tpu.vector_store %arg16[%swap3A_1662, %swap3A_1663, %swap3A_1664], %mul3A_1660 {strides = array<i32>} : memref<2x16x64xf32, #tpu.memory_space<vmem>>, vector<16xf32>,
      %get3A_1666 = arith.constant 2 : i32
      %get3A_1667 = arith.index_cast %rem3A_1308 : i32 to index
      %get3A_1668 = arith.index_cast %get3A_1666 : i32 to index
      %get3A_1669 = arith.index_cast %squeeze3A_1586 : i32 to index
      %get3A_1670 = arith.constant 48 : index
      %get3A_1671 = tpu.vector_load %arg13[%get3A_1667, %get3A_1668, %get3A_1669, %get3A_1670] {strides = array<i32>} : memref<2x16x8x64xf32, #tpu.memory_space<vmem>>, vector<16xf32>,
      %get3A_1672 = arith.constant 2 : i32
      %get3A_1673 = arith.index_cast %rem3A_1308 : i32 to index
      %get3A_1674 = arith.index_cast %get3A_1672 : i32 to index
      %get3A_1675 = arith.index_cast %squeeze3A_1588 : i32 to index
      %get3A_1676 = arith.constant 48 : index
      %get3A_1677 = tpu.vector_load %arg14[%get3A_1673, %get3A_1674, %get3A_1675, %get3A_1676] {strides = array<i32>} : memref<2x16x8x64xf32, #tpu.memory_space<vmem>>, vector<16xf32>,
      %mul3A_1678 = arith.mulf %get3A_1671, %get3A_1677 : vector<16xf32>
      %get3A_1679 = arith.constant 2 : i32
      %get3A_1680 = arith.index_cast %rem3A_1308 : i32 to index
      %get3A_1681 = arith.index_cast %get3A_1679 : i32 to index
      %get3A_1682 = arith.index_cast %squeeze3A_1590 : i32 to index
      %get3A_1683 = arith.constant 48 : index
      %get3A_1684 = tpu.vector_load %arg15[%get3A_1680, %get3A_1681, %get3A_1682, %get3A_1683] {strides = array<i32>} : memref<2x16x8x64xf32, #tpu.memory_space<vmem>>, vector<16xf32>,
      %mul3A_1685 = arith.mulf %mul3A_1678, %get3A_1684 : vector<16xf32>
      %swap3A_1686 = arith.constant 2 : i32
      %swap3A_1687 = arith.index_cast %rem3A_1308 : i32 to index
      %swap3A_1688 = arith.index_cast %swap3A_1686 : i32 to index
      %swap3A_1689 = arith.constant 48 : index
      %swap3A_1690 = tpu.vector_load %arg16[%swap3A_1687, %swap3A_1688, %swap3A_1689] {strides = array<i32>} : memref<2x16x64xf32, #tpu.memory_space<vmem>>, vector<16xf32>,
      tpu.vector_store %arg16[%swap3A_1687, %swap3A_1688, %swap3A_1689], %mul3A_1685 {strides = array<i32>} : memref<2x16x64xf32, #tpu.memory_space<vmem>>, vector<16xf32>,
      %slice3A_1691 = vector.extract_strided_slice %get3A_1369 {offsets = [3], sizes = [1], strides = [1]} : vector<16xi32> to vector<1xi32>
      %squeeze3A_1692 = vector.extract %slice3A_1691[0] : i32 from vector<1xi32>
      %slice3A_1693 = vector.extract_strided_slice %get3A_1371 {offsets = [3], sizes = [1], strides = [1]} : vector<16xi32> to vector<1xi32>
      %squeeze3A_1694 = vector.extract %slice3A_1693[0] : i32 from vector<1xi32>
      %slice3A_1695 = vector.extract_strided_slice %get3A_1373 {offsets = [3], sizes = [1], strides = [1]} : vector<16xi32> to vector<1xi32>
      %squeeze3A_1696 = vector.extract %slice3A_1695[0] : i32 from vector<1xi32>
      %get3A_1697 = arith.constant 3 : i32
      %get3A_1698 = arith.index_cast %rem3A_1308 : i32 to index
      %get3A_1699 = arith.index_cast %get3A_1697 : i32 to index
      %get3A_1700 = arith.index_cast %squeeze3A_1692 : i32 to index
      %get3A_1701 = arith.constant 0 : index
      %get3A_1702 = tpu.vector_load %arg13[%get3A_1698, %get3A_1699, %get3A_1700, %get3A_1701] {strides = array<i32>} : memref<2x16x8x64xf32, #tpu.memory_space<vmem>>, vector<16xf32>,
      %get3A_1703 = arith.constant 3 : i32
      %get3A_1704 = arith.index_cast %rem3A_1308 : i32 to index
      %get3A_1705 = arith.index_cast %get3A_1703 : i32 to index
      %get3A_1706 = arith.index_cast %squeeze3A_1694 : i32 to index
      %get3A_1707 = arith.constant 0 : index
      %get3A_1708 = tpu.vector_load %arg14[%get3A_1704, %get3A_1705, %get3A_1706, %get3A_1707] {strides = array<i32>} : memref<2x16x8x64xf32, #tpu.memory_space<vmem>>, vector<16xf32>,
      %mul3A_1709 = arith.mulf %get3A_1702, %get3A_1708 : vector<16xf32>
      %get3A_1710 = arith.constant 3 : i32
      %get3A_1711 = arith.index_cast %rem3A_1308 : i32 to index
      %get3A_1712 = arith.index_cast %get3A_1710 : i32 to index
      %get3A_1713 = arith.index_cast %squeeze3A_1696 : i32 to index
      %get3A_1714 = arith.constant 0 : index
      %get3A_1715 = tpu.vector_load %arg15[%get3A_1711, %get3A_1712, %get3A_1713, %get3A_1714] {strides = array<i32>} : memref<2x16x8x64xf32, #tpu.memory_space<vmem>>, vector<16xf32>,
      %mul3A_1716 = arith.mulf %mul3A_1709, %get3A_1715 : vector<16xf32>
      %swap3A_1717 = arith.constant 3 : i32
      %swap3A_1718 = arith.index_cast %rem3A_1308 : i32 to index
      %swap3A_1719 = arith.index_cast %swap3A_1717 : i32 to index
      %swap3A_1720 = arith.constant 0 : index
      %swap3A_1721 = tpu.vector_load %arg16[%swap3A_1718, %swap3A_1719, %swap3A_1720] {strides = array<i32>} : memref<2x16x64xf32, #tpu.memory_space<vmem>>, vector<16xf32>,
      tpu.vector_store %arg16[%swap3A_1718, %swap3A_1719, %swap3A_1720], %mul3A_1716 {strides = array<i32>} : memref<2x16x64xf32, #tpu.memory_space<vmem>>, vector<16xf32>,
      %get3A_1722 = arith.constant 3 : i32
      %get3A_1723 = arith.index_cast %rem3A_1308 : i32 to index
      %get3A_1724 = arith.index_cast %get3A_1722 : i32 to index
      %get3A_1725 = arith.index_cast %squeeze3A_1692 : i32 to index
      %get3A_1726 = arith.constant 16 : index
      %get3A_1727 = tpu.vector_load %arg13[%get3A_1723, %get3A_1724, %get3A_1725, %get3A_1726] {strides = array<i32>} : memref<2x16x8x64xf32, #tpu.memory_space<vmem>>, vector<16xf32>,
      %get3A_1728 = arith.constant 3 : i32
      %get3A_1729 = arith.index_cast %rem3A_1308 : i32 to index
      %get3A_1730 = arith.index_cast %get3A_1728 : i32 to index
      %get3A_1731 = arith.index_cast %squeeze3A_1694 : i32 to index
      %get3A_1732 = arith.constant 16 : index
      %get3A_1733 = tpu.vector_load %arg14[%get3A_1729, %get3A_1730, %get3A_1731, %get3A_1732] {strides = array<i32>} : memref<2x16x8x64xf32, #tpu.memory_space<vmem>>, vector<16xf32>,
      %mul3A_1734 = arith.mulf %get3A_1727, %get3A_1733 : vector<16xf32>
      %get3A_1735 = arith.constant 3 : i32
      %get3A_1736 = arith.index_cast %rem3A_1308 : i32 to index
      %get3A_1737 = arith.index_cast %get3A_1735 : i32 to index
      %get3A_1738 = arith.index_cast %squeeze3A_1696 : i32 to index
      %get3A_1739 = arith.constant 16 : index
      %get3A_1740 = tpu.vector_load %arg15[%get3A_1736, %get3A_1737, %get3A_1738, %get3A_1739] {strides = array<i32>} : memref<2x16x8x64xf32, #tpu.memory_space<vmem>>, vector<16xf32>,
      %mul3A_1741 = arith.mulf %mul3A_1734, %get3A_1740 : vector<16xf32>
      %swap3A_1742 = arith.constant 3 : i32
      %swap3A_1743 = arith.index_cast %rem3A_1308 : i32 to index
      %swap3A_1744 = arith.index_cast %swap3A_1742 : i32 to index
      %swap3A_1745 = arith.constant 16 : index
      %swap3A_1746 = tpu.vector_load %arg16[%swap3A_1743, %swap3A_1744, %swap3A_1745] {strides = array<i32>} : memref<2x16x64xf32, #tpu.memory_space<vmem>>, vector<16xf32>,
      tpu.vector_store %arg16[%swap3A_1743, %swap3A_1744, %swap3A_1745], %mul3A_1741 {strides = array<i32>} : memref<2x16x64xf32, #tpu.memory_space<vmem>>, vector<16xf32>,
      %get3A_1747 = arith.constant 3 : i32
      %get3A_1748 = arith.index_cast %rem3A_1308 : i32 to index
      %get3A_1749 = arith.index_cast %get3A_1747 : i32 to index
      %get3A_1750 = arith.index_cast %squeeze3A_1692 : i32 to index
      %get3A_1751 = arith.constant 32 : index
      %get3A_1752 = tpu.vector_load %arg13[%get3A_1748, %get3A_1749, %get3A_1750, %get3A_1751] {strides = array<i32>} : memref<2x16x8x64xf32, #tpu.memory_space<vmem>>, vector<16xf32>,
      %get3A_1753 = arith.constant 3 : i32
      %get3A_1754 = arith.index_cast %rem3A_1308 : i32 to index
      %get3A_1755 = arith.index_cast %get3A_1753 : i32 to index
      %get3A_1756 = arith.index_cast %squeeze3A_1694 : i32 to index
      %get3A_1757 = arith.constant 32 : index
      %get3A_1758 = tpu.vector_load %arg14[%get3A_1754, %get3A_1755, %get3A_1756, %get3A_1757] {strides = array<i32>} : memref<2x16x8x64xf32, #tpu.memory_space<vmem>>, vector<16xf32>,
      %mul3A_1759 = arith.mulf %get3A_1752, %get3A_1758 : vector<16xf32>
      %get3A_1760 = arith.constant 3 : i32
      %get3A_1761 = arith.index_cast %rem3A_1308 : i32 to index
      %get3A_1762 = arith.index_cast %get3A_1760 : i32 to index
      %get3A_1763 = arith.index_cast %squeeze3A_1696 : i32 to index
      %get3A_1764 = arith.constant 32 : index
      %get3A_1765 = tpu.vector_load %arg15[%get3A_1761, %get3A_1762, %get3A_1763, %get3A_1764] {strides = array<i32>} : memref<2x16x8x64xf32, #tpu.memory_space<vmem>>, vector<16xf32>,
      %mul3A_1766 = arith.mulf %mul3A_1759, %get3A_1765 : vector<16xf32>
      %swap3A_1767 = arith.constant 3 : i32
      %swap3A_1768 = arith.index_cast %rem3A_1308 : i32 to index
      %swap3A_1769 = arith.index_cast %swap3A_1767 : i32 to index
      %swap3A_1770 = arith.constant 32 : index
      %swap3A_1771 = tpu.vector_load %arg16[%swap3A_1768, %swap3A_1769, %swap3A_1770] {strides = array<i32>} : memref<2x16x64xf32, #tpu.memory_space<vmem>>, vector<16xf32>,
      tpu.vector_store %arg16[%swap3A_1768, %swap3A_1769, %swap3A_1770], %mul3A_1766 {strides = array<i32>} : memref<2x16x64xf32, #tpu.memory_space<vmem>>, vector<16xf32>,
      %get3A_1772 = arith.constant 3 : i32
      %get3A_1773 = arith.index_cast %rem3A_1308 : i32 to index
      %get3A_1774 = arith.index_cast %get3A_1772 : i32 to index
      %get3A_1775 = arith.index_cast %squeeze3A_1692 : i32 to index
      %get3A_1776 = arith.constant 48 : index
      %get3A_1777 = tpu.vector_load %arg13[%get3A_1773, %get3A_1774, %get3A_1775, %get3A_1776] {strides = array<i32>} : memref<2x16x8x64xf32, #tpu.memory_space<vmem>>, vector<16xf32>,
      %get3A_1778 = arith.constant 3 : i32
      %get3A_1779 = arith.index_cast %rem3A_1308 : i32 to index
      %get3A_1780 = arith.index_cast %get3A_1778 : i32 to index
      %get3A_1781 = arith.index_cast %squeeze3A_1694 : i32 to index
      %get3A_1782 = arith.constant 48 : index
      %get3A_1783 = tpu.vector_load %arg14[%get3A_1779, %get3A_1780, %get3A_1781, %get3A_1782] {strides = array<i32>} : memref<2x16x8x64xf32, #tpu.memory_space<vmem>>, vector<16xf32>,
      %mul3A_1784 = arith.mulf %get3A_1777, %get3A_1783 : vector<16xf32>
      %get3A_1785 = arith.constant 3 : i32
      %get3A_1786 = arith.index_cast %rem3A_1308 : i32 to index
      %get3A_1787 = arith.index_cast %get3A_1785 : i32 to index
      %get3A_1788 = arith.index_cast %squeeze3A_1696 : i32 to index
      %get3A_1789 = arith.constant 48 : index
      %get3A_1790 = tpu.vector_load %arg15[%get3A_1786, %get3A_1787, %get3A_1788, %get3A_1789] {strides = array<i32>} : memref<2x16x8x64xf32, #tpu.memory_space<vmem>>, vector<16xf32>,
      %mul3A_1791 = arith.mulf %mul3A_1784, %get3A_1790 : vector<16xf32>
      %swap3A_1792 = arith.constant 3 : i32
      %swap3A_1793 = arith.index_cast %rem3A_1308 : i32 to index
      %swap3A_1794 = arith.index_cast %swap3A_1792 : i32 to index
      %swap3A_1795 = arith.constant 48 : index
      %swap3A_1796 = tpu.vector_load %arg16[%swap3A_1793, %swap3A_1794, %swap3A_1795] {strides = array<i32>} : memref<2x16x64xf32, #tpu.memory_space<vmem>>, vector<16xf32>,
      tpu.vector_store %arg16[%swap3A_1793, %swap3A_1794, %swap3A_1795], %mul3A_1791 {strides = array<i32>} : memref<2x16x64xf32, #tpu.memory_space<vmem>>, vector<16xf32>,
      %slice3A_1797 = vector.extract_strided_slice %get3A_1369 {offsets = [4], sizes = [1], strides = [1]} : vector<16xi32> to vector<1xi32>
      %squeeze3A_1798 = vector.extract %slice3A_1797[0] : i32 from vector<1xi32>
      %slice3A_1799 = vector.extract_strided_slice %get3A_1371 {offsets = [4], sizes = [1], strides = [1]} : vector<16xi32> to vector<1xi32>
      %squeeze3A_1800 = vector.extract %slice3A_1799[0] : i32 from vector<1xi32>
      %slice3A_1801 = vector.extract_strided_slice %get3A_1373 {offsets = [4], sizes = [1], strides = [1]} : vector<16xi32> to vector<1xi32>
      %squeeze3A_1802 = vector.extract %slice3A_1801[0] : i32 from vector<1xi32>
      %get3A_1803 = arith.constant 4 : i32
      %get3A_1804 = arith.index_cast %rem3A_1308 : i32 to index
      %get3A_1805 = arith.index_cast %get3A_1803 : i32 to index
      %get3A_1806 = arith.index_cast %squeeze3A_1798 : i32 to index
      %get3A_1807 = arith.constant 0 : index
      %get3A_1808 = tpu.vector_load %arg13[%get3A_1804, %get3A_1805, %get3A_1806, %get3A_1807] {strides = array<i32>} : memref<2x16x8x64xf32, #tpu.memory_space<vmem>>, vector<16xf32>,
      %get3A_1809 = arith.constant 4 : i32
      %get3A_1810 = arith.index_cast %rem3A_1308 : i32 to index
      %get3A_1811 = arith.index_cast %get3A_1809 : i32 to index
      %get3A_1812 = arith.index_cast %squeeze3A_1800 : i32 to index
      %get3A_1813 = arith.constant 0 : index
      %get3A_1814 = tpu.vector_load %arg14[%get3A_1810, %get3A_1811, %get3A_1812, %get3A_1813] {strides = array<i32>} : memref<2x16x8x64xf32, #tpu.memory_space<vmem>>, vector<16xf32>,
      %mul3A_1815 = arith.mulf %get3A_1808, %get3A_1814 : vector<16xf32>
      %get3A_1816 = arith.constant 4 : i32
      %get3A_1817 = arith.index_cast %rem3A_1308 : i32 to index
      %get3A_1818 = arith.index_cast %get3A_1816 : i32 to index
      %get3A_1819 = arith.index_cast %squeeze3A_1802 : i32 to index
      %get3A_1820 = arith.constant 0 : index
      %get3A_1821 = tpu.vector_load %arg15[%get3A_1817, %get3A_1818, %get3A_1819, %get3A_1820] {strides = array<i32>} : memref<2x16x8x64xf32, #tpu.memory_space<vmem>>, vector<16xf32>,
      %mul3A_1822 = arith.mulf %mul3A_1815, %get3A_1821 : vector<16xf32>
      %swap3A_1823 = arith.constant 4 : i32
      %swap3A_1824 = arith.index_cast %rem3A_1308 : i32 to index
      %swap3A_1825 = arith.index_cast %swap3A_1823 : i32 to index
      %swap3A_1826 = arith.constant 0 : index
      %swap3A_1827 = tpu.vector_load %arg16[%swap3A_1824, %swap3A_1825, %swap3A_1826] {strides = array<i32>} : memref<2x16x64xf32, #tpu.memory_space<vmem>>, vector<16xf32>,
      tpu.vector_store %arg16[%swap3A_1824, %swap3A_1825, %swap3A_1826], %mul3A_1822 {strides = array<i32>} : memref<2x16x64xf32, #tpu.memory_space<vmem>>, vector<16xf32>,
      %get3A_1828 = arith.constant 4 : i32
      %get3A_1829 = arith.index_cast %rem3A_1308 : i32 to index
      %get3A_1830 = arith.index_cast %get3A_1828 : i32 to index
      %get3A_1831 = arith.index_cast %squeeze3A_1798 : i32 to index
      %get3A_1832 = arith.constant 16 : index
      %get3A_1833 = tpu.vector_load %arg13[%get3A_1829, %get3A_1830, %get3A_1831, %get3A_1832] {strides = array<i32>} : memref<2x16x8x64xf32, #tpu.memory_space<vmem>>, vector<16xf32>,
      %get3A_1834 = arith.constant 4 : i32
      %get3A_1835 = arith.index_cast %rem3A_1308 : i32 to index
      %get3A_1836 = arith.index_cast %get3A_1834 : i32 to index
      %get3A_1837 = arith.index_cast %squeeze3A_1800 : i32 to index
      %get3A_1838 = arith.constant 16 : index
      %get3A_1839 = tpu.vector_load %arg14[%get3A_1835, %get3A_1836, %get3A_1837, %get3A_1838] {strides = array<i32>} : memref<2x16x8x64xf32, #tpu.memory_space<vmem>>, vector<16xf32>,
      %mul3A_1840 = arith.mulf %get3A_1833, %get3A_1839 : vector<16xf32>
      %get3A_1841 = arith.constant 4 : i32
      %get3A_1842 = arith.index_cast %rem3A_1308 : i32 to index
      %get3A_1843 = arith.index_cast %get3A_1841 : i32 to index
      %get3A_1844 = arith.index_cast %squeeze3A_1802 : i32 to index
      %get3A_1845 = arith.constant 16 : index
      %get3A_1846 = tpu.vector_load %arg15[%get3A_1842, %get3A_1843, %get3A_1844, %get3A_1845] {strides = array<i32>} : memref<2x16x8x64xf32, #tpu.memory_space<vmem>>, vector<16xf32>,
      %mul3A_1847 = arith.mulf %mul3A_1840, %get3A_1846 : vector<16xf32>
      %swap3A_1848 = arith.constant 4 : i32
      %swap3A_1849 = arith.index_cast %rem3A_1308 : i32 to index
      %swap3A_1850 = arith.index_cast %swap3A_1848 : i32 to index
      %swap3A_1851 = arith.constant 16 : index
      %swap3A_1852 = tpu.vector_load %arg16[%swap3A_1849, %swap3A_1850, %swap3A_1851] {strides = array<i32>} : memref<2x16x64xf32, #tpu.memory_space<vmem>>, vector<16xf32>,
      tpu.vector_store %arg16[%swap3A_1849, %swap3A_1850, %swap3A_1851], %mul3A_1847 {strides = array<i32>} : memref<2x16x64xf32, #tpu.memory_space<vmem>>, vector<16xf32>,
      %get3A_1853 = arith.constant 4 : i32
      %get3A_1854 = arith.index_cast %rem3A_1308 : i32 to index
      %get3A_1855 = arith.index_cast %get3A_1853 : i32 to index
      %get3A_1856 = arith.index_cast %squeeze3A_1798 : i32 to index
      %get3A_1857 = arith.constant 32 : index
      %get3A_1858 = tpu.vector_load %arg13[%get3A_1854, %get3A_1855, %get3A_1856, %get3A_1857] {strides = array<i32>} : memref<2x16x8x64xf32, #tpu.memory_space<vmem>>, vector<16xf32>,
      %get3A_1859 = arith.constant 4 : i32
      %get3A_1860 = arith.index_cast %rem3A_1308 : i32 to index
      %get3A_1861 = arith.index_cast %get3A_1859 : i32 to index
      %get3A_1862 = arith.index_cast %squeeze3A_1800 : i32 to index
      %get3A_1863 = arith.constant 32 : index
      %get3A_1864 = tpu.vector_load %arg14[%get3A_1860, %get3A_1861, %get3A_1862, %get3A_1863] {strides = array<i32>} : memref<2x16x8x64xf32, #tpu.memory_space<vmem>>, vector<16xf32>,
      %mul3A_1865 = arith.mulf %get3A_1858, %get3A_1864 : vector<16xf32>
      %get3A_1866 = arith.constant 4 : i32
      %get3A_1867 = arith.index_cast %rem3A_1308 : i32 to index
      %get3A_1868 = arith.index_cast %get3A_1866 : i32 to index
      %get3A_1869 = arith.index_cast %squeeze3A_1802 : i32 to index
      %get3A_1870 = arith.constant 32 : index
      %get3A_1871 = tpu.vector_load %arg15[%get3A_1867, %get3A_1868, %get3A_1869, %get3A_1870] {strides = array<i32>} : memref<2x16x8x64xf32, #tpu.memory_space<vmem>>, vector<16xf32>,
      %mul3A_1872 = arith.mulf %mul3A_1865, %get3A_1871 : vector<16xf32>
      %swap3A_1873 = arith.constant 4 : i32
      %swap3A_1874 = arith.index_cast %rem3A_1308 : i32 to index
      %swap3A_1875 = arith.index_cast %swap3A_1873 : i32 to index
      %swap3A_1876 = arith.constant 32 : index
      %swap3A_1877 = tpu.vector_load %arg16[%swap3A_1874, %swap3A_1875, %swap3A_1876] {strides = array<i32>} : memref<2x16x64xf32, #tpu.memory_space<vmem>>, vector<16xf32>,
      tpu.vector_store %arg16[%swap3A_1874, %swap3A_1875, %swap3A_1876], %mul3A_1872 {strides = array<i32>} : memref<2x16x64xf32, #tpu.memory_space<vmem>>, vector<16xf32>,
      %get3A_1878 = arith.constant 4 : i32
      %get3A_1879 = arith.index_cast %rem3A_1308 : i32 to index
      %get3A_1880 = arith.index_cast %get3A_1878 : i32 to index
      %get3A_1881 = arith.index_cast %squeeze3A_1798 : i32 to index
      %get3A_1882 = arith.constant 48 : index
      %get3A_1883 = tpu.vector_load %arg13[%get3A_1879, %get3A_1880, %get3A_1881, %get3A_1882] {strides = array<i32>} : memref<2x16x8x64xf32, #tpu.memory_space<vmem>>, vector<16xf32>,
      %get3A_1884 = arith.constant 4 : i32
      %get3A_1885 = arith.index_cast %rem3A_1308 : i32 to index
      %get3A_1886 = arith.index_cast %get3A_1884 : i32 to index
      %get3A_1887 = arith.index_cast %squeeze3A_1800 : i32 to index
      %get3A_1888 = arith.constant 48 : index
      %get3A_1889 = tpu.vector_load %arg14[%get3A_1885, %get3A_1886, %get3A_1887, %get3A_1888] {strides = array<i32>} : memref<2x16x8x64xf32, #tpu.memory_space<vmem>>, vector<16xf32>,
      %mul3A_1890 = arith.mulf %get3A_1883, %get3A_1889 : vector<16xf32>
      %get3A_1891 = arith.constant 4 : i32
      %get3A_1892 = arith.index_cast %rem3A_1308 : i32 to index
      %get3A_1893 = arith.index_cast %get3A_1891 : i32 to index
      %get3A_1894 = arith.index_cast %squeeze3A_1802 : i32 to index
      %get3A_1895 = arith.constant 48 : index
      %get3A_1896 = tpu.vector_load %arg15[%get3A_1892, %get3A_1893, %get3A_1894, %get3A_1895] {strides = array<i32>} : memref<2x16x8x64xf32, #tpu.memory_space<vmem>>, vector<16xf32>,
      %mul3A_1897 = arith.mulf %mul3A_1890, %get3A_1896 : vector<16xf32>
      %swap3A_1898 = arith.constant 4 : i32
      %swap3A_1899 = arith.index_cast %rem3A_1308 : i32 to index
      %swap3A_1900 = arith.index_cast %swap3A_1898 : i32 to index
      %swap3A_1901 = arith.constant 48 : index
      %swap3A_1902 = tpu.vector_load %arg16[%swap3A_1899, %swap3A_1900, %swap3A_1901] {strides = array<i32>} : memref<2x16x64xf32, #tpu.memory_space<vmem>>, vector<16xf32>,
      tpu.vector_store %arg16[%swap3A_1899, %swap3A_1900, %swap3A_1901], %mul3A_1897 {strides = array<i32>} : memref<2x16x64xf32, #tpu.memory_space<vmem>>, vector<16xf32>,
      %slice3A_1903 = vector.extract_strided_slice %get3A_1369 {offsets = [5], sizes = [1], strides = [1]} : vector<16xi32> to vector<1xi32>
      %squeeze3A_1904 = vector.extract %slice3A_1903[0] : i32 from vector<1xi32>
      %slice3A_1905 = vector.extract_strided_slice %get3A_1371 {offsets = [5], sizes = [1], strides = [1]} : vector<16xi32> to vector<1xi32>
      %squeeze3A_1906 = vector.extract %slice3A_1905[0] : i32 from vector<1xi32>
      %slice3A_1907 = vector.extract_strided_slice %get3A_1373 {offsets = [5], sizes = [1], strides = [1]} : vector<16xi32> to vector<1xi32>
      %squeeze3A_1908 = vector.extract %slice3A_1907[0] : i32 from vector<1xi32>
      %get3A_1909 = arith.constant 5 : i32
      %get3A_1910 = arith.index_cast %rem3A_1308 : i32 to index
      %get3A_1911 = arith.index_cast %get3A_1909 : i32 to index
      %get3A_1912 = arith.index_cast %squeeze3A_1904 : i32 to index
      %get3A_1913 = arith.constant 0 : index
      %get3A_1914 = tpu.vector_load %arg13[%get3A_1910, %get3A_1911, %get3A_1912, %get3A_1913] {strides = array<i32>} : memref<2x16x8x64xf32, #tpu.memory_space<vmem>>, vector<16xf32>,
      %get3A_1915 = arith.constant 5 : i32
      %get3A_1916 = arith.index_cast %rem3A_1308 : i32 to index
      %get3A_1917 = arith.index_cast %get3A_1915 : i32 to index
      %get3A_1918 = arith.index_cast %squeeze3A_1906 : i32 to index
      %get3A_1919 = arith.constant 0 : index
      %get3A_1920 = tpu.vector_load %arg14[%get3A_1916, %get3A_1917, %get3A_1918, %get3A_1919] {strides = array<i32>} : memref<2x16x8x64xf32, #tpu.memory_space<vmem>>, vector<16xf32>,
      %mul3A_1921 = arith.mulf %get3A_1914, %get3A_1920 : vector<16xf32>
      %get3A_1922 = arith.constant 5 : i32
      %get3A_1923 = arith.index_cast %rem3A_1308 : i32 to index
      %get3A_1924 = arith.index_cast %get3A_1922 : i32 to index
      %get3A_1925 = arith.index_cast %squeeze3A_1908 : i32 to index
      %get3A_1926 = arith.constant 0 : index
      %get3A_1927 = tpu.vector_load %arg15[%get3A_1923, %get3A_1924, %get3A_1925, %get3A_1926] {strides = array<i32>} : memref<2x16x8x64xf32, #tpu.memory_space<vmem>>, vector<16xf32>,
      %mul3A_1928 = arith.mulf %mul3A_1921, %get3A_1927 : vector<16xf32>
      %swap3A_1929 = arith.constant 5 : i32
      %swap3A_1930 = arith.index_cast %rem3A_1308 : i32 to index
      %swap3A_1931 = arith.index_cast %swap3A_1929 : i32 to index
      %swap3A_1932 = arith.constant 0 : index
      %swap3A_1933 = tpu.vector_load %arg16[%swap3A_1930, %swap3A_1931, %swap3A_1932] {strides = array<i32>} : memref<2x16x64xf32, #tpu.memory_space<vmem>>, vector<16xf32>,
      tpu.vector_store %arg16[%swap3A_1930, %swap3A_1931, %swap3A_1932], %mul3A_1928 {strides = array<i32>} : memref<2x16x64xf32, #tpu.memory_space<vmem>>, vector<16xf32>,
      %get3A_1934 = arith.constant 5 : i32
      %get3A_1935 = arith.index_cast %rem3A_1308 : i32 to index
      %get3A_1936 = arith.index_cast %get3A_1934 : i32 to index
      %get3A_1937 = arith.index_cast %squeeze3A_1904 : i32 to index
      %get3A_1938 = arith.constant 16 : index
      %get3A_1939 = tpu.vector_load %arg13[%get3A_1935, %get3A_1936, %get3A_1937, %get3A_1938] {strides = array<i32>} : memref<2x16x8x64xf32, #tpu.memory_space<vmem>>, vector<16xf32>,
      %get3A_1940 = arith.constant 5 : i32
      %get3A_1941 = arith.index_cast %rem3A_1308 : i32 to index
      %get3A_1942 = arith.index_cast %get3A_1940 : i32 to index
      %get3A_1943 = arith.index_cast %squeeze3A_1906 : i32 to index
      %get3A_1944 = arith.constant 16 : index
      %get3A_1945 = tpu.vector_load %arg14[%get3A_1941, %get3A_1942, %get3A_1943, %get3A_1944] {strides = array<i32>} : memref<2x16x8x64xf32, #tpu.memory_space<vmem>>, vector<16xf32>,
      %mul3A_1946 = arith.mulf %get3A_1939, %get3A_1945 : vector<16xf32>
      %get3A_1947 = arith.constant 5 : i32
      %get3A_1948 = arith.index_cast %rem3A_1308 : i32 to index
      %get3A_1949 = arith.index_cast %get3A_1947 : i32 to index
      %get3A_1950 = arith.index_cast %squeeze3A_1908 : i32 to index
      %get3A_1951 = arith.constant 16 : index
      %get3A_1952 = tpu.vector_load %arg15[%get3A_1948, %get3A_1949, %get3A_1950, %get3A_1951] {strides = array<i32>} : memref<2x16x8x64xf32, #tpu.memory_space<vmem>>, vector<16xf32>,
      %mul3A_1953 = arith.mulf %mul3A_1946, %get3A_1952 : vector<16xf32>
      %swap3A_1954 = arith.constant 5 : i32
      %swap3A_1955 = arith.index_cast %rem3A_1308 : i32 to index
      %swap3A_1956 = arith.index_cast %swap3A_1954 : i32 to index
      %swap3A_1957 = arith.constant 16 : index
      %swap3A_1958 = tpu.vector_load %arg16[%swap3A_1955, %swap3A_1956, %swap3A_1957] {strides = array<i32>} : memref<2x16x64xf32, #tpu.memory_space<vmem>>, vector<16xf32>,
      tpu.vector_store %arg16[%swap3A_1955, %swap3A_1956, %swap3A_1957], %mul3A_1953 {strides = array<i32>} : memref<2x16x64xf32, #tpu.memory_space<vmem>>, vector<16xf32>,
      %get3A_1959 = arith.constant 5 : i32
      %get3A_1960 = arith.index_cast %rem3A_1308 : i32 to index
      %get3A_1961 = arith.index_cast %get3A_1959 : i32 to index
      %get3A_1962 = arith.index_cast %squeeze3A_1904 : i32 to index
      %get3A_1963 = arith.constant 32 : index
      %get3A_1964 = tpu.vector_load %arg13[%get3A_1960, %get3A_1961, %get3A_1962, %get3A_1963] {strides = array<i32>} : memref<2x16x8x64xf32, #tpu.memory_space<vmem>>, vector<16xf32>,
      %get3A_1965 = arith.constant 5 : i32
      %get3A_1966 = arith.index_cast %rem3A_1308 : i32 to index
      %get3A_1967 = arith.index_cast %get3A_1965 : i32 to index
      %get3A_1968 = arith.index_cast %squeeze3A_1906 : i32 to index
      %get3A_1969 = arith.constant 32 : index
      %get3A_1970 = tpu.vector_load %arg14[%get3A_1966, %get3A_1967, %get3A_1968, %get3A_1969] {strides = array<i32>} : memref<2x16x8x64xf32, #tpu.memory_space<vmem>>, vector<16xf32>,
      %mul3A_1971 = arith.mulf %get3A_1964, %get3A_1970 : vector<16xf32>
      %get3A_1972 = arith.constant 5 : i32
      %get3A_1973 = arith.index_cast %rem3A_1308 : i32 to index
      %get3A_1974 = arith.index_cast %get3A_1972 : i32 to index
      %get3A_1975 = arith.index_cast %squeeze3A_1908 : i32 to index
      %get3A_1976 = arith.constant 32 : index
      %get3A_1977 = tpu.vector_load %arg15[%get3A_1973, %get3A_1974, %get3A_1975, %get3A_1976] {strides = array<i32>} : memref<2x16x8x64xf32, #tpu.memory_space<vmem>>, vector<16xf32>,
      %mul3A_1978 = arith.mulf %mul3A_1971, %get3A_1977 : vector<16xf32>
      %swap3A_1979 = arith.constant 5 : i32
      %swap3A_1980 = arith.index_cast %rem3A_1308 : i32 to index
      %swap3A_1981 = arith.index_cast %swap3A_1979 : i32 to index
      %swap3A_1982 = arith.constant 32 : index
      %swap3A_1983 = tpu.vector_load %arg16[%swap3A_1980, %swap3A_1981, %swap3A_1982] {strides = array<i32>} : memref<2x16x64xf32, #tpu.memory_space<vmem>>, vector<16xf32>,
      tpu.vector_store %arg16[%swap3A_1980, %swap3A_1981, %swap3A_1982], %mul3A_1978 {strides = array<i32>} : memref<2x16x64xf32, #tpu.memory_space<vmem>>, vector<16xf32>,
      %get3A_1984 = arith.constant 5 : i32
      %get3A_1985 = arith.index_cast %rem3A_1308 : i32 to index
      %get3A_1986 = arith.index_cast %get3A_1984 : i32 to index
      %get3A_1987 = arith.index_cast %squeeze3A_1904 : i32 to index
      %get3A_1988 = arith.constant 48 : index
      %get3A_1989 = tpu.vector_load %arg13[%get3A_1985, %get3A_1986, %get3A_1987, %get3A_1988] {strides = array<i32>} : memref<2x16x8x64xf32, #tpu.memory_space<vmem>>, vector<16xf32>,
      %get3A_1990 = arith.constant 5 : i32
      %get3A_1991 = arith.index_cast %rem3A_1308 : i32 to index
      %get3A_1992 = arith.index_cast %get3A_1990 : i32 to index
      %get3A_1993 = arith.index_cast %squeeze3A_1906 : i32 to index
      %get3A_1994 = arith.constant 48 : index
      %get3A_1995 = tpu.vector_load %arg14[%get3A_1991, %get3A_1992, %get3A_1993, %get3A_1994] {strides = array<i32>} : memref<2x16x8x64xf32, #tpu.memory_space<vmem>>, vector<16xf32>,
      %mul3A_1996 = arith.mulf %get3A_1989, %get3A_1995 : vector<16xf32>
      %get3A_1997 = arith.constant 5 : i32
      %get3A_1998 = arith.index_cast %rem3A_1308 : i32 to index
      %get3A_1999 = arith.index_cast %get3A_1997 : i32 to index
      %get3A_2000 = arith.index_cast %squeeze3A_1908 : i32 to index
      %get3A_2001 = arith.constant 48 : index
      %get3A_2002 = tpu.vector_load %arg15[%get3A_1998, %get3A_1999, %get3A_2000, %get3A_2001] {strides = array<i32>} : memref<2x16x8x64xf32, #tpu.memory_space<vmem>>, vector<16xf32>,
      %mul3A_2003 = arith.mulf %mul3A_1996, %get3A_2002 : vector<16xf32>
      %swap3A_2004 = arith.constant 5 : i32
      %swap3A_2005 = arith.index_cast %rem3A_1308 : i32 to index
      %swap3A_2006 = arith.index_cast %swap3A_2004 : i32 to index
      %swap3A_2007 = arith.constant 48 : index
      %swap3A_2008 = tpu.vector_load %arg16[%swap3A_2005, %swap3A_2006, %swap3A_2007] {strides = array<i32>} : memref<2x16x64xf32, #tpu.memory_space<vmem>>, vector<16xf32>,
      tpu.vector_store %arg16[%swap3A_2005, %swap3A_2006, %swap3A_2007], %mul3A_2003 {strides = array<i32>} : memref<2x16x64xf32, #tpu.memory_space<vmem>>, vector<16xf32>,
      %slice3A_2009 = vector.extract_strided_slice %get3A_1369 {offsets = [6], sizes = [1], strides = [1]} : vector<16xi32> to vector<1xi32>
      %squeeze3A_2010 = vector.extract %slice3A_2009[0] : i32 from vector<1xi32>
      %slice3A_2011 = vector.extract_strided_slice %get3A_1371 {offsets = [6], sizes = [1], strides = [1]} : vector<16xi32> to vector<1xi32>
      %squeeze3A_2012 = vector.extract %slice3A_2011[0] : i32 from vector<1xi32>
      %slice3A_2013 = vector.extract_strided_slice %get3A_1373 {offsets = [6], sizes = [1], strides = [1]} : vector<16xi32> to vector<1xi32>
      %squeeze3A_2014 = vector.extract %slice3A_2013[0] : i32 from vector<1xi32>
      %get3A_2015 = arith.constant 6 : i32
      %get3A_2016 = arith.index_cast %rem3A_1308 : i32 to index
      %get3A_2017 = arith.index_cast %get3A_2015 : i32 to index
      %get3A_2018 = arith.index_cast %squeeze3A_2010 : i32 to index
      %get3A_2019 = arith.constant 0 : index
      %get3A_2020 = tpu.vector_load %arg13[%get3A_2016, %get3A_2017, %get3A_2018, %get3A_2019] {strides = array<i32>} : memref<2x16x8x64xf32, #tpu.memory_space<vmem>>, vector<16xf32>,
      %get3A_2021 = arith.constant 6 : i32
      %get3A_2022 = arith.index_cast %rem3A_1308 : i32 to index
      %get3A_2023 = arith.index_cast %get3A_2021 : i32 to index
      %get3A_2024 = arith.index_cast %squeeze3A_2012 : i32 to index
      %get3A_2025 = arith.constant 0 : index
      %get3A_2026 = tpu.vector_load %arg14[%get3A_2022, %get3A_2023, %get3A_2024, %get3A_2025] {strides = array<i32>} : memref<2x16x8x64xf32, #tpu.memory_space<vmem>>, vector<16xf32>,
      %mul3A_2027 = arith.mulf %get3A_2020, %get3A_2026 : vector<16xf32>
      %get3A_2028 = arith.constant 6 : i32
      %get3A_2029 = arith.index_cast %rem3A_1308 : i32 to index
      %get3A_2030 = arith.index_cast %get3A_2028 : i32 to index
      %get3A_2031 = arith.index_cast %squeeze3A_2014 : i32 to index
      %get3A_2032 = arith.constant 0 : index
      %get3A_2033 = tpu.vector_load %arg15[%get3A_2029, %get3A_2030, %get3A_2031, %get3A_2032] {strides = array<i32>} : memref<2x16x8x64xf32, #tpu.memory_space<vmem>>, vector<16xf32>,
      %mul3A_2034 = arith.mulf %mul3A_2027, %get3A_2033 : vector<16xf32>
      %swap3A_2035 = arith.constant 6 : i32
      %swap3A_2036 = arith.index_cast %rem3A_1308 : i32 to index
      %swap3A_2037 = arith.index_cast %swap3A_2035 : i32 to index
      %swap3A_2038 = arith.constant 0 : index
      %swap3A_2039 = tpu.vector_load %arg16[%swap3A_2036, %swap3A_2037, %swap3A_2038] {strides = array<i32>} : memref<2x16x64xf32, #tpu.memory_space<vmem>>, vector<16xf32>,
      tpu.vector_store %arg16[%swap3A_2036, %swap3A_2037, %swap3A_2038], %mul3A_2034 {strides = array<i32>} : memref<2x16x64xf32, #tpu.memory_space<vmem>>, vector<16xf32>,
      %get3A_2040 = arith.constant 6 : i32
      %get3A_2041 = arith.index_cast %rem3A_1308 : i32 to index
      %get3A_2042 = arith.index_cast %get3A_2040 : i32 to index
      %get3A_2043 = arith.index_cast %squeeze3A_2010 : i32 to index
      %get3A_2044 = arith.constant 16 : index
      %get3A_2045 = tpu.vector_load %arg13[%get3A_2041, %get3A_2042, %get3A_2043, %get3A_2044] {strides = array<i32>} : memref<2x16x8x64xf32, #tpu.memory_space<vmem>>, vector<16xf32>,
      %get3A_2046 = arith.constant 6 : i32
      %get3A_2047 = arith.index_cast %rem3A_1308 : i32 to index
      %get3A_2048 = arith.index_cast %get3A_2046 : i32 to index
      %get3A_2049 = arith.index_cast %squeeze3A_2012 : i32 to index
      %get3A_2050 = arith.constant 16 : index
      %get3A_2051 = tpu.vector_load %arg14[%get3A_2047, %get3A_2048, %get3A_2049, %get3A_2050] {strides = array<i32>} : memref<2x16x8x64xf32, #tpu.memory_space<vmem>>, vector<16xf32>,
      %mul3A_2052 = arith.mulf %get3A_2045, %get3A_2051 : vector<16xf32>
      %get3A_2053 = arith.constant 6 : i32
      %get3A_2054 = arith.index_cast %rem3A_1308 : i32 to index
      %get3A_2055 = arith.index_cast %get3A_2053 : i32 to index
      %get3A_2056 = arith.index_cast %squeeze3A_2014 : i32 to index
      %get3A_2057 = arith.constant 16 : index
      %get3A_2058 = tpu.vector_load %arg15[%get3A_2054, %get3A_2055, %get3A_2056, %get3A_2057] {strides = array<i32>} : memref<2x16x8x64xf32, #tpu.memory_space<vmem>>, vector<16xf32>,
      %mul3A_2059 = arith.mulf %mul3A_2052, %get3A_2058 : vector<16xf32>
      %swap3A_2060 = arith.constant 6 : i32
      %swap3A_2061 = arith.index_cast %rem3A_1308 : i32 to index
      %swap3A_2062 = arith.index_cast %swap3A_2060 : i32 to index
      %swap3A_2063 = arith.constant 16 : index
      %swap3A_2064 = tpu.vector_load %arg16[%swap3A_2061, %swap3A_2062, %swap3A_2063] {strides = array<i32>} : memref<2x16x64xf32, #tpu.memory_space<vmem>>, vector<16xf32>,
      tpu.vector_store %arg16[%swap3A_2061, %swap3A_2062, %swap3A_2063], %mul3A_2059 {strides = array<i32>} : memref<2x16x64xf32, #tpu.memory_space<vmem>>, vector<16xf32>,
      %get3A_2065 = arith.constant 6 : i32
      %get3A_2066 = arith.index_cast %rem3A_1308 : i32 to index
      %get3A_2067 = arith.index_cast %get3A_2065 : i32 to index
      %get3A_2068 = arith.index_cast %squeeze3A_2010 : i32 to index
      %get3A_2069 = arith.constant 32 : index
      %get3A_2070 = tpu.vector_load %arg13[%get3A_2066, %get3A_2067, %get3A_2068, %get3A_2069] {strides = array<i32>} : memref<2x16x8x64xf32, #tpu.memory_space<vmem>>, vector<16xf32>,
      %get3A_2071 = arith.constant 6 : i32
      %get3A_2072 = arith.index_cast %rem3A_1308 : i32 to index
      %get3A_2073 = arith.index_cast %get3A_2071 : i32 to index
      %get3A_2074 = arith.index_cast %squeeze3A_2012 : i32 to index
      %get3A_2075 = arith.constant 32 : index
      %get3A_2076 = tpu.vector_load %arg14[%get3A_2072, %get3A_2073, %get3A_2074, %get3A_2075] {strides = array<i32>} : memref<2x16x8x64xf32, #tpu.memory_space<vmem>>, vector<16xf32>,
      %mul3A_2077 = arith.mulf %get3A_2070, %get3A_2076 : vector<16xf32>
      %get3A_2078 = arith.constant 6 : i32
      %get3A_2079 = arith.index_cast %rem3A_1308 : i32 to index
      %get3A_2080 = arith.index_cast %get3A_2078 : i32 to index
      %get3A_2081 = arith.index_cast %squeeze3A_2014 : i32 to index
      %get3A_2082 = arith.constant 32 : index
      %get3A_2083 = tpu.vector_load %arg15[%get3A_2079, %get3A_2080, %get3A_2081, %get3A_2082] {strides = array<i32>} : memref<2x16x8x64xf32, #tpu.memory_space<vmem>>, vector<16xf32>,
      %mul3A_2084 = arith.mulf %mul3A_2077, %get3A_2083 : vector<16xf32>
      %swap3A_2085 = arith.constant 6 : i32
      %swap3A_2086 = arith.index_cast %rem3A_1308 : i32 to index
      %swap3A_2087 = arith.index_cast %swap3A_2085 : i32 to index
      %swap3A_2088 = arith.constant 32 : index
      %swap3A_2089 = tpu.vector_load %arg16[%swap3A_2086, %swap3A_2087, %swap3A_2088] {strides = array<i32>} : memref<2x16x64xf32, #tpu.memory_space<vmem>>, vector<16xf32>,
      tpu.vector_store %arg16[%swap3A_2086, %swap3A_2087, %swap3A_2088], %mul3A_2084 {strides = array<i32>} : memref<2x16x64xf32, #tpu.memory_space<vmem>>, vector<16xf32>,
      %get3A_2090 = arith.constant 6 : i32
      %get3A_2091 = arith.index_cast %rem3A_1308 : i32 to index
      %get3A_2092 = arith.index_cast %get3A_2090 : i32 to index
      %get3A_2093 = arith.index_cast %squeeze3A_2010 : i32 to index
      %get3A_2094 = arith.constant 48 : index
      %get3A_2095 = tpu.vector_load %arg13[%get3A_2091, %get3A_2092, %get3A_2093, %get3A_2094] {strides = array<i32>} : memref<2x16x8x64xf32, #tpu.memory_space<vmem>>, vector<16xf32>,
      %get3A_2096 = arith.constant 6 : i32
      %get3A_2097 = arith.index_cast %rem3A_1308 : i32 to index
      %get3A_2098 = arith.index_cast %get3A_2096 : i32 to index
      %get3A_2099 = arith.index_cast %squeeze3A_2012 : i32 to index
      %get3A_2100 = arith.constant 48 : index
      %get3A_2101 = tpu.vector_load %arg14[%get3A_2097, %get3A_2098, %get3A_2099, %get3A_2100] {strides = array<i32>} : memref<2x16x8x64xf32, #tpu.memory_space<vmem>>, vector<16xf32>,
      %mul3A_2102 = arith.mulf %get3A_2095, %get3A_2101 : vector<16xf32>
      %get3A_2103 = arith.constant 6 : i32
      %get3A_2104 = arith.index_cast %rem3A_1308 : i32 to index
      %get3A_2105 = arith.index_cast %get3A_2103 : i32 to index
      %get3A_2106 = arith.index_cast %squeeze3A_2014 : i32 to index
      %get3A_2107 = arith.constant 48 : index
      %get3A_2108 = tpu.vector_load %arg15[%get3A_2104, %get3A_2105, %get3A_2106, %get3A_2107] {strides = array<i32>} : memref<2x16x8x64xf32, #tpu.memory_space<vmem>>, vector<16xf32>,
      %mul3A_2109 = arith.mulf %mul3A_2102, %get3A_2108 : vector<16xf32>
      %swap3A_2110 = arith.constant 6 : i32
      %swap3A_2111 = arith.index_cast %rem3A_1308 : i32 to index
      %swap3A_2112 = arith.index_cast %swap3A_2110 : i32 to index
      %swap3A_2113 = arith.constant 48 : index
      %swap3A_2114 = tpu.vector_load %arg16[%swap3A_2111, %swap3A_2112, %swap3A_2113] {strides = array<i32>} : memref<2x16x64xf32, #tpu.memory_space<vmem>>, vector<16xf32>,
      tpu.vector_store %arg16[%swap3A_2111, %swap3A_2112, %swap3A_2113], %mul3A_2109 {strides = array<i32>} : memref<2x16x64xf32, #tpu.memory_space<vmem>>, vector<16xf32>,
      %slice3A_2115 = vector.extract_strided_slice %get3A_1369 {offsets = [7], sizes = [1], strides = [1]} : vector<16xi32> to vector<1xi32>
      %squeeze3A_2116 = vector.extract %slice3A_2115[0] : i32 from vector<1xi32>
      %slice3A_2117 = vector.extract_strided_slice %get3A_1371 {offsets = [7], sizes = [1], strides = [1]} : vector<16xi32> to vector<1xi32>
      %squeeze3A_2118 = vector.extract %slice3A_2117[0] : i32 from vector<1xi32>
      %slice3A_2119 = vector.extract_strided_slice %get3A_1373 {offsets = [7], sizes = [1], strides = [1]} : vector<16xi32> to vector<1xi32>
      %squeeze3A_2120 = vector.extract %slice3A_2119[0] : i32 from vector<1xi32>
      %get3A_2121 = arith.constant 7 : i32
      %get3A_2122 = arith.index_cast %rem3A_1308 : i32 to index
      %get3A_2123 = arith.index_cast %get3A_2121 : i32 to index
      %get3A_2124 = arith.index_cast %squeeze3A_2116 : i32 to index
      %get3A_2125 = arith.constant 0 : index
      %get3A_2126 = tpu.vector_load %arg13[%get3A_2122, %get3A_2123, %get3A_2124, %get3A_2125] {strides = array<i32>} : memref<2x16x8x64xf32, #tpu.memory_space<vmem>>, vector<16xf32>,
      %get3A_2127 = arith.constant 7 : i32
      %get3A_2128 = arith.index_cast %rem3A_1308 : i32 to index
      %get3A_2129 = arith.index_cast %get3A_2127 : i32 to index
      %get3A_2130 = arith.index_cast %squeeze3A_2118 : i32 to index
      %get3A_2131 = arith.constant 0 : index
      %get3A_2132 = tpu.vector_load %arg14[%get3A_2128, %get3A_2129, %get3A_2130, %get3A_2131] {strides = array<i32>} : memref<2x16x8x64xf32, #tpu.memory_space<vmem>>, vector<16xf32>,
      %mul3A_2133 = arith.mulf %get3A_2126, %get3A_2132 : vector<16xf32>
      %get3A_2134 = arith.constant 7 : i32
      %get3A_2135 = arith.index_cast %rem3A_1308 : i32 to index
      %get3A_2136 = arith.index_cast %get3A_2134 : i32 to index
      %get3A_2137 = arith.index_cast %squeeze3A_2120 : i32 to index
      %get3A_2138 = arith.constant 0 : index
      %get3A_2139 = tpu.vector_load %arg15[%get3A_2135, %get3A_2136, %get3A_2137, %get3A_2138] {strides = array<i32>} : memref<2x16x8x64xf32, #tpu.memory_space<vmem>>, vector<16xf32>,
      %mul3A_2140 = arith.mulf %mul3A_2133, %get3A_2139 : vector<16xf32>
      %swap3A_2141 = arith.constant 7 : i32
      %swap3A_2142 = arith.index_cast %rem3A_1308 : i32 to index
      %swap3A_2143 = arith.index_cast %swap3A_2141 : i32 to index
      %swap3A_2144 = arith.constant 0 : index
      %swap3A_2145 = tpu.vector_load %arg16[%swap3A_2142, %swap3A_2143, %swap3A_2144] {strides = array<i32>} : memref<2x16x64xf32, #tpu.memory_space<vmem>>, vector<16xf32>,
      tpu.vector_store %arg16[%swap3A_2142, %swap3A_2143, %swap3A_2144], %mul3A_2140 {strides = array<i32>} : memref<2x16x64xf32, #tpu.memory_space<vmem>>, vector<16xf32>,
      %get3A_2146 = arith.constant 7 : i32
      %get3A_2147 = arith.index_cast %rem3A_1308 : i32 to index
      %get3A_2148 = arith.index_cast %get3A_2146 : i32 to index
      %get3A_2149 = arith.index_cast %squeeze3A_2116 : i32 to index
      %get3A_2150 = arith.constant 16 : index
      %get3A_2151 = tpu.vector_load %arg13[%get3A_2147, %get3A_2148, %get3A_2149, %get3A_2150] {strides = array<i32>} : memref<2x16x8x64xf32, #tpu.memory_space<vmem>>, vector<16xf32>,
      %get3A_2152 = arith.constant 7 : i32
      %get3A_2153 = arith.index_cast %rem3A_1308 : i32 to index
      %get3A_2154 = arith.index_cast %get3A_2152 : i32 to index
      %get3A_2155 = arith.index_cast %squeeze3A_2118 : i32 to index
      %get3A_2156 = arith.constant 16 : index
      %get3A_2157 = tpu.vector_load %arg14[%get3A_2153, %get3A_2154, %get3A_2155, %get3A_2156] {strides = array<i32>} : memref<2x16x8x64xf32, #tpu.memory_space<vmem>>, vector<16xf32>,
      %mul3A_2158 = arith.mulf %get3A_2151, %get3A_2157 : vector<16xf32>
      %get3A_2159 = arith.constant 7 : i32
      %get3A_2160 = arith.index_cast %rem3A_1308 : i32 to index
      %get3A_2161 = arith.index_cast %get3A_2159 : i32 to index
      %get3A_2162 = arith.index_cast %squeeze3A_2120 : i32 to index
      %get3A_2163 = arith.constant 16 : index
      %get3A_2164 = tpu.vector_load %arg15[%get3A_2160, %get3A_2161, %get3A_2162, %get3A_2163] {strides = array<i32>} : memref<2x16x8x64xf32, #tpu.memory_space<vmem>>, vector<16xf32>,
      %mul3A_2165 = arith.mulf %mul3A_2158, %get3A_2164 : vector<16xf32>
      %swap3A_2166 = arith.constant 7 : i32
      %swap3A_2167 = arith.index_cast %rem3A_1308 : i32 to index
      %swap3A_2168 = arith.index_cast %swap3A_2166 : i32 to index
      %swap3A_2169 = arith.constant 16 : index
      %swap3A_2170 = tpu.vector_load %arg16[%swap3A_2167, %swap3A_2168, %swap3A_2169] {strides = array<i32>} : memref<2x16x64xf32, #tpu.memory_space<vmem>>, vector<16xf32>,
      tpu.vector_store %arg16[%swap3A_2167, %swap3A_2168, %swap3A_2169], %mul3A_2165 {strides = array<i32>} : memref<2x16x64xf32, #tpu.memory_space<vmem>>, vector<16xf32>,
      %get3A_2171 = arith.constant 7 : i32
      %get3A_2172 = arith.index_cast %rem3A_1308 : i32 to index
      %get3A_2173 = arith.index_cast %get3A_2171 : i32 to index
      %get3A_2174 = arith.index_cast %squeeze3A_2116 : i32 to index
      %get3A_2175 = arith.constant 32 : index
      %get3A_2176 = tpu.vector_load %arg13[%get3A_2172, %get3A_2173, %get3A_2174, %get3A_2175] {strides = array<i32>} : memref<2x16x8x64xf32, #tpu.memory_space<vmem>>, vector<16xf32>,
      %get3A_2177 = arith.constant 7 : i32
      %get3A_2178 = arith.index_cast %rem3A_1308 : i32 to index
      %get3A_2179 = arith.index_cast %get3A_2177 : i32 to index
      %get3A_2180 = arith.index_cast %squeeze3A_2118 : i32 to index
      %get3A_2181 = arith.constant 32 : index
      %get3A_2182 = tpu.vector_load %arg14[%get3A_2178, %get3A_2179, %get3A_2180, %get3A_2181] {strides = array<i32>} : memref<2x16x8x64xf32, #tpu.memory_space<vmem>>, vector<16xf32>,
      %mul3A_2183 = arith.mulf %get3A_2176, %get3A_2182 : vector<16xf32>
      %get3A_2184 = arith.constant 7 : i32
      %get3A_2185 = arith.index_cast %rem3A_1308 : i32 to index
      %get3A_2186 = arith.index_cast %get3A_2184 : i32 to index
      %get3A_2187 = arith.index_cast %squeeze3A_2120 : i32 to index
      %get3A_2188 = arith.constant 32 : index
      %get3A_2189 = tpu.vector_load %arg15[%get3A_2185, %get3A_2186, %get3A_2187, %get3A_2188] {strides = array<i32>} : memref<2x16x8x64xf32, #tpu.memory_space<vmem>>, vector<16xf32>,
      %mul3A_2190 = arith.mulf %mul3A_2183, %get3A_2189 : vector<16xf32>
      %swap3A_2191 = arith.constant 7 : i32
      %swap3A_2192 = arith.index_cast %rem3A_1308 : i32 to index
      %swap3A_2193 = arith.index_cast %swap3A_2191 : i32 to index
      %swap3A_2194 = arith.constant 32 : index
      %swap3A_2195 = tpu.vector_load %arg16[%swap3A_2192, %swap3A_2193, %swap3A_2194] {strides = array<i32>} : memref<2x16x64xf32, #tpu.memory_space<vmem>>, vector<16xf32>,
      tpu.vector_store %arg16[%swap3A_2192, %swap3A_2193, %swap3A_2194], %mul3A_2190 {strides = array<i32>} : memref<2x16x64xf32, #tpu.memory_space<vmem>>, vector<16xf32>,
      %get3A_2196 = arith.constant 7 : i32
      %get3A_2197 = arith.index_cast %rem3A_1308 : i32 to index
      %get3A_2198 = arith.index_cast %get3A_2196 : i32 to index
      %get3A_2199 = arith.index_cast %squeeze3A_2116 : i32 to index
      %get3A_2200 = arith.constant 48 : index
      %get3A_2201 = tpu.vector_load %arg13[%get3A_2197, %get3A_2198, %get3A_2199, %get3A_2200] {strides = array<i32>} : memref<2x16x8x64xf32, #tpu.memory_space<vmem>>, vector<16xf32>,
      %get3A_2202 = arith.constant 7 : i32
      %get3A_2203 = arith.index_cast %rem3A_1308 : i32 to index
      %get3A_2204 = arith.index_cast %get3A_2202 : i32 to index
      %get3A_2205 = arith.index_cast %squeeze3A_2118 : i32 to index
      %get3A_2206 = arith.constant 48 : index
      %get3A_2207 = tpu.vector_load %arg14[%get3A_2203, %get3A_2204, %get3A_2205, %get3A_2206] {strides = array<i32>} : memref<2x16x8x64xf32, #tpu.memory_space<vmem>>, vector<16xf32>,
      %mul3A_2208 = arith.mulf %get3A_2201, %get3A_2207 : vector<16xf32>
      %get3A_2209 = arith.constant 7 : i32
      %get3A_2210 = arith.index_cast %rem3A_1308 : i32 to index
      %get3A_2211 = arith.index_cast %get3A_2209 : i32 to index
      %get3A_2212 = arith.index_cast %squeeze3A_2120 : i32 to index
      %get3A_2213 = arith.constant 48 : index
      %get3A_2214 = tpu.vector_load %arg15[%get3A_2210, %get3A_2211, %get3A_2212, %get3A_2213] {strides = array<i32>} : memref<2x16x8x64xf32, #tpu.memory_space<vmem>>, vector<16xf32>,
      %mul3A_2215 = arith.mulf %mul3A_2208, %get3A_2214 : vector<16xf32>
      %swap3A_2216 = arith.constant 7 : i32
      %swap3A_2217 = arith.index_cast %rem3A_1308 : i32 to index
      %swap3A_2218 = arith.index_cast %swap3A_2216 : i32 to index
      %swap3A_2219 = arith.constant 48 : index
      %swap3A_2220 = tpu.vector_load %arg16[%swap3A_2217, %swap3A_2218, %swap3A_2219] {strides = array<i32>} : memref<2x16x64xf32, #tpu.memory_space<vmem>>, vector<16xf32>,
      tpu.vector_store %arg16[%swap3A_2217, %swap3A_2218, %swap3A_2219], %mul3A_2215 {strides = array<i32>} : memref<2x16x64xf32, #tpu.memory_space<vmem>>, vector<16xf32>,
      %slice3A_2221 = vector.extract_strided_slice %get3A_1369 {offsets = [8], sizes = [1], strides = [1]} : vector<16xi32> to vector<1xi32>
      %squeeze3A_2222 = vector.extract %slice3A_2221[0] : i32 from vector<1xi32>
      %slice3A_2223 = vector.extract_strided_slice %get3A_1371 {offsets = [8], sizes = [1], strides = [1]} : vector<16xi32> to vector<1xi32>
      %squeeze3A_2224 = vector.extract %slice3A_2223[0] : i32 from vector<1xi32>
      %slice3A_2225 = vector.extract_strided_slice %get3A_1373 {offsets = [8], sizes = [1], strides = [1]} : vector<16xi32> to vector<1xi32>
      %squeeze3A_2226 = vector.extract %slice3A_2225[0] : i32 from vector<1xi32>
      %get3A_2227 = arith.constant 8 : i32
      %get3A_2228 = arith.index_cast %rem3A_1308 : i32 to index
      %get3A_2229 = arith.index_cast %get3A_2227 : i32 to index
      %get3A_2230 = arith.index_cast %squeeze3A_2222 : i32 to index
      %get3A_2231 = arith.constant 0 : index
      %get3A_2232 = tpu.vector_load %arg13[%get3A_2228, %get3A_2229, %get3A_2230, %get3A_2231] {strides = array<i32>} : memref<2x16x8x64xf32, #tpu.memory_space<vmem>>, vector<16xf32>,
      %get3A_2233 = arith.constant 8 : i32
      %get3A_2234 = arith.index_cast %rem3A_1308 : i32 to index
      %get3A_2235 = arith.index_cast %get3A_2233 : i32 to index
      %get3A_2236 = arith.index_cast %squeeze3A_2224 : i32 to index
      %get3A_2237 = arith.constant 0 : index
      %get3A_2238 = tpu.vector_load %arg14[%get3A_2234, %get3A_2235, %get3A_2236, %get3A_2237] {strides = array<i32>} : memref<2x16x8x64xf32, #tpu.memory_space<vmem>>, vector<16xf32>,
      %mul3A_2239 = arith.mulf %get3A_2232, %get3A_2238 : vector<16xf32>
      %get3A_2240 = arith.constant 8 : i32
      %get3A_2241 = arith.index_cast %rem3A_1308 : i32 to index
      %get3A_2242 = arith.index_cast %get3A_2240 : i32 to index
      %get3A_2243 = arith.index_cast %squeeze3A_2226 : i32 to index
      %get3A_2244 = arith.constant 0 : index
      %get3A_2245 = tpu.vector_load %arg15[%get3A_2241, %get3A_2242, %get3A_2243, %get3A_2244] {strides = array<i32>} : memref<2x16x8x64xf32, #tpu.memory_space<vmem>>, vector<16xf32>,
      %mul3A_2246 = arith.mulf %mul3A_2239, %get3A_2245 : vector<16xf32>
      %swap3A_2247 = arith.constant 8 : i32
      %swap3A_2248 = arith.index_cast %rem3A_1308 : i32 to index
      %swap3A_2249 = arith.index_cast %swap3A_2247 : i32 to index
      %swap3A_2250 = arith.constant 0 : index
      %swap3A_2251 = tpu.vector_load %arg16[%swap3A_2248, %swap3A_2249, %swap3A_2250] {strides = array<i32>} : memref<2x16x64xf32, #tpu.memory_space<vmem>>, vector<16xf32>,
      tpu.vector_store %arg16[%swap3A_2248, %swap3A_2249, %swap3A_2250], %mul3A_2246 {strides = array<i32>} : memref<2x16x64xf32, #tpu.memory_space<vmem>>, vector<16xf32>,
      %get3A_2252 = arith.constant 8 : i32
      %get3A_2253 = arith.index_cast %rem3A_1308 : i32 to index
      %get3A_2254 = arith.index_cast %get3A_2252 : i32 to index
      %get3A_2255 = arith.index_cast %squeeze3A_2222 : i32 to index
      %get3A_2256 = arith.constant 16 : index
      %get3A_2257 = tpu.vector_load %arg13[%get3A_2253, %get3A_2254, %get3A_2255, %get3A_2256] {strides = array<i32>} : memref<2x16x8x64xf32, #tpu.memory_space<vmem>>, vector<16xf32>,
      %get3A_2258 = arith.constant 8 : i32
      %get3A_2259 = arith.index_cast %rem3A_1308 : i32 to index
      %get3A_2260 = arith.index_cast %get3A_2258 : i32 to index
      %get3A_2261 = arith.index_cast %squeeze3A_2224 : i32 to index
      %get3A_2262 = arith.constant 16 : index
      %get3A_2263 = tpu.vector_load %arg14[%get3A_2259, %get3A_2260, %get3A_2261, %get3A_2262] {strides = array<i32>} : memref<2x16x8x64xf32, #tpu.memory_space<vmem>>, vector<16xf32>,
      %mul3A_2264 = arith.mulf %get3A_2257, %get3A_2263 : vector<16xf32>
      %get3A_2265 = arith.constant 8 : i32
      %get3A_2266 = arith.index_cast %rem3A_1308 : i32 to index
      %get3A_2267 = arith.index_cast %get3A_2265 : i32 to index
      %get3A_2268 = arith.index_cast %squeeze3A_2226 : i32 to index
      %get3A_2269 = arith.constant 16 : index
      %get3A_2270 = tpu.vector_load %arg15[%get3A_2266, %get3A_2267, %get3A_2268, %get3A_2269] {strides = array<i32>} : memref<2x16x8x64xf32, #tpu.memory_space<vmem>>, vector<16xf32>,
      %mul3A_2271 = arith.mulf %mul3A_2264, %get3A_2270 : vector<16xf32>
      %swap3A_2272 = arith.constant 8 : i32
      %swap3A_2273 = arith.index_cast %rem3A_1308 : i32 to index
      %swap3A_2274 = arith.index_cast %swap3A_2272 : i32 to index
      %swap3A_2275 = arith.constant 16 : index
      %swap3A_2276 = tpu.vector_load %arg16[%swap3A_2273, %swap3A_2274, %swap3A_2275] {strides = array<i32>} : memref<2x16x64xf32, #tpu.memory_space<vmem>>, vector<16xf32>,
      tpu.vector_store %arg16[%swap3A_2273, %swap3A_2274, %swap3A_2275], %mul3A_2271 {strides = array<i32>} : memref<2x16x64xf32, #tpu.memory_space<vmem>>, vector<16xf32>,
      %get3A_2277 = arith.constant 8 : i32
      %get3A_2278 = arith.index_cast %rem3A_1308 : i32 to index
      %get3A_2279 = arith.index_cast %get3A_2277 : i32 to index
      %get3A_2280 = arith.index_cast %squeeze3A_2222 : i32 to index
      %get3A_2281 = arith.constant 32 : index
      %get3A_2282 = tpu.vector_load %arg13[%get3A_2278, %get3A_2279, %get3A_2280, %get3A_2281] {strides = array<i32>} : memref<2x16x8x64xf32, #tpu.memory_space<vmem>>, vector<16xf32>,
      %get3A_2283 = arith.constant 8 : i32
      %get3A_2284 = arith.index_cast %rem3A_1308 : i32 to index
      %get3A_2285 = arith.index_cast %get3A_2283 : i32 to index
      %get3A_2286 = arith.index_cast %squeeze3A_2224 : i32 to index
      %get3A_2287 = arith.constant 32 : index
      %get3A_2288 = tpu.vector_load %arg14[%get3A_2284, %get3A_2285, %get3A_2286, %get3A_2287] {strides = array<i32>} : memref<2x16x8x64xf32, #tpu.memory_space<vmem>>, vector<16xf32>,
      %mul3A_2289 = arith.mulf %get3A_2282, %get3A_2288 : vector<16xf32>
      %get3A_2290 = arith.constant 8 : i32
      %get3A_2291 = arith.index_cast %rem3A_1308 : i32 to index
      %get3A_2292 = arith.index_cast %get3A_2290 : i32 to index
      %get3A_2293 = arith.index_cast %squeeze3A_2226 : i32 to index
      %get3A_2294 = arith.constant 32 : index
      %get3A_2295 = tpu.vector_load %arg15[%get3A_2291, %get3A_2292, %get3A_2293, %get3A_2294] {strides = array<i32>} : memref<2x16x8x64xf32, #tpu.memory_space<vmem>>, vector<16xf32>,
      %mul3A_2296 = arith.mulf %mul3A_2289, %get3A_2295 : vector<16xf32>
      %swap3A_2297 = arith.constant 8 : i32
      %swap3A_2298 = arith.index_cast %rem3A_1308 : i32 to index
      %swap3A_2299 = arith.index_cast %swap3A_2297 : i32 to index
      %swap3A_2300 = arith.constant 32 : index
      %swap3A_2301 = tpu.vector_load %arg16[%swap3A_2298, %swap3A_2299, %swap3A_2300] {strides = array<i32>} : memref<2x16x64xf32, #tpu.memory_space<vmem>>, vector<16xf32>,
      tpu.vector_store %arg16[%swap3A_2298, %swap3A_2299, %swap3A_2300], %mul3A_2296 {strides = array<i32>} : memref<2x16x64xf32, #tpu.memory_space<vmem>>, vector<16xf32>,
      %get3A_2302 = arith.constant 8 : i32
      %get3A_2303 = arith.index_cast %rem3A_1308 : i32 to index
      %get3A_2304 = arith.index_cast %get3A_2302 : i32 to index
      %get3A_2305 = arith.index_cast %squeeze3A_2222 : i32 to index
      %get3A_2306 = arith.constant 48 : index
      %get3A_2307 = tpu.vector_load %arg13[%get3A_2303, %get3A_2304, %get3A_2305, %get3A_2306] {strides = array<i32>} : memref<2x16x8x64xf32, #tpu.memory_space<vmem>>, vector<16xf32>,
      %get3A_2308 = arith.constant 8 : i32
      %get3A_2309 = arith.index_cast %rem3A_1308 : i32 to index
      %get3A_2310 = arith.index_cast %get3A_2308 : i32 to index
      %get3A_2311 = arith.index_cast %squeeze3A_2224 : i32 to index
      %get3A_2312 = arith.constant 48 : index
      %get3A_2313 = tpu.vector_load %arg14[%get3A_2309, %get3A_2310, %get3A_2311, %get3A_2312] {strides = array<i32>} : memref<2x16x8x64xf32, #tpu.memory_space<vmem>>, vector<16xf32>,
      %mul3A_2314 = arith.mulf %get3A_2307, %get3A_2313 : vector<16xf32>
      %get3A_2315 = arith.constant 8 : i32
      %get3A_2316 = arith.index_cast %rem3A_1308 : i32 to index
      %get3A_2317 = arith.index_cast %get3A_2315 : i32 to index
      %get3A_2318 = arith.index_cast %squeeze3A_2226 : i32 to index
      %get3A_2319 = arith.constant 48 : index
      %get3A_2320 = tpu.vector_load %arg15[%get3A_2316, %get3A_2317, %get3A_2318, %get3A_2319] {strides = array<i32>} : memref<2x16x8x64xf32, #tpu.memory_space<vmem>>, vector<16xf32>,
      %mul3A_2321 = arith.mulf %mul3A_2314, %get3A_2320 : vector<16xf32>
      %swap3A_2322 = arith.constant 8 : i32
      %swap3A_2323 = arith.index_cast %rem3A_1308 : i32 to index
      %swap3A_2324 = arith.index_cast %swap3A_2322 : i32 to index
      %swap3A_2325 = arith.constant 48 : index
      %swap3A_2326 = tpu.vector_load %arg16[%swap3A_2323, %swap3A_2324, %swap3A_2325] {strides = array<i32>} : memref<2x16x64xf32, #tpu.memory_space<vmem>>, vector<16xf32>,
      tpu.vector_store %arg16[%swap3A_2323, %swap3A_2324, %swap3A_2325], %mul3A_2321 {strides = array<i32>} : memref<2x16x64xf32, #tpu.memory_space<vmem>>, vector<16xf32>,
      %slice3A_2327 = vector.extract_strided_slice %get3A_1369 {offsets = [9], sizes = [1], strides = [1]} : vector<16xi32> to vector<1xi32>
      %squeeze3A_2328 = vector.extract %slice3A_2327[0] : i32 from vector<1xi32>
      %slice3A_2329 = vector.extract_strided_slice %get3A_1371 {offsets = [9], sizes = [1], strides = [1]} : vector<16xi32> to vector<1xi32>
      %squeeze3A_2330 = vector.extract %slice3A_2329[0] : i32 from vector<1xi32>
      %slice3A_2331 = vector.extract_strided_slice %get3A_1373 {offsets = [9], sizes = [1], strides = [1]} : vector<16xi32> to vector<1xi32>
      %squeeze3A_2332 = vector.extract %slice3A_2331[0] : i32 from vector<1xi32>
      %get3A_2333 = arith.constant 9 : i32
      %get3A_2334 = arith.index_cast %rem3A_1308 : i32 to index
      %get3A_2335 = arith.index_cast %get3A_2333 : i32 to index
      %get3A_2336 = arith.index_cast %squeeze3A_2328 : i32 to index
      %get3A_2337 = arith.constant 0 : index
      %get3A_2338 = tpu.vector_load %arg13[%get3A_2334, %get3A_2335, %get3A_2336, %get3A_2337] {strides = array<i32>} : memref<2x16x8x64xf32, #tpu.memory_space<vmem>>, vector<16xf32>,
      %get3A_2339 = arith.constant 9 : i32
      %get3A_2340 = arith.index_cast %rem3A_1308 : i32 to index
      %get3A_2341 = arith.index_cast %get3A_2339 : i32 to index
      %get3A_2342 = arith.index_cast %squeeze3A_2330 : i32 to index
      %get3A_2343 = arith.constant 0 : index
      %get3A_2344 = tpu.vector_load %arg14[%get3A_2340, %get3A_2341, %get3A_2342, %get3A_2343] {strides = array<i32>} : memref<2x16x8x64xf32, #tpu.memory_space<vmem>>, vector<16xf32>,
      %mul3A_2345 = arith.mulf %get3A_2338, %get3A_2344 : vector<16xf32>
      %get3A_2346 = arith.constant 9 : i32
      %get3A_2347 = arith.index_cast %rem3A_1308 : i32 to index
      %get3A_2348 = arith.index_cast %get3A_2346 : i32 to index
      %get3A_2349 = arith.index_cast %squeeze3A_2332 : i32 to index
      %get3A_2350 = arith.constant 0 : index
      %get3A_2351 = tpu.vector_load %arg15[%get3A_2347, %get3A_2348, %get3A_2349, %get3A_2350] {strides = array<i32>} : memref<2x16x8x64xf32, #tpu.memory_space<vmem>>, vector<16xf32>,
      %mul3A_2352 = arith.mulf %mul3A_2345, %get3A_2351 : vector<16xf32>
      %swap3A_2353 = arith.constant 9 : i32
      %swap3A_2354 = arith.index_cast %rem3A_1308 : i32 to index
      %swap3A_2355 = arith.index_cast %swap3A_2353 : i32 to index
      %swap3A_2356 = arith.constant 0 : index
      %swap3A_2357 = tpu.vector_load %arg16[%swap3A_2354, %swap3A_2355, %swap3A_2356] {strides = array<i32>} : memref<2x16x64xf32, #tpu.memory_space<vmem>>, vector<16xf32>,
      tpu.vector_store %arg16[%swap3A_2354, %swap3A_2355, %swap3A_2356], %mul3A_2352 {strides = array<i32>} : memref<2x16x64xf32, #tpu.memory_space<vmem>>, vector<16xf32>,
      %get3A_2358 = arith.constant 9 : i32
      %get3A_2359 = arith.index_cast %rem3A_1308 : i32 to index
      %get3A_2360 = arith.index_cast %get3A_2358 : i32 to index
      %get3A_2361 = arith.index_cast %squeeze3A_2328 : i32 to index
      %get3A_2362 = arith.constant 16 : index
      %get3A_2363 = tpu.vector_load %arg13[%get3A_2359, %get3A_2360, %get3A_2361, %get3A_2362] {strides = array<i32>} : memref<2x16x8x64xf32, #tpu.memory_space<vmem>>, vector<16xf32>,
      %get3A_2364 = arith.constant 9 : i32
      %get3A_2365 = arith.index_cast %rem3A_1308 : i32 to index
      %get3A_2366 = arith.index_cast %get3A_2364 : i32 to index
      %get3A_2367 = arith.index_cast %squeeze3A_2330 : i32 to index
      %get3A_2368 = arith.constant 16 : index
      %get3A_2369 = tpu.vector_load %arg14[%get3A_2365, %get3A_2366, %get3A_2367, %get3A_2368] {strides = array<i32>} : memref<2x16x8x64xf32, #tpu.memory_space<vmem>>, vector<16xf32>,
      %mul3A_2370 = arith.mulf %get3A_2363, %get3A_2369 : vector<16xf32>
      %get3A_2371 = arith.constant 9 : i32
      %get3A_2372 = arith.index_cast %rem3A_1308 : i32 to index
      %get3A_2373 = arith.index_cast %get3A_2371 : i32 to index
      %get3A_2374 = arith.index_cast %squeeze3A_2332 : i32 to index
      %get3A_2375 = arith.constant 16 : index
      %get3A_2376 = tpu.vector_load %arg15[%get3A_2372, %get3A_2373, %get3A_2374, %get3A_2375] {strides = array<i32>} : memref<2x16x8x64xf32, #tpu.memory_space<vmem>>, vector<16xf32>,
      %mul3A_2377 = arith.mulf %mul3A_2370, %get3A_2376 : vector<16xf32>
      %swap3A_2378 = arith.constant 9 : i32
      %swap3A_2379 = arith.index_cast %rem3A_1308 : i32 to index
      %swap3A_2380 = arith.index_cast %swap3A_2378 : i32 to index
      %swap3A_2381 = arith.constant 16 : index
      %swap3A_2382 = tpu.vector_load %arg16[%swap3A_2379, %swap3A_2380, %swap3A_2381] {strides = array<i32>} : memref<2x16x64xf32, #tpu.memory_space<vmem>>, vector<16xf32>,
      tpu.vector_store %arg16[%swap3A_2379, %swap3A_2380, %swap3A_2381], %mul3A_2377 {strides = array<i32>} : memref<2x16x64xf32, #tpu.memory_space<vmem>>, vector<16xf32>,
      %get3A_2383 = arith.constant 9 : i32
      %get3A_2384 = arith.index_cast %rem3A_1308 : i32 to index
      %get3A_2385 = arith.index_cast %get3A_2383 : i32 to index
      %get3A_2386 = arith.index_cast %squeeze3A_2328 : i32 to index
      %get3A_2387 = arith.constant 32 : index
      %get3A_2388 = tpu.vector_load %arg13[%get3A_2384, %get3A_2385, %get3A_2386, %get3A_2387] {strides = array<i32>} : memref<2x16x8x64xf32, #tpu.memory_space<vmem>>, vector<16xf32>,
      %get3A_2389 = arith.constant 9 : i32
      %get3A_2390 = arith.index_cast %rem3A_1308 : i32 to index
      %get3A_2391 = arith.index_cast %get3A_2389 : i32 to index
      %get3A_2392 = arith.index_cast %squeeze3A_2330 : i32 to index
      %get3A_2393 = arith.constant 32 : index
      %get3A_2394 = tpu.vector_load %arg14[%get3A_2390, %get3A_2391, %get3A_2392, %get3A_2393] {strides = array<i32>} : memref<2x16x8x64xf32, #tpu.memory_space<vmem>>, vector<16xf32>,
      %mul3A_2395 = arith.mulf %get3A_2388, %get3A_2394 : vector<16xf32>
      %get3A_2396 = arith.constant 9 : i32
      %get3A_2397 = arith.index_cast %rem3A_1308 : i32 to index
      %get3A_2398 = arith.index_cast %get3A_2396 : i32 to index
      %get3A_2399 = arith.index_cast %squeeze3A_2332 : i32 to index
      %get3A_2400 = arith.constant 32 : index
      %get3A_2401 = tpu.vector_load %arg15[%get3A_2397, %get3A_2398, %get3A_2399, %get3A_2400] {strides = array<i32>} : memref<2x16x8x64xf32, #tpu.memory_space<vmem>>, vector<16xf32>,
      %mul3A_2402 = arith.mulf %mul3A_2395, %get3A_2401 : vector<16xf32>
      %swap3A_2403 = arith.constant 9 : i32
      %swap3A_2404 = arith.index_cast %rem3A_1308 : i32 to index
      %swap3A_2405 = arith.index_cast %swap3A_2403 : i32 to index
      %swap3A_2406 = arith.constant 32 : index
      %swap3A_2407 = tpu.vector_load %arg16[%swap3A_2404, %swap3A_2405, %swap3A_2406] {strides = array<i32>} : memref<2x16x64xf32, #tpu.memory_space<vmem>>, vector<16xf32>,
      tpu.vector_store %arg16[%swap3A_2404, %swap3A_2405, %swap3A_2406], %mul3A_2402 {strides = array<i32>} : memref<2x16x64xf32, #tpu.memory_space<vmem>>, vector<16xf32>,
      %get3A_2408 = arith.constant 9 : i32
      %get3A_2409 = arith.index_cast %rem3A_1308 : i32 to index
      %get3A_2410 = arith.index_cast %get3A_2408 : i32 to index
      %get3A_2411 = arith.index_cast %squeeze3A_2328 : i32 to index
      %get3A_2412 = arith.constant 48 : index
      %get3A_2413 = tpu.vector_load %arg13[%get3A_2409, %get3A_2410, %get3A_2411, %get3A_2412] {strides = array<i32>} : memref<2x16x8x64xf32, #tpu.memory_space<vmem>>, vector<16xf32>,
      %get3A_2414 = arith.constant 9 : i32
      %get3A_2415 = arith.index_cast %rem3A_1308 : i32 to index
      %get3A_2416 = arith.index_cast %get3A_2414 : i32 to index
      %get3A_2417 = arith.index_cast %squeeze3A_2330 : i32 to index
      %get3A_2418 = arith.constant 48 : index
      %get3A_2419 = tpu.vector_load %arg14[%get3A_2415, %get3A_2416, %get3A_2417, %get3A_2418] {strides = array<i32>} : memref<2x16x8x64xf32, #tpu.memory_space<vmem>>, vector<16xf32>,
      %mul3A_2420 = arith.mulf %get3A_2413, %get3A_2419 : vector<16xf32>
      %get3A_2421 = arith.constant 9 : i32
      %get3A_2422 = arith.index_cast %rem3A_1308 : i32 to index
      %get3A_2423 = arith.index_cast %get3A_2421 : i32 to index
      %get3A_2424 = arith.index_cast %squeeze3A_2332 : i32 to index
      %get3A_2425 = arith.constant 48 : index
      %get3A_2426 = tpu.vector_load %arg15[%get3A_2422, %get3A_2423, %get3A_2424, %get3A_2425] {strides = array<i32>} : memref<2x16x8x64xf32, #tpu.memory_space<vmem>>, vector<16xf32>,
      %mul3A_2427 = arith.mulf %mul3A_2420, %get3A_2426 : vector<16xf32>
      %swap3A_2428 = arith.constant 9 : i32
      %swap3A_2429 = arith.index_cast %rem3A_1308 : i32 to index
      %swap3A_2430 = arith.index_cast %swap3A_2428 : i32 to index
      %swap3A_2431 = arith.constant 48 : index
      %swap3A_2432 = tpu.vector_load %arg16[%swap3A_2429, %swap3A_2430, %swap3A_2431] {strides = array<i32>} : memref<2x16x64xf32, #tpu.memory_space<vmem>>, vector<16xf32>,
      tpu.vector_store %arg16[%swap3A_2429, %swap3A_2430, %swap3A_2431], %mul3A_2427 {strides = array<i32>} : memref<2x16x64xf32, #tpu.memory_space<vmem>>, vector<16xf32>,
      %slice3A_2433 = vector.extract_strided_slice %get3A_1369 {offsets = [10], sizes = [1], strides = [1]} : vector<16xi32> to vector<1xi32>
      %squeeze3A_2434 = vector.extract %slice3A_2433[0] : i32 from vector<1xi32>
      %slice3A_2435 = vector.extract_strided_slice %get3A_1371 {offsets = [10], sizes = [1], strides = [1]} : vector<16xi32> to vector<1xi32>
      %squeeze3A_2436 = vector.extract %slice3A_2435[0] : i32 from vector<1xi32>
      %slice3A_2437 = vector.extract_strided_slice %get3A_1373 {offsets = [10], sizes = [1], strides = [1]} : vector<16xi32> to vector<1xi32>
      %squeeze3A_2438 = vector.extract %slice3A_2437[0] : i32 from vector<1xi32>
      %get3A_2439 = arith.constant 10 : i32
      %get3A_2440 = arith.index_cast %rem3A_1308 : i32 to index
      %get3A_2441 = arith.index_cast %get3A_2439 : i32 to index
      %get3A_2442 = arith.index_cast %squeeze3A_2434 : i32 to index
      %get3A_2443 = arith.constant 0 : index
      %get3A_2444 = tpu.vector_load %arg13[%get3A_2440, %get3A_2441, %get3A_2442, %get3A_2443] {strides = array<i32>} : memref<2x16x8x64xf32, #tpu.memory_space<vmem>>, vector<16xf32>,
      %get3A_2445 = arith.constant 10 : i32
      %get3A_2446 = arith.index_cast %rem3A_1308 : i32 to index
      %get3A_2447 = arith.index_cast %get3A_2445 : i32 to index
      %get3A_2448 = arith.index_cast %squeeze3A_2436 : i32 to index
      %get3A_2449 = arith.constant 0 : index
      %get3A_2450 = tpu.vector_load %arg14[%get3A_2446, %get3A_2447, %get3A_2448, %get3A_2449] {strides = array<i32>} : memref<2x16x8x64xf32, #tpu.memory_space<vmem>>, vector<16xf32>,
      %mul3A_2451 = arith.mulf %get3A_2444, %get3A_2450 : vector<16xf32>
      %get3A_2452 = arith.constant 10 : i32
      %get3A_2453 = arith.index_cast %rem3A_1308 : i32 to index
      %get3A_2454 = arith.index_cast %get3A_2452 : i32 to index
      %get3A_2455 = arith.index_cast %squeeze3A_2438 : i32 to index
      %get3A_2456 = arith.constant 0 : index
      %get3A_2457 = tpu.vector_load %arg15[%get3A_2453, %get3A_2454, %get3A_2455, %get3A_2456] {strides = array<i32>} : memref<2x16x8x64xf32, #tpu.memory_space<vmem>>, vector<16xf32>,
      %mul3A_2458 = arith.mulf %mul3A_2451, %get3A_2457 : vector<16xf32>
      %swap3A_2459 = arith.constant 10 : i32
      %swap3A_2460 = arith.index_cast %rem3A_1308 : i32 to index
      %swap3A_2461 = arith.index_cast %swap3A_2459 : i32 to index
      %swap3A_2462 = arith.constant 0 : index
      %swap3A_2463 = tpu.vector_load %arg16[%swap3A_2460, %swap3A_2461, %swap3A_2462] {strides = array<i32>} : memref<2x16x64xf32, #tpu.memory_space<vmem>>, vector<16xf32>,
      tpu.vector_store %arg16[%swap3A_2460, %swap3A_2461, %swap3A_2462], %mul3A_2458 {strides = array<i32>} : memref<2x16x64xf32, #tpu.memory_space<vmem>>, vector<16xf32>,
      %get3A_2464 = arith.constant 10 : i32
      %get3A_2465 = arith.index_cast %rem3A_1308 : i32 to index
      %get3A_2466 = arith.index_cast %get3A_2464 : i32 to index
      %get3A_2467 = arith.index_cast %squeeze3A_2434 : i32 to index
      %get3A_2468 = arith.constant 16 : index
      %get3A_2469 = tpu.vector_load %arg13[%get3A_2465, %get3A_2466, %get3A_2467, %get3A_2468] {strides = array<i32>} : memref<2x16x8x64xf32, #tpu.memory_space<vmem>>, vector<16xf32>,
      %get3A_2470 = arith.constant 10 : i32
      %get3A_2471 = arith.index_cast %rem3A_1308 : i32 to index
      %get3A_2472 = arith.index_cast %get3A_2470 : i32 to index
      %get3A_2473 = arith.index_cast %squeeze3A_2436 : i32 to index
      %get3A_2474 = arith.constant 16 : index
      %get3A_2475 = tpu.vector_load %arg14[%get3A_2471, %get3A_2472, %get3A_2473, %get3A_2474] {strides = array<i32>} : memref<2x16x8x64xf32, #tpu.memory_space<vmem>>, vector<16xf32>,
      %mul3A_2476 = arith.mulf %get3A_2469, %get3A_2475 : vector<16xf32>
      %get3A_2477 = arith.constant 10 : i32
      %get3A_2478 = arith.index_cast %rem3A_1308 : i32 to index
      %get3A_2479 = arith.index_cast %get3A_2477 : i32 to index
      %get3A_2480 = arith.index_cast %squeeze3A_2438 : i32 to index
      %get3A_2481 = arith.constant 16 : index
      %get3A_2482 = tpu.vector_load %arg15[%get3A_2478, %get3A_2479, %get3A_2480, %get3A_2481] {strides = array<i32>} : memref<2x16x8x64xf32, #tpu.memory_space<vmem>>, vector<16xf32>,
      %mul3A_2483 = arith.mulf %mul3A_2476, %get3A_2482 : vector<16xf32>
      %swap3A_2484 = arith.constant 10 : i32
      %swap3A_2485 = arith.index_cast %rem3A_1308 : i32 to index
      %swap3A_2486 = arith.index_cast %swap3A_2484 : i32 to index
      %swap3A_2487 = arith.constant 16 : index
      %swap3A_2488 = tpu.vector_load %arg16[%swap3A_2485, %swap3A_2486, %swap3A_2487] {strides = array<i32>} : memref<2x16x64xf32, #tpu.memory_space<vmem>>, vector<16xf32>,
      tpu.vector_store %arg16[%swap3A_2485, %swap3A_2486, %swap3A_2487], %mul3A_2483 {strides = array<i32>} : memref<2x16x64xf32, #tpu.memory_space<vmem>>, vector<16xf32>,
      %get3A_2489 = arith.constant 10 : i32
      %get3A_2490 = arith.index_cast %rem3A_1308 : i32 to index
      %get3A_2491 = arith.index_cast %get3A_2489 : i32 to index
      %get3A_2492 = arith.index_cast %squeeze3A_2434 : i32 to index
      %get3A_2493 = arith.constant 32 : index
      %get3A_2494 = tpu.vector_load %arg13[%get3A_2490, %get3A_2491, %get3A_2492, %get3A_2493] {strides = array<i32>} : memref<2x16x8x64xf32, #tpu.memory_space<vmem>>, vector<16xf32>,
      %get3A_2495 = arith.constant 10 : i32
      %get3A_2496 = arith.index_cast %rem3A_1308 : i32 to index
      %get3A_2497 = arith.index_cast %get3A_2495 : i32 to index
      %get3A_2498 = arith.index_cast %squeeze3A_2436 : i32 to index
      %get3A_2499 = arith.constant 32 : index
      %get3A_2500 = tpu.vector_load %arg14[%get3A_2496, %get3A_2497, %get3A_2498, %get3A_2499] {strides = array<i32>} : memref<2x16x8x64xf32, #tpu.memory_space<vmem>>, vector<16xf32>,
      %mul3A_2501 = arith.mulf %get3A_2494, %get3A_2500 : vector<16xf32>
      %get3A_2502 = arith.constant 10 : i32
      %get3A_2503 = arith.index_cast %rem3A_1308 : i32 to index
      %get3A_2504 = arith.index_cast %get3A_2502 : i32 to index
      %get3A_2505 = arith.index_cast %squeeze3A_2438 : i32 to index
      %get3A_2506 = arith.constant 32 : index
      %get3A_2507 = tpu.vector_load %arg15[%get3A_2503, %get3A_2504, %get3A_2505, %get3A_2506] {strides = array<i32>} : memref<2x16x8x64xf32, #tpu.memory_space<vmem>>, vector<16xf32>,
      %mul3A_2508 = arith.mulf %mul3A_2501, %get3A_2507 : vector<16xf32>
      %swap3A_2509 = arith.constant 10 : i32
      %swap3A_2510 = arith.index_cast %rem3A_1308 : i32 to index
      %swap3A_2511 = arith.index_cast %swap3A_2509 : i32 to index
      %swap3A_2512 = arith.constant 32 : index
      %swap3A_2513 = tpu.vector_load %arg16[%swap3A_2510, %swap3A_2511, %swap3A_2512] {strides = array<i32>} : memref<2x16x64xf32, #tpu.memory_space<vmem>>, vector<16xf32>,
      tpu.vector_store %arg16[%swap3A_2510, %swap3A_2511, %swap3A_2512], %mul3A_2508 {strides = array<i32>} : memref<2x16x64xf32, #tpu.memory_space<vmem>>, vector<16xf32>,
      %get3A_2514 = arith.constant 10 : i32
      %get3A_2515 = arith.index_cast %rem3A_1308 : i32 to index
      %get3A_2516 = arith.index_cast %get3A_2514 : i32 to index
      %get3A_2517 = arith.index_cast %squeeze3A_2434 : i32 to index
      %get3A_2518 = arith.constant 48 : index
      %get3A_2519 = tpu.vector_load %arg13[%get3A_2515, %get3A_2516, %get3A_2517, %get3A_2518] {strides = array<i32>} : memref<2x16x8x64xf32, #tpu.memory_space<vmem>>, vector<16xf32>,
      %get3A_2520 = arith.constant 10 : i32
      %get3A_2521 = arith.index_cast %rem3A_1308 : i32 to index
      %get3A_2522 = arith.index_cast %get3A_2520 : i32 to index
      %get3A_2523 = arith.index_cast %squeeze3A_2436 : i32 to index
      %get3A_2524 = arith.constant 48 : index
      %get3A_2525 = tpu.vector_load %arg14[%get3A_2521, %get3A_2522, %get3A_2523, %get3A_2524] {strides = array<i32>} : memref<2x16x8x64xf32, #tpu.memory_space<vmem>>, vector<16xf32>,
      %mul3A_2526 = arith.mulf %get3A_2519, %get3A_2525 : vector<16xf32>
      %get3A_2527 = arith.constant 10 : i32
      %get3A_2528 = arith.index_cast %rem3A_1308 : i32 to index
      %get3A_2529 = arith.index_cast %get3A_2527 : i32 to index
      %get3A_2530 = arith.index_cast %squeeze3A_2438 : i32 to index
      %get3A_2531 = arith.constant 48 : index
      %get3A_2532 = tpu.vector_load %arg15[%get3A_2528, %get3A_2529, %get3A_2530, %get3A_2531] {strides = array<i32>} : memref<2x16x8x64xf32, #tpu.memory_space<vmem>>, vector<16xf32>,
      %mul3A_2533 = arith.mulf %mul3A_2526, %get3A_2532 : vector<16xf32>
      %swap3A_2534 = arith.constant 10 : i32
      %swap3A_2535 = arith.index_cast %rem3A_1308 : i32 to index
      %swap3A_2536 = arith.index_cast %swap3A_2534 : i32 to index
      %swap3A_2537 = arith.constant 48 : index
      %swap3A_2538 = tpu.vector_load %arg16[%swap3A_2535, %swap3A_2536, %swap3A_2537] {strides = array<i32>} : memref<2x16x64xf32, #tpu.memory_space<vmem>>, vector<16xf32>,
      tpu.vector_store %arg16[%swap3A_2535, %swap3A_2536, %swap3A_2537], %mul3A_2533 {strides = array<i32>} : memref<2x16x64xf32, #tpu.memory_space<vmem>>, vector<16xf32>,
      %slice3A_2539 = vector.extract_strided_slice %get3A_1369 {offsets = [11], sizes = [1], strides = [1]} : vector<16xi32> to vector<1xi32>
      %squeeze3A_2540 = vector.extract %slice3A_2539[0] : i32 from vector<1xi32>
      %slice3A_2541 = vector.extract_strided_slice %get3A_1371 {offsets = [11], sizes = [1], strides = [1]} : vector<16xi32> to vector<1xi32>
      %squeeze3A_2542 = vector.extract %slice3A_2541[0] : i32 from vector<1xi32>
      %slice3A_2543 = vector.extract_strided_slice %get3A_1373 {offsets = [11], sizes = [1], strides = [1]} : vector<16xi32> to vector<1xi32>
      %squeeze3A_2544 = vector.extract %slice3A_2543[0] : i32 from vector<1xi32>
      %get3A_2545 = arith.constant 11 : i32
      %get3A_2546 = arith.index_cast %rem3A_1308 : i32 to index
      %get3A_2547 = arith.index_cast %get3A_2545 : i32 to index
      %get3A_2548 = arith.index_cast %squeeze3A_2540 : i32 to index
      %get3A_2549 = arith.constant 0 : index
      %get3A_2550 = tpu.vector_load %arg13[%get3A_2546, %get3A_2547, %get3A_2548, %get3A_2549] {strides = array<i32>} : memref<2x16x8x64xf32, #tpu.memory_space<vmem>>, vector<16xf32>,
      %get3A_2551 = arith.constant 11 : i32
      %get3A_2552 = arith.index_cast %rem3A_1308 : i32 to index
      %get3A_2553 = arith.index_cast %get3A_2551 : i32 to index
      %get3A_2554 = arith.index_cast %squeeze3A_2542 : i32 to index
      %get3A_2555 = arith.constant 0 : index
      %get3A_2556 = tpu.vector_load %arg14[%get3A_2552, %get3A_2553, %get3A_2554, %get3A_2555] {strides = array<i32>} : memref<2x16x8x64xf32, #tpu.memory_space<vmem>>, vector<16xf32>,
      %mul3A_2557 = arith.mulf %get3A_2550, %get3A_2556 : vector<16xf32>
      %get3A_2558 = arith.constant 11 : i32
      %get3A_2559 = arith.index_cast %rem3A_1308 : i32 to index
      %get3A_2560 = arith.index_cast %get3A_2558 : i32 to index
      %get3A_2561 = arith.index_cast %squeeze3A_2544 : i32 to index
      %get3A_2562 = arith.constant 0 : index
      %get3A_2563 = tpu.vector_load %arg15[%get3A_2559, %get3A_2560, %get3A_2561, %get3A_2562] {strides = array<i32>} : memref<2x16x8x64xf32, #tpu.memory_space<vmem>>, vector<16xf32>,
      %mul3A_2564 = arith.mulf %mul3A_2557, %get3A_2563 : vector<16xf32>
      %swap3A_2565 = arith.constant 11 : i32
      %swap3A_2566 = arith.index_cast %rem3A_1308 : i32 to index
      %swap3A_2567 = arith.index_cast %swap3A_2565 : i32 to index
      %swap3A_2568 = arith.constant 0 : index
      %swap3A_2569 = tpu.vector_load %arg16[%swap3A_2566, %swap3A_2567, %swap3A_2568] {strides = array<i32>} : memref<2x16x64xf32, #tpu.memory_space<vmem>>, vector<16xf32>,
      tpu.vector_store %arg16[%swap3A_2566, %swap3A_2567, %swap3A_2568], %mul3A_2564 {strides = array<i32>} : memref<2x16x64xf32, #tpu.memory_space<vmem>>, vector<16xf32>,
      %get3A_2570 = arith.constant 11 : i32
      %get3A_2571 = arith.index_cast %rem3A_1308 : i32 to index
      %get3A_2572 = arith.index_cast %get3A_2570 : i32 to index
      %get3A_2573 = arith.index_cast %squeeze3A_2540 : i32 to index
      %get3A_2574 = arith.constant 16 : index
      %get3A_2575 = tpu.vector_load %arg13[%get3A_2571, %get3A_2572, %get3A_2573, %get3A_2574] {strides = array<i32>} : memref<2x16x8x64xf32, #tpu.memory_space<vmem>>, vector<16xf32>,
      %get3A_2576 = arith.constant 11 : i32
      %get3A_2577 = arith.index_cast %rem3A_1308 : i32 to index
      %get3A_2578 = arith.index_cast %get3A_2576 : i32 to index
      %get3A_2579 = arith.index_cast %squeeze3A_2542 : i32 to index
      %get3A_2580 = arith.constant 16 : index
      %get3A_2581 = tpu.vector_load %arg14[%get3A_2577, %get3A_2578, %get3A_2579, %get3A_2580] {strides = array<i32>} : memref<2x16x8x64xf32, #tpu.memory_space<vmem>>, vector<16xf32>,
      %mul3A_2582 = arith.mulf %get3A_2575, %get3A_2581 : vector<16xf32>
      %get3A_2583 = arith.constant 11 : i32
      %get3A_2584 = arith.index_cast %rem3A_1308 : i32 to index
      %get3A_2585 = arith.index_cast %get3A_2583 : i32 to index
      %get3A_2586 = arith.index_cast %squeeze3A_2544 : i32 to index
      %get3A_2587 = arith.constant 16 : index
      %get3A_2588 = tpu.vector_load %arg15[%get3A_2584, %get3A_2585, %get3A_2586, %get3A_2587] {strides = array<i32>} : memref<2x16x8x64xf32, #tpu.memory_space<vmem>>, vector<16xf32>,
      %mul3A_2589 = arith.mulf %mul3A_2582, %get3A_2588 : vector<16xf32>
      %swap3A_2590 = arith.constant 11 : i32
      %swap3A_2591 = arith.index_cast %rem3A_1308 : i32 to index
      %swap3A_2592 = arith.index_cast %swap3A_2590 : i32 to index
      %swap3A_2593 = arith.constant 16 : index
      %swap3A_2594 = tpu.vector_load %arg16[%swap3A_2591, %swap3A_2592, %swap3A_2593] {strides = array<i32>} : memref<2x16x64xf32, #tpu.memory_space<vmem>>, vector<16xf32>,
      tpu.vector_store %arg16[%swap3A_2591, %swap3A_2592, %swap3A_2593], %mul3A_2589 {strides = array<i32>} : memref<2x16x64xf32, #tpu.memory_space<vmem>>, vector<16xf32>,
      %get3A_2595 = arith.constant 11 : i32
      %get3A_2596 = arith.index_cast %rem3A_1308 : i32 to index
      %get3A_2597 = arith.index_cast %get3A_2595 : i32 to index
      %get3A_2598 = arith.index_cast %squeeze3A_2540 : i32 to index
      %get3A_2599 = arith.constant 32 : index
      %get3A_2600 = tpu.vector_load %arg13[%get3A_2596, %get3A_2597, %get3A_2598, %get3A_2599] {strides = array<i32>} : memref<2x16x8x64xf32, #tpu.memory_space<vmem>>, vector<16xf32>,
      %get3A_2601 = arith.constant 11 : i32
      %get3A_2602 = arith.index_cast %rem3A_1308 : i32 to index
      %get3A_2603 = arith.index_cast %get3A_2601 : i32 to index
      %get3A_2604 = arith.index_cast %squeeze3A_2542 : i32 to index
      %get3A_2605 = arith.constant 32 : index
      %get3A_2606 = tpu.vector_load %arg14[%get3A_2602, %get3A_2603, %get3A_2604, %get3A_2605] {strides = array<i32>} : memref<2x16x8x64xf32, #tpu.memory_space<vmem>>, vector<16xf32>,
      %mul3A_2607 = arith.mulf %get3A_2600, %get3A_2606 : vector<16xf32>
      %get3A_2608 = arith.constant 11 : i32
      %get3A_2609 = arith.index_cast %rem3A_1308 : i32 to index
      %get3A_2610 = arith.index_cast %get3A_2608 : i32 to index
      %get3A_2611 = arith.index_cast %squeeze3A_2544 : i32 to index
      %get3A_2612 = arith.constant 32 : index
      %get3A_2613 = tpu.vector_load %arg15[%get3A_2609, %get3A_2610, %get3A_2611, %get3A_2612] {strides = array<i32>} : memref<2x16x8x64xf32, #tpu.memory_space<vmem>>, vector<16xf32>,
      %mul3A_2614 = arith.mulf %mul3A_2607, %get3A_2613 : vector<16xf32>
      %swap3A_2615 = arith.constant 11 : i32
      %swap3A_2616 = arith.index_cast %rem3A_1308 : i32 to index
      %swap3A_2617 = arith.index_cast %swap3A_2615 : i32 to index
      %swap3A_2618 = arith.constant 32 : index
      %swap3A_2619 = tpu.vector_load %arg16[%swap3A_2616, %swap3A_2617, %swap3A_2618] {strides = array<i32>} : memref<2x16x64xf32, #tpu.memory_space<vmem>>, vector<16xf32>,
      tpu.vector_store %arg16[%swap3A_2616, %swap3A_2617, %swap3A_2618], %mul3A_2614 {strides = array<i32>} : memref<2x16x64xf32, #tpu.memory_space<vmem>>, vector<16xf32>,
      %get3A_2620 = arith.constant 11 : i32
      %get3A_2621 = arith.index_cast %rem3A_1308 : i32 to index
      %get3A_2622 = arith.index_cast %get3A_2620 : i32 to index
      %get3A_2623 = arith.index_cast %squeeze3A_2540 : i32 to index
      %get3A_2624 = arith.constant 48 : index
      %get3A_2625 = tpu.vector_load %arg13[%get3A_2621, %get3A_2622, %get3A_2623, %get3A_2624] {strides = array<i32>} : memref<2x16x8x64xf32, #tpu.memory_space<vmem>>, vector<16xf32>,
      %get3A_2626 = arith.constant 11 : i32
      %get3A_2627 = arith.index_cast %rem3A_1308 : i32 to index
      %get3A_2628 = arith.index_cast %get3A_2626 : i32 to index
      %get3A_2629 = arith.index_cast %squeeze3A_2542 : i32 to index
      %get3A_2630 = arith.constant 48 : index
      %get3A_2631 = tpu.vector_load %arg14[%get3A_2627, %get3A_2628, %get3A_2629, %get3A_2630] {strides = array<i32>} : memref<2x16x8x64xf32, #tpu.memory_space<vmem>>, vector<16xf32>,
      %mul3A_2632 = arith.mulf %get3A_2625, %get3A_2631 : vector<16xf32>
      %get3A_2633 = arith.constant 11 : i32
      %get3A_2634 = arith.index_cast %rem3A_1308 : i32 to index
      %get3A_2635 = arith.index_cast %get3A_2633 : i32 to index
      %get3A_2636 = arith.index_cast %squeeze3A_2544 : i32 to index
      %get3A_2637 = arith.constant 48 : index
      %get3A_2638 = tpu.vector_load %arg15[%get3A_2634, %get3A_2635, %get3A_2636, %get3A_2637] {strides = array<i32>} : memref<2x16x8x64xf32, #tpu.memory_space<vmem>>, vector<16xf32>,
      %mul3A_2639 = arith.mulf %mul3A_2632, %get3A_2638 : vector<16xf32>
      %swap3A_2640 = arith.constant 11 : i32
      %swap3A_2641 = arith.index_cast %rem3A_1308 : i32 to index
      %swap3A_2642 = arith.index_cast %swap3A_2640 : i32 to index
      %swap3A_2643 = arith.constant 48 : index
      %swap3A_2644 = tpu.vector_load %arg16[%swap3A_2641, %swap3A_2642, %swap3A_2643] {strides = array<i32>} : memref<2x16x64xf32, #tpu.memory_space<vmem>>, vector<16xf32>,
      tpu.vector_store %arg16[%swap3A_2641, %swap3A_2642, %swap3A_2643], %mul3A_2639 {strides = array<i32>} : memref<2x16x64xf32, #tpu.memory_space<vmem>>, vector<16xf32>,
      %slice3A_2645 = vector.extract_strided_slice %get3A_1369 {offsets = [12], sizes = [1], strides = [1]} : vector<16xi32> to vector<1xi32>
      %squeeze3A_2646 = vector.extract %slice3A_2645[0] : i32 from vector<1xi32>
      %slice3A_2647 = vector.extract_strided_slice %get3A_1371 {offsets = [12], sizes = [1], strides = [1]} : vector<16xi32> to vector<1xi32>
      %squeeze3A_2648 = vector.extract %slice3A_2647[0] : i32 from vector<1xi32>
      %slice3A_2649 = vector.extract_strided_slice %get3A_1373 {offsets = [12], sizes = [1], strides = [1]} : vector<16xi32> to vector<1xi32>
      %squeeze3A_2650 = vector.extract %slice3A_2649[0] : i32 from vector<1xi32>
      %get3A_2651 = arith.constant 12 : i32
      %get3A_2652 = arith.index_cast %rem3A_1308 : i32 to index
      %get3A_2653 = arith.index_cast %get3A_2651 : i32 to index
      %get3A_2654 = arith.index_cast %squeeze3A_2646 : i32 to index
      %get3A_2655 = arith.constant 0 : index
      %get3A_2656 = tpu.vector_load %arg13[%get3A_2652, %get3A_2653, %get3A_2654, %get3A_2655] {strides = array<i32>} : memref<2x16x8x64xf32, #tpu.memory_space<vmem>>, vector<16xf32>,
      %get3A_2657 = arith.constant 12 : i32
      %get3A_2658 = arith.index_cast %rem3A_1308 : i32 to index
      %get3A_2659 = arith.index_cast %get3A_2657 : i32 to index
      %get3A_2660 = arith.index_cast %squeeze3A_2648 : i32 to index
      %get3A_2661 = arith.constant 0 : index
      %get3A_2662 = tpu.vector_load %arg14[%get3A_2658, %get3A_2659, %get3A_2660, %get3A_2661] {strides = array<i32>} : memref<2x16x8x64xf32, #tpu.memory_space<vmem>>, vector<16xf32>,
      %mul3A_2663 = arith.mulf %get3A_2656, %get3A_2662 : vector<16xf32>
      %get3A_2664 = arith.constant 12 : i32
      %get3A_2665 = arith.index_cast %rem3A_1308 : i32 to index
      %get3A_2666 = arith.index_cast %get3A_2664 : i32 to index
      %get3A_2667 = arith.index_cast %squeeze3A_2650 : i32 to index
      %get3A_2668 = arith.constant 0 : index
      %get3A_2669 = tpu.vector_load %arg15[%get3A_2665, %get3A_2666, %get3A_2667, %get3A_2668] {strides = array<i32>} : memref<2x16x8x64xf32, #tpu.memory_space<vmem>>, vector<16xf32>,
      %mul3A_2670 = arith.mulf %mul3A_2663, %get3A_2669 : vector<16xf32>
      %swap3A_2671 = arith.constant 12 : i32
      %swap3A_2672 = arith.index_cast %rem3A_1308 : i32 to index
      %swap3A_2673 = arith.index_cast %swap3A_2671 : i32 to index
      %swap3A_2674 = arith.constant 0 : index
      %swap3A_2675 = tpu.vector_load %arg16[%swap3A_2672, %swap3A_2673, %swap3A_2674] {strides = array<i32>} : memref<2x16x64xf32, #tpu.memory_space<vmem>>, vector<16xf32>,
      tpu.vector_store %arg16[%swap3A_2672, %swap3A_2673, %swap3A_2674], %mul3A_2670 {strides = array<i32>} : memref<2x16x64xf32, #tpu.memory_space<vmem>>, vector<16xf32>,
      %get3A_2676 = arith.constant 12 : i32
      %get3A_2677 = arith.index_cast %rem3A_1308 : i32 to index
      %get3A_2678 = arith.index_cast %get3A_2676 : i32 to index
      %get3A_2679 = arith.index_cast %squeeze3A_2646 : i32 to index
      %get3A_2680 = arith.constant 16 : index
      %get3A_2681 = tpu.vector_load %arg13[%get3A_2677, %get3A_2678, %get3A_2679, %get3A_2680] {strides = array<i32>} : memref<2x16x8x64xf32, #tpu.memory_space<vmem>>, vector<16xf32>,
      %get3A_2682 = arith.constant 12 : i32
      %get3A_2683 = arith.index_cast %rem3A_1308 : i32 to index
      %get3A_2684 = arith.index_cast %get3A_2682 : i32 to index
      %get3A_2685 = arith.index_cast %squeeze3A_2648 : i32 to index
      %get3A_2686 = arith.constant 16 : index
      %get3A_2687 = tpu.vector_load %arg14[%get3A_2683, %get3A_2684, %get3A_2685, %get3A_2686] {strides = array<i32>} : memref<2x16x8x64xf32, #tpu.memory_space<vmem>>, vector<16xf32>,
      %mul3A_2688 = arith.mulf %get3A_2681, %get3A_2687 : vector<16xf32>
      %get3A_2689 = arith.constant 12 : i32
      %get3A_2690 = arith.index_cast %rem3A_1308 : i32 to index
      %get3A_2691 = arith.index_cast %get3A_2689 : i32 to index
      %get3A_2692 = arith.index_cast %squeeze3A_2650 : i32 to index
      %get3A_2693 = arith.constant 16 : index
      %get3A_2694 = tpu.vector_load %arg15[%get3A_2690, %get3A_2691, %get3A_2692, %get3A_2693] {strides = array<i32>} : memref<2x16x8x64xf32, #tpu.memory_space<vmem>>, vector<16xf32>,
      %mul3A_2695 = arith.mulf %mul3A_2688, %get3A_2694 : vector<16xf32>
      %swap3A_2696 = arith.constant 12 : i32
      %swap3A_2697 = arith.index_cast %rem3A_1308 : i32 to index
      %swap3A_2698 = arith.index_cast %swap3A_2696 : i32 to index
      %swap3A_2699 = arith.constant 16 : index
      %swap3A_2700 = tpu.vector_load %arg16[%swap3A_2697, %swap3A_2698, %swap3A_2699] {strides = array<i32>} : memref<2x16x64xf32, #tpu.memory_space<vmem>>, vector<16xf32>,
      tpu.vector_store %arg16[%swap3A_2697, %swap3A_2698, %swap3A_2699], %mul3A_2695 {strides = array<i32>} : memref<2x16x64xf32, #tpu.memory_space<vmem>>, vector<16xf32>,
      %get3A_2701 = arith.constant 12 : i32
      %get3A_2702 = arith.index_cast %rem3A_1308 : i32 to index
      %get3A_2703 = arith.index_cast %get3A_2701 : i32 to index
      %get3A_2704 = arith.index_cast %squeeze3A_2646 : i32 to index
      %get3A_2705 = arith.constant 32 : index
      %get3A_2706 = tpu.vector_load %arg13[%get3A_2702, %get3A_2703, %get3A_2704, %get3A_2705] {strides = array<i32>} : memref<2x16x8x64xf32, #tpu.memory_space<vmem>>, vector<16xf32>,
      %get3A_2707 = arith.constant 12 : i32
      %get3A_2708 = arith.index_cast %rem3A_1308 : i32 to index
      %get3A_2709 = arith.index_cast %get3A_2707 : i32 to index
      %get3A_2710 = arith.index_cast %squeeze3A_2648 : i32 to index
      %get3A_2711 = arith.constant 32 : index
      %get3A_2712 = tpu.vector_load %arg14[%get3A_2708, %get3A_2709, %get3A_2710, %get3A_2711] {strides = array<i32>} : memref<2x16x8x64xf32, #tpu.memory_space<vmem>>, vector<16xf32>,
      %mul3A_2713 = arith.mulf %get3A_2706, %get3A_2712 : vector<16xf32>
      %get3A_2714 = arith.constant 12 : i32
      %get3A_2715 = arith.index_cast %rem3A_1308 : i32 to index
      %get3A_2716 = arith.index_cast %get3A_2714 : i32 to index
      %get3A_2717 = arith.index_cast %squeeze3A_2650 : i32 to index
      %get3A_2718 = arith.constant 32 : index
      %get3A_2719 = tpu.vector_load %arg15[%get3A_2715, %get3A_2716, %get3A_2717, %get3A_2718] {strides = array<i32>} : memref<2x16x8x64xf32, #tpu.memory_space<vmem>>, vector<16xf32>,
      %mul3A_2720 = arith.mulf %mul3A_2713, %get3A_2719 : vector<16xf32>
      %swap3A_2721 = arith.constant 12 : i32
      %swap3A_2722 = arith.index_cast %rem3A_1308 : i32 to index
      %swap3A_2723 = arith.index_cast %swap3A_2721 : i32 to index
      %swap3A_2724 = arith.constant 32 : index
      %swap3A_2725 = tpu.vector_load %arg16[%swap3A_2722, %swap3A_2723, %swap3A_2724] {strides = array<i32>} : memref<2x16x64xf32, #tpu.memory_space<vmem>>, vector<16xf32>,
      tpu.vector_store %arg16[%swap3A_2722, %swap3A_2723, %swap3A_2724], %mul3A_2720 {strides = array<i32>} : memref<2x16x64xf32, #tpu.memory_space<vmem>>, vector<16xf32>,
      %get3A_2726 = arith.constant 12 : i32
      %get3A_2727 = arith.index_cast %rem3A_1308 : i32 to index
      %get3A_2728 = arith.index_cast %get3A_2726 : i32 to index
      %get3A_2729 = arith.index_cast %squeeze3A_2646 : i32 to index
      %get3A_2730 = arith.constant 48 : index
      %get3A_2731 = tpu.vector_load %arg13[%get3A_2727, %get3A_2728, %get3A_2729, %get3A_2730] {strides = array<i32>} : memref<2x16x8x64xf32, #tpu.memory_space<vmem>>, vector<16xf32>,
      %get3A_2732 = arith.constant 12 : i32
      %get3A_2733 = arith.index_cast %rem3A_1308 : i32 to index
      %get3A_2734 = arith.index_cast %get3A_2732 : i32 to index
      %get3A_2735 = arith.index_cast %squeeze3A_2648 : i32 to index
      %get3A_2736 = arith.constant 48 : index
      %get3A_2737 = tpu.vector_load %arg14[%get3A_2733, %get3A_2734, %get3A_2735, %get3A_2736] {strides = array<i32>} : memref<2x16x8x64xf32, #tpu.memory_space<vmem>>, vector<16xf32>,
      %mul3A_2738 = arith.mulf %get3A_2731, %get3A_2737 : vector<16xf32>
      %get3A_2739 = arith.constant 12 : i32
      %get3A_2740 = arith.index_cast %rem3A_1308 : i32 to index
      %get3A_2741 = arith.index_cast %get3A_2739 : i32 to index
      %get3A_2742 = arith.index_cast %squeeze3A_2650 : i32 to index
      %get3A_2743 = arith.constant 48 : index
      %get3A_2744 = tpu.vector_load %arg15[%get3A_2740, %get3A_2741, %get3A_2742, %get3A_2743] {strides = array<i32>} : memref<2x16x8x64xf32, #tpu.memory_space<vmem>>, vector<16xf32>,
      %mul3A_2745 = arith.mulf %mul3A_2738, %get3A_2744 : vector<16xf32>
      %swap3A_2746 = arith.constant 12 : i32
      %swap3A_2747 = arith.index_cast %rem3A_1308 : i32 to index
      %swap3A_2748 = arith.index_cast %swap3A_2746 : i32 to index
      %swap3A_2749 = arith.constant 48 : index
      %swap3A_2750 = tpu.vector_load %arg16[%swap3A_2747, %swap3A_2748, %swap3A_2749] {strides = array<i32>} : memref<2x16x64xf32, #tpu.memory_space<vmem>>, vector<16xf32>,
      tpu.vector_store %arg16[%swap3A_2747, %swap3A_2748, %swap3A_2749], %mul3A_2745 {strides = array<i32>} : memref<2x16x64xf32, #tpu.memory_space<vmem>>, vector<16xf32>,
      %slice3A_2751 = vector.extract_strided_slice %get3A_1369 {offsets = [13], sizes = [1], strides = [1]} : vector<16xi32> to vector<1xi32>
      %squeeze3A_2752 = vector.extract %slice3A_2751[0] : i32 from vector<1xi32>
      %slice3A_2753 = vector.extract_strided_slice %get3A_1371 {offsets = [13], sizes = [1], strides = [1]} : vector<16xi32> to vector<1xi32>
      %squeeze3A_2754 = vector.extract %slice3A_2753[0] : i32 from vector<1xi32>
      %slice3A_2755 = vector.extract_strided_slice %get3A_1373 {offsets = [13], sizes = [1], strides = [1]} : vector<16xi32> to vector<1xi32>
      %squeeze3A_2756 = vector.extract %slice3A_2755[0] : i32 from vector<1xi32>
      %get3A_2757 = arith.constant 13 : i32
      %get3A_2758 = arith.index_cast %rem3A_1308 : i32 to index
      %get3A_2759 = arith.index_cast %get3A_2757 : i32 to index
      %get3A_2760 = arith.index_cast %squeeze3A_2752 : i32 to index
      %get3A_2761 = arith.constant 0 : index
      %get3A_2762 = tpu.vector_load %arg13[%get3A_2758, %get3A_2759, %get3A_2760, %get3A_2761] {strides = array<i32>} : memref<2x16x8x64xf32, #tpu.memory_space<vmem>>, vector<16xf32>,
      %get3A_2763 = arith.constant 13 : i32
      %get3A_2764 = arith.index_cast %rem3A_1308 : i32 to index
      %get3A_2765 = arith.index_cast %get3A_2763 : i32 to index
      %get3A_2766 = arith.index_cast %squeeze3A_2754 : i32 to index
      %get3A_2767 = arith.constant 0 : index
      %get3A_2768 = tpu.vector_load %arg14[%get3A_2764, %get3A_2765, %get3A_2766, %get3A_2767] {strides = array<i32>} : memref<2x16x8x64xf32, #tpu.memory_space<vmem>>, vector<16xf32>,
      %mul3A_2769 = arith.mulf %get3A_2762, %get3A_2768 : vector<16xf32>
      %get3A_2770 = arith.constant 13 : i32
      %get3A_2771 = arith.index_cast %rem3A_1308 : i32 to index
      %get3A_2772 = arith.index_cast %get3A_2770 : i32 to index
      %get3A_2773 = arith.index_cast %squeeze3A_2756 : i32 to index
      %get3A_2774 = arith.constant 0 : index
      %get3A_2775 = tpu.vector_load %arg15[%get3A_2771, %get3A_2772, %get3A_2773, %get3A_2774] {strides = array<i32>} : memref<2x16x8x64xf32, #tpu.memory_space<vmem>>, vector<16xf32>,
      %mul3A_2776 = arith.mulf %mul3A_2769, %get3A_2775 : vector<16xf32>
      %swap3A_2777 = arith.constant 13 : i32
      %swap3A_2778 = arith.index_cast %rem3A_1308 : i32 to index
      %swap3A_2779 = arith.index_cast %swap3A_2777 : i32 to index
      %swap3A_2780 = arith.constant 0 : index
      %swap3A_2781 = tpu.vector_load %arg16[%swap3A_2778, %swap3A_2779, %swap3A_2780] {strides = array<i32>} : memref<2x16x64xf32, #tpu.memory_space<vmem>>, vector<16xf32>,
      tpu.vector_store %arg16[%swap3A_2778, %swap3A_2779, %swap3A_2780], %mul3A_2776 {strides = array<i32>} : memref<2x16x64xf32, #tpu.memory_space<vmem>>, vector<16xf32>,
      %get3A_2782 = arith.constant 13 : i32
      %get3A_2783 = arith.index_cast %rem3A_1308 : i32 to index
      %get3A_2784 = arith.index_cast %get3A_2782 : i32 to index
      %get3A_2785 = arith.index_cast %squeeze3A_2752 : i32 to index
      %get3A_2786 = arith.constant 16 : index
      %get3A_2787 = tpu.vector_load %arg13[%get3A_2783, %get3A_2784, %get3A_2785, %get3A_2786] {strides = array<i32>} : memref<2x16x8x64xf32, #tpu.memory_space<vmem>>, vector<16xf32>,
      %get3A_2788 = arith.constant 13 : i32
      %get3A_2789 = arith.index_cast %rem3A_1308 : i32 to index
      %get3A_2790 = arith.index_cast %get3A_2788 : i32 to index
      %get3A_2791 = arith.index_cast %squeeze3A_2754 : i32 to index
      %get3A_2792 = arith.constant 16 : index
      %get3A_2793 = tpu.vector_load %arg14[%get3A_2789, %get3A_2790, %get3A_2791, %get3A_2792] {strides = array<i32>} : memref<2x16x8x64xf32, #tpu.memory_space<vmem>>, vector<16xf32>,
      %mul3A_2794 = arith.mulf %get3A_2787, %get3A_2793 : vector<16xf32>
      %get3A_2795 = arith.constant 13 : i32
      %get3A_2796 = arith.index_cast %rem3A_1308 : i32 to index
      %get3A_2797 = arith.index_cast %get3A_2795 : i32 to index
      %get3A_2798 = arith.index_cast %squeeze3A_2756 : i32 to index
      %get3A_2799 = arith.constant 16 : index
      %get3A_2800 = tpu.vector_load %arg15[%get3A_2796, %get3A_2797, %get3A_2798, %get3A_2799] {strides = array<i32>} : memref<2x16x8x64xf32, #tpu.memory_space<vmem>>, vector<16xf32>,
      %mul3A_2801 = arith.mulf %mul3A_2794, %get3A_2800 : vector<16xf32>
      %swap3A_2802 = arith.constant 13 : i32
      %swap3A_2803 = arith.index_cast %rem3A_1308 : i32 to index
      %swap3A_2804 = arith.index_cast %swap3A_2802 : i32 to index
      %swap3A_2805 = arith.constant 16 : index
      %swap3A_2806 = tpu.vector_load %arg16[%swap3A_2803, %swap3A_2804, %swap3A_2805] {strides = array<i32>} : memref<2x16x64xf32, #tpu.memory_space<vmem>>, vector<16xf32>,
      tpu.vector_store %arg16[%swap3A_2803, %swap3A_2804, %swap3A_2805], %mul3A_2801 {strides = array<i32>} : memref<2x16x64xf32, #tpu.memory_space<vmem>>, vector<16xf32>,
      %get3A_2807 = arith.constant 13 : i32
      %get3A_2808 = arith.index_cast %rem3A_1308 : i32 to index
      %get3A_2809 = arith.index_cast %get3A_2807 : i32 to index
      %get3A_2810 = arith.index_cast %squeeze3A_2752 : i32 to index
      %get3A_2811 = arith.constant 32 : index
      %get3A_2812 = tpu.vector_load %arg13[%get3A_2808, %get3A_2809, %get3A_2810, %get3A_2811] {strides = array<i32>} : memref<2x16x8x64xf32, #tpu.memory_space<vmem>>, vector<16xf32>,
      %get3A_2813 = arith.constant 13 : i32
      %get3A_2814 = arith.index_cast %rem3A_1308 : i32 to index
      %get3A_2815 = arith.index_cast %get3A_2813 : i32 to index
      %get3A_2816 = arith.index_cast %squeeze3A_2754 : i32 to index
      %get3A_2817 = arith.constant 32 : index
      %get3A_2818 = tpu.vector_load %arg14[%get3A_2814, %get3A_2815, %get3A_2816, %get3A_2817] {strides = array<i32>} : memref<2x16x8x64xf32, #tpu.memory_space<vmem>>, vector<16xf32>,
      %mul3A_2819 = arith.mulf %get3A_2812, %get3A_2818 : vector<16xf32>
      %get3A_2820 = arith.constant 13 : i32
      %get3A_2821 = arith.index_cast %rem3A_1308 : i32 to index
      %get3A_2822 = arith.index_cast %get3A_2820 : i32 to index
      %get3A_2823 = arith.index_cast %squeeze3A_2756 : i32 to index
      %get3A_2824 = arith.constant 32 : index
      %get3A_2825 = tpu.vector_load %arg15[%get3A_2821, %get3A_2822, %get3A_2823, %get3A_2824] {strides = array<i32>} : memref<2x16x8x64xf32, #tpu.memory_space<vmem>>, vector<16xf32>,
      %mul3A_2826 = arith.mulf %mul3A_2819, %get3A_2825 : vector<16xf32>
      %swap3A_2827 = arith.constant 13 : i32
      %swap3A_2828 = arith.index_cast %rem3A_1308 : i32 to index
      %swap3A_2829 = arith.index_cast %swap3A_2827 : i32 to index
      %swap3A_2830 = arith.constant 32 : index
      %swap3A_2831 = tpu.vector_load %arg16[%swap3A_2828, %swap3A_2829, %swap3A_2830] {strides = array<i32>} : memref<2x16x64xf32, #tpu.memory_space<vmem>>, vector<16xf32>,
      tpu.vector_store %arg16[%swap3A_2828, %swap3A_2829, %swap3A_2830], %mul3A_2826 {strides = array<i32>} : memref<2x16x64xf32, #tpu.memory_space<vmem>>, vector<16xf32>,
      %get3A_2832 = arith.constant 13 : i32
      %get3A_2833 = arith.index_cast %rem3A_1308 : i32 to index
      %get3A_2834 = arith.index_cast %get3A_2832 : i32 to index
      %get3A_2835 = arith.index_cast %squeeze3A_2752 : i32 to index
      %get3A_2836 = arith.constant 48 : index
      %get3A_2837 = tpu.vector_load %arg13[%get3A_2833, %get3A_2834, %get3A_2835, %get3A_2836] {strides = array<i32>} : memref<2x16x8x64xf32, #tpu.memory_space<vmem>>, vector<16xf32>,
      %get3A_2838 = arith.constant 13 : i32
      %get3A_2839 = arith.index_cast %rem3A_1308 : i32 to index
      %get3A_2840 = arith.index_cast %get3A_2838 : i32 to index
      %get3A_2841 = arith.index_cast %squeeze3A_2754 : i32 to index
      %get3A_2842 = arith.constant 48 : index
      %get3A_2843 = tpu.vector_load %arg14[%get3A_2839, %get3A_2840, %get3A_2841, %get3A_2842] {strides = array<i32>} : memref<2x16x8x64xf32, #tpu.memory_space<vmem>>, vector<16xf32>,
      %mul3A_2844 = arith.mulf %get3A_2837, %get3A_2843 : vector<16xf32>
      %get3A_2845 = arith.constant 13 : i32
      %get3A_2846 = arith.index_cast %rem3A_1308 : i32 to index
      %get3A_2847 = arith.index_cast %get3A_2845 : i32 to index
      %get3A_2848 = arith.index_cast %squeeze3A_2756 : i32 to index
      %get3A_2849 = arith.constant 48 : index
      %get3A_2850 = tpu.vector_load %arg15[%get3A_2846, %get3A_2847, %get3A_2848, %get3A_2849] {strides = array<i32>} : memref<2x16x8x64xf32, #tpu.memory_space<vmem>>, vector<16xf32>,
      %mul3A_2851 = arith.mulf %mul3A_2844, %get3A_2850 : vector<16xf32>
      %swap3A_2852 = arith.constant 13 : i32
      %swap3A_2853 = arith.index_cast %rem3A_1308 : i32 to index
      %swap3A_2854 = arith.index_cast %swap3A_2852 : i32 to index
      %swap3A_2855 = arith.constant 48 : index
      %swap3A_2856 = tpu.vector_load %arg16[%swap3A_2853, %swap3A_2854, %swap3A_2855] {strides = array<i32>} : memref<2x16x64xf32, #tpu.memory_space<vmem>>, vector<16xf32>,
      tpu.vector_store %arg16[%swap3A_2853, %swap3A_2854, %swap3A_2855], %mul3A_2851 {strides = array<i32>} : memref<2x16x64xf32, #tpu.memory_space<vmem>>, vector<16xf32>,
      %slice3A_2857 = vector.extract_strided_slice %get3A_1369 {offsets = [14], sizes = [1], strides = [1]} : vector<16xi32> to vector<1xi32>
      %squeeze3A_2858 = vector.extract %slice3A_2857[0] : i32 from vector<1xi32>
      %slice3A_2859 = vector.extract_strided_slice %get3A_1371 {offsets = [14], sizes = [1], strides = [1]} : vector<16xi32> to vector<1xi32>
      %squeeze3A_2860 = vector.extract %slice3A_2859[0] : i32 from vector<1xi32>
      %slice3A_2861 = vector.extract_strided_slice %get3A_1373 {offsets = [14], sizes = [1], strides = [1]} : vector<16xi32> to vector<1xi32>
      %squeeze3A_2862 = vector.extract %slice3A_2861[0] : i32 from vector<1xi32>
      %get3A_2863 = arith.constant 14 : i32
      %get3A_2864 = arith.index_cast %rem3A_1308 : i32 to index
      %get3A_2865 = arith.index_cast %get3A_2863 : i32 to index
      %get3A_2866 = arith.index_cast %squeeze3A_2858 : i32 to index
      %get3A_2867 = arith.constant 0 : index
      %get3A_2868 = tpu.vector_load %arg13[%get3A_2864, %get3A_2865, %get3A_2866, %get3A_2867] {strides = array<i32>} : memref<2x16x8x64xf32, #tpu.memory_space<vmem>>, vector<16xf32>,
      %get3A_2869 = arith.constant 14 : i32
      %get3A_2870 = arith.index_cast %rem3A_1308 : i32 to index
      %get3A_2871 = arith.index_cast %get3A_2869 : i32 to index
      %get3A_2872 = arith.index_cast %squeeze3A_2860 : i32 to index
      %get3A_2873 = arith.constant 0 : index
      %get3A_2874 = tpu.vector_load %arg14[%get3A_2870, %get3A_2871, %get3A_2872, %get3A_2873] {strides = array<i32>} : memref<2x16x8x64xf32, #tpu.memory_space<vmem>>, vector<16xf32>,
      %mul3A_2875 = arith.mulf %get3A_2868, %get3A_2874 : vector<16xf32>
      %get3A_2876 = arith.constant 14 : i32
      %get3A_2877 = arith.index_cast %rem3A_1308 : i32 to index
      %get3A_2878 = arith.index_cast %get3A_2876 : i32 to index
      %get3A_2879 = arith.index_cast %squeeze3A_2862 : i32 to index
      %get3A_2880 = arith.constant 0 : index
      %get3A_2881 = tpu.vector_load %arg15[%get3A_2877, %get3A_2878, %get3A_2879, %get3A_2880] {strides = array<i32>} : memref<2x16x8x64xf32, #tpu.memory_space<vmem>>, vector<16xf32>,
      %mul3A_2882 = arith.mulf %mul3A_2875, %get3A_2881 : vector<16xf32>
      %swap3A_2883 = arith.constant 14 : i32
      %swap3A_2884 = arith.index_cast %rem3A_1308 : i32 to index
      %swap3A_2885 = arith.index_cast %swap3A_2883 : i32 to index
      %swap3A_2886 = arith.constant 0 : index
      %swap3A_2887 = tpu.vector_load %arg16[%swap3A_2884, %swap3A_2885, %swap3A_2886] {strides = array<i32>} : memref<2x16x64xf32, #tpu.memory_space<vmem>>, vector<16xf32>,
      tpu.vector_store %arg16[%swap3A_2884, %swap3A_2885, %swap3A_2886], %mul3A_2882 {strides = array<i32>} : memref<2x16x64xf32, #tpu.memory_space<vmem>>, vector<16xf32>,
      %get3A_2888 = arith.constant 14 : i32
      %get3A_2889 = arith.index_cast %rem3A_1308 : i32 to index
      %get3A_2890 = arith.index_cast %get3A_2888 : i32 to index
      %get3A_2891 = arith.index_cast %squeeze3A_2858 : i32 to index
      %get3A_2892 = arith.constant 16 : index
      %get3A_2893 = tpu.vector_load %arg13[%get3A_2889, %get3A_2890, %get3A_2891, %get3A_2892] {strides = array<i32>} : memref<2x16x8x64xf32, #tpu.memory_space<vmem>>, vector<16xf32>,
      %get3A_2894 = arith.constant 14 : i32
      %get3A_2895 = arith.index_cast %rem3A_1308 : i32 to index
      %get3A_2896 = arith.index_cast %get3A_2894 : i32 to index
      %get3A_2897 = arith.index_cast %squeeze3A_2860 : i32 to index
      %get3A_2898 = arith.constant 16 : index
      %get3A_2899 = tpu.vector_load %arg14[%get3A_2895, %get3A_2896, %get3A_2897, %get3A_2898] {strides = array<i32>} : memref<2x16x8x64xf32, #tpu.memory_space<vmem>>, vector<16xf32>,
      %mul3A_2900 = arith.mulf %get3A_2893, %get3A_2899 : vector<16xf32>
      %get3A_2901 = arith.constant 14 : i32
      %get3A_2902 = arith.index_cast %rem3A_1308 : i32 to index
      %get3A_2903 = arith.index_cast %get3A_2901 : i32 to index
      %get3A_2904 = arith.index_cast %squeeze3A_2862 : i32 to index
      %get3A_2905 = arith.constant 16 : index
      %get3A_2906 = tpu.vector_load %arg15[%get3A_2902, %get3A_2903, %get3A_2904, %get3A_2905] {strides = array<i32>} : memref<2x16x8x64xf32, #tpu.memory_space<vmem>>, vector<16xf32>,
      %mul3A_2907 = arith.mulf %mul3A_2900, %get3A_2906 : vector<16xf32>
      %swap3A_2908 = arith.constant 14 : i32
      %swap3A_2909 = arith.index_cast %rem3A_1308 : i32 to index
      %swap3A_2910 = arith.index_cast %swap3A_2908 : i32 to index
      %swap3A_2911 = arith.constant 16 : index
      %swap3A_2912 = tpu.vector_load %arg16[%swap3A_2909, %swap3A_2910, %swap3A_2911] {strides = array<i32>} : memref<2x16x64xf32, #tpu.memory_space<vmem>>, vector<16xf32>,
      tpu.vector_store %arg16[%swap3A_2909, %swap3A_2910, %swap3A_2911], %mul3A_2907 {strides = array<i32>} : memref<2x16x64xf32, #tpu.memory_space<vmem>>, vector<16xf32>,
      %get3A_2913 = arith.constant 14 : i32
      %get3A_2914 = arith.index_cast %rem3A_1308 : i32 to index
      %get3A_2915 = arith.index_cast %get3A_2913 : i32 to index
      %get3A_2916 = arith.index_cast %squeeze3A_2858 : i32 to index
      %get3A_2917 = arith.constant 32 : index
      %get3A_2918 = tpu.vector_load %arg13[%get3A_2914, %get3A_2915, %get3A_2916, %get3A_2917] {strides = array<i32>} : memref<2x16x8x64xf32, #tpu.memory_space<vmem>>, vector<16xf32>,
      %get3A_2919 = arith.constant 14 : i32
      %get3A_2920 = arith.index_cast %rem3A_1308 : i32 to index
      %get3A_2921 = arith.index_cast %get3A_2919 : i32 to index
      %get3A_2922 = arith.index_cast %squeeze3A_2860 : i32 to index
      %get3A_2923 = arith.constant 32 : index
      %get3A_2924 = tpu.vector_load %arg14[%get3A_2920, %get3A_2921, %get3A_2922, %get3A_2923] {strides = array<i32>} : memref<2x16x8x64xf32, #tpu.memory_space<vmem>>, vector<16xf32>,
      %mul3A_2925 = arith.mulf %get3A_2918, %get3A_2924 : vector<16xf32>
      %get3A_2926 = arith.constant 14 : i32
      %get3A_2927 = arith.index_cast %rem3A_1308 : i32 to index
      %get3A_2928 = arith.index_cast %get3A_2926 : i32 to index
      %get3A_2929 = arith.index_cast %squeeze3A_2862 : i32 to index
      %get3A_2930 = arith.constant 32 : index
      %get3A_2931 = tpu.vector_load %arg15[%get3A_2927, %get3A_2928, %get3A_2929, %get3A_2930] {strides = array<i32>} : memref<2x16x8x64xf32, #tpu.memory_space<vmem>>, vector<16xf32>,
      %mul3A_2932 = arith.mulf %mul3A_2925, %get3A_2931 : vector<16xf32>
      %swap3A_2933 = arith.constant 14 : i32
      %swap3A_2934 = arith.index_cast %rem3A_1308 : i32 to index
      %swap3A_2935 = arith.index_cast %swap3A_2933 : i32 to index
      %swap3A_2936 = arith.constant 32 : index
      %swap3A_2937 = tpu.vector_load %arg16[%swap3A_2934, %swap3A_2935, %swap3A_2936] {strides = array<i32>} : memref<2x16x64xf32, #tpu.memory_space<vmem>>, vector<16xf32>,
      tpu.vector_store %arg16[%swap3A_2934, %swap3A_2935, %swap3A_2936], %mul3A_2932 {strides = array<i32>} : memref<2x16x64xf32, #tpu.memory_space<vmem>>, vector<16xf32>,
      %get3A_2938 = arith.constant 14 : i32
      %get3A_2939 = arith.index_cast %rem3A_1308 : i32 to index
      %get3A_2940 = arith.index_cast %get3A_2938 : i32 to index
      %get3A_2941 = arith.index_cast %squeeze3A_2858 : i32 to index
      %get3A_2942 = arith.constant 48 : index
      %get3A_2943 = tpu.vector_load %arg13[%get3A_2939, %get3A_2940, %get3A_2941, %get3A_2942] {strides = array<i32>} : memref<2x16x8x64xf32, #tpu.memory_space<vmem>>, vector<16xf32>,
      %get3A_2944 = arith.constant 14 : i32
      %get3A_2945 = arith.index_cast %rem3A_1308 : i32 to index
      %get3A_2946 = arith.index_cast %get3A_2944 : i32 to index
      %get3A_2947 = arith.index_cast %squeeze3A_2860 : i32 to index
      %get3A_2948 = arith.constant 48 : index
      %get3A_2949 = tpu.vector_load %arg14[%get3A_2945, %get3A_2946, %get3A_2947, %get3A_2948] {strides = array<i32>} : memref<2x16x8x64xf32, #tpu.memory_space<vmem>>, vector<16xf32>,
      %mul3A_2950 = arith.mulf %get3A_2943, %get3A_2949 : vector<16xf32>
      %get3A_2951 = arith.constant 14 : i32
      %get3A_2952 = arith.index_cast %rem3A_1308 : i32 to index
      %get3A_2953 = arith.index_cast %get3A_2951 : i32 to index
      %get3A_2954 = arith.index_cast %squeeze3A_2862 : i32 to index
      %get3A_2955 = arith.constant 48 : index
      %get3A_2956 = tpu.vector_load %arg15[%get3A_2952, %get3A_2953, %get3A_2954, %get3A_2955] {strides = array<i32>} : memref<2x16x8x64xf32, #tpu.memory_space<vmem>>, vector<16xf32>,
      %mul3A_2957 = arith.mulf %mul3A_2950, %get3A_2956 : vector<16xf32>
      %swap3A_2958 = arith.constant 14 : i32
      %swap3A_2959 = arith.index_cast %rem3A_1308 : i32 to index
      %swap3A_2960 = arith.index_cast %swap3A_2958 : i32 to index
      %swap3A_2961 = arith.constant 48 : index
      %swap3A_2962 = tpu.vector_load %arg16[%swap3A_2959, %swap3A_2960, %swap3A_2961] {strides = array<i32>} : memref<2x16x64xf32, #tpu.memory_space<vmem>>, vector<16xf32>,
      tpu.vector_store %arg16[%swap3A_2959, %swap3A_2960, %swap3A_2961], %mul3A_2957 {strides = array<i32>} : memref<2x16x64xf32, #tpu.memory_space<vmem>>, vector<16xf32>,
      %slice3A_2963 = vector.extract_strided_slice %get3A_1369 {offsets = [15], sizes = [1], strides = [1]} : vector<16xi32> to vector<1xi32>
      %squeeze3A_2964 = vector.extract %slice3A_2963[0] : i32 from vector<1xi32>
      %slice3A_2965 = vector.extract_strided_slice %get3A_1371 {offsets = [15], sizes = [1], strides = [1]} : vector<16xi32> to vector<1xi32>
      %squeeze3A_2966 = vector.extract %slice3A_2965[0] : i32 from vector<1xi32>
      %slice3A_2967 = vector.extract_strided_slice %get3A_1373 {offsets = [15], sizes = [1], strides = [1]} : vector<16xi32> to vector<1xi32>
      %squeeze3A_2968 = vector.extract %slice3A_2967[0] : i32 from vector<1xi32>
      %get3A_2969 = arith.constant 15 : i32
      %get3A_2970 = arith.index_cast %rem3A_1308 : i32 to index
      %get3A_2971 = arith.index_cast %get3A_2969 : i32 to index
      %get3A_2972 = arith.index_cast %squeeze3A_2964 : i32 to index
      %get3A_2973 = arith.constant 0 : index
      %get3A_2974 = tpu.vector_load %arg13[%get3A_2970, %get3A_2971, %get3A_2972, %get3A_2973] {strides = array<i32>} : memref<2x16x8x64xf32, #tpu.memory_space<vmem>>, vector<16xf32>,
      %get3A_2975 = arith.constant 15 : i32
      %get3A_2976 = arith.index_cast %rem3A_1308 : i32 to index
      %get3A_2977 = arith.index_cast %get3A_2975 : i32 to index
      %get3A_2978 = arith.index_cast %squeeze3A_2966 : i32 to index
      %get3A_2979 = arith.constant 0 : index
      %get3A_2980 = tpu.vector_load %arg14[%get3A_2976, %get3A_2977, %get3A_2978, %get3A_2979] {strides = array<i32>} : memref<2x16x8x64xf32, #tpu.memory_space<vmem>>, vector<16xf32>,
      %mul3A_2981 = arith.mulf %get3A_2974, %get3A_2980 : vector<16xf32>
      %get3A_2982 = arith.constant 15 : i32
      %get3A_2983 = arith.index_cast %rem3A_1308 : i32 to index
      %get3A_2984 = arith.index_cast %get3A_2982 : i32 to index
      %get3A_2985 = arith.index_cast %squeeze3A_2968 : i32 to index
      %get3A_2986 = arith.constant 0 : index
      %get3A_2987 = tpu.vector_load %arg15[%get3A_2983, %get3A_2984, %get3A_2985, %get3A_2986] {strides = array<i32>} : memref<2x16x8x64xf32, #tpu.memory_space<vmem>>, vector<16xf32>,
      %mul3A_2988 = arith.mulf %mul3A_2981, %get3A_2987 : vector<16xf32>
      %swap3A_2989 = arith.constant 15 : i32
      %swap3A_2990 = arith.index_cast %rem3A_1308 : i32 to index
      %swap3A_2991 = arith.index_cast %swap3A_2989 : i32 to index
      %swap3A_2992 = arith.constant 0 : index
      %swap3A_2993 = tpu.vector_load %arg16[%swap3A_2990, %swap3A_2991, %swap3A_2992] {strides = array<i32>} : memref<2x16x64xf32, #tpu.memory_space<vmem>>, vector<16xf32>,
      tpu.vector_store %arg16[%swap3A_2990, %swap3A_2991, %swap3A_2992], %mul3A_2988 {strides = array<i32>} : memref<2x16x64xf32, #tpu.memory_space<vmem>>, vector<16xf32>,
      %get3A_2994 = arith.constant 15 : i32
      %get3A_2995 = arith.index_cast %rem3A_1308 : i32 to index
      %get3A_2996 = arith.index_cast %get3A_2994 : i32 to index
      %get3A_2997 = arith.index_cast %squeeze3A_2964 : i32 to index
      %get3A_2998 = arith.constant 16 : index
      %get3A_2999 = tpu.vector_load %arg13[%get3A_2995, %get3A_2996, %get3A_2997, %get3A_2998] {strides = array<i32>} : memref<2x16x8x64xf32, #tpu.memory_space<vmem>>, vector<16xf32>,
      %get3A_3000 = arith.constant 15 : i32
      %get3A_3001 = arith.index_cast %rem3A_1308 : i32 to index
      %get3A_3002 = arith.index_cast %get3A_3000 : i32 to index
      %get3A_3003 = arith.index_cast %squeeze3A_2966 : i32 to index
      %get3A_3004 = arith.constant 16 : index
      %get3A_3005 = tpu.vector_load %arg14[%get3A_3001, %get3A_3002, %get3A_3003, %get3A_3004] {strides = array<i32>} : memref<2x16x8x64xf32, #tpu.memory_space<vmem>>, vector<16xf32>,
      %mul3A_3006 = arith.mulf %get3A_2999, %get3A_3005 : vector<16xf32>
      %get3A_3007 = arith.constant 15 : i32
      %get3A_3008 = arith.index_cast %rem3A_1308 : i32 to index
      %get3A_3009 = arith.index_cast %get3A_3007 : i32 to index
      %get3A_3010 = arith.index_cast %squeeze3A_2968 : i32 to index
      %get3A_3011 = arith.constant 16 : index
      %get3A_3012 = tpu.vector_load %arg15[%get3A_3008, %get3A_3009, %get3A_3010, %get3A_3011] {strides = array<i32>} : memref<2x16x8x64xf32, #tpu.memory_space<vmem>>, vector<16xf32>,
      %mul3A_3013 = arith.mulf %mul3A_3006, %get3A_3012 : vector<16xf32>
      %swap3A_3014 = arith.constant 15 : i32
      %swap3A_3015 = arith.index_cast %rem3A_1308 : i32 to index
      %swap3A_3016 = arith.index_cast %swap3A_3014 : i32 to index
      %swap3A_3017 = arith.constant 16 : index
      %swap3A_3018 = tpu.vector_load %arg16[%swap3A_3015, %swap3A_3016, %swap3A_3017] {strides = array<i32>} : memref<2x16x64xf32, #tpu.memory_space<vmem>>, vector<16xf32>,
      tpu.vector_store %arg16[%swap3A_3015, %swap3A_3016, %swap3A_3017], %mul3A_3013 {strides = array<i32>} : memref<2x16x64xf32, #tpu.memory_space<vmem>>, vector<16xf32>,
      %get3A_3019 = arith.constant 15 : i32
      %get3A_3020 = arith.index_cast %rem3A_1308 : i32 to index
      %get3A_3021 = arith.index_cast %get3A_3019 : i32 to index
      %get3A_3022 = arith.index_cast %squeeze3A_2964 : i32 to index
      %get3A_3023 = arith.constant 32 : index
      %get3A_3024 = tpu.vector_load %arg13[%get3A_3020, %get3A_3021, %get3A_3022, %get3A_3023] {strides = array<i32>} : memref<2x16x8x64xf32, #tpu.memory_space<vmem>>, vector<16xf32>,
      %get3A_3025 = arith.constant 15 : i32
      %get3A_3026 = arith.index_cast %rem3A_1308 : i32 to index
      %get3A_3027 = arith.index_cast %get3A_3025 : i32 to index
      %get3A_3028 = arith.index_cast %squeeze3A_2966 : i32 to index
      %get3A_3029 = arith.constant 32 : index
      %get3A_3030 = tpu.vector_load %arg14[%get3A_3026, %get3A_3027, %get3A_3028, %get3A_3029] {strides = array<i32>} : memref<2x16x8x64xf32, #tpu.memory_space<vmem>>, vector<16xf32>,
      %mul3A_3031 = arith.mulf %get3A_3024, %get3A_3030 : vector<16xf32>
      %get3A_3032 = arith.constant 15 : i32
      %get3A_3033 = arith.index_cast %rem3A_1308 : i32 to index
      %get3A_3034 = arith.index_cast %get3A_3032 : i32 to index
      %get3A_3035 = arith.index_cast %squeeze3A_2968 : i32 to index
      %get3A_3036 = arith.constant 32 : index
      %get3A_3037 = tpu.vector_load %arg15[%get3A_3033, %get3A_3034, %get3A_3035, %get3A_3036] {strides = array<i32>} : memref<2x16x8x64xf32, #tpu.memory_space<vmem>>, vector<16xf32>,
      %mul3A_3038 = arith.mulf %mul3A_3031, %get3A_3037 : vector<16xf32>
      %swap3A_3039 = arith.constant 15 : i32
      %swap3A_3040 = arith.index_cast %rem3A_1308 : i32 to index
      %swap3A_3041 = arith.index_cast %swap3A_3039 : i32 to index
      %swap3A_3042 = arith.constant 32 : index
      %swap3A_3043 = tpu.vector_load %arg16[%swap3A_3040, %swap3A_3041, %swap3A_3042] {strides = array<i32>} : memref<2x16x64xf32, #tpu.memory_space<vmem>>, vector<16xf32>,
      tpu.vector_store %arg16[%swap3A_3040, %swap3A_3041, %swap3A_3042], %mul3A_3038 {strides = array<i32>} : memref<2x16x64xf32, #tpu.memory_space<vmem>>, vector<16xf32>,
      %get3A_3044 = arith.constant 15 : i32
      %get3A_3045 = arith.index_cast %rem3A_1308 : i32 to index
      %get3A_3046 = arith.index_cast %get3A_3044 : i32 to index
      %get3A_3047 = arith.index_cast %squeeze3A_2964 : i32 to index
      %get3A_3048 = arith.constant 48 : index
      %get3A_3049 = tpu.vector_load %arg13[%get3A_3045, %get3A_3046, %get3A_3047, %get3A_3048] {strides = array<i32>} : memref<2x16x8x64xf32, #tpu.memory_space<vmem>>, vector<16xf32>,
      %get3A_3050 = arith.constant 15 : i32
      %get3A_3051 = arith.index_cast %rem3A_1308 : i32 to index
      %get3A_3052 = arith.index_cast %get3A_3050 : i32 to index
      %get3A_3053 = arith.index_cast %squeeze3A_2966 : i32 to index
      %get3A_3054 = arith.constant 48 : index
      %get3A_3055 = tpu.vector_load %arg14[%get3A_3051, %get3A_3052, %get3A_3053, %get3A_3054] {strides = array<i32>} : memref<2x16x8x64xf32, #tpu.memory_space<vmem>>, vector<16xf32>,
      %mul3A_3056 = arith.mulf %get3A_3049, %get3A_3055 : vector<16xf32>
      %get3A_3057 = arith.constant 15 : i32
      %get3A_3058 = arith.index_cast %rem3A_1308 : i32 to index
      %get3A_3059 = arith.index_cast %get3A_3057 : i32 to index
      %get3A_3060 = arith.index_cast %squeeze3A_2968 : i32 to index
      %get3A_3061 = arith.constant 48 : index
      %get3A_3062 = tpu.vector_load %arg15[%get3A_3058, %get3A_3059, %get3A_3060, %get3A_3061] {strides = array<i32>} : memref<2x16x8x64xf32, #tpu.memory_space<vmem>>, vector<16xf32>,
      %mul3A_3063 = arith.mulf %mul3A_3056, %get3A_3062 : vector<16xf32>
      %swap3A_3064 = arith.constant 15 : i32
      %swap3A_3065 = arith.index_cast %rem3A_1308 : i32 to index
      %swap3A_3066 = arith.index_cast %swap3A_3064 : i32 to index
      %swap3A_3067 = arith.constant 48 : index
      %swap3A_3068 = tpu.vector_load %arg16[%swap3A_3065, %swap3A_3066, %swap3A_3067] {strides = array<i32>} : memref<2x16x64xf32, #tpu.memory_space<vmem>>, vector<16xf32>,
      tpu.vector_store %arg16[%swap3A_3065, %swap3A_3066, %swap3A_3067], %mul3A_3063 {strides = array<i32>} : memref<2x16x64xf32, #tpu.memory_space<vmem>>, vector<16xf32>,
      %mul3A_3069 = arith.constant 16 : i32
      %mul3A_3070 = arith.muli %scan3A_1301, %mul3A_3069 : i32
      %add3A_3071 = arith.addi %mul3A_2, %mul3A_3070 : i32
      %dma_start3A_3072 = arith.constant 0 : i32
      %dma_start3A_3073 = arith.constant 0 : i32
      %dma_start3A_3074 = tpu.memref_slice %arg16[%rem3A_1308, %dma_start3A_3072, %dma_start3A_3073] : memref<2x16x64xf32, #tpu.memory_space<vmem>> -> memref<1x16x64xf32, #tpu.memory_space<vmem>>
      %dma_start3A_3075 = tpu.memref_squeeze %dma_start3A_3074 : memref<1x16x64xf32, #tpu.memory_space<vmem>> -> memref<16x64xf32, #tpu.memory_space<vmem>>
      %dma_start3A_3076 = arith.constant 0 : i32
      %dma_start3A_3077 = tpu.memref_slice %arg5[%add3A_3071, %dma_start3A_3076] : memref<16384x64xf32, #tpu.memory_space<hbm>> -> memref<16x64xf32, #tpu.memory_space<hbm>>
      %dma_start3A_3078 = arith.constant 0 : i32
      %dma_start3A_3079 = tpu.memref_slice %arg5[%add3A_3071, %dma_start3A_3078] : memref<16384x64xf32, #tpu.memory_space<hbm>> -> memref<16x64xf32, #tpu.memory_space<hbm>>
      %dma_start3A_3080 = arith.constant 0 : i32
      %dma_start3A_3081 = arith.constant 0 : i32
      %dma_start3A_3082 = tpu.memref_slice %arg16[%rem3A_1308, %dma_start3A_3080, %dma_start3A_3081] : memref<2x16x64xf32, #tpu.memory_space<vmem>> -> memref<1x16x64xf32, #tpu.memory_space<vmem>>
      %dma_start3A_3083 = tpu.memref_squeeze %dma_start3A_3082 : memref<1x16x64xf32, #tpu.memory_space<vmem>> -> memref<16x64xf32, #tpu.memory_space<vmem>>
      tpu.enqueue_dma source(%dma_start3A_3083 : memref<16x64xf32, #tpu.memory_space<vmem>>) target(%dma_start3A_3079 : memref<16x64xf32, #tpu.memory_space<hbm>>) target_semaphore(%arg18 : memref<!tpu.dma_semaphore, #tpu.memory_space<semaphore_mem>>)
      %ge3A = arith.constant 2 : i32
      %ge3A_3084 = arith.cmpi sge, %scan3A_1301, %ge3A : i32
      %convert_element_type3A_3085 = arith.extui %ge3A_3084 : i1 to i32
      %cond3A_3086 = arith.constant 0 : i32
      %cond3A_3087 = arith.cmpi ne, %convert_element_type3A_3085, %cond3A_3086 : i32
      scf.if %cond3A_3087 {
        %dma_wait3A_3089 = arith.constant 0 : i32
        %dma_wait3A_3090 = arith.constant 0 : i32
        %dma_wait3A_3091 = arith.constant 0 : i32
        %dma_wait3A_3092 = tpu.memref_slice %arg16[%dma_wait3A_3089, %dma_wait3A_3090, %dma_wait3A_3091] : memref<2x16x64xf32, #tpu.memory_space<vmem>> -> memref<1x16x64xf32, #tpu.memory_space<vmem>>
        %dma_wait3A_3093 = tpu.memref_squeeze %dma_wait3A_3092 : memref<1x16x64xf32, #tpu.memory_space<vmem>> -> memref<16x64xf32, #tpu.memory_space<vmem>>
        %dma_wait3A_3094 = arith.constant 0 : i32
        %dma_wait3A_3095 = tpu.memref_slice %arg5[%mul3A_2, %dma_wait3A_3094] : memref<16384x64xf32, #tpu.memory_space<hbm>> -> memref<16x64xf32, #tpu.memory_space<hbm>>
        %dma_wait3A_3096 = arith.constant 0 : i32
        %dma_wait3A_3097 = arith.constant 0 : i32
        %dma_wait3A_3098 = tpu.memref_slice %arg16[%dma_wait3A_3089, %dma_wait3A_3096, %dma_wait3A_3097] : memref<2x16x64xf32, #tpu.memory_space<vmem>> -> memref<1x16x64xf32, #tpu.memory_space<vmem>>
        %dma_wait3A_3099 = tpu.memref_squeeze %dma_wait3A_3098 : memref<1x16x64xf32, #tpu.memory_space<vmem>> -> memref<16x64xf32, #tpu.memory_space<vmem>>
        %dma_wait3A_3100 = arith.constant 0 : i32
        %dma_wait3A_3101 = tpu.memref_slice %arg5[%mul3A_2, %dma_wait3A_3100] : memref<16384x64xf32, #tpu.memory_space<hbm>> -> memref<16x64xf32, #tpu.memory_space<hbm>>
        tpu.wait_dma2 semaphore(%arg18 : memref<!tpu.dma_semaphore, #tpu.memory_space<semaphore_mem>>) src(%dma_wait3A_3101 : memref<16x64xf32, #tpu.memory_space<hbm>>) dst(%dma_wait3A_3099 : memref<16x64xf32, #tpu.memory_space<vmem>>)
      } else {
      }
      %scan3A_3088 = arith.constant 0 : i32
      scf.yield %scan3A_3088 : i32
    }
    %scan3A_1275 = arith.constant 32 : i32
    %dma_wait3A = arith.constant 0 : i32
    %dma_wait3A_1276 = arith.constant 0 : i32
    %dma_wait3A_1277 = arith.constant 0 : i32
    %dma_wait3A_1278 = tpu.memref_slice %arg16[%dma_wait3A, %dma_wait3A_1276, %dma_wait3A_1277] : memref<2x16x64xf32, #tpu.memory_space<vmem>> -> memref<1x16x64xf32, #tpu.memory_space<vmem>>
    %dma_wait3A_1279 = tpu.memref_squeeze %dma_wait3A_1278 : memref<1x16x64xf32, #tpu.memory_space<vmem>> -> memref<16x64xf32, #tpu.memory_space<vmem>>
    %dma_wait3A_1280 = arith.constant 0 : i32
    %dma_wait3A_1281 = tpu.memref_slice %arg5[%mul3A_2, %dma_wait3A_1280] : memref<16384x64xf32, #tpu.memory_space<hbm>> -> memref<16x64xf32, #tpu.memory_space<hbm>>
    %dma_wait3A_1282 = arith.constant 0 : i32
    %dma_wait3A_1283 = arith.constant 0 : i32
    %dma_wait3A_1284 = tpu.memref_slice %arg16[%dma_wait3A, %dma_wait3A_1282, %dma_wait3A_1283] : memref<2x16x64xf32, #tpu.memory_space<vmem>> -> memref<1x16x64xf32, #tpu.memory_space<vmem>>
    %dma_wait3A_1285 = tpu.memref_squeeze %dma_wait3A_1284 : memref<1x16x64xf32, #tpu.memory_space<vmem>> -> memref<16x64xf32, #tpu.memory_space<vmem>>
    %dma_wait3A_1286 = arith.constant 0 : i32
    %dma_wait3A_1287 = tpu.memref_slice %arg5[%mul3A_2, %dma_wait3A_1286] : memref<16384x64xf32, #tpu.memory_space<hbm>> -> memref<16x64xf32, #tpu.memory_space<hbm>>
    tpu.wait_dma2 semaphore(%arg18 : memref<!tpu.dma_semaphore, #tpu.memory_space<semaphore_mem>>) src(%dma_wait3A_1287 : memref<16x64xf32, #tpu.memory_space<hbm>>) dst(%dma_wait3A_1285 : memref<16x64xf32, #tpu.memory_space<vmem>>)
    %dma_wait3A_1288 = arith.constant 0 : i32
    %dma_wait3A_1289 = arith.constant 0 : i32
    %dma_wait3A_1290 = arith.constant 0 : i32
    %dma_wait3A_1291 = tpu.memref_slice %arg16[%dma_wait3A_1288, %dma_wait3A_1289, %dma_wait3A_1290] : memref<2x16x64xf32, #tpu.memory_space<vmem>> -> memref<1x16x64xf32, #tpu.memory_space<vmem>>
    %dma_wait3A_1292 = tpu.memref_squeeze %dma_wait3A_1291 : memref<1x16x64xf32, #tpu.memory_space<vmem>> -> memref<16x64xf32, #tpu.memory_space<vmem>>
    %dma_wait3A_1293 = arith.constant 0 : i32
    %dma_wait3A_1294 = tpu.memref_slice %arg5[%mul3A_2, %dma_wait3A_1293] : memref<16384x64xf32, #tpu.memory_space<hbm>> -> memref<16x64xf32, #tpu.memory_space<hbm>>
    %dma_wait3A_1295 = arith.constant 0 : i32
    %dma_wait3A_1296 = arith.constant 0 : i32
    %dma_wait3A_1297 = tpu.memref_slice %arg16[%dma_wait3A_1288, %dma_wait3A_1295, %dma_wait3A_1296] : memref<2x16x64xf32, #tpu.memory_space<vmem>> -> memref<1x16x64xf32, #tpu.memory_space<vmem>>
    %dma_wait3A_1298 = tpu.memref_squeeze %dma_wait3A_1297 : memref<1x16x64xf32, #tpu.memory_space<vmem>> -> memref<16x64xf32, #tpu.memory_space<vmem>>
    %dma_wait3A_1299 = arith.constant 0 : i32
    %dma_wait3A_1300 = tpu.memref_slice %arg5[%mul3A_2, %dma_wait3A_1299] : memref<16384x64xf32, #tpu.memory_space<hbm>> -> memref<16x64xf32, #tpu.memory_space<hbm>>
    tpu.wait_dma2 semaphore(%arg18 : memref<!tpu.dma_semaphore, #tpu.memory_space<semaphore_mem>>) src(%dma_wait3A_1300 : memref<16x64xf32, #tpu.memory_space<hbm>>) dst(%dma_wait3A_1298 : memref<16x64xf32, #tpu.memory_space<vmem>>)
    return
  }
}

</mosaic_0001>

<sc_bundles>
// kernel: kernel.3.cloned.1.call-start
scs
__scs_entry_jumppad:
0x0: {  	(pc) =	sbr.rel $0x88, $3  }
0x1: {  	(tag) =	ssettag $0x0;
	lr =	simm.s32 $0x1  }
0x2: {  	[smem:$0x3F9E] =	sst lr;
	_ =	strace $0xD0000000  }
0x3: {  	_ = 	snop  }
0x4: {  	_ = 	snop  }
0x5: {  	_ = 	snop  }
0x6: {  	_ = 	snop  }
0x7: {  	_ = 	snop  }
__scs_overlays_trampoline_lowered:
0x8: {  	[smem:$0x3FAD] =	sst s0  }
0x9: {  	[smem:$0x3FAE] =	sst s1  }
0xa: {  	[smem:$0x3FAF] =	sst s2  }
0xb: {  	[smem:$0x3FB0] =	sst s3  }
0xc: {  	[smem:$0x3FB1] =	sst s4  }
0xd: {  	[smem:$0x3FB2] =	sst s5  }
0xe: {  	[smem:$0x3FB3] =	sst s6  }
0xf: {  	[smem:$0x3FB4] =	sst s7  }
0x10: {  	[smem:$0x3FB5] =	sst s8  }
0x11: {  	[smem:$0x3FB6] =	sst s9;
	s0 =	simm.s32 @!p0 $0x0  }
0x12: {  	s1 =	sld [smem:$0x3F9C];
	s0 =	simm.s32 @p0 $0x1  }
0x13: {  	[smem:$0x3FB7] =	sst s0;
	s0 =	simm.s32 @!p1 $0x0  }
0x14: {  	s2 =	sld [smem:$0x3F9B];
	s0 =	simm.s32 @p1 $0x1  }
0x15: {  	[smem:$0x3FB8] =	sst s0;
	s0 =	simm.s32 @!p2 $0x0  }
0x16: {  	s3 =	sld [smem:$0x3FDB];
	s0 =	simm.s32 @p2 $0x1  }
0x17: {  	s4 =	simm.s32 $0x1BF5;
	[smem:$0x3FBA] =	sst s0  }
0x18: {  	s0 =	sld [smem:$0x3F9D];
	_ =	swait.ge [sflag:s4], $0x0  }
0x19: {  	s7 =	sld [smem:$0x3F9E]  }
0x1a: {  	s8 =	sadd.s32 $0xFFFFE003, lr  }
0x1b: {  	s9 =	sadd.s32 $0xFFFFFEF7, lr;
	s5 =	simm.s32 $0xFFFFFFFF;
	p2 =	slt.u32 s8, $0xFFFFF086  }
0x1c: {  	p1 =	slt.u32 s9, $0xF7A;
	s5 =	simm.s32 @!p2 $0x0  }
0x1d: {  	s5 =	simm.s32 @p1 $0x1;
	p0 =	seq.s32 s7, s2  }
0x1e: {  	s7 =	smul.u32 @!p0 $0xF7A, s2;
	p2 =	seq.s32 @!p0 s5, $0x0  }
0x1f: {  	s9 =	smul.u32 $0xF7A, s1;
	s8 =	simm.s32 @!p0 $0x1BF5;
	p2 =	por !p2, p0  }
0x20: {  	[sflag:s8] =	ssyncset.s32 @!p0 $0xFFFFF086;
	s6 =	sadd.s32 @!p0 s3, s7;
	s7 =	simm.s32 @!p0 $0x108  }
0x21: {  	s3 =	sadd.s32 s3, s9;
	s6 =	sadd.s32 @!p0 $0x88, s6;
	s7 =	simm.s32 @p2 $0x1082  }
0x22: {  	[simem:s7], [sflag:s8] =	dma.local @!p0 [hbm:s6], $0xF7A  }
0x23: {  	s9 =	sor.u32 $0xD0000000, s2;
	s6 =	simm.s32 $0x108;
	_ =	swait.ge @!p0 [sflag:s8], $0x0  }
0x24: {  	s3 =	sadd.s32 $0x88, s3;
	s6 =	simm.s32 @!p1 $0x1082;
	[sflag:s4] =	ssyncset.s32 $0xFFFFF086  }
0x25: {  	[simem:s6], [sflag:s4] =	dma.local [hbm:s3], $0xF7A  }
0x26: {  	[smem:$0x3F9E] =	sst s1;
	(tag) =	ssettag s2;
	_ =	strace s9  }
0x27: {  	s1 =	sld [smem:$0x3FAE]  }
0x28: {  	s2 =	sld [smem:$0x3FAF]  }
0x29: {  	s4 =	sld [smem:$0x3FB1]  }
0x2a: {  	p0 =	seq.s32 s5, $0x0;
	s5 =	sld [smem:$0x3FB2]  }
0x2b: {  	s6 =	sld [smem:$0x3FB3]  }
0x2c: {  	s7 =	sld [smem:$0x3FB4]  }
0x2d: {  	s3 =	simm.s32 $0x108;
	s8 =	sld [smem:$0x3FB5]  }
0x2e: {  	s3 =	simm.s32 @!p0 $0x1082;
	s9 =	sld [smem:$0x3FB6]  }
0x2f: {  	lr =	sadd.s32 s0, s3;
	s0 =	sld [smem:$0x3FAD]  }
0x30: {  	s3 =	sld [smem:$0x3FB0]  }
0x31: {  	[smem:$0x3FB9] =	sst s10  }
0x32: {  	s10 =	sld [smem:$0x3FB7];
	_ =	sdelay $0x3  }
0x33: {  	p0 =	seq.s32 s10, $0x1;
	s10 =	sld [smem:$0x3FB9];
	_ =	sdelay $0x3  }
0x34: {  	[smem:$0x3FB9] =	sst s10  }
0x35: {  	s10 =	sld [smem:$0x3FB8];
	_ =	sdelay $0x3  }
0x36: {  	p1 =	seq.s32 s10, $0x1;
	s10 =	sld [smem:$0x3FB9];
	_ =	sdelay $0x3  }
0x37: {  	[smem:$0x3FB9] =	sst s10  }
0x38: {  	s10 =	sld [smem:$0x3FBA]  }
0x39: {  	_ = 	snop;
	(pc) =	sbr.ind lr, $3  }
0x3a: {  	_ = 	snop  }
0x3b: {  	_ = 	snop  }
0x3c: {  	p2 =	seq.s32 s10, $0x1;
	s10 =	sld [smem:$0x3FB9]  }
0x3d: {  	_ =	shalt  }
0x3e: {  	_ =	shalt  }
0x3f: {  	_ =	shalt  }
0x40: {  	_ =	shalt  }
0x41: {  	_ =	shalt  }
0x42: {  	_ =	shalt  }
0x43: {  	_ =	shalt  }
0x44: {  	_ =	shalt  }
0x45: {  	_ =	shalt  }
0x46: {  	_ =	shalt  }
0x47: {  	_ =	shalt  }
0x48: {  	_ =	shalt  }
0x49: {  	_ =	shalt  }
0x4a: {  	_ =	shalt  }
0x4b: {  	_ =	shalt  }
0x4c: {  	_ =	shalt  }
0x4d: {  	_ =	shalt  }
0x4e: {  	_ =	shalt  }
0x4f: {  	_ =	shalt  }
0x50: {  	_ =	shalt  }
0x51: {  	_ =	shalt  }
0x52: {  	_ =	shalt  }
0x53: {  	_ =	shalt  }
0x54: {  	_ =	shalt  }
0x55: {  	_ =	shalt  }
0x56: {  	_ =	shalt  }
0x57: {  	_ =	shalt  }
0x58: {  	_ =	shalt  }
0x59: {  	_ =	shalt  }
0x5a: {  	_ =	shalt  }
0x5b: {  	_ =	shalt  }
0x5c: {  	_ =	shalt  }
0x5d: {  	_ =	shalt  }
0x5e: {  	_ =	shalt  }
0x5f: {  	_ =	shalt  }
0x60: {  	_ =	shalt  }
0x61: {  	_ =	shalt  }
0x62: {  	_ =	shalt  }
0x63: {  	_ =	shalt  }
0x64: {  	_ =	shalt  }
0x65: {  	_ =	shalt  }
0x66: {  	_ =	shalt  }
0x67: {  	_ =	shalt  }
0x68: {  	_ =	shalt  }
0x69: {  	_ =	shalt  }
0x6a: {  	_ =	shalt  }
0x6b: {  	_ =	shalt  }
0x6c: {  	_ =	shalt  }
0x6d: {  	_ =	shalt  }
0x6e: {  	_ =	shalt  }
0x6f: {  	_ =	shalt  }
0x70: {  	_ =	shalt  }
0x71: {  	_ =	shalt  }
0x72: {  	_ =	shalt  }
0x73: {  	_ =	shalt  }
0x74: {  	_ =	shalt  }
0x75: {  	_ =	shalt  }
0x76: {  	_ =	shalt  }
0x77: {  	_ =	shalt  }
0x78: {  	_ =	shalt  }
0x79: {  	_ =	shalt  }
0x7a: {  	_ =	shalt  }
0x7b: {  	_ =	shalt  }
0x7c: {  	_ =	shalt  }
0x7d: {  	_ =	shalt  }
0x7e: {  	_ =	shalt  }
0x7f: {  	_ =	shalt  }
0x80: {  	_ =	shalt  }
0x81: {  	_ =	shalt  }
0x82: {  	_ =	shalt  }
0x83: {  	_ =	shalt  }
0x84: {  	_ =	shalt  }
0x85: {  	_ =	shalt  }
0x86: {  	_ =	shalt  }
0x87: {  	_ =	shalt  }
.Lfunc_end0:
.L_simem_size_0:
called_computation_lowered:
.L_overlay_start_0:
0x88: {  	s2 =	sld [smem:$0x3FD9]  }
0x89: {  	s3 =	sld [smem:$0x3FFE];
	_ =	sdelay $0x1  }
0x8a: {  	s1 =	srdreg.scid  }
0x8b: {  	s0 =	sand.u32 $0x1, s1  }
0x8c: {  	s17 =	sshll.u32 s0, $0xA;
	s2 =	sadd.s32 s3, s2  }
0x8d: {  	s2 =	sadd.s32 s2, s17  }
0x8e: {  	[smem:$0x3FC5] =	sst s2  }
0x8f: {  	_ = 	snop  }
0x90: {  	s2 =	sld [smem:$0x3FD0];
	(tm) =	ssettm $0x1  }
0x91: {  	s18 =	sld [smem:$0x3FFB];
	_ =	sdelay $0x3  }
0x92: {  	_ =	strace s18  }
0x93: {  	s3 =	sld [smem:$0x3FFC];
	_ =	sdelay $0x3  }
0x94: {  	_ =	strace s3  }
0x95: {  	s3 =	sld [smem:$0x3FFD];
	_ =	sdelay $0x3  }
0x96: {  	_ =	strace s3  }
0x97: {  	_ =	strace $0x8FFFFFFF  }
0x98: {  	s19 =	sld [smem:$0x3FDB];
	_ =	sdelay $0x1  }
0x99: {  	s4 =	simm.s32 $_scs_section_size  }
0x9a: {  	s5 =	simm.s32 $_size__tile_overlayer_lowered;
	s6 =	simm.s32 $_tile_overlayer_lowered  }
0x9b: {  	s22 =	simm.s32 $0x1BFF;
	s21 =	sshll.u32 s6, $0x1;
	s3 =	sadd.s32 s4, s19  }
0x9c: {  	s7 =	simm.s32 $0x0;
	s20 =	sshll.u32 s5, $0x1;
	s5 =	sadd.s32 s21, s3  }
0x9d: {  	[timem:s7], [sflag:s22] =	dma.local [hbm:s5], s20  }
0x9e: {  	_ =	swait.ge [sflag:s22], s20  }
0x9f: {  	s4 =	ssub.s32 $0x0, s20;
	[sflag:s22] =	ssyncset.done $0x0  }
0xa0: {  	[sflag:s22] =	ssyncadd.s32 s4;
	_ =	sdelay $0x1  }
0xa1: {  	s23 =	simm.s32 $0x1B8B  }
0xa2: {  	_ =	swait.ge [sflag:s23], $0x1  }
0xa3: {  	[sflag:s23] =	ssyncset.done $0x0  }
0xa4: {  	s25 =	simm.s32 $0x1B8E;
	s24 =	sld [smem:$0x3FFE];
	[sflag:s23] =	ssyncadd.s32 $0xFFFFFFFF  }
0xa5: {  	s26 =	simm.s32 $execute0_lowered;
	[smem:$0x3FD2] =	sst s25  }
0xa6: {  	s5 =	sshll.u32 s26, $0x1;
	_ =	strace $0x80000046;
	[dreg:$0x1] =	wrdreg $0xFFFFFFFF  }
0xa7: {  	s28 =	simm.s32 $_size_execute0_lowered;
	s3 =	sadd.s32 s3, s5;
	[dreg:$0x0] =	wrdreg $0x0  }
0xa8: {  	s5 =	sshll.u32 s28, $0x1;
	[dreg:$0x2] =	wrdreg s3  }
0xa9: {  	[dreg:$0x3] =	wrdreg s5  }
0xaa: {  	[dreg:$0x4] =	wrdreg $0xC0  }
0xab: {  	_ =	task [dreg:s7], $0x5FFFF  }
0xac: {  	[dreg:$0x1] =	wrdreg $0xFFFFFFFF  }
0xad: {  	[dreg:$0x0] =	wrdreg $0x60  }
0xae: {  	[dreg:$0x2] =	wrdreg s24  }
0xaf: {  	[dreg:$0x3] =	wrdreg s2  }
0xb0: {  	[dreg:$0x4] =	wrdreg $0x9  }
0xb1: {  	_ =	task.clear_ibuf [dreg:s7], $0x5FFFF;
	_ =	strace $0x90000046  }
0xb2: {  	s29 =	simm.s32 $0x9;
	_ =	strace $0x80000048  }
0xb3: {  	_ =	swait.ge [sflag:s29], $0x1  }
0xb4: {  	[sflag:s29] =	ssyncadd.s32 $0xFFFFFFFF  }
0xb5: {  	_ =	strace $0x90000048  }
0xb6: {  	_ =	sfence  }
0xb7: {  	s30 =	sld [smem:$0x0];
	_ =	sdelay $0x2  }
0xb8: {  	s31 =	sshll.u32 s1, $0xD;
	s1 =	sshrl.u32 s1, $0x2  }
0xb9: {  	s3 =	sand.u32 $0x4000, s31;
	s1 =	sadd.s32 s1, s30  }
0xba: {  	s0 =	sor.u32 s3, s0;
	s1 =	sshll.u32 s1, $0x11  }
0xbb: {  	s0 =	sor.u32 s1, s0  }
0xbc: {  	s0 =	sadd.s32 $0x8F2B, s0  }
0xbd: {  	[sflag:s0] =	ssyncadd.remote.s32 $0x1  }
0xbe: {  	_ =	sfence.sel $0xFFFF  }
0xbf: {  	[dreg:$0x0] =	wrdreg $0xFFFFFFFF;
	(pc) =	sbr.abs _section_cstart, $3  }
0xc0: {  	[dreg:$0x1] =	wrdreg $0xFFFFFFFF  }
0xc1: {  	_ =	task.clear_ibuf [dreg:s7], $0x2FFFF;
	_ =	strace $0x9FFFFFFF  }
0xc2: {  	(tm) =	ssettm $0x7FFFFFFF  }
0xc3: {  	_ =	shalt  }
tec
execute0_lowered:
.L_overlay_start_1:
0x0: {  	(tag) =	ssettag $0x1  }
0x1: {  	s0 =	srdreg.scid  }
0x2: {  	s6 =	stileid.u32;
	s1 =	rddreg [dreg:$0x0]  }
0x3: {  	s2 =	rddreg [dreg:$0x1];
	s8 =	simm.s32 $0x3;
	s22 =	simm.s32 $0xC200  }
0x4: {  	s23 =	simm.s32 $0x14200;
	s24 =	simm.s32 $0x4600;
	s25 =	simm.s32 $0xC600  }
0x5: {  	s28 =	simm.s32 $0x4A00;
	s29 =	simm.s32 $0xCA00;
	s30 =	simm.s32 $0x14A00  }
0x6: {  	s31 =	simm.s32 $0x4E00;
	s9 =	simm.s32 $0x1;
	s10 =	simm.s32 $0x2  }
0x7: {  	s11 =	simm.s32 $0x0;
	s0 =	sand.u32 $0x1, s0;
	s3 =	sshll.u32 s6, $0x1  }
0x8: {  	s6 =	sshll.u32 s6, $0xE;
	s4 =	sor.u32 s0, s3;
	s3 =	simm.s32 $0x0  }
0x9: {  	s7 =	ssub.s32 $0x2, s0;
	s0 =	sshll.u32 s0, $0xD;
	s4 =	smul.u32 $0xC0, s4  }
.Ltmp0:
0xa: {  	[smem:$0x7FF] =	sst s3;
	s26 =	sshrl.u32 s7, $0x1;
	(pc) =	sbr.rel .LBB2_1-.Ltmp0, $4  }
0xb: {  	v0 =	vlaneseq.u32;
	_ =	strace $0x80000047;
	s5 =	sadd.s32 s4, s1;
	s4 =	sadd.s32 $0x1C00, s1  }
0xc: {  	v0 =	vmul.u32 $0x3, v0;
	s1 =	sadd.s32 s6, s1;
	s6 =	ssub.s32 s7, s26;
	s26 =	simm.s32 $0x14600  }
0xd: {  	s5 =	sadd.s32 $0x400, s5;
	s0 =	sadd.s32 s0, s1;
	s6 =	smax.u32 s6, $0x1  }
0xe: {  	v1 =	vadd.s32 $0x1, v0;
	v2 =	vadd.s32 $0x2, v0;
	s1 =	simm.s32 $0xCE00;
	s14 =	sadd.s32 $0xF44000, s0;
	s0 =	simm.s32 $0x14E00  }
.LBB2_7:
0xf: {  	s11 =	sadd.s32 $0x1, s11  }
0x10: {  	_ =	swait.ge [sflag:s10], $0x800;
	p0 =	sne.s32 s11, s6  }
.Ltmp1:
0x11: {  	[sflag:s10] =	ssyncset.done $0x0;
	(pc) =	sbr.rel @!p0 .LBB2_8-.Ltmp1, $4  }
0x12: {  	[sflag:s10] =	ssyncadd.s32 $0xFFFFF800  }
0x13: {  	_ =	swait.ge [sflag:s10], $0x800  }
0x14: {  	[sflag:s10] =	ssyncset.done $0x0  }
0x15: {  	[sflag:s10] =	ssyncadd.s32 $0xFFFFF800  }
.LBB2_1:
0x16: {  	v3 =	vadd.s32 s3, v0  }
0x17: {  	[tilespmem:s3], [sflag:$0x3] =	stream.linear.gather [hbm4b:s5+s3], $0x600, $0x38;
	v4 =	vadd.s32 s3, v1;
	[tilespmem:$0x1A200] =	vst v63  }
0x18: {  	v5 =	vadd.s32 s3, v2;
	_ =	swait.ge [sflag:s8], $0x600  }
0x19: {  	[sflag:s8] =	ssyncset.done $0x0  }
0x1a: {  	[sflag:s8] =	ssyncadd.s32 $0xFFFFFA00  }
0x1b: {  	v3 =	vld.idx.msk [tilespmem:v3+s3+$0x0], $0xffff  }
0x1c: {  	v4 =	vld.idx.msk [tilespmem:v4+s3+$0x0], $0xffff  }
0x1d: {  	v6 =	vld.idx.msk [tilespmem:v5+s3+$0x0], $0xffff;
	_ =	sdelay $0x2  }
0x1e: {  	s12 =	simm.s32 $0x600;
	v5 =	vshrl.u32 v3, $0x3  }
0x1f: {  	s7 =	simm.s32 $0x800;
	[tilespmem:s12+$0x0] =	vst v5;
	v5 =	vshrl.u32 v4, $0x3  }
0x20: {  	s13 =	simm.s32 $0xA00;
	s17 =	simm.s32 $0x30;
	[tilespmem:s7+$0x0] =	vst v5;
	v5 =	vshrl.u32 v6, $0x3  }
0x21: {  	s15 =	simm.s32 $0xC00;
	s16 =	simm.s32 $0xE00;
	[tilespmem:s13+$0x0] =	vst v5;
	v5 =	vand.u32 $0x7, v3;
	v3 =	vadd.s32 s17, v0  }
0x22: {  	s18 =	simm.s32 $0x1000;
	s19 =	simm.s32 $0x60;
	v7 =	vand.u32 $0x7, v4;
	v4 =	vadd.s32 s17, v1;
	s13 =	simm.s32 $0x1010;
	[tilespmem:s15+$0x0] =	vst v5  }
0x23: {  	v6 =	vand.u32 $0x7, v6;
	v5 =	vadd.s32 s17, v2;
	s17 =	simm.s32 $0xA10;
	s15 =	simm.s32 $0xE10;
	[tilespmem:s16+$0x0] =	vst v7;
	s16 =	simm.s32 $0xC10  }
.LBB2_2:
0x24: {  	s12 =	sadd.s32 $0x10, s12;
	s7 =	sadd.s32 $0x10, s7  }
0x25: {  	[tilespmem:s18+$0x0] =	vst v6;
	s20 =	smov.u32 s19;
	s21 =	sadd.s32 $0x30, s19;
	s18 =	smov.u32 s13  }
0x26: {  	p0 =	sne.s32 s19, $0x5D0;
	v6 =	vld.idx.msk [tilespmem:v3+s3+$0x0], $0xffff  }
0x27: {  	v7 =	vld.idx.msk [tilespmem:v4+s3+$0x0], $0xffff  }
0x28: {  	v8 =	vld.idx.msk [tilespmem:v5+s3+$0x0], $0xffff;
	_ =	sdelay $0x3  }
0x29: {  	v3 =	vshrl.u32 v6, $0x3  }
.Ltmp2:
0x2a: {  	v4 =	vshrl.u32 v7, $0x3;
	[tilespmem:s12+$0x0] =	vst v3;
	(pc) =	sbr.rel @p0 .LBB2_2-.Ltmp2, $4  }
0x2b: {  	v3 =	vadd.s32 s20, v0;
	v5 =	vshrl.u32 v8, $0x3;
	[tilespmem:s7+$0x0] =	vst v4  }
0x2c: {  	v6 =	vand.u32 $0x7, v6;
	v4 =	vadd.s32 s20, v1;
	[tilespmem:s17+$0x0] =	vst v5  }
0x2d: {  	s13 =	sadd.s32 $0x10, s13;
	s19 =	smov.u32 s21;
	v5 =	vadd.s32 s20, v2;
	[tilespmem:s16+$0x0] =	vst v6;
	v6 =	vand.u32 $0x7, v7  }
0x2e: {  	s17 =	sadd.s32 $0x10, s17;
	s16 =	sadd.s32 $0x10, s16;
	[tilespmem:s15+$0x0] =	vst v6;
	v6 =	vand.u32 $0x7, v8;
	s15 =	sadd.s32 $0x10, s15  }
0x2f: {  	_ =	sdelay $0x2  }
0x30: {  	[tilespmem:s18+$0x0] =	vst v6  }
0x31: {  	v3 =	vld.idx.msk [tilespmem:v3+s3+$0x0], $0xffff  }
0x32: {  	v4 =	vld.idx.msk [tilespmem:v4+s3+$0x0], $0xffff  }
0x33: {  	v5 =	vld.idx.msk [tilespmem:v5+s3+$0x0], $0xffff;
	_ =	sdelay $0x2  }
0x34: {  	s12 =	sadd.s32 $0x10, s12;
	v59 =	vshrl.u32 v3, $0x3  }
0x35: {  	s7 =	sadd.s32 $0x10, s7;
	v60 =	vshrl.u32 v4, $0x3;
	[tilespmem:s12+$0x0] =	vst v59  }
0x36: {  	v61 =	vshrl.u32 v5, $0x3;
	[tilespmem:s7+$0x0] =	vst v60  }
0x37: {  	v3 =	vand.u32 $0x7, v3;
	[tilespmem:s17+$0x0] =	vst v61  }
0x38: {  	[tilespmem:s16+$0x0] =	vst v3;
	v3 =	vand.u32 $0x7, v4  }
0x39: {  	[tilespmem:s15+$0x0] =	vst v3;
	v3 =	vand.u32 $0x7, v5  }
0x3a: {  	[tilespmem:s13+$0x0] =	vst v3  }
0x3b: {  	v3 =	vld [tilespmem:$0x600]  }
0x3c: {  	v62 =	vld [tilespmem:$0x800];
	_ =	sdelay $0x3  }
0x3d: {  	v63 =	vshll.u32 v3, $0x7  }
0x3e: {  	v4 =	vshll.u32 v62, $0x7;
	(v2sf) =	vpush v63, $0x0  }
0x3f: {  	(v2sf) =	vpush v4, $0x0  }
0x40: {  	v3 =	vld [tilespmem:$0xA00];
	_ =	sdelay $0x4  }
0x41: {  	v3 =	vshll.u32 v3, $0x7  }
0x42: {  	(v2sf) =	vpush v3, $0x0  }
0x43: {  	(v2sf) =	vpush v63, $0x1;
	_ =	sdelay $0x5  }
0x44: {  	s20 =	spop (v2sf);
	(v2sf) =	vpush v4, $0x1  }
0x45: {  	s13 =	spop (v2sf);
	(v2sf) =	vpush v3, $0x1;
	_ =	sdelay $0x5  }
0x46: {  	(v2sf) =	vpush v63, $0x2  }
0x47: {  	s16 =	spop (v2sf)  }
0x48: {  	s18 =	spop (v2sf);
	(v2sf) =	vpush v4, $0x2;
	_ =	sdelay $0x2  }
0x49: {  	s7 =	sand.u32 $0x1FFFFF80, s20  }
0x4a: {  	s21 =	simm.s32 $0x1200;
	s12 =	simm.s32 $0x0;
	s7 =	sadd.s32 s4, s7  }
0x4b: {  	[tilespmem:s21], [sflag:$0x1] =	stream.linear.gather [hbm4b:s7+s12], $0x400, $0x38;
	[tilespmem:$0x1A200] =	vst v63  }
0x4c: {  	s20 =	spop (v2sf);
	(v2sf) =	vpush v3, $0x2  }
0x4d: {  	s7 =	sand.u32 $0x1FFFFF80, s13;
	s13 =	spop (v2sf);
	(v2sf) =	vpush v63, $0x3;
	_ =	sdelay $0x2  }
0x4e: {  	s15 =	simm.s32 $0x9200;
	s7 =	sadd.s32 s2, s7  }
0x4f: {  	[tilespmem:s15], [sflag:$0x1] =	stream.linear.gather [hbm4b:s7+s12], $0x400, $0x38;
	[tilespmem:$0x1A200] =	vst v63  }
0x50: {  	s7 =	sand.u32 $0x1FFFFF80, s16  }
0x51: {  	s17 =	simm.s32 $0x11200;
	s7 =	sadd.s32 s4, s7;
	s16 =	spop (v2sf);
	(v2sf) =	vpush v4, $0x3  }
0x52: {  	[tilespmem:s17], [sflag:$0x1] =	stream.linear.gather [hbm4b:s7+s12], $0x400, $0x38;
	[tilespmem:$0x1A200] =	vst v63  }
0x53: {  	s7 =	sand.u32 $0x1FFFFF80, s18;
	s18 =	spop (v2sf);
	(v2sf) =	vpush v3, $0x3  }
0x54: {  	s19 =	simm.s32 $0x1600;
	s7 =	sadd.s32 s4, s7  }
0x55: {  	[tilespmem:s19], [sflag:$0x1] =	stream.linear.gather [hbm4b:s7+s12], $0x400, $0x38;
	[tilespmem:$0x1A200] =	vst v63  }
0x56: {  	s7 =	sand.u32 $0x1FFFFF80, s20  }
0x57: {  	s21 =	simm.s32 $0x9600;
	s7 =	sadd.s32 s2, s7  }
0x58: {  	[tilespmem:s21], [sflag:$0x1] =	stream.linear.gather [hbm4b:s7+s12], $0x400, $0x38;
	[tilespmem:$0x1A200] =	vst v63  }
0x59: {  	s20 =	spop (v2sf);
	(v2sf) =	vpush v63, $0x4  }
0x5a: {  	s7 =	sand.u32 $0x1FFFFF80, s13;
	s13 =	spop (v2sf);
	(v2sf) =	vpush v4, $0x4;
	_ =	sdelay $0x2  }
0x5b: {  	s15 =	simm.s32 $0x11600;
	s7 =	sadd.s32 s4, s7  }
0x5c: {  	[tilespmem:s15], [sflag:$0x1] =	stream.linear.gather [hbm4b:s7+s12], $0x400, $0x38;
	[tilespmem:$0x1A200] =	vst v63  }
0x5d: {  	s7 =	sand.u32 $0x1FFFFF80, s16  }
0x5e: {  	s17 =	simm.s32 $0x1A00;
	s7 =	sadd.s32 s4, s7;
	s16 =	spop (v2sf);
	(v2sf) =	vpush v3, $0x4  }
0x5f: {  	[tilespmem:s17], [sflag:$0x1] =	stream.linear.gather [hbm4b:s7+s12], $0x400, $0x38;
	[tilespmem:$0x1A200] =	vst v63  }
0x60: {  	s7 =	sand.u32 $0x1FFFFF80, s18;
	s18 =	spop (v2sf);
	(v2sf) =	vpush v63, $0x5  }
0x61: {  	s19 =	simm.s32 $0x9A00;
	s7 =	sadd.s32 s2, s7  }
0x62: {  	[tilespmem:s19], [sflag:$0x1] =	stream.linear.gather [hbm4b:s7+s12], $0x400, $0x38;
	[tilespmem:$0x1A200] =	vst v63  }
0x63: {  	s7 =	sand.u32 $0x1FFFFF80, s20  }
0x64: {  	s21 =	simm.s32 $0x11A00;
	s7 =	sadd.s32 s4, s7  }
0x65: {  	[tilespmem:s21], [sflag:$0x1] =	stream.linear.gather [hbm4b:s7+s12], $0x400, $0x38;
	[tilespmem:$0x1A200] =	vst v63  }
0x66: {  	s20 =	spop (v2sf);
	(v2sf) =	vpush v4, $0x5  }
0x67: {  	s7 =	sand.u32 $0x1FFFFF80, s13;
	s13 =	spop (v2sf);
	(v2sf) =	vpush v3, $0x5;
	_ =	sdelay $0x2  }
0x68: {  	s15 =	simm.s32 $0x1E00;
	s7 =	sadd.s32 s4, s7  }
0x69: {  	[tilespmem:s15], [sflag:$0x1] =	stream.linear.gather [hbm4b:s7+s12], $0x400, $0x38;
	[tilespmem:$0x1A200] =	vst v63  }
0x6a: {  	s7 =	sand.u32 $0x1FFFFF80, s16  }
0x6b: {  	s17 =	simm.s32 $0x9E00;
	s7 =	sadd.s32 s2, s7;
	s16 =	spop (v2sf);
	(v2sf) =	vpush v63, $0x6  }
0x6c: {  	[tilespmem:s17], [sflag:$0x1] =	stream.linear.gather [hbm4b:s7+s12], $0x400, $0x38;
	[tilespmem:$0x1A200] =	vst v63  }
0x6d: {  	s7 =	sand.u32 $0x1FFFFF80, s18;
	s18 =	spop (v2sf);
	(v2sf) =	vpush v4, $0x6  }
0x6e: {  	s19 =	simm.s32 $0x11E00;
	s7 =	sadd.s32 s4, s7  }
0x6f: {  	[tilespmem:s19], [sflag:$0x1] =	stream.linear.gather [hbm4b:s7+s12], $0x400, $0x38;
	[tilespmem:$0x1A200] =	vst v63  }
0x70: {  	s7 =	sand.u32 $0x1FFFFF80, s20  }
0x71: {  	s21 =	simm.s32 $0x2200;
	s7 =	sadd.s32 s4, s7  }
0x72: {  	[tilespmem:s21], [sflag:$0x1] =	stream.linear.gather [hbm4b:s7+s12], $0x400, $0x38;
	[tilespmem:$0x1A200] =	vst v63  }
0x73: {  	s20 =	spop (v2sf);
	(v2sf) =	vpush v3, $0x6  }
0x74: {  	s7 =	sand.u32 $0x1FFFFF80, s13;
	s13 =	spop (v2sf);
	(v2sf) =	vpush v63, $0x7;
	_ =	sdelay $0x2  }
0x75: {  	s15 =	simm.s32 $0xA200;
	s7 =	sadd.s32 s2, s7  }
0x76: {  	[tilespmem:s15], [sflag:$0x1] =	stream.linear.gather [hbm4b:s7+s12], $0x400, $0x38;
	[tilespmem:$0x1A200] =	vst v63  }
0x77: {  	s7 =	sand.u32 $0x1FFFFF80, s16  }
0x78: {  	s17 =	simm.s32 $0x12200;
	s7 =	sadd.s32 s4, s7;
	s16 =	spop (v2sf);
	(v2sf) =	vpush v4, $0x7  }
0x79: {  	[tilespmem:s17], [sflag:$0x1] =	stream.linear.gather [hbm4b:s7+s12], $0x400, $0x38;
	[tilespmem:$0x1A200] =	vst v63  }
0x7a: {  	s7 =	sand.u32 $0x1FFFFF80, s18;
	s18 =	spop (v2sf);
	(v2sf) =	vpush v3, $0x7  }
0x7b: {  	s19 =	simm.s32 $0x2600;
	s7 =	sadd.s32 s4, s7  }
0x7c: {  	[tilespmem:s19], [sflag:$0x1] =	stream.linear.gather [hbm4b:s7+s12], $0x400, $0x38;
	[tilespmem:$0x1A200] =	vst v63  }
0x7d: {  	s7 =	sand.u32 $0x1FFFFF80, s20  }
0x7e: {  	s21 =	simm.s32 $0xA600;
	s7 =	sadd.s32 s2, s7  }
0x7f: {  	[tilespmem:s21], [sflag:$0x1] =	stream.linear.gather [hbm4b:s7+s12], $0x400, $0x38;
	[tilespmem:$0x1A200] =	vst v63  }
0x80: {  	s20 =	spop (v2sf);
	(v2sf) =	vpush v63, $0x8  }
0x81: {  	s7 =	sand.u32 $0x1FFFFF80, s13;
	s13 =	spop (v2sf);
	(v2sf) =	vpush v4, $0x8;
	_ =	sdelay $0x2  }
0x82: {  	s15 =	simm.s32 $0x12600;
	s7 =	sadd.s32 s4, s7  }
0x83: {  	[tilespmem:s15], [sflag:$0x1] =	stream.linear.gather [hbm4b:s7+s12], $0x400, $0x38;
	[tilespmem:$0x1A200] =	vst v63  }
0x84: {  	s7 =	sand.u32 $0x1FFFFF80, s16  }
0x85: {  	s17 =	simm.s32 $0x2A00;
	s7 =	sadd.s32 s4, s7;
	s16 =	spop (v2sf);
	(v2sf) =	vpush v3, $0x8  }
0x86: {  	[tilespmem:s17], [sflag:$0x1] =	stream.linear.gather [hbm4b:s7+s12], $0x400, $0x38;
	[tilespmem:$0x1A200] =	vst v63  }
0x87: {  	s7 =	sand.u32 $0x1FFFFF80, s18;
	s18 =	spop (v2sf);
	(v2sf) =	vpush v63, $0x9  }
0x88: {  	s19 =	simm.s32 $0xAA00;
	s7 =	sadd.s32 s2, s7  }
0x89: {  	[tilespmem:s19], [sflag:$0x1] =	stream.linear.gather [hbm4b:s7+s12], $0x400, $0x38;
	[tilespmem:$0x1A200] =	vst v63  }
0x8a: {  	s7 =	sand.u32 $0x1FFFFF80, s20  }
0x8b: {  	s21 =	simm.s32 $0x12A00;
	s7 =	sadd.s32 s4, s7  }
0x8c: {  	[tilespmem:s21], [sflag:$0x1] =	stream.linear.gather [hbm4b:s7+s12], $0x400, $0x38;
	[tilespmem:$0x1A200] =	vst v63  }
0x8d: {  	s20 =	spop (v2sf);
	(v2sf) =	vpush v4, $0x9  }
0x8e: {  	s7 =	sand.u32 $0x1FFFFF80, s13;
	s13 =	spop (v2sf);
	(v2sf) =	vpush v3, $0x9;
	_ =	sdelay $0x2  }
0x8f: {  	s15 =	simm.s32 $0x2E00;
	s7 =	sadd.s32 s4, s7  }
0x90: {  	[tilespmem:s15], [sflag:$0x1] =	stream.linear.gather [hbm4b:s7+s12], $0x400, $0x38;
	[tilespmem:$0x1A200] =	vst v63  }
0x91: {  	s7 =	sand.u32 $0x1FFFFF80, s16  }
0x92: {  	s17 =	simm.s32 $0xAE00;
	s7 =	sadd.s32 s2, s7;
	s16 =	spop (v2sf);
	(v2sf) =	vpush v63, $0xA  }
0x93: {  	[tilespmem:s17], [sflag:$0x1] =	stream.linear.gather [hbm4b:s7+s12], $0x400, $0x38;
	[tilespmem:$0x1A200] =	vst v63  }
0x94: {  	s7 =	sand.u32 $0x1FFFFF80, s18;
	s18 =	spop (v2sf);
	(v2sf) =	vpush v4, $0xA  }
0x95: {  	s19 =	simm.s32 $0x12E00;
	s7 =	sadd.s32 s4, s7  }
0x96: {  	[tilespmem:s19], [sflag:$0x1] =	stream.linear.gather [hbm4b:s7+s12], $0x400, $0x38;
	[tilespmem:$0x1A200] =	vst v63  }
0x97: {  	s7 =	sand.u32 $0x1FFFFF80, s20  }
0x98: {  	s21 =	simm.s32 $0x3200;
	s7 =	sadd.s32 s4, s7  }
0x99: {  	[tilespmem:s21], [sflag:$0x1] =	stream.linear.gather [hbm4b:s7+s12], $0x400, $0x38;
	[tilespmem:$0x1A200] =	vst v63  }
0x9a: {  	s7 =	sand.u32 $0x1FFFFF80, s13;
	s20 =	spop (v2sf);
	(v2sf) =	vpush v3, $0xA  }
0x9b: {  	s15 =	simm.s32 $0xB200;
	s7 =	sadd.s32 s2, s7;
	s13 =	spop (v2sf);
	(v2sf) =	vpush v63, $0xB  }
0x9c: {  	[tilespmem:s15], [sflag:$0x1] =	stream.linear.gather [hbm4b:s7+s12], $0x400, $0x38;
	[tilespmem:$0x1A200] =	vst v63  }
0x9d: {  	s7 =	sand.u32 $0x1FFFFF80, s16  }
0x9e: {  	s17 =	simm.s32 $0x13200;
	s7 =	sadd.s32 s4, s7  }
0x9f: {  	[tilespmem:s17], [sflag:$0x1] =	stream.linear.gather [hbm4b:s7+s12], $0x400, $0x38;
	[tilespmem:$0x1A200] =	vst v63  }
0xa0: {  	s7 =	sand.u32 $0x1FFFFF80, s18  }
0xa1: {  	s19 =	simm.s32 $0x3600;
	s7 =	sadd.s32 s4, s7;
	s16 =	spop (v2sf);
	(v2sf) =	vpush v4, $0xB  }
0xa2: {  	[tilespmem:s19], [sflag:$0x1] =	stream.linear.gather [hbm4b:s7+s12], $0x400, $0x38;
	[tilespmem:$0x1A200] =	vst v63  }
0xa3: {  	s7 =	sand.u32 $0x1FFFFF80, s20;
	s18 =	spop (v2sf);
	(v2sf) =	vpush v3, $0xB  }
0xa4: {  	s21 =	simm.s32 $0xB600;
	s7 =	sadd.s32 s2, s7  }
0xa5: {  	[tilespmem:s21], [sflag:$0x1] =	stream.linear.gather [hbm4b:s7+s12], $0x400, $0x38;
	[tilespmem:$0x1A200] =	vst v63  }
0xa6: {  	s7 =	sand.u32 $0x1FFFFF80, s13  }
0xa7: {  	s15 =	simm.s32 $0x13600;
	s7 =	sadd.s32 s4, s7  }
0xa8: {  	[tilespmem:s15], [sflag:$0x1] =	stream.linear.gather [hbm4b:s7+s12], $0x400, $0x38;
	[tilespmem:$0x1A200] =	vst v63  }
0xa9: {  	s7 =	sand.u32 $0x1FFFFF80, s16;
	s20 =	spop (v2sf);
	(v2sf) =	vpush v63, $0xC  }
0xaa: {  	s17 =	simm.s32 $0x3A00;
	s7 =	sadd.s32 s4, s7;
	s13 =	spop (v2sf);
	(v2sf) =	vpush v4, $0xC  }
0xab: {  	[tilespmem:s17], [sflag:$0x1] =	stream.linear.gather [hbm4b:s7+s12], $0x400, $0x38;
	[tilespmem:$0x1A200] =	vst v63  }
0xac: {  	s7 =	sand.u32 $0x1FFFFF80, s18  }
0xad: {  	s19 =	simm.s32 $0xBA00;
	s7 =	sadd.s32 s2, s7  }
0xae: {  	[tilespmem:s19], [sflag:$0x1] =	stream.linear.gather [hbm4b:s7+s12], $0x400, $0x38;
	[tilespmem:$0x1A200] =	vst v63  }
0xaf: {  	s7 =	sand.u32 $0x1FFFFF80, s20  }
0xb0: {  	s21 =	simm.s32 $0x13A00;
	s7 =	sadd.s32 s4, s7;
	s16 =	spop (v2sf);
	(v2sf) =	vpush v3, $0xC  }
0xb1: {  	[tilespmem:s21], [sflag:$0x1] =	stream.linear.gather [hbm4b:s7+s12], $0x400, $0x38;
	[tilespmem:$0x1A200] =	vst v63  }
0xb2: {  	s7 =	sand.u32 $0x1FFFFF80, s13;
	s18 =	spop (v2sf);
	(v2sf) =	vpush v63, $0xD  }
0xb3: {  	s15 =	simm.s32 $0x3E00;
	s7 =	sadd.s32 s4, s7  }
0xb4: {  	[tilespmem:s15], [sflag:$0x1] =	stream.linear.gather [hbm4b:s7+s12], $0x400, $0x38;
	[tilespmem:$0x1A200] =	vst v63  }
0xb5: {  	s7 =	sand.u32 $0x1FFFFF80, s16  }
0xb6: {  	s17 =	simm.s32 $0xBE00;
	s7 =	sadd.s32 s2, s7  }
0xb7: {  	[tilespmem:s17], [sflag:$0x1] =	stream.linear.gather [hbm4b:s7+s12], $0x400, $0x38;
	[tilespmem:$0x1A200] =	vst v63  }
0xb8: {  	s7 =	sand.u32 $0x1FFFFF80, s18;
	s20 =	spop (v2sf);
	(v2sf) =	vpush v4, $0xD  }
0xb9: {  	s19 =	simm.s32 $0x13E00;
	s7 =	sadd.s32 s4, s7;
	s15 =	spop (v2sf);
	(v2sf) =	vpush v3, $0xD  }
0xba: {  	[tilespmem:s19], [sflag:$0x1] =	stream.linear.gather [hbm4b:s7+s12], $0x400, $0x38;
	[tilespmem:$0x1A200] =	vst v63  }
0xbb: {  	s7 =	sand.u32 $0x1FFFFF80, s20  }
0xbc: {  	s21 =	simm.s32 $0x4200;
	s7 =	sadd.s32 s4, s7  }
0xbd: {  	[tilespmem:s21], [sflag:$0x1] =	stream.linear.gather [hbm4b:s7+s12], $0x400, $0x38;
	[tilespmem:$0x1A200] =	vst v63  }
0xbe: {  	(v2sf) =	vpush v63, $0xE;
	s7 =	sand.u32 $0x1FFFFF80, s15  }
0xbf: {  	s16 =	spop (v2sf);
	s7 =	sadd.s32 s2, s7  }
0xc0: {  	(v2sf) =	vpush v4, $0xE;
	[tilespmem:s22], [sflag:$0x1] =	stream.linear.gather [hbm4b:s7+s12], $0x400, $0x38;
	[tilespmem:$0x1A200] =	vst v63  }
0xc1: {  	s7 =	sand.u32 $0x1FFFFF80, s16;
	s17 =	spop (v2sf);
	(v2sf) =	vpush v3, $0xE  }
0xc2: {  	s7 =	sadd.s32 s4, s7  }
0xc3: {  	[tilespmem:s23], [sflag:$0x1] =	stream.linear.gather [hbm4b:s7+s12], $0x400, $0x38;
	[tilespmem:$0x1A200] =	vst v63  }
0xc4: {  	s7 =	sand.u32 $0x1FFFFF80, s17  }
0xc5: {  	s7 =	sadd.s32 s4, s7  }
0xc6: {  	[tilespmem:s24], [sflag:$0x1] =	stream.linear.gather [hbm4b:s7+s12], $0x400, $0x38;
	[tilespmem:$0x1A200] =	vst v63  }
0xc7: {  	s18 =	spop (v2sf);
	(v2sf) =	vpush v63, $0xF  }
0xc8: {  	s19 =	spop (v2sf);
	(v2sf) =	vpush v4, $0xF  }
0xc9: {  	s7 =	sand.u32 $0x1FFFFF80, s18  }
0xca: {  	s7 =	sadd.s32 s2, s7  }
0xcb: {  	[tilespmem:s25], [sflag:$0x1] =	stream.linear.gather [hbm4b:s7+s12], $0x400, $0x38;
	[tilespmem:$0x1A200] =	vst v63  }
0xcc: {  	s7 =	sand.u32 $0x1FFFFF80, s19  }
0xcd: {  	s20 =	spop (v2sf);
	(v2sf) =	vpush v3, $0xF;
	s7 =	sadd.s32 s4, s7  }
0xce: {  	[tilespmem:s26], [sflag:$0x1] =	stream.linear.gather [hbm4b:s7+s12], $0x400, $0x38;
	[tilespmem:$0x1A200] =	vst v63  }
0xcf: {  	s21 =	spop (v2sf);
	s7 =	sand.u32 $0x1FFFFF80, s20  }
0xd0: {  	s13 =	sand.u32 $0x1FFFFF80, s21;
	s7 =	sadd.s32 s4, s7;
	s15 =	spop (v2sf)  }
0xd1: {  	[tilespmem:s28], [sflag:$0x1] =	stream.linear.gather [hbm4b:s7+s12], $0x400, $0x38;
	[tilespmem:$0x1A200] =	vst v63  }
0xd2: {  	s7 =	sadd.s32 s2, s13;
	s16 =	sand.u32 $0x1FFFFF80, s15  }
0xd3: {  	[tilespmem:s29], [sflag:$0x1] =	stream.linear.gather [hbm4b:s7+s12], $0x400, $0x38;
	[tilespmem:$0x1A200] =	vst v63  }
0xd4: {  	s7 =	sadd.s32 s4, s16  }
0xd5: {  	[tilespmem:s30], [sflag:$0x1] =	stream.linear.gather [hbm4b:s7+s12], $0x400, $0x38;
	[tilespmem:$0x1A200] =	vst v63  }
0xd6: {  	s17 =	spop (v2sf)  }
0xd7: {  	s18 =	sand.u32 $0x1FFFFF80, s17;
	s19 =	spop (v2sf)  }
0xd8: {  	s7 =	sadd.s32 s4, s18;
	s20 =	sand.u32 $0x1FFFFF80, s19  }
0xd9: {  	[tilespmem:s31], [sflag:$0x1] =	stream.linear.gather [hbm4b:s7+s12], $0x400, $0x38;
	[tilespmem:$0x1A200] =	vst v63  }
0xda: {  	s7 =	sadd.s32 s2, s20  }
0xdb: {  	[tilespmem:s1], [sflag:$0x1] =	stream.linear.gather [hbm4b:s7+s12], $0x400, $0x38;
	[tilespmem:$0x1A200] =	vst v63  }
.Ltmp3:
0xdc: {  	s21 =	spop (v2sf);
	(pc) =	sbr.rel .LBB2_4-.Ltmp3, $4  }
0xdd: {  	s7 =	sand.u32 $0x1FFFFF80, s21  }
0xde: {  	s7 =	sadd.s32 s4, s7  }
0xdf: {  	[tilespmem:s0], [sflag:$0x1] =	stream.linear.gather [hbm4b:s7+s12], $0x400, $0x38;
	[tilespmem:$0x1A200] =	vst v63  }
0xe0: {  	s13 =	simm.s32 $0x4000;
	s15 =	simm.s32 $0x0;
	s7 =	smov.u32 s14  }
.LBB2_6:
0xe1: {  	_ =	swait.ge [sflag:s9], $0x4000  }
0xe2: {  	[sflag:s9] =	ssyncset.done $0x0  }
0xe3: {  	[sflag:s9] =	ssyncadd.s32 $0xFFFFC000  }
0xe4: {  	_ =	swait.ge [sflag:s9], $0x4000  }
0xe5: {  	[sflag:s9] =	ssyncset.done $0x0  }
0xe6: {  	[sflag:s9] =	ssyncadd.s32 $0xFFFFC000  }
0xe7: {  	_ =	swait.ge [sflag:s9], $0x4000  }
0xe8: {  	[sflag:s9] =	ssyncset.done $0x0  }
0xe9: {  	s16 =	sshra.s32 s12, $0x2;
	[sflag:s9] =	ssyncadd.s32 $0xFFFFC000  }
0xea: {  	v3 =	vld [tilespmem:s16+$0xC00]  }
0xeb: {  	v4 =	vld [tilespmem:s16+$0xE00];
	_ =	sdelay $0x1  }
0xec: {  	v5 =	vld [tilespmem:s16+$0x1000];
	_ =	sdelay $0x1  }
0xed: {  	v3 =	vshll.u32 v3, $0x9  }
0xee: {  	v4 =	vshll.u32 v4, $0x9;
	v3 =	vshra.s32 v3, $0x2  }
0xef: {  	v4 =	vshra.s32 v4, $0x2;
	(v2sf) =	vpush v3, $0x0  }
0xf0: {  	v5 =	vshll.u32 v5, $0x9;
	(v2sf) =	vpush v4, $0x0  }
0xf1: {  	v5 =	vshra.s32 v5, $0x2  }
0xf2: {  	(v2sf) =	vpush v5, $0x0;
	_ =	sdelay $0xa  }
0xf3: {  	s21 =	sand.u32 $0x1, s15  }
0xf4: {  	s17 =	sshll.u32 s21, $0xE;
	s18 =	spop (v2sf)  }
0xf5: {  	s18 =	sadd.s32 s18, s17;
	s19 =	spop (v2sf)  }
0xf6: {  	v6 =	vld [tilespmem:s18+$0x1200];
	s19 =	sadd.s32 s19, s17  }
0xf7: {  	s20 =	spop (v2sf);
	v7 =	vld [tilespmem:s19+$0x9200]  }
0xf8: {  	s20 =	sadd.s32 s20, s17  }
0xf9: {  	v8 =	vld [tilespmem:s20+$0x11200];
	_ =	sdelay $0x2  }
0xfa: {  	v6 =	vmul.f32 v7, v6;
	_ =	sdelay $0x1  }
0xfb: {  	v6 =	vmul.f32 v8, v6  }
0xfc: {  	s16 =	sshll.u32 s21, $0xB  }
0xfd: {  	[tilespmem:s16+$0x19200] =	vst v6  }
0xfe: {  	v6 =	vld [tilespmem:s18+$0x1210]  }
0xff: {  	v42 =	vld [tilespmem:s19+$0x9210]  }
0x100: {  	s20 =	sadd.s32 $0x11200, s20  }
0x101: {  	v43 =	vld [tilespmem:s20+$0x10];
	_ =	sdelay $0x2  }
0x102: {  	v6 =	vmul.f32 v42, v6;
	_ =	sdelay $0x1  }
0x103: {  	v6 =	vmul.f32 v43, v6;
	_ =	sdelay $0x1  }
0x104: {  	[tilespmem:s16+$0x19210] =	vst v6  }
0x105: {  	v6 =	vld [tilespmem:s18+$0x1220]  }
0x106: {  	v44 =	vld [tilespmem:s19+$0x9220];
	_ =	sdelay $0x1  }
0x107: {  	v45 =	vld [tilespmem:s20+$0x20];
	_ =	sdelay $0x1  }
0x108: {  	(v2sf) =	vpush v3, $0x1  }
0x109: {  	(v2sf) =	vpush v4, $0x1;
	v6 =	vmul.f32 v44, v6;
	_ =	sdelay $0x1  }
0x10a: {  	(v2sf) =	vpush v5, $0x1;
	v6 =	vmul.f32 v45, v6;
	_ =	sdelay $0x1  }
0x10b: {  	[tilespmem:s16+$0x19220] =	vst v6  }
0x10c: {  	v6 =	vld [tilespmem:s18+$0x1230]  }
0x10d: {  	v46 =	vld [tilespmem:s19+$0x9230];
	_ =	sdelay $0x1  }
0x10e: {  	v47 =	vld [tilespmem:s20+$0x30];
	_ =	sdelay $0x2  }
0x10f: {  	v6 =	vmul.f32 v46, v6;
	_ =	sdelay $0x1  }
0x110: {  	v6 =	vmul.f32 v47, v6  }
0x111: {  	s18 =	sor.u32 $0x400, s17;
	s20 =	spop (v2sf)  }
0x112: {  	s19 =	sadd.s32 s20, s18;
	s21 =	spop (v2sf);
	[tilespmem:s16+$0x19230] =	vst v6  }
0x113: {  	s20 =	sadd.s32 s21, s18;
	v6 =	vld [tilespmem:s19+$0x1200]  }
0x114: {  	s21 =	spop (v2sf);
	v48 =	vld [tilespmem:s20+$0x9200]  }
0x115: {  	s18 =	sadd.s32 s21, s18  }
0x116: {  	v49 =	vld [tilespmem:s18+$0x11200];
	_ =	sdelay $0x2  }
0x117: {  	v6 =	vmul.f32 v48, v6;
	_ =	sdelay $0x1  }
0x118: {  	v6 =	vmul.f32 v49, v6;
	_ =	sdelay $0x1  }
0x119: {  	[tilespmem:s16+$0x19280] =	vst v6  }
0x11a: {  	v6 =	vld [tilespmem:s19+$0x1210]  }
0x11b: {  	v50 =	vld [tilespmem:s20+$0x9210]  }
0x11c: {  	s18 =	sadd.s32 $0x11200, s18  }
0x11d: {  	v51 =	vld [tilespmem:s18+$0x10];
	_ =	sdelay $0x2  }
0x11e: {  	v6 =	vmul.f32 v50, v6;
	_ =	sdelay $0x1  }
0x11f: {  	v6 =	vmul.f32 v51, v6;
	_ =	sdelay $0x1  }
0x120: {  	[tilespmem:s16+$0x19290] =	vst v6  }
0x121: {  	v6 =	vld [tilespmem:s19+$0x1220]  }
0x122: {  	v52 =	vld [tilespmem:s20+$0x9220];
	_ =	sdelay $0x1  }
0x123: {  	v53 =	vld [tilespmem:s18+$0x20];
	_ =	sdelay $0x1  }
0x124: {  	(v2sf) =	vpush v3, $0x2  }
0x125: {  	(v2sf) =	vpush v4, $0x2;
	v6 =	vmul.f32 v52, v6;
	_ =	sdelay $0x1  }
0x126: {  	(v2sf) =	vpush v5, $0x2;
	v6 =	vmul.f32 v53, v6;
	_ =	sdelay $0x1  }
0x127: {  	[tilespmem:s16+$0x192A0] =	vst v6  }
0x128: {  	v6 =	vld [tilespmem:s19+$0x1230]  }
0x129: {  	v54 =	vld [tilespmem:s20+$0x9230];
	_ =	sdelay $0x1  }
0x12a: {  	v55 =	vld [tilespmem:s18+$0x30];
	_ =	sdelay $0x2  }
0x12b: {  	v6 =	vmul.f32 v54, v6;
	_ =	sdelay $0x1  }
0x12c: {  	v6 =	vmul.f32 v55, v6  }
0x12d: {  	s18 =	sor.u32 $0x800, s17;
	s20 =	spop (v2sf)  }
0x12e: {  	s19 =	sadd.s32 s20, s18;
	s21 =	spop (v2sf);
	[tilespmem:s16+$0x192B0] =	vst v6  }
0x12f: {  	s20 =	sadd.s32 s21, s18;
	v6 =	vld [tilespmem:s19+$0x1200]  }
0x130: {  	s21 =	spop (v2sf);
	v56 =	vld [tilespmem:s20+$0x9200]  }
0x131: {  	s18 =	sadd.s32 s21, s18  }
0x132: {  	v57 =	vld [tilespmem:s18+$0x11200];
	_ =	sdelay $0x2  }
0x133: {  	v6 =	vmul.f32 v56, v6;
	_ =	sdelay $0x1  }
0x134: {  	v6 =	vmul.f32 v57, v6;
	_ =	sdelay $0x1  }
0x135: {  	[tilespmem:s16+$0x19300] =	vst v6  }
0x136: {  	v6 =	vld [tilespmem:s19+$0x1210]  }
0x137: {  	v58 =	vld [tilespmem:s20+$0x9210]  }
0x138: {  	s18 =	sadd.s32 $0x11200, s18  }
0x139: {  	v59 =	vld [tilespmem:s18+$0x10];
	_ =	sdelay $0x2  }
0x13a: {  	v6 =	vmul.f32 v58, v6;
	_ =	sdelay $0x1  }
0x13b: {  	v6 =	vmul.f32 v59, v6;
	_ =	sdelay $0x1  }
0x13c: {  	[tilespmem:s16+$0x19310] =	vst v6  }
0x13d: {  	v6 =	vld [tilespmem:s19+$0x1220]  }
0x13e: {  	v60 =	vld [tilespmem:s20+$0x9220];
	_ =	sdelay $0x1  }
0x13f: {  	v61 =	vld [tilespmem:s18+$0x20];
	_ =	sdelay $0x1  }
0x140: {  	(v2sf) =	vpush v3, $0x3  }
0x141: {  	(v2sf) =	vpush v4, $0x3;
	v6 =	vmul.f32 v60, v6;
	_ =	sdelay $0x1  }
0x142: {  	(v2sf) =	vpush v5, $0x3;
	v6 =	vmul.f32 v61, v6;
	_ =	sdelay $0x1  }
0x143: {  	[tilespmem:s16+$0x19320] =	vst v6  }
0x144: {  	v6 =	vld [tilespmem:s19+$0x1230]  }
0x145: {  	v62 =	vld [tilespmem:s20+$0x9230];
	_ =	sdelay $0x1  }
0x146: {  	v63 =	vld [tilespmem:s18+$0x30];
	_ =	sdelay $0x2  }
0x147: {  	v6 =	vmul.f32 v62, v6;
	_ =	sdelay $0x1  }
0x148: {  	v6 =	vmul.f32 v63, v6  }
0x149: {  	s18 =	sor.u32 $0xC00, s17;
	s20 =	spop (v2sf)  }
0x14a: {  	s19 =	sadd.s32 s20, s18;
	s21 =	spop (v2sf);
	[tilespmem:s16+$0x19330] =	vst v6  }
0x14b: {  	s20 =	sadd.s32 s21, s18;
	v6 =	vld [tilespmem:s19+$0x1200]  }
0x14c: {  	s21 =	spop (v2sf);
	v12 =	vld [tilespmem:s20+$0x9200]  }
0x14d: {  	s18 =	sadd.s32 s21, s18  }
0x14e: {  	v13 =	vld [tilespmem:s18+$0x11200];
	_ =	sdelay $0x2  }
0x14f: {  	v6 =	vmul.f32 v12, v6;
	_ =	sdelay $0x1  }
0x150: {  	v6 =	vmul.f32 v13, v6;
	_ =	sdelay $0x1  }
0x151: {  	[tilespmem:s16+$0x19380] =	vst v6  }
0x152: {  	v6 =	vld [tilespmem:s19+$0x1210]  }
0x153: {  	v14 =	vld [tilespmem:s20+$0x9210]  }
0x154: {  	s18 =	sadd.s32 $0x11200, s18  }
0x155: {  	v15 =	vld [tilespmem:s18+$0x10];
	_ =	sdelay $0x2  }
0x156: {  	v6 =	vmul.f32 v14, v6;
	_ =	sdelay $0x1  }
0x157: {  	v6 =	vmul.f32 v15, v6;
	_ =	sdelay $0x1  }
0x158: {  	[tilespmem:s16+$0x19390] =	vst v6  }
0x159: {  	v6 =	vld [tilespmem:s19+$0x1220]  }
0x15a: {  	v16 =	vld [tilespmem:s20+$0x9220];
	_ =	sdelay $0x1  }
0x15b: {  	v17 =	vld [tilespmem:s18+$0x20];
	_ =	sdelay $0x1  }
0x15c: {  	(v2sf) =	vpush v3, $0x4  }
0x15d: {  	(v2sf) =	vpush v4, $0x4;
	v6 =	vmul.f32 v16, v6;
	_ =	sdelay $0x1  }
0x15e: {  	(v2sf) =	vpush v5, $0x4;
	v6 =	vmul.f32 v17, v6;
	_ =	sdelay $0x1  }
0x15f: {  	[tilespmem:s16+$0x193A0] =	vst v6  }
0x160: {  	v6 =	vld [tilespmem:s19+$0x1230]  }
0x161: {  	v18 =	vld [tilespmem:s20+$0x9230];
	_ =	sdelay $0x1  }
0x162: {  	v19 =	vld [tilespmem:s18+$0x30];
	_ =	sdelay $0x2  }
0x163: {  	v6 =	vmul.f32 v18, v6;
	_ =	sdelay $0x1  }
0x164: {  	v6 =	vmul.f32 v19, v6  }
0x165: {  	s18 =	sor.u32 $0x1000, s17;
	s20 =	spop (v2sf)  }
0x166: {  	s19 =	sadd.s32 s20, s18;
	s21 =	spop (v2sf);
	[tilespmem:s16+$0x193B0] =	vst v6  }
0x167: {  	s20 =	sadd.s32 s21, s18;
	v6 =	vld [tilespmem:s19+$0x1200]  }
0x168: {  	s21 =	spop (v2sf);
	v20 =	vld [tilespmem:s20+$0x9200]  }
0x169: {  	s18 =	sadd.s32 s21, s18  }
0x16a: {  	v21 =	vld [tilespmem:s18+$0x11200];
	_ =	sdelay $0x2  }
0x16b: {  	v6 =	vmul.f32 v20, v6;
	_ =	sdelay $0x1  }
0x16c: {  	v6 =	vmul.f32 v21, v6;
	_ =	sdelay $0x1  }
0x16d: {  	[tilespmem:s16+$0x19400] =	vst v6  }
0x16e: {  	v6 =	vld [tilespmem:s19+$0x1210]  }
0x16f: {  	v22 =	vld [tilespmem:s20+$0x9210]  }
0x170: {  	s18 =	sadd.s32 $0x11200, s18  }
0x171: {  	v23 =	vld [tilespmem:s18+$0x10];
	_ =	sdelay $0x2  }
0x172: {  	v6 =	vmul.f32 v22, v6;
	_ =	sdelay $0x1  }
0x173: {  	v6 =	vmul.f32 v23, v6;
	_ =	sdelay $0x1  }
0x174: {  	[tilespmem:s16+$0x19410] =	vst v6  }
0x175: {  	v6 =	vld [tilespmem:s19+$0x1220]  }
0x176: {  	v24 =	vld [tilespmem:s20+$0x9220];
	_ =	sdelay $0x1  }
0x177: {  	v25 =	vld [tilespmem:s18+$0x20];
	_ =	sdelay $0x1  }
0x178: {  	(v2sf) =	vpush v3, $0x5  }
0x179: {  	(v2sf) =	vpush v4, $0x5;
	v6 =	vmul.f32 v24, v6;
	_ =	sdelay $0x1  }
0x17a: {  	(v2sf) =	vpush v5, $0x5;
	v6 =	vmul.f32 v25, v6;
	_ =	sdelay $0x1  }
0x17b: {  	[tilespmem:s16+$0x19420] =	vst v6  }
0x17c: {  	v6 =	vld [tilespmem:s19+$0x1230]  }
0x17d: {  	v26 =	vld [tilespmem:s20+$0x9230];
	_ =	sdelay $0x1  }
0x17e: {  	v27 =	vld [tilespmem:s18+$0x30];
	_ =	sdelay $0x2  }
0x17f: {  	v6 =	vmul.f32 v26, v6;
	_ =	sdelay $0x1  }
0x180: {  	v6 =	vmul.f32 v27, v6  }
0x181: {  	s18 =	sor.u32 $0x1400, s17;
	s20 =	spop (v2sf)  }
0x182: {  	s19 =	sadd.s32 s20, s18;
	s21 =	spop (v2sf);
	[tilespmem:s16+$0x19430] =	vst v6  }
0x183: {  	s20 =	sadd.s32 s21, s18;
	v6 =	vld [tilespmem:s19+$0x1200]  }
0x184: {  	s21 =	spop (v2sf);
	v28 =	vld [tilespmem:s20+$0x9200]  }
0x185: {  	s18 =	sadd.s32 s21, s18  }
0x186: {  	v29 =	vld [tilespmem:s18+$0x11200];
	_ =	sdelay $0x2  }
0x187: {  	v6 =	vmul.f32 v28, v6;
	_ =	sdelay $0x1  }
0x188: {  	v6 =	vmul.f32 v29, v6;
	_ =	sdelay $0x1  }
0x189: {  	[tilespmem:s16+$0x19480] =	vst v6  }
0x18a: {  	v6 =	vld [tilespmem:s19+$0x1210]  }
0x18b: {  	v30 =	vld [tilespmem:s20+$0x9210]  }
0x18c: {  	s18 =	sadd.s32 $0x11200, s18  }
0x18d: {  	v31 =	vld [tilespmem:s18+$0x10];
	_ =	sdelay $0x2  }
0x18e: {  	v6 =	vmul.f32 v30, v6;
	_ =	sdelay $0x1  }
0x18f: {  	v6 =	vmul.f32 v31, v6;
	_ =	sdelay $0x1  }
0x190: {  	[tilespmem:s16+$0x19490] =	vst v6  }
0x191: {  	v6 =	vld [tilespmem:s19+$0x1220]  }
0x192: {  	v32 =	vld [tilespmem:s20+$0x9220];
	_ =	sdelay $0x1  }
0x193: {  	v33 =	vld [tilespmem:s18+$0x20];
	_ =	sdelay $0x1  }
0x194: {  	(v2sf) =	vpush v3, $0x6  }
0x195: {  	(v2sf) =	vpush v4, $0x6;
	v6 =	vmul.f32 v32, v6;
	_ =	sdelay $0x1  }
0x196: {  	(v2sf) =	vpush v5, $0x6;
	v6 =	vmul.f32 v33, v6;
	_ =	sdelay $0x1  }
0x197: {  	[tilespmem:s16+$0x194A0] =	vst v6  }
0x198: {  	v6 =	vld [tilespmem:s19+$0x1230]  }
0x199: {  	v34 =	vld [tilespmem:s20+$0x9230];
	_ =	sdelay $0x1  }
0x19a: {  	v35 =	vld [tilespmem:s18+$0x30];
	_ =	sdelay $0x2  }
0x19b: {  	v6 =	vmul.f32 v34, v6;
	_ =	sdelay $0x1  }
0x19c: {  	v6 =	vmul.f32 v35, v6  }
0x19d: {  	s18 =	sor.u32 $0x1800, s17;
	s20 =	spop (v2sf)  }
0x19e: {  	s19 =	sadd.s32 s20, s18;
	s21 =	spop (v2sf);
	[tilespmem:s16+$0x194B0] =	vst v6  }
0x19f: {  	s20 =	sadd.s32 s21, s18;
	v6 =	vld [tilespmem:s19+$0x1200]  }
0x1a0: {  	s21 =	spop (v2sf);
	v36 =	vld [tilespmem:s20+$0x9200]  }
0x1a1: {  	s18 =	sadd.s32 s21, s18  }
0x1a2: {  	v37 =	vld [tilespmem:s18+$0x11200];
	_ =	sdelay $0x2  }
0x1a3: {  	v6 =	vmul.f32 v36, v6;
	_ =	sdelay $0x1  }
0x1a4: {  	v6 =	vmul.f32 v37, v6;
	_ =	sdelay $0x1  }
0x1a5: {  	[tilespmem:s16+$0x19500] =	vst v6  }
0x1a6: {  	v6 =	vld [tilespmem:s19+$0x1210]  }
0x1a7: {  	v38 =	vld [tilespmem:s20+$0x9210]  }
0x1a8: {  	s18 =	sadd.s32 $0x11200, s18  }
0x1a9: {  	v39 =	vld [tilespmem:s18+$0x10];
	_ =	sdelay $0x2  }
0x1aa: {  	v6 =	vmul.f32 v38, v6;
	_ =	sdelay $0x1  }
0x1ab: {  	v6 =	vmul.f32 v39, v6;
	_ =	sdelay $0x1  }
0x1ac: {  	[tilespmem:s16+$0x19510] =	vst v6  }
0x1ad: {  	v6 =	vld [tilespmem:s19+$0x1220]  }
0x1ae: {  	v40 =	vld [tilespmem:s20+$0x9220];
	_ =	sdelay $0x1  }
0x1af: {  	v41 =	vld [tilespmem:s18+$0x20];
	_ =	sdelay $0x1  }
0x1b0: {  	(v2sf) =	vpush v3, $0x7  }
0x1b1: {  	(v2sf) =	vpush v4, $0x7;
	v6 =	vmul.f32 v40, v6;
	_ =	sdelay $0x1  }
0x1b2: {  	(v2sf) =	vpush v5, $0x7;
	v6 =	vmul.f32 v41, v6;
	_ =	sdelay $0x1  }
0x1b3: {  	[tilespmem:s16+$0x19520] =	vst v6  }
0x1b4: {  	v6 =	vld [tilespmem:s19+$0x1230]  }
0x1b5: {  	v42 =	vld [tilespmem:s20+$0x9230];
	_ =	sdelay $0x1  }
0x1b6: {  	v43 =	vld [tilespmem:s18+$0x30];
	_ =	sdelay $0x2  }
0x1b7: {  	v6 =	vmul.f32 v42, v6;
	_ =	sdelay $0x1  }
0x1b8: {  	v6 =	vmul.f32 v43, v6  }
0x1b9: {  	s18 =	sor.u32 $0x1C00, s17;
	s20 =	spop (v2sf)  }
0x1ba: {  	s19 =	sadd.s32 s20, s18;
	s21 =	spop (v2sf);
	[tilespmem:s16+$0x19530] =	vst v6  }
0x1bb: {  	s20 =	sadd.s32 s21, s18;
	v6 =	vld [tilespmem:s19+$0x1200]  }
0x1bc: {  	s21 =	spop (v2sf);
	v44 =	vld [tilespmem:s20+$0x9200]  }
0x1bd: {  	s18 =	sadd.s32 s21, s18  }
0x1be: {  	v45 =	vld [tilespmem:s18+$0x11200];
	_ =	sdelay $0x2  }
0x1bf: {  	v6 =	vmul.f32 v44, v6;
	_ =	sdelay $0x1  }
0x1c0: {  	v6 =	vmul.f32 v45, v6;
	_ =	sdelay $0x1  }
0x1c1: {  	[tilespmem:s16+$0x19580] =	vst v6  }
0x1c2: {  	v6 =	vld [tilespmem:s19+$0x1210]  }
0x1c3: {  	v46 =	vld [tilespmem:s20+$0x9210]  }
0x1c4: {  	s18 =	sadd.s32 $0x11200, s18  }
0x1c5: {  	v47 =	vld [tilespmem:s18+$0x10];
	_ =	sdelay $0x2  }
0x1c6: {  	v6 =	vmul.f32 v46, v6;
	_ =	sdelay $0x1  }
0x1c7: {  	v6 =	vmul.f32 v47, v6;
	_ =	sdelay $0x1  }
0x1c8: {  	[tilespmem:s16+$0x19590] =	vst v6  }
0x1c9: {  	v6 =	vld [tilespmem:s19+$0x1220]  }
0x1ca: {  	v48 =	vld [tilespmem:s20+$0x9220];
	_ =	sdelay $0x1  }
0x1cb: {  	v49 =	vld [tilespmem:s18+$0x20];
	_ =	sdelay $0x1  }
0x1cc: {  	(v2sf) =	vpush v3, $0x8  }
0x1cd: {  	(v2sf) =	vpush v4, $0x8;
	v6 =	vmul.f32 v48, v6;
	_ =	sdelay $0x1  }
0x1ce: {  	(v2sf) =	vpush v5, $0x8;
	v6 =	vmul.f32 v49, v6;
	_ =	sdelay $0x1  }
0x1cf: {  	[tilespmem:s16+$0x195A0] =	vst v6  }
0x1d0: {  	v6 =	vld [tilespmem:s19+$0x1230]  }
0x1d1: {  	v50 =	vld [tilespmem:s20+$0x9230];
	_ =	sdelay $0x1  }
0x1d2: {  	v51 =	vld [tilespmem:s18+$0x30];
	_ =	sdelay $0x2  }
0x1d3: {  	v6 =	vmul.f32 v50, v6;
	_ =	sdelay $0x1  }
0x1d4: {  	v6 =	vmul.f32 v51, v6  }
0x1d5: {  	s18 =	sor.u32 $0x2000, s17;
	s20 =	spop (v2sf)  }
0x1d6: {  	s19 =	sadd.s32 s20, s18;
	s21 =	spop (v2sf);
	[tilespmem:s16+$0x195B0] =	vst v6  }
0x1d7: {  	s20 =	sadd.s32 s21, s18;
	v6 =	vld [tilespmem:s19+$0x1200]  }
0x1d8: {  	s21 =	spop (v2sf);
	v52 =	vld [tilespmem:s20+$0x9200]  }
0x1d9: {  	s18 =	sadd.s32 s21, s18  }
0x1da: {  	v53 =	vld [tilespmem:s18+$0x11200];
	_ =	sdelay $0x2  }
0x1db: {  	v6 =	vmul.f32 v52, v6;
	_ =	sdelay $0x1  }
0x1dc: {  	v6 =	vmul.f32 v53, v6;
	_ =	sdelay $0x1  }
0x1dd: {  	[tilespmem:s16+$0x19600] =	vst v6  }
0x1de: {  	v6 =	vld [tilespmem:s19+$0x1210]  }
0x1df: {  	v54 =	vld [tilespmem:s20+$0x9210]  }
0x1e0: {  	s18 =	sadd.s32 $0x11200, s18  }
0x1e1: {  	v55 =	vld [tilespmem:s18+$0x10];
	_ =	sdelay $0x2  }
0x1e2: {  	v6 =	vmul.f32 v54, v6;
	_ =	sdelay $0x1  }
0x1e3: {  	v6 =	vmul.f32 v55, v6;
	_ =	sdelay $0x1  }
0x1e4: {  	[tilespmem:s16+$0x19610] =	vst v6  }
0x1e5: {  	v6 =	vld [tilespmem:s19+$0x1220]  }
0x1e6: {  	v56 =	vld [tilespmem:s20+$0x9220];
	_ =	sdelay $0x1  }
0x1e7: {  	v57 =	vld [tilespmem:s18+$0x20];
	_ =	sdelay $0x1  }
0x1e8: {  	(v2sf) =	vpush v3, $0x9  }
0x1e9: {  	(v2sf) =	vpush v4, $0x9;
	v6 =	vmul.f32 v56, v6;
	_ =	sdelay $0x1  }
0x1ea: {  	(v2sf) =	vpush v5, $0x9;
	v6 =	vmul.f32 v57, v6;
	_ =	sdelay $0x1  }
0x1eb: {  	[tilespmem:s16+$0x19620] =	vst v6  }
0x1ec: {  	v6 =	vld [tilespmem:s19+$0x1230]  }
0x1ed: {  	v58 =	vld [tilespmem:s20+$0x9230];
	_ =	sdelay $0x1  }
0x1ee: {  	v59 =	vld [tilespmem:s18+$0x30];
	_ =	sdelay $0x2  }
0x1ef: {  	v6 =	vmul.f32 v58, v6;
	_ =	sdelay $0x1  }
0x1f0: {  	v6 =	vmul.f32 v59, v6  }
0x1f1: {  	s18 =	sor.u32 $0x2400, s17;
	s20 =	spop (v2sf)  }
0x1f2: {  	s19 =	sadd.s32 s20, s18;
	s21 =	spop (v2sf);
	[tilespmem:s16+$0x19630] =	vst v6  }
0x1f3: {  	s20 =	sadd.s32 s21, s18;
	v6 =	vld [tilespmem:s19+$0x1200]  }
0x1f4: {  	s21 =	spop (v2sf);
	v60 =	vld [tilespmem:s20+$0x9200]  }
0x1f5: {  	s18 =	sadd.s32 s21, s18  }
0x1f6: {  	v61 =	vld [tilespmem:s18+$0x11200];
	_ =	sdelay $0x2  }
0x1f7: {  	v6 =	vmul.f32 v60, v6;
	_ =	sdelay $0x1  }
0x1f8: {  	v6 =	vmul.f32 v61, v6;
	_ =	sdelay $0x1  }
0x1f9: {  	[tilespmem:s16+$0x19680] =	vst v6  }
0x1fa: {  	v6 =	vld [tilespmem:s19+$0x1210]  }
0x1fb: {  	v62 =	vld [tilespmem:s20+$0x9210]  }
0x1fc: {  	s18 =	sadd.s32 $0x11200, s18  }
0x1fd: {  	v63 =	vld [tilespmem:s18+$0x10];
	_ =	sdelay $0x2  }
0x1fe: {  	v6 =	vmul.f32 v62, v6;
	_ =	sdelay $0x1  }
0x1ff: {  	v6 =	vmul.f32 v63, v6;
	_ =	sdelay $0x1  }
0x200: {  	[tilespmem:s16+$0x19690] =	vst v6  }
0x201: {  	v6 =	vld [tilespmem:s19+$0x1220]  }
0x202: {  	v12 =	vld [tilespmem:s20+$0x9220];
	_ =	sdelay $0x1  }
0x203: {  	v13 =	vld [tilespmem:s18+$0x20];
	_ =	sdelay $0x1  }
0x204: {  	(v2sf) =	vpush v3, $0xA  }
0x205: {  	(v2sf) =	vpush v4, $0xA;
	v6 =	vmul.f32 v12, v6;
	_ =	sdelay $0x1  }
0x206: {  	(v2sf) =	vpush v5, $0xA;
	v6 =	vmul.f32 v13, v6;
	_ =	sdelay $0x1  }
0x207: {  	[tilespmem:s16+$0x196A0] =	vst v6  }
0x208: {  	v6 =	vld [tilespmem:s19+$0x1230]  }
0x209: {  	v14 =	vld [tilespmem:s20+$0x9230];
	_ =	sdelay $0x1  }
0x20a: {  	v15 =	vld [tilespmem:s18+$0x30];
	_ =	sdelay $0x2  }
0x20b: {  	v6 =	vmul.f32 v14, v6;
	_ =	sdelay $0x1  }
0x20c: {  	v6 =	vmul.f32 v15, v6  }
0x20d: {  	s18 =	sor.u32 $0x2800, s17;
	s20 =	spop (v2sf)  }
0x20e: {  	s19 =	sadd.s32 s20, s18;
	s21 =	spop (v2sf);
	[tilespmem:s16+$0x196B0] =	vst v6  }
0x20f: {  	s20 =	sadd.s32 s21, s18;
	v6 =	vld [tilespmem:s19+$0x1200]  }
0x210: {  	s21 =	spop (v2sf);
	v16 =	vld [tilespmem:s20+$0x9200]  }
0x211: {  	s18 =	sadd.s32 s21, s18  }
0x212: {  	v17 =	vld [tilespmem:s18+$0x11200];
	_ =	sdelay $0x2  }
0x213: {  	v6 =	vmul.f32 v16, v6;
	_ =	sdelay $0x1  }
0x214: {  	v6 =	vmul.f32 v17, v6;
	_ =	sdelay $0x1  }
0x215: {  	[tilespmem:s16+$0x19700] =	vst v6  }
0x216: {  	v6 =	vld [tilespmem:s19+$0x1210]  }
0x217: {  	v18 =	vld [tilespmem:s20+$0x9210]  }
0x218: {  	s18 =	sadd.s32 $0x11200, s18  }
0x219: {  	v19 =	vld [tilespmem:s18+$0x10];
	_ =	sdelay $0x2  }
0x21a: {  	v6 =	vmul.f32 v18, v6;
	_ =	sdelay $0x1  }
0x21b: {  	v6 =	vmul.f32 v19, v6;
	_ =	sdelay $0x1  }
0x21c: {  	[tilespmem:s16+$0x19710] =	vst v6  }
0x21d: {  	v6 =	vld [tilespmem:s19+$0x1220]  }
0x21e: {  	v20 =	vld [tilespmem:s20+$0x9220];
	_ =	sdelay $0x1  }
0x21f: {  	v21 =	vld [tilespmem:s18+$0x20];
	_ =	sdelay $0x1  }
0x220: {  	(v2sf) =	vpush v3, $0xB  }
0x221: {  	(v2sf) =	vpush v4, $0xB;
	v6 =	vmul.f32 v20, v6;
	_ =	sdelay $0x1  }
0x222: {  	(v2sf) =	vpush v5, $0xB;
	v6 =	vmul.f32 v21, v6;
	_ =	sdelay $0x1  }
0x223: {  	[tilespmem:s16+$0x19720] =	vst v6  }
0x224: {  	v6 =	vld [tilespmem:s19+$0x1230]  }
0x225: {  	v22 =	vld [tilespmem:s20+$0x9230];
	_ =	sdelay $0x1  }
0x226: {  	v23 =	vld [tilespmem:s18+$0x30];
	_ =	sdelay $0x2  }
0x227: {  	v6 =	vmul.f32 v22, v6;
	_ =	sdelay $0x1  }
0x228: {  	v6 =	vmul.f32 v23, v6  }
0x229: {  	s18 =	sor.u32 $0x2C00, s17;
	s20 =	spop (v2sf)  }
0x22a: {  	s19 =	sadd.s32 s20, s18;
	s21 =	spop (v2sf);
	[tilespmem:s16+$0x19730] =	vst v6  }
0x22b: {  	s20 =	sadd.s32 s21, s18;
	v6 =	vld [tilespmem:s19+$0x1200]  }
0x22c: {  	s21 =	spop (v2sf);
	v24 =	vld [tilespmem:s20+$0x9200]  }
0x22d: {  	s18 =	sadd.s32 s21, s18  }
0x22e: {  	v25 =	vld [tilespmem:s18+$0x11200];
	_ =	sdelay $0x2  }
0x22f: {  	v6 =	vmul.f32 v24, v6;
	_ =	sdelay $0x1  }
0x230: {  	v6 =	vmul.f32 v25, v6;
	_ =	sdelay $0x1  }
0x231: {  	[tilespmem:s16+$0x19780] =	vst v6  }
0x232: {  	v6 =	vld [tilespmem:s19+$0x1210]  }
0x233: {  	v26 =	vld [tilespmem:s20+$0x9210]  }
0x234: {  	s18 =	sadd.s32 $0x11200, s18  }
0x235: {  	v27 =	vld [tilespmem:s18+$0x10];
	_ =	sdelay $0x2  }
0x236: {  	v6 =	vmul.f32 v26, v6;
	_ =	sdelay $0x1  }
0x237: {  	v6 =	vmul.f32 v27, v6;
	_ =	sdelay $0x1  }
0x238: {  	[tilespmem:s16+$0x19790] =	vst v6  }
0x239: {  	v6 =	vld [tilespmem:s19+$0x1220]  }
0x23a: {  	v28 =	vld [tilespmem:s20+$0x9220];
	_ =	sdelay $0x1  }
0x23b: {  	v29 =	vld [tilespmem:s18+$0x20];
	_ =	sdelay $0x1  }
0x23c: {  	(v2sf) =	vpush v3, $0xC  }
0x23d: {  	(v2sf) =	vpush v4, $0xC;
	v6 =	vmul.f32 v28, v6;
	_ =	sdelay $0x1  }
0x23e: {  	(v2sf) =	vpush v5, $0xC;
	v6 =	vmul.f32 v29, v6;
	_ =	sdelay $0x1  }
0x23f: {  	[tilespmem:s16+$0x197A0] =	vst v6  }
0x240: {  	v6 =	vld [tilespmem:s19+$0x1230]  }
0x241: {  	v30 =	vld [tilespmem:s20+$0x9230];
	_ =	sdelay $0x1  }
0x242: {  	v31 =	vld [tilespmem:s18+$0x30];
	_ =	sdelay $0x2  }
0x243: {  	v6 =	vmul.f32 v30, v6;
	_ =	sdelay $0x1  }
0x244: {  	v6 =	vmul.f32 v31, v6  }
0x245: {  	s18 =	sor.u32 $0x3000, s17;
	s20 =	spop (v2sf)  }
0x246: {  	s19 =	sadd.s32 s20, s18;
	s21 =	spop (v2sf);
	[tilespmem:s16+$0x197B0] =	vst v6  }
0x247: {  	s20 =	sadd.s32 s21, s18;
	v6 =	vld [tilespmem:s19+$0x1200]  }
0x248: {  	s21 =	spop (v2sf);
	v32 =	vld [tilespmem:s20+$0x9200]  }
0x249: {  	s18 =	sadd.s32 s21, s18  }
0x24a: {  	v33 =	vld [tilespmem:s18+$0x11200];
	_ =	sdelay $0x2  }
0x24b: {  	v6 =	vmul.f32 v32, v6;
	_ =	sdelay $0x1  }
0x24c: {  	v6 =	vmul.f32 v33, v6;
	_ =	sdelay $0x1  }
0x24d: {  	[tilespmem:s16+$0x19800] =	vst v6  }
0x24e: {  	v6 =	vld [tilespmem:s19+$0x1210]  }
0x24f: {  	v34 =	vld [tilespmem:s20+$0x9210]  }
0x250: {  	s18 =	sadd.s32 $0x11200, s18  }
0x251: {  	v35 =	vld [tilespmem:s18+$0x10];
	_ =	sdelay $0x2  }
0x252: {  	v6 =	vmul.f32 v34, v6;
	_ =	sdelay $0x1  }
0x253: {  	v6 =	vmul.f32 v35, v6;
	_ =	sdelay $0x1  }
0x254: {  	[tilespmem:s16+$0x19810] =	vst v6  }
0x255: {  	v6 =	vld [tilespmem:s19+$0x1220]  }
0x256: {  	v36 =	vld [tilespmem:s20+$0x9220];
	_ =	sdelay $0x1  }
0x257: {  	v37 =	vld [tilespmem:s18+$0x20];
	_ =	sdelay $0x1  }
0x258: {  	(v2sf) =	vpush v3, $0xD  }
0x259: {  	(v2sf) =	vpush v4, $0xD;
	v6 =	vmul.f32 v36, v6;
	_ =	sdelay $0x1  }
0x25a: {  	(v2sf) =	vpush v5, $0xD;
	v6 =	vmul.f32 v37, v6;
	_ =	sdelay $0x1  }
0x25b: {  	[tilespmem:s16+$0x19820] =	vst v6  }
0x25c: {  	v6 =	vld [tilespmem:s19+$0x1230]  }
0x25d: {  	v38 =	vld [tilespmem:s20+$0x9230];
	_ =	sdelay $0x1  }
0x25e: {  	v39 =	vld [tilespmem:s18+$0x30];
	_ =	sdelay $0x2  }
0x25f: {  	v6 =	vmul.f32 v38, v6;
	_ =	sdelay $0x1  }
0x260: {  	v6 =	vmul.f32 v39, v6  }
0x261: {  	s18 =	sor.u32 $0x3400, s17;
	s20 =	spop (v2sf)  }
0x262: {  	s19 =	sadd.s32 s20, s18;
	s21 =	spop (v2sf);
	[tilespmem:s16+$0x19830] =	vst v6  }
0x263: {  	s20 =	sadd.s32 s21, s18;
	v6 =	vld [tilespmem:s19+$0x1200]  }
0x264: {  	s21 =	spop (v2sf);
	v40 =	vld [tilespmem:s20+$0x9200]  }
0x265: {  	s18 =	sadd.s32 s21, s18  }
0x266: {  	v41 =	vld [tilespmem:s18+$0x11200];
	_ =	sdelay $0x2  }
0x267: {  	v6 =	vmul.f32 v40, v6;
	_ =	sdelay $0x1  }
0x268: {  	v6 =	vmul.f32 v41, v6;
	_ =	sdelay $0x1  }
0x269: {  	[tilespmem:s16+$0x19880] =	vst v6  }
0x26a: {  	v6 =	vld [tilespmem:s19+$0x1210]  }
0x26b: {  	v42 =	vld [tilespmem:s20+$0x9210]  }
0x26c: {  	s18 =	sadd.s32 $0x11200, s18  }
0x26d: {  	v43 =	vld [tilespmem:s18+$0x10];
	_ =	sdelay $0x2  }
0x26e: {  	v6 =	vmul.f32 v42, v6;
	_ =	sdelay $0x1  }
0x26f: {  	v6 =	vmul.f32 v43, v6;
	_ =	sdelay $0x1  }
0x270: {  	[tilespmem:s16+$0x19890] =	vst v6  }
0x271: {  	v6 =	vld [tilespmem:s19+$0x1220]  }
0x272: {  	v44 =	vld [tilespmem:s20+$0x9220];
	_ =	sdelay $0x1  }
0x273: {  	v45 =	vld [tilespmem:s18+$0x20];
	_ =	sdelay $0x1  }
0x274: {  	(v2sf) =	vpush v3, $0xE  }
0x275: {  	(v2sf) =	vpush v4, $0xE;
	v6 =	vmul.f32 v44, v6;
	_ =	sdelay $0x1  }
0x276: {  	(v2sf) =	vpush v5, $0xE;
	v6 =	vmul.f32 v45, v6;
	_ =	sdelay $0x1  }
0x277: {  	[tilespmem:s16+$0x198A0] =	vst v6  }
0x278: {  	v6 =	vld [tilespmem:s19+$0x1230]  }
0x279: {  	v46 =	vld [tilespmem:s20+$0x9230];
	_ =	sdelay $0x1  }
0x27a: {  	v47 =	vld [tilespmem:s18+$0x30];
	_ =	sdelay $0x2  }
0x27b: {  	v6 =	vmul.f32 v46, v6;
	_ =	sdelay $0x1  }
0x27c: {  	v6 =	vmul.f32 v47, v6  }
0x27d: {  	s18 =	sor.u32 $0x3800, s17;
	s20 =	spop (v2sf)  }
0x27e: {  	s19 =	sadd.s32 s20, s18;
	s21 =	spop (v2sf);
	[tilespmem:s16+$0x198B0] =	vst v6  }
0x27f: {  	s20 =	sadd.s32 s21, s18;
	v6 =	vld [tilespmem:s19+$0x1200]  }
0x280: {  	s21 =	spop (v2sf);
	v48 =	vld [tilespmem:s20+$0x9200]  }
0x281: {  	s18 =	sadd.s32 s21, s18  }
0x282: {  	v49 =	vld [tilespmem:s18+$0x11200];
	_ =	sdelay $0x2  }
0x283: {  	v6 =	vmul.f32 v48, v6;
	_ =	sdelay $0x1  }
0x284: {  	v6 =	vmul.f32 v49, v6;
	_ =	sdelay $0x1  }
0x285: {  	[tilespmem:s16+$0x19900] =	vst v6  }
0x286: {  	v6 =	vld [tilespmem:s19+$0x1210]  }
0x287: {  	v50 =	vld [tilespmem:s20+$0x9210]  }
0x288: {  	s18 =	sadd.s32 $0x11200, s18  }
0x289: {  	v51 =	vld [tilespmem:s18+$0x10];
	_ =	sdelay $0x2  }
0x28a: {  	v6 =	vmul.f32 v50, v6;
	_ =	sdelay $0x1  }
0x28b: {  	v6 =	vmul.f32 v51, v6;
	_ =	sdelay $0x1  }
0x28c: {  	[tilespmem:s16+$0x19910] =	vst v6  }
0x28d: {  	v6 =	vld [tilespmem:s19+$0x1220]  }
0x28e: {  	v52 =	vld [tilespmem:s20+$0x9220];
	_ =	sdelay $0x1  }
0x28f: {  	v53 =	vld [tilespmem:s18+$0x20];
	_ =	sdelay $0x1  }
0x290: {  	(v2sf) =	vpush v3, $0xF  }
0x291: {  	(v2sf) =	vpush v4, $0xF;
	v3 =	vmul.f32 v52, v6;
	_ =	sdelay $0x1  }
0x292: {  	(v2sf) =	vpush v5, $0xF;
	v3 =	vmul.f32 v53, v3;
	_ =	sdelay $0x1  }
0x293: {  	[tilespmem:s16+$0x19920] =	vst v3  }
0x294: {  	v3 =	vld [tilespmem:s19+$0x1230]  }
0x295: {  	v54 =	vld [tilespmem:s20+$0x9230];
	_ =	sdelay $0x1  }
0x296: {  	v55 =	vld [tilespmem:s18+$0x30];
	_ =	sdelay $0x2  }
0x297: {  	v3 =	vmul.f32 v54, v3;
	_ =	sdelay $0x1  }
0x298: {  	v3 =	vmul.f32 v55, v3  }
0x299: {  	s17 =	sor.u32 $0x3C00, s17;
	s19 =	spop (v2sf)  }
0x29a: {  	s20 =	spop (v2sf);
	s18 =	sadd.s32 s19, s17;
	[tilespmem:s16+$0x19930] =	vst v3  }
0x29b: {  	s19 =	sadd.s32 s20, s17;
	v3 =	vld [tilespmem:s18+$0x1200]  }
0x29c: {  	s21 =	spop (v2sf);
	v56 =	vld [tilespmem:s19+$0x9200]  }
0x29d: {  	s17 =	sadd.s32 s21, s17  }
0x29e: {  	v57 =	vld [tilespmem:s17+$0x11200];
	_ =	sdelay $0x2  }
0x29f: {  	v3 =	vmul.f32 v56, v3;
	_ =	sdelay $0x1  }
0x2a0: {  	v3 =	vmul.f32 v57, v3;
	_ =	sdelay $0x1  }
0x2a1: {  	[tilespmem:s16+$0x19980] =	vst v3  }
0x2a2: {  	v3 =	vld [tilespmem:s18+$0x1210]  }
0x2a3: {  	v58 =	vld [tilespmem:s19+$0x9210]  }
0x2a4: {  	s17 =	sadd.s32 $0x11200, s17  }
0x2a5: {  	v59 =	vld [tilespmem:s17+$0x10];
	_ =	sdelay $0x2  }
0x2a6: {  	v3 =	vmul.f32 v58, v3;
	_ =	sdelay $0x1  }
0x2a7: {  	v3 =	vmul.f32 v59, v3;
	_ =	sdelay $0x1  }
0x2a8: {  	[tilespmem:s16+$0x19990] =	vst v3  }
0x2a9: {  	v3 =	vld [tilespmem:s18+$0x1220]  }
0x2aa: {  	v60 =	vld [tilespmem:s19+$0x9220];
	_ =	sdelay $0x1  }
0x2ab: {  	v61 =	vld [tilespmem:s17+$0x20];
	_ =	sdelay $0x2  }
0x2ac: {  	v3 =	vmul.f32 v60, v3;
	_ =	sdelay $0x1  }
0x2ad: {  	v3 =	vmul.f32 v61, v3;
	_ =	sdelay $0x1  }
0x2ae: {  	[tilespmem:s16+$0x199A0] =	vst v3  }
0x2af: {  	v3 =	vld [tilespmem:s18+$0x1230]  }
0x2b0: {  	v62 =	vld [tilespmem:s19+$0x9230];
	_ =	sdelay $0x1  }
0x2b1: {  	v63 =	vld [tilespmem:s17+$0x30];
	_ =	sdelay $0x2  }
0x2b2: {  	v3 =	vmul.f32 v62, v3;
	_ =	sdelay $0x1  }
0x2b3: {  	v3 =	vmul.f32 v63, v3  }
0x2b4: {  	p0 =	slt.u32 s15, $0x2  }
0x2b5: {  	s21 =	sor.u32 $0x19200, s16;
	[tilespmem:s16+$0x199B0] =	vst v3;
	s16 =	simm.s32 @!p0 $0x2  }
0x2b6: {  	[hbm4b:s7+s3] =	stream.linear.scatter [tilespmem:s21], [sflag:$0x2], $0x800, $0x38;
	[tilespmem:$0x1A200] =	vst v63  }
0x2b7: {  	_ =	swait.ge @!p0 [sflag:s16], $0x800  }
0x2b8: {  	s12 =	sadd.s32 $0x40, s12;
	[sflag:s16] =	ssyncset.done @!p0 $0x0  }
0x2b9: {  	[sflag:s16] =	ssyncadd.s32 @!p0 $0xFFFFF800;
	p0 =	sne.s32 s12, $0x800  }
.Ltmp4:
0x2ba: {  	_ = 	snop;
	(pc) =	sbr.rel @!p0 .LBB2_7-.Ltmp4, $2  }
0x2bb: {  	_ =	sdelay $0x2  }
0x2bc: {  	s13 =	sadd.s32 $0x4000, s13;
	s15 =	sadd.s32 $0x1, s15;
	s7 =	sadd.s32 $0x100, s7  }
.LBB2_4:
0x2bd: {  	p0 =	seq.s32 s12, $0x7C0  }
.Ltmp5:
0x2be: {  	_ = 	snop;
	(pc) =	sbr.rel @p0 .LBB2_6-.Ltmp5, $1  }
0x2bf: {  	_ =	sdelay $0x3  }
0x2c0: {  	s16 =	sshra.s32 s12, $0x2  }
0x2c1: {  	v3 =	vld [tilespmem:s16+$0x610];
	_ =	sdelay $0x1  }
0x2c2: {  	v4 =	vld [tilespmem:s16+$0x810];
	_ =	sdelay $0x2  }
0x2c3: {  	v5 =	vshll.u32 v3, $0x7  }
0x2c4: {  	(v2sf) =	vpush v5, $0x0  }
0x2c5: {  	v3 =	vld [tilespmem:s16+$0xA10];
	v4 =	vshll.u32 v4, $0x7  }
0x2c6: {  	(v2sf) =	vpush v4, $0x0;
	_ =	sdelay $0x3  }
0x2c7: {  	v3 =	vshll.u32 v3, $0x7  }
0x2c8: {  	(v2sf) =	vpush v3, $0x0;
	_ =	sdelay $0x1  }
0x2c9: {  	(v2sf) =	vpush v5, $0x1;
	_ =	sdelay $0x5  }
0x2ca: {  	s17 =	spop (v2sf);
	(v2sf) =	vpush v4, $0x1;
	_ =	sdelay $0x1  }
0x2cb: {  	s20 =	spop (v2sf);
	(v2sf) =	vpush v3, $0x1;
	_ =	sdelay $0x1  }
0x2cc: {  	s16 =	sand.u32 $0x4000, s13;
	s17 =	sand.u32 $0x1FFFFF80, s17  }
0x2cd: {  	s18 =	sor.u32 $0x1200, s16;
	s17 =	sadd.s32 s4, s17  }
0x2ce: {  	[tilespmem:s18], [sflag:$0x1] =	stream.linear.gather [hbm4b:s17+s3], $0x400, $0x38;
	[tilespmem:$0x1A200] =	vst v63  }
0x2cf: {  	s18 =	spop (v2sf);
	(v2sf) =	vpush v5, $0x2;
	_ =	sdelay $0x1  }
0x2d0: {  	s17 =	sand.u32 $0x1FFFFF80, s20;
	s20 =	spop (v2sf);
	(v2sf) =	vpush v4, $0x2;
	_ =	sdelay $0x2  }
0x2d1: {  	s21 =	sor.u32 $0x9200, s16;
	s17 =	sadd.s32 s2, s17  }
0x2d2: {  	[tilespmem:s21], [sflag:$0x1] =	stream.linear.gather [hbm4b:s17+s3], $0x400, $0x38;
	[tilespmem:$0x1A200] =	vst v63  }
0x2d3: {  	s17 =	sand.u32 $0x1FFFFF80, s18  }
0x2d4: {  	s19 =	sor.u32 $0x11200, s16;
	s17 =	sadd.s32 s4, s17;
	s18 =	spop (v2sf);
	(v2sf) =	vpush v3, $0x2  }
0x2d5: {  	[tilespmem:s19], [sflag:$0x1] =	stream.linear.gather [hbm4b:s17+s3], $0x400, $0x38;
	[tilespmem:$0x1A200] =	vst v63  }
0x2d6: {  	s17 =	sand.u32 $0x1FFFFF80, s20;
	s20 =	spop (v2sf);
	(v2sf) =	vpush v5, $0x3;
	_ =	sdelay $0x1  }
0x2d7: {  	s21 =	sor.u32 $0x1600, s16;
	s17 =	sadd.s32 s4, s17  }
0x2d8: {  	[tilespmem:s21], [sflag:$0x1] =	stream.linear.gather [hbm4b:s17+s3], $0x400, $0x38;
	[tilespmem:$0x1A200] =	vst v63  }
0x2d9: {  	s17 =	sand.u32 $0x1FFFFF80, s18  }
0x2da: {  	s19 =	sor.u32 $0x9600, s16;
	s17 =	sadd.s32 s2, s17;
	s18 =	spop (v2sf);
	(v2sf) =	vpush v4, $0x3  }
0x2db: {  	[tilespmem:s19], [sflag:$0x1] =	stream.linear.gather [hbm4b:s17+s3], $0x400, $0x38;
	[tilespmem:$0x1A200] =	vst v63  }
0x2dc: {  	s17 =	sand.u32 $0x1FFFFF80, s20;
	s20 =	spop (v2sf);
	(v2sf) =	vpush v3, $0x3;
	_ =	sdelay $0x2  }
0x2dd: {  	s21 =	sor.u32 $0x11600, s16;
	s17 =	sadd.s32 s4, s17  }
0x2de: {  	[tilespmem:s21], [sflag:$0x1] =	stream.linear.gather [hbm4b:s17+s3], $0x400, $0x38;
	[tilespmem:$0x1A200] =	vst v63  }
0x2df: {  	s17 =	sand.u32 $0x1FFFFF80, s18  }
0x2e0: {  	s19 =	sor.u32 $0x1A00, s16;
	s17 =	sadd.s32 s4, s17;
	s18 =	spop (v2sf);
	(v2sf) =	vpush v5, $0x4  }
0x2e1: {  	[tilespmem:s19], [sflag:$0x1] =	stream.linear.gather [hbm4b:s17+s3], $0x400, $0x38;
	[tilespmem:$0x1A200] =	vst v63  }
0x2e2: {  	s17 =	sand.u32 $0x1FFFFF80, s20;
	s20 =	spop (v2sf);
	(v2sf) =	vpush v4, $0x4;
	_ =	sdelay $0x1  }
0x2e3: {  	s21 =	sor.u32 $0x9A00, s16;
	s17 =	sadd.s32 s2, s17  }
0x2e4: {  	[tilespmem:s21], [sflag:$0x1] =	stream.linear.gather [hbm4b:s17+s3], $0x400, $0x38;
	[tilespmem:$0x1A200] =	vst v63  }
0x2e5: {  	s17 =	sand.u32 $0x1FFFFF80, s18  }
0x2e6: {  	s19 =	sor.u32 $0x11A00, s16;
	s17 =	sadd.s32 s4, s17;
	s18 =	spop (v2sf);
	(v2sf) =	vpush v3, $0x4  }
0x2e7: {  	[tilespmem:s19], [sflag:$0x1] =	stream.linear.gather [hbm4b:s17+s3], $0x400, $0x38;
	[tilespmem:$0x1A200] =	vst v63  }
0x2e8: {  	s17 =	sand.u32 $0x1FFFFF80, s20;
	s20 =	spop (v2sf);
	(v2sf) =	vpush v5, $0x5;
	_ =	sdelay $0x2  }
0x2e9: {  	s21 =	sor.u32 $0x1E00, s16;
	s17 =	sadd.s32 s4, s17  }
0x2ea: {  	[tilespmem:s21], [sflag:$0x1] =	stream.linear.gather [hbm4b:s17+s3], $0x400, $0x38;
	[tilespmem:$0x1A200] =	vst v63  }
0x2eb: {  	s17 =	sand.u32 $0x1FFFFF80, s18  }
0x2ec: {  	s19 =	sor.u32 $0x9E00, s16;
	s17 =	sadd.s32 s2, s17;
	s18 =	spop (v2sf);
	(v2sf) =	vpush v4, $0x5  }
0x2ed: {  	[tilespmem:s19], [sflag:$0x1] =	stream.linear.gather [hbm4b:s17+s3], $0x400, $0x38;
	[tilespmem:$0x1A200] =	vst v63  }
0x2ee: {  	s17 =	sand.u32 $0x1FFFFF80, s20;
	s20 =	spop (v2sf);
	(v2sf) =	vpush v3, $0x5;
	_ =	sdelay $0x1  }
0x2ef: {  	s21 =	sor.u32 $0x11E00, s16;
	s17 =	sadd.s32 s4, s17  }
0x2f0: {  	[tilespmem:s21], [sflag:$0x1] =	stream.linear.gather [hbm4b:s17+s3], $0x400, $0x38;
	[tilespmem:$0x1A200] =	vst v63  }
0x2f1: {  	s17 =	sand.u32 $0x1FFFFF80, s18  }
0x2f2: {  	s19 =	sor.u32 $0x2200, s16;
	s17 =	sadd.s32 s4, s17;
	s18 =	spop (v2sf);
	(v2sf) =	vpush v5, $0x6  }
0x2f3: {  	[tilespmem:s19], [sflag:$0x1] =	stream.linear.gather [hbm4b:s17+s3], $0x400, $0x38;
	[tilespmem:$0x1A200] =	vst v63  }
0x2f4: {  	s17 =	sand.u32 $0x1FFFFF80, s20;
	s20 =	spop (v2sf);
	(v2sf) =	vpush v4, $0x6;
	_ =	sdelay $0x2  }
0x2f5: {  	s21 =	sor.u32 $0xA200, s16;
	s17 =	sadd.s32 s2, s17  }
0x2f6: {  	[tilespmem:s21], [sflag:$0x1] =	stream.linear.gather [hbm4b:s17+s3], $0x400, $0x38;
	[tilespmem:$0x1A200] =	vst v63  }
0x2f7: {  	s17 =	sand.u32 $0x1FFFFF80, s18  }
0x2f8: {  	s19 =	sor.u32 $0x12200, s16;
	s17 =	sadd.s32 s4, s17;
	s18 =	spop (v2sf);
	(v2sf) =	vpush v3, $0x6  }
0x2f9: {  	[tilespmem:s19], [sflag:$0x1] =	stream.linear.gather [hbm4b:s17+s3], $0x400, $0x38;
	[tilespmem:$0x1A200] =	vst v63  }
0x2fa: {  	s17 =	sand.u32 $0x1FFFFF80, s20;
	s20 =	spop (v2sf);
	(v2sf) =	vpush v5, $0x7;
	_ =	sdelay $0x1  }
0x2fb: {  	s21 =	sor.u32 $0x2600, s16;
	s17 =	sadd.s32 s4, s17  }
0x2fc: {  	[tilespmem:s21], [sflag:$0x1] =	stream.linear.gather [hbm4b:s17+s3], $0x400, $0x38;
	[tilespmem:$0x1A200] =	vst v63  }
0x2fd: {  	s17 =	sand.u32 $0x1FFFFF80, s18  }
0x2fe: {  	s19 =	sor.u32 $0xA600, s16;
	s17 =	sadd.s32 s2, s17;
	s18 =	spop (v2sf);
	(v2sf) =	vpush v4, $0x7  }
0x2ff: {  	[tilespmem:s19], [sflag:$0x1] =	stream.linear.gather [hbm4b:s17+s3], $0x400, $0x38;
	[tilespmem:$0x1A200] =	vst v63  }
0x300: {  	s17 =	sand.u32 $0x1FFFFF80, s20;
	s20 =	spop (v2sf);
	(v2sf) =	vpush v3, $0x7;
	_ =	sdelay $0x2  }
0x301: {  	s21 =	sor.u32 $0x12600, s16;
	s17 =	sadd.s32 s4, s17  }
0x302: {  	[tilespmem:s21], [sflag:$0x1] =	stream.linear.gather [hbm4b:s17+s3], $0x400, $0x38;
	[tilespmem:$0x1A200] =	vst v63  }
0x303: {  	s17 =	sand.u32 $0x1FFFFF80, s18  }
0x304: {  	s19 =	sor.u32 $0x2A00, s16;
	s17 =	sadd.s32 s4, s17;
	s18 =	spop (v2sf);
	(v2sf) =	vpush v5, $0x8  }
0x305: {  	[tilespmem:s19], [sflag:$0x1] =	stream.linear.gather [hbm4b:s17+s3], $0x400, $0x38;
	[tilespmem:$0x1A200] =	vst v63  }
0x306: {  	s17 =	sand.u32 $0x1FFFFF80, s20;
	s20 =	spop (v2sf);
	(v2sf) =	vpush v4, $0x8;
	_ =	sdelay $0x1  }
0x307: {  	s21 =	sor.u32 $0xAA00, s16;
	s17 =	sadd.s32 s2, s17  }
0x308: {  	[tilespmem:s21], [sflag:$0x1] =	stream.linear.gather [hbm4b:s17+s3], $0x400, $0x38;
	[tilespmem:$0x1A200] =	vst v63  }
0x309: {  	s17 =	sand.u32 $0x1FFFFF80, s18  }
0x30a: {  	s19 =	sor.u32 $0x12A00, s16;
	s17 =	sadd.s32 s4, s17;
	s18 =	spop (v2sf);
	(v2sf) =	vpush v3, $0x8  }
0x30b: {  	[tilespmem:s19], [sflag:$0x1] =	stream.linear.gather [hbm4b:s17+s3], $0x400, $0x38;
	[tilespmem:$0x1A200] =	vst v63  }
0x30c: {  	s17 =	sand.u32 $0x1FFFFF80, s20;
	s20 =	spop (v2sf);
	(v2sf) =	vpush v5, $0x9;
	_ =	sdelay $0x2  }
0x30d: {  	s21 =	sor.u32 $0x2E00, s16;
	s17 =	sadd.s32 s4, s17  }
0x30e: {  	[tilespmem:s21], [sflag:$0x1] =	stream.linear.gather [hbm4b:s17+s3], $0x400, $0x38;
	[tilespmem:$0x1A200] =	vst v63  }
0x30f: {  	s17 =	sand.u32 $0x1FFFFF80, s18  }
0x310: {  	s19 =	sor.u32 $0xAE00, s16;
	s17 =	sadd.s32 s2, s17;
	s18 =	spop (v2sf);
	(v2sf) =	vpush v4, $0x9  }
0x311: {  	[tilespmem:s19], [sflag:$0x1] =	stream.linear.gather [hbm4b:s17+s3], $0x400, $0x38;
	[tilespmem:$0x1A200] =	vst v63  }
0x312: {  	s17 =	sand.u32 $0x1FFFFF80, s20;
	s20 =	spop (v2sf);
	(v2sf) =	vpush v3, $0x9;
	_ =	sdelay $0x1  }
0x313: {  	s21 =	sor.u32 $0x12E00, s16;
	s17 =	sadd.s32 s4, s17  }
0x314: {  	[tilespmem:s21], [sflag:$0x1] =	stream.linear.gather [hbm4b:s17+s3], $0x400, $0x38;
	[tilespmem:$0x1A200] =	vst v63  }
0x315: {  	s17 =	sand.u32 $0x1FFFFF80, s18  }
0x316: {  	s19 =	sor.u32 $0x3200, s16;
	s17 =	sadd.s32 s4, s17;
	s18 =	spop (v2sf);
	(v2sf) =	vpush v5, $0xA  }
0x317: {  	[tilespmem:s19], [sflag:$0x1] =	stream.linear.gather [hbm4b:s17+s3], $0x400, $0x38;
	[tilespmem:$0x1A200] =	vst v63  }
0x318: {  	s17 =	sand.u32 $0x1FFFFF80, s20;
	s20 =	spop (v2sf);
	(v2sf) =	vpush v4, $0xA;
	_ =	sdelay $0x2  }
0x319: {  	s21 =	sor.u32 $0xB200, s16;
	s17 =	sadd.s32 s2, s17  }
0x31a: {  	[tilespmem:s21], [sflag:$0x1] =	stream.linear.gather [hbm4b:s17+s3], $0x400, $0x38;
	[tilespmem:$0x1A200] =	vst v63  }
0x31b: {  	s17 =	sand.u32 $0x1FFFFF80, s18  }
0x31c: {  	s19 =	sor.u32 $0x13200, s16;
	s17 =	sadd.s32 s4, s17;
	s18 =	spop (v2sf);
	(v2sf) =	vpush v3, $0xA  }
0x31d: {  	[tilespmem:s19], [sflag:$0x1] =	stream.linear.gather [hbm4b:s17+s3], $0x400, $0x38;
	[tilespmem:$0x1A200] =	vst v63  }
0x31e: {  	s17 =	sand.u32 $0x1FFFFF80, s20;
	s20 =	spop (v2sf);
	(v2sf) =	vpush v5, $0xB;
	_ =	sdelay $0x1  }
0x31f: {  	s21 =	sor.u32 $0x3600, s16;
	s17 =	sadd.s32 s4, s17  }
0x320: {  	[tilespmem:s21], [sflag:$0x1] =	stream.linear.gather [hbm4b:s17+s3], $0x400, $0x38;
	[tilespmem:$0x1A200] =	vst v63  }
0x321: {  	s17 =	sand.u32 $0x1FFFFF80, s18  }
0x322: {  	s19 =	sor.u32 $0xB600, s16;
	s17 =	sadd.s32 s2, s17;
	s18 =	spop (v2sf);
	(v2sf) =	vpush v4, $0xB  }
0x323: {  	[tilespmem:s19], [sflag:$0x1] =	stream.linear.gather [hbm4b:s17+s3], $0x400, $0x38;
	[tilespmem:$0x1A200] =	vst v63  }
0x324: {  	s17 =	sand.u32 $0x1FFFFF80, s20;
	s20 =	spop (v2sf);
	(v2sf) =	vpush v3, $0xB;
	_ =	sdelay $0x2  }
0x325: {  	s21 =	sor.u32 $0x13600, s16;
	s17 =	sadd.s32 s4, s17  }
0x326: {  	[tilespmem:s21], [sflag:$0x1] =	stream.linear.gather [hbm4b:s17+s3], $0x400, $0x38;
	[tilespmem:$0x1A200] =	vst v63  }
0x327: {  	s17 =	sand.u32 $0x1FFFFF80, s18  }
0x328: {  	s19 =	sor.u32 $0x3A00, s16;
	s17 =	sadd.s32 s4, s17;
	s18 =	spop (v2sf);
	(v2sf) =	vpush v5, $0xC  }
0x329: {  	[tilespmem:s19], [sflag:$0x1] =	stream.linear.gather [hbm4b:s17+s3], $0x400, $0x38;
	[tilespmem:$0x1A200] =	vst v63  }
0x32a: {  	s17 =	sand.u32 $0x1FFFFF80, s20;
	s20 =	spop (v2sf);
	(v2sf) =	vpush v4, $0xC;
	_ =	sdelay $0x1  }
0x32b: {  	s21 =	sor.u32 $0xBA00, s16;
	s17 =	sadd.s32 s2, s17  }
0x32c: {  	[tilespmem:s21], [sflag:$0x1] =	stream.linear.gather [hbm4b:s17+s3], $0x400, $0x38;
	[tilespmem:$0x1A200] =	vst v63  }
0x32d: {  	s17 =	sand.u32 $0x1FFFFF80, s18  }
0x32e: {  	s19 =	sor.u32 $0x13A00, s16;
	s17 =	sadd.s32 s4, s17;
	s18 =	spop (v2sf);
	(v2sf) =	vpush v3, $0xC  }
0x32f: {  	[tilespmem:s19], [sflag:$0x1] =	stream.linear.gather [hbm4b:s17+s3], $0x400, $0x38;
	[tilespmem:$0x1A200] =	vst v63  }
0x330: {  	s17 =	sand.u32 $0x1FFFFF80, s20;
	s20 =	spop (v2sf);
	(v2sf) =	vpush v5, $0xD  }
0x331: {  	s21 =	sor.u32 $0x3E00, s16;
	s17 =	sadd.s32 s4, s17  }
0x332: {  	[tilespmem:s21], [sflag:$0x1] =	stream.linear.gather [hbm4b:s17+s3], $0x400, $0x38;
	[tilespmem:$0x1A200] =	vst v63  }
0x333: {  	s17 =	sand.u32 $0x1FFFFF80, s18  }
0x334: {  	s19 =	sor.u32 $0xBE00, s16;
	s17 =	sadd.s32 s2, s17  }
0x335: {  	[tilespmem:s19], [sflag:$0x1] =	stream.linear.gather [hbm4b:s17+s3], $0x400, $0x38;
	[tilespmem:$0x1A200] =	vst v63  }
0x336: {  	s18 =	spop (v2sf);
	(v2sf) =	vpush v4, $0xD  }
0x337: {  	s17 =	sand.u32 $0x1FFFFF80, s20  }
0x338: {  	s21 =	sor.u32 $0x13E00, s16;
	s17 =	sadd.s32 s4, s17;
	s20 =	spop (v2sf);
	(v2sf) =	vpush v3, $0xD  }
0x339: {  	[tilespmem:s21], [sflag:$0x1] =	stream.linear.gather [hbm4b:s17+s3], $0x400, $0x38;
	[tilespmem:$0x1A200] =	vst v63  }
0x33a: {  	s17 =	sand.u32 $0x1FFFFF80, s18  }
0x33b: {  	s19 =	sadd.s32 $0x4200, s16;
	s17 =	sadd.s32 s4, s17  }
0x33c: {  	[tilespmem:s19], [sflag:$0x1] =	stream.linear.gather [hbm4b:s17+s3], $0x400, $0x38;
	[tilespmem:$0x1A200] =	vst v63  }
0x33d: {  	s18 =	spop (v2sf);
	(v2sf) =	vpush v5, $0xE  }
0x33e: {  	s17 =	sand.u32 $0x1FFFFF80, s20  }
0x33f: {  	s21 =	sadd.s32 $0xC200, s16;
	s17 =	sadd.s32 s2, s17;
	s20 =	spop (v2sf);
	(v2sf) =	vpush v4, $0xE  }
0x340: {  	[tilespmem:s21], [sflag:$0x1] =	stream.linear.gather [hbm4b:s17+s3], $0x400, $0x38;
	[tilespmem:$0x1A200] =	vst v63  }
0x341: {  	s17 =	sand.u32 $0x1FFFFF80, s18  }
0x342: {  	s19 =	sadd.s32 $0x14200, s16;
	s17 =	sadd.s32 s4, s17  }
0x343: {  	[tilespmem:s19], [sflag:$0x1] =	stream.linear.gather [hbm4b:s17+s3], $0x400, $0x38;
	[tilespmem:$0x1A200] =	vst v63  }
0x344: {  	s17 =	sand.u32 $0x1FFFFF80, s20  }
0x345: {  	s21 =	sadd.s32 $0x4600, s16;
	s17 =	sadd.s32 s4, s17;
	s18 =	spop (v2sf);
	(v2sf) =	vpush v3, $0xE  }
0x346: {  	[tilespmem:s21], [sflag:$0x1] =	stream.linear.gather [hbm4b:s17+s3], $0x400, $0x38;
	[tilespmem:$0x1A200] =	vst v63  }
0x347: {  	s20 =	spop (v2sf);
	(v2sf) =	vpush v5, $0xF  }
0x348: {  	s17 =	sand.u32 $0x1FFFFF80, s18  }
0x349: {  	s19 =	sadd.s32 $0xC600, s16;
	s17 =	sadd.s32 s2, s17  }
0x34a: {  	[tilespmem:s19], [sflag:$0x1] =	stream.linear.gather [hbm4b:s17+s3], $0x400, $0x38;
	[tilespmem:$0x1A200] =	vst v63  }
0x34b: {  	s17 =	sand.u32 $0x1FFFFF80, s20  }
0x34c: {  	s21 =	sadd.s32 $0x14600, s16;
	s17 =	sadd.s32 s4, s17;
	s18 =	spop (v2sf);
	(v2sf) =	vpush v4, $0xF  }
0x34d: {  	[tilespmem:s21], [sflag:$0x1] =	stream.linear.gather [hbm4b:s17+s3], $0x400, $0x38;
	[tilespmem:$0x1A200] =	vst v63  }
0x34e: {  	s17 =	sand.u32 $0x1FFFFF80, s18;
	s20 =	spop (v2sf);
	(v2sf) =	vpush v3, $0xF  }
0x34f: {  	s19 =	sadd.s32 $0x4A00, s16;
	s17 =	sadd.s32 s4, s17  }
0x350: {  	[tilespmem:s19], [sflag:$0x1] =	stream.linear.gather [hbm4b:s17+s3], $0x400, $0x38;
	[tilespmem:$0x1A200] =	vst v63  }
0x351: {  	s17 =	sand.u32 $0x1FFFFF80, s20  }
0x352: {  	s21 =	sadd.s32 $0xCA00, s16;
	s17 =	sadd.s32 s2, s17  }
0x353: {  	[tilespmem:s21], [sflag:$0x1] =	stream.linear.gather [hbm4b:s17+s3], $0x400, $0x38;
	[tilespmem:$0x1A200] =	vst v63  }
0x354: {  	s18 =	spop (v2sf)  }
0x355: {  	s17 =	sand.u32 $0x1FFFFF80, s18  }
0x356: {  	s19 =	sadd.s32 $0x14A00, s16;
	s20 =	spop (v2sf);
	s17 =	sadd.s32 s4, s17  }
0x357: {  	[tilespmem:s19], [sflag:$0x1] =	stream.linear.gather [hbm4b:s17+s3], $0x400, $0x38;
	[tilespmem:$0x1A200] =	vst v63  }
0x358: {  	s17 =	sand.u32 $0x1FFFFF80, s20  }
0x359: {  	s21 =	sadd.s32 $0x4E00, s16;
	s17 =	sadd.s32 s4, s17  }
0x35a: {  	[tilespmem:s21], [sflag:$0x1] =	stream.linear.gather [hbm4b:s17+s3], $0x400, $0x38;
	[tilespmem:$0x1A200] =	vst v63  }
0x35b: {  	s19 =	spop (v2sf)  }
0x35c: {  	s20 =	sadd.s32 $0xCE00, s16;
	s17 =	sand.u32 $0x1FFFFF80, s19  }
.Ltmp6:
0x35d: {  	s21 =	spop (v2sf);
	s17 =	sadd.s32 s2, s17;
	(pc) =	sbr.rel .LBB2_6-.Ltmp6, $4  }
0x35e: {  	[tilespmem:s20], [sflag:$0x1] =	stream.linear.gather [hbm4b:s17+s3], $0x400, $0x38;
	[tilespmem:$0x1A200] =	vst v63  }
0x35f: {  	s17 =	sand.u32 $0x1FFFFF80, s21  }
0x360: {  	s16 =	sadd.s32 $0x14E00, s16;
	s17 =	sadd.s32 s4, s17  }
0x361: {  	[tilespmem:s16], [sflag:$0x1] =	stream.linear.gather [hbm4b:s17+s3], $0x400, $0x38;
	[tilespmem:$0x1A200] =	vst v63  }
.LBB2_8:
0x362: {  	_ =	sfence.sel $0x180000  }
0x363: {  	[bflag:$0x0] =	sbarrier.arrive $0xFFFF  }
0x364: {  	_ =	strace $0x90000047  }
0x365: {  	s0 =	stileid.u32;
	[bflag:$0x2] =	sbarrier.arrive $0xFFFF  }
0x366: {  	p0 =	sne.s32 s0, $0x0;
	s0 =	rddreg [dreg:$0x2]  }
0x367: {  	s0 =	sadd.s32 @!p0 $0x100000, s0  }
0x368: {  	[sflag:s0] =	ssyncadd.tile.s32 @!p0 $0x1;
	_ =	shalt  }
.Lfunc_end2:
_tile_overlayer_lowered:
.L_overlay_start_2:
0x369: {  	(tag) =	ssettag $0x2  }
0x36a: {  	s0 =	rddreg [dreg:$0x0];
	s2 =	stileid.u32  }
0x36b: {  	s1 =	rddreg [dreg:$0x1];
	p0 =	sne.s32 s2, $0x0  }
0x36c: {  	s3 =	rddreg [dreg:$0x2];
	[bflag:$0x3] =	sbarrier.arrive $0xFFFF;
	s2 =	simm.s32 @!p0 $0x1C03  }
0x36d: {  	[timem:s3], [sflag:s2] =	dma.local @!p0 [hbm:s0], s1  }
0x36e: {  	s0 =	simm.s32 @!p0 $0x3  }
0x36f: {  	_ =	swait.ge @!p0 [sflag:s0], s1  }
0x370: {  	s1 =	ssub.s32 @!p0 $0x0, s1;
	[sflag:s0] =	ssyncset.done @!p0 $0x0  }
0x371: {  	[sflag:s0] =	ssyncadd.s32 @!p0 s1  }
0x372: {  	[bflag:$0x3] =	sbarrier.arrive $0xFFFF  }
0x373: {  	_ =	shalt  }

</sc_bundles>
